<compile_context>
chip_gen: v7x
topology: tpu7x:2x2x1
jax: 0.10.2.dev20260603
libtpu: 0.0.44.dev20260713+nightly
codegen_flags: <defaults>
</compile_context>

<pallas_src>
import functools

import jax
import jax.numpy as jnp
from jax import lax
from jax.experimental import pallas as pl
from jax.experimental.pallas import tpu as pltpu
from jax.experimental.pallas import tpu_sc as plsc

N_VOCAB = 100000
D = 64
BATCH = 1024
SEQ = 200
OUT_SEQ = SEQ + 1
NC = 2
NS = 16
NW = NC * NS
SP = (OUT_SEQ + 1) // 2
BC = 128
UPS = BATCH // BC
GRP = 5

SPA = 50
SPB = SP - SPA
REAL_A = 99 * UPS
REAL_B = 101 * UPS
UNITS_A = 800
UNITS_B = 960
UPW_A = UNITS_A // NW
UPW_B = UNITS_B // NW
ROWS_A = SPA * BATCH + (UNITS_A - REAL_A) * BC
ROWS_B = SPB * BATCH + (UNITS_B - REAL_B) * BC

_mesh = plsc.VectorSubcoreMesh(core_axis_name="c", subcore_axis_name="s")


def _make_gather(s_base, upw, mid_rows, real_units):
    gpw = upw // GRP
    scrap_base = mid_rows - (upw * NW - real_units) * BC

    def body(ids_hbm, table_hbm, out_hbm, idx_v, buf0, buf1, sem0, sem1):
        wid = lax.axis_index("s") * NC + lax.axis_index("c")
        u_base = wid * upw

        pltpu.sync_copy(ids_hbm.at[pl.ds(u_base, upw)], idx_v)

        def issue_group(g, buf, sem):
            for j in range(GRP):
                dst = buf.at[pl.ds(j * BC, BC)]
                pltpu.async_copy(table_hbm.at[idx_v.at[g * GRP + j]], dst, sem)

        def drain_group(buf, sem):
            pltpu.make_async_copy(table_hbm.at[pl.ds(0, GRP * BC)], buf, sem).wait()

        def write_group(g, buf):
            for j in range(GRP):
                u = u_base + g * GRP + j
                s = jnp.minimum(s_base + u // UPS, SEQ)
                real_row = (s // 2 - s_base // 2) * BATCH + (u % UPS) * BC
                row0 = jnp.where(
                    u < real_units, real_row, scrap_base + (u - real_units) * BC
                )
                dst = out_hbm.at[pl.ds(row0, BC), pl.ds((s % 2) * D, D)]
                pltpu.sync_copy(buf.at[pl.ds(j * BC, BC)], dst)

        issue_group(0, buf0, sem0)

        def loop_body(i, carry):
            g = 2 * i
            issue_group(g + 1, buf1, sem1)
            drain_group(buf0, sem0)
            write_group(g, buf0)

            @pl.when(g + 2 < gpw)
            def _():
                issue_group(g + 2, buf0, sem0)

            drain_group(buf1, sem1)
            write_group(g + 1, buf1)
            return carry

        lax.fori_loop(0, gpw // 2, loop_body, 0)
        if gpw % 2:
            drain_group(buf0, sem0)
            write_group(gpw - 1, buf0)

    return pl.kernel(
        body,
        mesh=_mesh,
        out_type=jax.ShapeDtypeStruct((mid_rows, 2 * D), jnp.float32),
        scratch_types=[
            pltpu.VMEM((upw, BC), jnp.int32),
            pltpu.VMEM((GRP * BC, D), jnp.float32),
            pltpu.VMEM((GRP * BC, D), jnp.float32),
            pltpu.SemaphoreType.DMA,
            pltpu.SemaphoreType.DMA,
        ],
        compiler_params=pltpu.CompilerParams(use_tc_tiling_on_sc=False),
    )


_gather_a = _make_gather(1, UPW_A, ROWS_A, REAL_A)
_gather_b = _make_gather(100, UPW_B, ROWS_B, REAL_B)


def _table_body(xa_ref, xb_ref, y_ref):
    y_ref[...] = jnp.concatenate([xa_ref[...], xb_ref[...]], axis=0).transpose()


PAIR = 49 * 1024

_tc_table = pl.pallas_call(
    _table_body,
    grid=(49,),
    in_specs=[
        pl.BlockSpec((D, 1024), lambda i: (0, i)),
        pl.BlockSpec((D, 1024), lambda i: (0, i + 49)),
    ],
    out_specs=pl.BlockSpec((1024, 2 * D), lambda i: (i, 0)),
    out_shape=jax.ShapeDtypeStruct((PAIR, 2 * D), jnp.float32),
)


def _transpose_body(x_ref, y_ref):
    xt = x_ref[...].transpose()
    y_ref[0] = xt[:D]
    y_ref[1] = xt[D:]


def _transpose_body_aliased(x_ref, yin_ref, y_ref):
    del yin_ref
    _transpose_body(x_ref, y_ref)


def _transpose_body_a(x_ref, bos_ref, y_ref):
    xt = x_ref[...].transpose()

    @pl.when(pl.program_id(0) == 0)
    def _():
        y_ref[0] = jnp.broadcast_to(bos_ref[...].transpose(), (D, BATCH))

    @pl.when(pl.program_id(0) > 0)
    def _():
        y_ref[0] = xt[:D]

    y_ref[1] = xt[D:]


_tc_transpose_a = pl.pallas_call(
    _transpose_body_a,
    grid=(SPA,),
    in_specs=[
        pl.BlockSpec((BATCH, 2 * D), lambda i: (i, 0)),
        pl.BlockSpec((1, D), lambda i: (0, 0)),
    ],
    out_specs=pl.BlockSpec((2, D, BATCH), lambda i: (i, 0, 0)),
    out_shape=jax.ShapeDtypeStruct((OUT_SEQ, D, BATCH), jnp.float32),
)

_tc_transpose_b = pl.pallas_call(
    _transpose_body_aliased,
    grid=(SPB,),
    in_specs=[
        pl.BlockSpec((BATCH, 2 * D), lambda i: (i, 0)),
        pl.BlockSpec(memory_space=pl.ANY),
    ],
    out_specs=pl.BlockSpec((2, D, BATCH), lambda i: (i + SPA, 0, 0)),
    out_shape=jax.ShapeDtypeStruct((OUT_SEQ, D, BATCH), jnp.float32),
    input_output_aliases={1: 0},
)


def kernel(input_ids, embedding_weight):
    ids_v = jnp.where(input_ids < PAIR, 2 * input_ids, 2 * input_ids - (2 * PAIR - 1))
    ids2 = ids_v.T.reshape(SEQ * UPS, BC)
    dum = jnp.arange(BC, dtype=jnp.int32) * 2
    ids_a = jnp.concatenate(
        [ids2[:REAL_A], jnp.broadcast_to(dum, (UNITS_A - REAL_A, BC))], axis=0
    )
    ids_b = jnp.concatenate(
        [ids2[REAL_A:], jnp.broadcast_to(dum, (UNITS_B - REAL_B, BC))], axis=0
    )
    xt = embedding_weight.T
    wt_lin = _tc_table(xt, xt).reshape(2 * PAIR, D)
    mid_a = _gather_a(ids_a, wt_lin)
    mid_b = _gather_b(ids_b, wt_lin)
    y = _tc_transpose_a(mid_a, wt_lin[:1])
    y = _tc_transpose_b(mid_b, y)
    return jnp.transpose(y, (2, 0, 1))

# --- scband reference (transcript-rebuilt; emitter-appended) ---
"""Pipeline reference for scband-text-input-2869038154090 (READ-ONLY COPY).

The authoritative reference and input builder live on the scoring server;
editing this copy changes nothing except your own understanding.
"""

import jax, jax.numpy as jnp
import numpy as np

N_VOCAB = 100000
D_MODEL = 64
BOS = 0
BATCH = 1024
SEQ = 200


def setup_inputs(seed: int = 0) -> dict:
    key = jax.random.key(seed)
    k_ids, k_emb = jax.random.split(key)
    input_ids = jax.random.randint(k_ids, (BATCH, SEQ), 0, N_VOCAB, dtype=jnp.int32)
    # Embedding table (torch nn.Embedding default init: N(0, 1))
    embedding_weight = jax.random.normal(k_emb, (N_VOCAB, D_MODEL), dtype=jnp.float32)
    return {"input_ids": input_ids, "embedding_weight": embedding_weight}


def reference(input_ids, embedding_weight):
    # F.pad(input_ids, (1, 0), 'constant', bos): prepend bos token on last dim
    padded_input_ids = jnp.pad(input_ids, ((0, 0), (1, 0)), mode="constant", constant_values=BOS)
    # Embedding lookup (gather over table rows)
    x = jnp.take(embedding_weight, padded_input_ids, axis=0)
    return x

if __name__ == "__main__":
    import jax
    _d = setup_inputs()
    print(jax.jit(kernel)(*tuple(_d.values())))

</pallas_src>

<mosaic_0001>
#map = affine_map<(d0, d1) -> (0, 0)>
module attributes {stable_mosaic.version = 14 : i64} {
  func.func @body(%arg0: i32, %arg1: i32, %arg2: memref<960x128xi32, #tpu.memory_space<hbm>>, %arg3: memref<100352x64xf32, #tpu.memory_space<hbm>>, %arg4: memref<71680x128xf32, #tpu.memory_space<hbm>>, %arg5: memref<30x128xi32, #tpu.memory_space<vmem>>, %arg6: memref<640x64xf32, #tpu.memory_space<vmem>>, %arg7: memref<640x64xf32, #tpu.memory_space<vmem>>, %arg8: memref<!tpu.dma_semaphore, #tpu.memory_space<semaphore_mem>>, %arg9: memref<!tpu.dma_semaphore, #tpu.memory_space<semaphore_mem>>) attributes {dimension_semantics = [#tpu.dimension_semantics<core_parallel>, #tpu.dimension_semantics<subcore_parallel>], iteration_bounds = array<i64: 2, 16>, scalar_prefetch = 0 : i64, scratch_operands = 5 : i64, tpu.core_type = #tpu.core_type<sc_vector_subcore>, window_params = [{transform_indices = #map}, {transform_indices = #map}, {transform_indices = #map}]} {
    %mul3A = arith.constant 2 : i32
    %mul3A_0 = arith.muli %arg1, %mul3A : i32
    %add3A = arith.addi %mul3A_0, %arg0 : i32
    %mul3A_1 = arith.constant 30 : i32
    %mul3A_2 = arith.muli %add3A, %mul3A_1 : i32
    "tpu.region"() ({
      %run_scoped3A = tpu.sem_alloc : memref<!tpu.dma_semaphore, #tpu.memory_space<semaphore_mem>>
      %dma_start3A_57 = arith.constant 0 : i32
      %dma_start3A_58 = tpu.memref_slice %arg2[%mul3A_2, %dma_start3A_57] : memref<960x128xi32, #tpu.memory_space<hbm>> -> memref<30x128xi32, #tpu.memory_space<hbm>>
      %dma_start3A_59 = arith.constant 0 : i32
      %dma_start3A_60 = tpu.memref_slice %arg2[%mul3A_2, %dma_start3A_59] : memref<960x128xi32, #tpu.memory_space<hbm>> -> memref<30x128xi32, #tpu.memory_space<hbm>>
      tpu.enqueue_dma source(%dma_start3A_60 : memref<30x128xi32, #tpu.memory_space<hbm>>) target(%arg5 : memref<30x128xi32, #tpu.memory_space<vmem>>) target_semaphore(%run_scoped3A : memref<!tpu.dma_semaphore, #tpu.memory_space<semaphore_mem>>)
      %dma_wait3A = arith.constant 0 : i32
      %dma_wait3A_61 = tpu.memref_slice %arg2[%mul3A_2, %dma_wait3A] : memref<960x128xi32, #tpu.memory_space<hbm>> -> memref<30x128xi32, #tpu.memory_space<hbm>>
      %dma_wait3A_62 = arith.constant 0 : i32
      %dma_wait3A_63 = tpu.memref_slice %arg2[%mul3A_2, %dma_wait3A_62] : memref<960x128xi32, #tpu.memory_space<hbm>> -> memref<30x128xi32, #tpu.memory_space<hbm>>
      tpu.wait_dma2 semaphore(%run_scoped3A : memref<!tpu.dma_semaphore, #tpu.memory_space<semaphore_mem>>) src(%dma_wait3A_63 : memref<30x128xi32, #tpu.memory_space<hbm>>) dst(%arg5 : memref<30x128xi32, #tpu.memory_space<vmem>>)
      tpu.yield
    }) : () -> ()
    %dma_start3A = arith.constant 0 : i32
    %dma_start3A_3 = arith.constant 0 : i32
    %dma_start3A_4 = arith.constant 0 : i32
    %dma_start3A_5 = tpu.memref_slice %arg6[%dma_start3A_3, %dma_start3A_4] : memref<640x64xf32, #tpu.memory_space<vmem>> -> memref<128x64xf32, #tpu.memory_space<vmem>>
    %dma_start3A_6 = arith.constant 0 : i32
    %dma_start3A_7 = tpu.memref_slice %arg5[%dma_start3A, %dma_start3A_6] : memref<30x128xi32, #tpu.memory_space<vmem>> -> memref<1x128xi32, #tpu.memory_space<vmem>>
    %dma_start3A_8 = tpu.memref_squeeze %dma_start3A_7 : memref<1x128xi32, #tpu.memory_space<vmem>> -> memref<128xi32, #tpu.memory_space<vmem>>
    %dma_start3A_9 = arith.constant 0 : i32
    %dma_start3A_10 = arith.constant 0 : i32
    %dma_start3A_11 = tpu.memref_slice %arg3[%dma_start3A_9, %dma_start3A_10] : memref<100352x64xf32, #tpu.memory_space<hbm>> -> memref<100352x64xf32, #tpu.memory_space<hbm>>
    tpu.enqueue_indirect_dma source(%dma_start3A_11 : memref<100352x64xf32, #tpu.memory_space<hbm>>) target(%dma_start3A_5 : memref<128x64xf32, #tpu.memory_space<vmem>>) offsets(%dma_start3A_8 : memref<128xi32, #tpu.memory_space<vmem>>) semaphore(%arg8 : memref<!tpu.dma_semaphore, #tpu.memory_space<semaphore_mem>>)
    %dma_start3A_12 = arith.constant 1 : i32
    %dma_start3A_13 = arith.constant 128 : i32
    %dma_start3A_14 = arith.constant 0 : i32
    %dma_start3A_15 = tpu.memref_slice %arg6[%dma_start3A_13, %dma_start3A_14] : memref<640x64xf32, #tpu.memory_space<vmem>> -> memref<128x64xf32, #tpu.memory_space<vmem>>
    %dma_start3A_16 = arith.constant 0 : i32
    %dma_start3A_17 = tpu.memref_slice %arg5[%dma_start3A_12, %dma_start3A_16] : memref<30x128xi32, #tpu.memory_space<vmem>> -> memref<1x128xi32, #tpu.memory_space<vmem>>
    %dma_start3A_18 = tpu.memref_squeeze %dma_start3A_17 : memref<1x128xi32, #tpu.memory_space<vmem>> -> memref<128xi32, #tpu.memory_space<vmem>>
    %dma_start3A_19 = arith.constant 0 : i32
    %dma_start3A_20 = arith.constant 0 : i32
    %dma_start3A_21 = tpu.memref_slice %arg3[%dma_start3A_19, %dma_start3A_20] : memref<100352x64xf32, #tpu.memory_space<hbm>> -> memref<100352x64xf32, #tpu.memory_space<hbm>>
    tpu.enqueue_indirect_dma source(%dma_start3A_21 : memref<100352x64xf32, #tpu.memory_space<hbm>>) target(%dma_start3A_15 : memref<128x64xf32, #tpu.memory_space<vmem>>) offsets(%dma_start3A_18 : memref<128xi32, #tpu.memory_space<vmem>>) semaphore(%arg8 : memref<!tpu.dma_semaphore, #tpu.memory_space<semaphore_mem>>)
    %dma_start3A_22 = arith.constant 2 : i32
    %dma_start3A_23 = arith.constant 256 : i32
    %dma_start3A_24 = arith.constant 0 : i32
    %dma_start3A_25 = tpu.memref_slice %arg6[%dma_start3A_23, %dma_start3A_24] : memref<640x64xf32, #tpu.memory_space<vmem>> -> memref<128x64xf32, #tpu.memory_space<vmem>>
    %dma_start3A_26 = arith.constant 0 : i32
    %dma_start3A_27 = tpu.memref_slice %arg5[%dma_start3A_22, %dma_start3A_26] : memref<30x128xi32, #tpu.memory_space<vmem>> -> memref<1x128xi32, #tpu.memory_space<vmem>>
    %dma_start3A_28 = tpu.memref_squeeze %dma_start3A_27 : memref<1x128xi32, #tpu.memory_space<vmem>> -> memref<128xi32, #tpu.memory_space<vmem>>
    %dma_start3A_29 = arith.constant 0 : i32
    %dma_start3A_30 = arith.constant 0 : i32
    %dma_start3A_31 = tpu.memref_slice %arg3[%dma_start3A_29, %dma_start3A_30] : memref<100352x64xf32, #tpu.memory_space<hbm>> -> memref<100352x64xf32, #tpu.memory_space<hbm>>
    tpu.enqueue_indirect_dma source(%dma_start3A_31 : memref<100352x64xf32, #tpu.memory_space<hbm>>) target(%dma_start3A_25 : memref<128x64xf32, #tpu.memory_space<vmem>>) offsets(%dma_start3A_28 : memref<128xi32, #tpu.memory_space<vmem>>) semaphore(%arg8 : memref<!tpu.dma_semaphore, #tpu.memory_space<semaphore_mem>>)
    %dma_start3A_32 = arith.constant 3 : i32
    %dma_start3A_33 = arith.constant 384 : i32
    %dma_start3A_34 = arith.constant 0 : i32
    %dma_start3A_35 = tpu.memref_slice %arg6[%dma_start3A_33, %dma_start3A_34] : memref<640x64xf32, #tpu.memory_space<vmem>> -> memref<128x64xf32, #tpu.memory_space<vmem>>
    %dma_start3A_36 = arith.constant 0 : i32
    %dma_start3A_37 = tpu.memref_slice %arg5[%dma_start3A_32, %dma_start3A_36] : memref<30x128xi32, #tpu.memory_space<vmem>> -> memref<1x128xi32, #tpu.memory_space<vmem>>
    %dma_start3A_38 = tpu.memref_squeeze %dma_start3A_37 : memref<1x128xi32, #tpu.memory_space<vmem>> -> memref<128xi32, #tpu.memory_space<vmem>>
    %dma_start3A_39 = arith.constant 0 : i32
    %dma_start3A_40 = arith.constant 0 : i32
    %dma_start3A_41 = tpu.memref_slice %arg3[%dma_start3A_39, %dma_start3A_40] : memref<100352x64xf32, #tpu.memory_space<hbm>> -> memref<100352x64xf32, #tpu.memory_space<hbm>>
    tpu.enqueue_indirect_dma source(%dma_start3A_41 : memref<100352x64xf32, #tpu.memory_space<hbm>>) target(%dma_start3A_35 : memref<128x64xf32, #tpu.memory_space<vmem>>) offsets(%dma_start3A_38 : memref<128xi32, #tpu.memory_space<vmem>>) semaphore(%arg8 : memref<!tpu.dma_semaphore, #tpu.memory_space<semaphore_mem>>)
    %dma_start3A_42 = arith.constant 4 : i32
    %dma_start3A_43 = arith.constant 512 : i32
    %dma_start3A_44 = arith.constant 0 : i32
    %dma_start3A_45 = tpu.memref_slice %arg6[%dma_start3A_43, %dma_start3A_44] : memref<640x64xf32, #tpu.memory_space<vmem>> -> memref<128x64xf32, #tpu.memory_space<vmem>>
    %dma_start3A_46 = arith.constant 0 : i32
    %dma_start3A_47 = tpu.memref_slice %arg5[%dma_start3A_42, %dma_start3A_46] : memref<30x128xi32, #tpu.memory_space<vmem>> -> memref<1x128xi32, #tpu.memory_space<vmem>>
    %dma_start3A_48 = tpu.memref_squeeze %dma_start3A_47 : memref<1x128xi32, #tpu.memory_space<vmem>> -> memref<128xi32, #tpu.memory_space<vmem>>
    %dma_start3A_49 = arith.constant 0 : i32
    %dma_start3A_50 = arith.constant 0 : i32
    %dma_start3A_51 = tpu.memref_slice %arg3[%dma_start3A_49, %dma_start3A_50] : memref<100352x64xf32, #tpu.memory_space<hbm>> -> memref<100352x64xf32, #tpu.memory_space<hbm>>
    tpu.enqueue_indirect_dma source(%dma_start3A_51 : memref<100352x64xf32, #tpu.memory_space<hbm>>) target(%dma_start3A_45 : memref<128x64xf32, #tpu.memory_space<vmem>>) offsets(%dma_start3A_48 : memref<128xi32, #tpu.memory_space<vmem>>) semaphore(%arg8 : memref<!tpu.dma_semaphore, #tpu.memory_space<semaphore_mem>>)
    %scan3A = arith.constant 0 : i32
    %scan3A_52 = arith.constant 0 : i32
    %scan3A_53 = arith.constant 3 : i32
    %scan3A_54 = arith.addi %scan3A_52, %scan3A_53 : i32
    %scan3A_55 = arith.constant 1 : i32
    scf.for %scan3A_57 = %scan3A_52 to %scan3A_54 step %scan3A_55  : i32 {
      %mul3A_58 = arith.constant 2 : i32
      %mul3A_59 = arith.muli %mul3A_58, %scan3A_57 : i32
      %add3A_60 = arith.constant 1 : i32
      %add3A_61 = arith.addi %mul3A_59, %add3A_60 : i32
      %mul3A_62 = arith.constant 5 : i32
      %mul3A_63 = arith.muli %add3A_61, %mul3A_62 : i32
      %add3A_64 = arith.constant 0 : i32
      %add3A_65 = arith.addi %mul3A_63, %add3A_64 : i32
      %dma_start3A_66 = arith.constant 0 : i32
      %dma_start3A_67 = arith.constant 0 : i32
      %dma_start3A_68 = tpu.memref_slice %arg7[%dma_start3A_66, %dma_start3A_67] : memref<640x64xf32, #tpu.memory_space<vmem>> -> memref<128x64xf32, #tpu.memory_space<vmem>>
      %dma_start3A_69 = arith.constant 0 : i32
      %dma_start3A_70 = tpu.memref_slice %arg5[%add3A_65, %dma_start3A_69] : memref<30x128xi32, #tpu.memory_space<vmem>> -> memref<1x128xi32, #tpu.memory_space<vmem>>
      %dma_start3A_71 = tpu.memref_squeeze %dma_start3A_70 : memref<1x128xi32, #tpu.memory_space<vmem>> -> memref<128xi32, #tpu.memory_space<vmem>>
      %dma_start3A_72 = arith.constant 0 : i32
      %dma_start3A_73 = arith.constant 0 : i32
      %dma_start3A_74 = tpu.memref_slice %arg3[%dma_start3A_72, %dma_start3A_73] : memref<100352x64xf32, #tpu.memory_space<hbm>> -> memref<100352x64xf32, #tpu.memory_space<hbm>>
      tpu.enqueue_indirect_dma source(%dma_start3A_74 : memref<100352x64xf32, #tpu.memory_space<hbm>>) target(%dma_start3A_68 : memref<128x64xf32, #tpu.memory_space<vmem>>) offsets(%dma_start3A_71 : memref<128xi32, #tpu.memory_space<vmem>>) semaphore(%arg9 : memref<!tpu.dma_semaphore, #tpu.memory_space<semaphore_mem>>)
      %mul3A_75 = arith.constant 5 : i32
      %mul3A_76 = arith.muli %add3A_61, %mul3A_75 : i32
      %add3A_77 = arith.constant 1 : i32
      %add3A_78 = arith.addi %mul3A_76, %add3A_77 : i32
      %dma_start3A_79 = arith.constant 128 : i32
      %dma_start3A_80 = arith.constant 0 : i32
      %dma_start3A_81 = tpu.memref_slice %arg7[%dma_start3A_79, %dma_start3A_80] : memref<640x64xf32, #tpu.memory_space<vmem>> -> memref<128x64xf32, #tpu.memory_space<vmem>>
      %dma_start3A_82 = arith.constant 0 : i32
      %dma_start3A_83 = tpu.memref_slice %arg5[%add3A_78, %dma_start3A_82] : memref<30x128xi32, #tpu.memory_space<vmem>> -> memref<1x128xi32, #tpu.memory_space<vmem>>
      %dma_start3A_84 = tpu.memref_squeeze %dma_start3A_83 : memref<1x128xi32, #tpu.memory_space<vmem>> -> memref<128xi32, #tpu.memory_space<vmem>>
      %dma_start3A_85 = arith.constant 0 : i32
      %dma_start3A_86 = arith.constant 0 : i32
      %dma_start3A_87 = tpu.memref_slice %arg3[%dma_start3A_85, %dma_start3A_86] : memref<100352x64xf32, #tpu.memory_space<hbm>> -> memref<100352x64xf32, #tpu.memory_space<hbm>>
      tpu.enqueue_indirect_dma source(%dma_start3A_87 : memref<100352x64xf32, #tpu.memory_space<hbm>>) target(%dma_start3A_81 : memref<128x64xf32, #tpu.memory_space<vmem>>) offsets(%dma_start3A_84 : memref<128xi32, #tpu.memory_space<vmem>>) semaphore(%arg9 : memref<!tpu.dma_semaphore, #tpu.memory_space<semaphore_mem>>)
      %mul3A_88 = arith.constant 5 : i32
      %mul3A_89 = arith.muli %add3A_61, %mul3A_88 : i32
      %add3A_90 = arith.constant 2 : i32
      %add3A_91 = arith.addi %mul3A_89, %add3A_90 : i32
      %dma_start3A_92 = arith.constant 256 : i32
      %dma_start3A_93 = arith.constant 0 : i32
      %dma_start3A_94 = tpu.memref_slice %arg7[%dma_start3A_92, %dma_start3A_93] : memref<640x64xf32, #tpu.memory_space<vmem>> -> memref<128x64xf32, #tpu.memory_space<vmem>>
      %dma_start3A_95 = arith.constant 0 : i32
      %dma_start3A_96 = tpu.memref_slice %arg5[%add3A_91, %dma_start3A_95] : memref<30x128xi32, #tpu.memory_space<vmem>> -> memref<1x128xi32, #tpu.memory_space<vmem>>
      %dma_start3A_97 = tpu.memref_squeeze %dma_start3A_96 : memref<1x128xi32, #tpu.memory_space<vmem>> -> memref<128xi32, #tpu.memory_space<vmem>>
      %dma_start3A_98 = arith.constant 0 : i32
      %dma_start3A_99 = arith.constant 0 : i32
      %dma_start3A_100 = tpu.memref_slice %arg3[%dma_start3A_98, %dma_start3A_99] : memref<100352x64xf32, #tpu.memory_space<hbm>> -> memref<100352x64xf32, #tpu.memory_space<hbm>>
      tpu.enqueue_indirect_dma source(%dma_start3A_100 : memref<100352x64xf32, #tpu.memory_space<hbm>>) target(%dma_start3A_94 : memref<128x64xf32, #tpu.memory_space<vmem>>) offsets(%dma_start3A_97 : memref<128xi32, #tpu.memory_space<vmem>>) semaphore(%arg9 : memref<!tpu.dma_semaphore, #tpu.memory_space<semaphore_mem>>)
      %mul3A_101 = arith.constant 5 : i32
      %mul3A_102 = arith.muli %add3A_61, %mul3A_101 : i32
      %add3A_103 = arith.constant 3 : i32
      %add3A_104 = arith.addi %mul3A_102, %add3A_103 : i32
      %dma_start3A_105 = arith.constant 384 : i32
      %dma_start3A_106 = arith.constant 0 : i32
      %dma_start3A_107 = tpu.memref_slice %arg7[%dma_start3A_105, %dma_start3A_106] : memref<640x64xf32, #tpu.memory_space<vmem>> -> memref<128x64xf32, #tpu.memory_space<vmem>>
      %dma_start3A_108 = arith.constant 0 : i32
      %dma_start3A_109 = tpu.memref_slice %arg5[%add3A_104, %dma_start3A_108] : memref<30x128xi32, #tpu.memory_space<vmem>> -> memref<1x128xi32, #tpu.memory_space<vmem>>
      %dma_start3A_110 = tpu.memref_squeeze %dma_start3A_109 : memref<1x128xi32, #tpu.memory_space<vmem>> -> memref<128xi32, #tpu.memory_space<vmem>>
      %dma_start3A_111 = arith.constant 0 : i32
      %dma_start3A_112 = arith.constant 0 : i32
      %dma_start3A_113 = tpu.memref_slice %arg3[%dma_start3A_111, %dma_start3A_112] : memref<100352x64xf32, #tpu.memory_space<hbm>> -> memref<100352x64xf32, #tpu.memory_space<hbm>>
      tpu.enqueue_indirect_dma source(%dma_start3A_113 : memref<100352x64xf32, #tpu.memory_space<hbm>>) target(%dma_start3A_107 : memref<128x64xf32, #tpu.memory_space<vmem>>) offsets(%dma_start3A_110 : memref<128xi32, #tpu.memory_space<vmem>>) semaphore(%arg9 : memref<!tpu.dma_semaphore, #tpu.memory_space<semaphore_mem>>)
      %mul3A_114 = arith.constant 5 : i32
      %mul3A_115 = arith.muli %add3A_61, %mul3A_114 : i32
      %add3A_116 = arith.constant 4 : i32
      %add3A_117 = arith.addi %mul3A_115, %add3A_116 : i32
      %dma_start3A_118 = arith.constant 512 : i32
      %dma_start3A_119 = arith.constant 0 : i32
      %dma_start3A_120 = tpu.memref_slice %arg7[%dma_start3A_118, %dma_start3A_119] : memref<640x64xf32, #tpu.memory_space<vmem>> -> memref<128x64xf32, #tpu.memory_space<vmem>>
      %dma_start3A_121 = arith.constant 0 : i32
      %dma_start3A_122 = tpu.memref_slice %arg5[%add3A_117, %dma_start3A_121] : memref<30x128xi32, #tpu.memory_space<vmem>> -> memref<1x128xi32, #tpu.memory_space<vmem>>
      %dma_start3A_123 = tpu.memref_squeeze %dma_start3A_122 : memref<1x128xi32, #tpu.memory_space<vmem>> -> memref<128xi32, #tpu.memory_space<vmem>>
      %dma_start3A_124 = arith.constant 0 : i32
      %dma_start3A_125 = arith.constant 0 : i32
      %dma_start3A_126 = tpu.memref_slice %arg3[%dma_start3A_124, %dma_start3A_125] : memref<100352x64xf32, #tpu.memory_space<hbm>> -> memref<100352x64xf32, #tpu.memory_space<hbm>>
      tpu.enqueue_indirect_dma source(%dma_start3A_126 : memref<100352x64xf32, #tpu.memory_space<hbm>>) target(%dma_start3A_120 : memref<128x64xf32, #tpu.memory_space<vmem>>) offsets(%dma_start3A_123 : memref<128xi32, #tpu.memory_space<vmem>>) semaphore(%arg9 : memref<!tpu.dma_semaphore, #tpu.memory_space<semaphore_mem>>)
      %dma_wait3A = arith.constant 0 : i32
      %dma_wait3A_127 = arith.constant 0 : i32
      %dma_wait3A_128 = tpu.memref_slice %arg3[%dma_wait3A, %dma_wait3A_127] : memref<100352x64xf32, #tpu.memory_space<hbm>> -> memref<640x64xf32, #tpu.memory_space<hbm>>
      %dma_wait3A_129 = arith.constant 0 : i32
      %dma_wait3A_130 = arith.constant 0 : i32
      %dma_wait3A_131 = tpu.memref_slice %arg3[%dma_wait3A_129, %dma_wait3A_130] : memref<100352x64xf32, #tpu.memory_space<hbm>> -> memref<640x64xf32, #tpu.memory_space<hbm>>
      tpu.wait_dma2 semaphore(%arg8 : memref<!tpu.dma_semaphore, #tpu.memory_space<semaphore_mem>>) src(%dma_wait3A_131 : memref<640x64xf32, #tpu.memory_space<hbm>>) dst(%arg6 : memref<640x64xf32, #tpu.memory_space<vmem>>)
      %mul3A_132 = arith.constant 5 : i32
      %mul3A_133 = arith.muli %mul3A_59, %mul3A_132 : i32
      %add3A_134 = arith.addi %mul3A_2, %mul3A_133 : i32
      %add3A_135 = arith.constant 0 : i32
      %add3A_136 = arith.addi %add3A_134, %add3A_135 : i32
      %jit3A = arith.constant 8 : i32
      %div3A = arith.divsi %add3A_136, %jit3A : i32
      %sign3A = arith.constant 0 : i32
      %sign3A_137 = arith.cmpi sgt, %add3A_136, %sign3A : i32
      %sign3A_138 = arith.extui %sign3A_137 : i1 to i32
      %sign3A_139 = arith.constant 0 : i32
      %sign3A_140 = arith.cmpi slt, %add3A_136, %sign3A_139 : i32
      %sign3A_141 = arith.extui %sign3A_140 : i1 to i32
      %sign3A_142 = arith.subi %sign3A_138, %sign3A_141 : i32
      %sign3A_143 = arith.constant 0 : i32
      %sign3A_144 = arith.cmpi sgt, %jit3A, %sign3A_143 : i32
      %sign3A_145 = arith.extui %sign3A_144 : i1 to i32
      %sign3A_146 = arith.constant 0 : i32
      %sign3A_147 = arith.cmpi slt, %jit3A, %sign3A_146 : i32
      %sign3A_148 = arith.extui %sign3A_147 : i1 to i32
      %sign3A_149 = arith.subi %sign3A_145, %sign3A_148 : i32
      %ne3A = arith.cmpi ne, %sign3A_142, %sign3A_149 : i32
      %rem3A = arith.remsi %add3A_136, %jit3A : i32
      %ne3A_150 = arith.constant 0 : i32
      %ne3A_151 = arith.cmpi ne, %rem3A, %ne3A_150 : i32
      %and3A = arith.andi %ne3A, %ne3A_151 : i1
      %sub3A = arith.constant 1 : i32
      %sub3A_152 = arith.subi %div3A, %sub3A : i32
      %select_n3A = arith.select %and3A, %sub3A_152, %div3A : i32
      %add3A_153 = arith.constant 100 : i32
      %add3A_154 = arith.addi %add3A_153, %select_n3A : i32
      %min3A = arith.constant 200 : i32
      %min3A_155 = arith.minsi %add3A_154, %min3A : i32
      %jit3A_156 = arith.constant 2 : i32
      %div3A_157 = arith.divsi %min3A_155, %jit3A_156 : i32
      %sign3A_158 = arith.constant 0 : i32
      %sign3A_159 = arith.cmpi sgt, %min3A_155, %sign3A_158 : i32
      %sign3A_160 = arith.extui %sign3A_159 : i1 to i32
      %sign3A_161 = arith.constant 0 : i32
      %sign3A_162 = arith.cmpi slt, %min3A_155, %sign3A_161 : i32
      %sign3A_163 = arith.extui %sign3A_162 : i1 to i32
      %sign3A_164 = arith.subi %sign3A_160, %sign3A_163 : i32
      %sign3A_165 = arith.constant 0 : i32
      %sign3A_166 = arith.cmpi sgt, %jit3A_156, %sign3A_165 : i32
      %sign3A_167 = arith.extui %sign3A_166 : i1 to i32
      %sign3A_168 = arith.constant 0 : i32
      %sign3A_169 = arith.cmpi slt, %jit3A_156, %sign3A_168 : i32
      %sign3A_170 = arith.extui %sign3A_169 : i1 to i32
      %sign3A_171 = arith.subi %sign3A_167, %sign3A_170 : i32
      %ne3A_172 = arith.cmpi ne, %sign3A_164, %sign3A_171 : i32
      %rem3A_173 = arith.remsi %min3A_155, %jit3A_156 : i32
      %ne3A_174 = arith.constant 0 : i32
      %ne3A_175 = arith.cmpi ne, %rem3A_173, %ne3A_174 : i32
      %and3A_176 = arith.andi %ne3A_172, %ne3A_175 : i1
      %sub3A_177 = arith.constant 1 : i32
      %sub3A_178 = arith.subi %div3A_157, %sub3A_177 : i32
      %select_n3A_179 = arith.select %and3A_176, %sub3A_178, %div3A_157 : i32
      %sub3A_180 = arith.constant 50 : i32
      %sub3A_181 = arith.subi %select_n3A_179, %sub3A_180 : i32
      %mul3A_182 = arith.constant 1024 : i32
      %mul3A_183 = arith.muli %sub3A_181, %mul3A_182 : i32
      %jit3A_184 = arith.constant 8 : i32
      %eq3A = arith.constant 0 : i32
      %eq3A_185 = arith.cmpi eq, %jit3A_184, %eq3A : i32
      %jit3A_186 = arith.constant 1 : i32
      %select_n3A_187 = arith.select %eq3A_185, %jit3A_186, %jit3A_184 : i32
      %rem3A_188 = arith.remsi %add3A_136, %select_n3A_187 : i32
      %ne3A_189 = arith.constant 0 : i32
      %ne3A_190 = arith.cmpi ne, %rem3A_188, %ne3A_189 : i32
      %lt3A = arith.constant 0 : i32
      %lt3A_191 = arith.cmpi slt, %rem3A_188, %lt3A : i32
      %lt3A_192 = arith.constant 0 : i32
      %lt3A_193 = arith.cmpi slt, %select_n3A_187, %lt3A_192 : i32
      %ne3A_194 = arith.xori %lt3A_191, %lt3A_193 : i1
      %and3A_195 = arith.andi %ne3A_194, %ne3A_190 : i1
      %add3A_196 = arith.addi %rem3A_188, %select_n3A_187 : i32
      %select_n3A_197 = arith.select %and3A_195, %add3A_196, %rem3A_188 : i32
      %mul3A_198 = arith.constant 128 : i32
      %mul3A_199 = arith.muli %select_n3A_197, %mul3A_198 : i32
      %add3A_200 = arith.addi %mul3A_183, %mul3A_199 : i32
      %lt3A_201 = arith.constant 808 : i32
      %lt3A_202 = arith.cmpi slt, %add3A_136, %lt3A_201 : i32
      %sub3A_203 = arith.constant 808 : i32
      %sub3A_204 = arith.subi %add3A_136, %sub3A_203 : i32
      %mul3A_205 = arith.constant 128 : i32
      %mul3A_206 = arith.muli %sub3A_204, %mul3A_205 : i32
      %add3A_207 = arith.constant 52224 : i32
      %add3A_208 = arith.addi %add3A_207, %mul3A_206 : i32
      %select_n3A_209 = arith.select %lt3A_202, %add3A_200, %add3A_208 : i32
      %jit3A_210 = arith.constant 2 : i32
      %eq3A_211 = arith.constant 0 : i32
      %eq3A_212 = arith.cmpi eq, %jit3A_210, %eq3A_211 : i32
      %jit3A_213 = arith.constant 1 : i32
      %select_n3A_214 = arith.select %eq3A_212, %jit3A_213, %jit3A_210 : i32
      %rem3A_215 = arith.remsi %min3A_155, %select_n3A_214 : i32
      %ne3A_216 = arith.constant 0 : i32
      %ne3A_217 = arith.cmpi ne, %rem3A_215, %ne3A_216 : i32
      %lt3A_218 = arith.constant 0 : i32
      %lt3A_219 = arith.cmpi slt, %rem3A_215, %lt3A_218 : i32
      %lt3A_220 = arith.constant 0 : i32
      %lt3A_221 = arith.cmpi slt, %select_n3A_214, %lt3A_220 : i32
      %ne3A_222 = arith.xori %lt3A_219, %lt3A_221 : i1
      %and3A_223 = arith.andi %ne3A_222, %ne3A_217 : i1
      %add3A_224 = arith.addi %rem3A_215, %select_n3A_214 : i32
      %select_n3A_225 = arith.select %and3A_223, %add3A_224, %rem3A_215 : i32
      %mul3A_226 = arith.constant 64 : i32
      %mul3A_227 = arith.muli %select_n3A_225, %mul3A_226 : i32
      "tpu.region"() ({
        %run_scoped3A = tpu.sem_alloc : memref<!tpu.dma_semaphore, #tpu.memory_space<semaphore_mem>>
        %dma_start3A_1204 = arith.constant 0 : i32
        %dma_start3A_1205 = arith.constant 0 : i32
        %dma_start3A_1206 = tpu.memref_slice %arg6[%dma_start3A_1204, %dma_start3A_1205] : memref<640x64xf32, #tpu.memory_space<vmem>> -> memref<128x64xf32, #tpu.memory_space<vmem>>
        %dma_start3A_1207 = tpu.memref_slice %arg4[%select_n3A_209, %mul3A_227] : memref<71680x128xf32, #tpu.memory_space<hbm>> -> memref<128x64xf32, #tpu.memory_space<hbm>>
        %dma_start3A_1208 = tpu.memref_slice %arg4[%select_n3A_209, %mul3A_227] : memref<71680x128xf32, #tpu.memory_space<hbm>> -> memref<128x64xf32, #tpu.memory_space<hbm>>
        %dma_start3A_1209 = arith.constant 0 : i32
        %dma_start3A_1210 = arith.constant 0 : i32
        %dma_start3A_1211 = tpu.memref_slice %arg6[%dma_start3A_1209, %dma_start3A_1210] : memref<640x64xf32, #tpu.memory_space<vmem>> -> memref<128x64xf32, #tpu.memory_space<vmem>>
        tpu.enqueue_dma source(%dma_start3A_1211 : memref<128x64xf32, #tpu.memory_space<vmem>>) target(%dma_start3A_1208 : memref<128x64xf32, #tpu.memory_space<hbm>>) target_semaphore(%run_scoped3A : memref<!tpu.dma_semaphore, #tpu.memory_space<semaphore_mem>>)
        %dma_wait3A_1212 = arith.constant 0 : i32
        %dma_wait3A_1213 = arith.constant 0 : i32
        %dma_wait3A_1214 = tpu.memref_slice %arg6[%dma_wait3A_1212, %dma_wait3A_1213] : memref<640x64xf32, #tpu.memory_space<vmem>> -> memref<128x64xf32, #tpu.memory_space<vmem>>
        %dma_wait3A_1215 = tpu.memref_slice %arg4[%select_n3A_209, %mul3A_227] : memref<71680x128xf32, #tpu.memory_space<hbm>> -> memref<128x64xf32, #tpu.memory_space<hbm>>
        %dma_wait3A_1216 = tpu.memref_slice %arg4[%select_n3A_209, %mul3A_227] : memref<71680x128xf32, #tpu.memory_space<hbm>> -> memref<128x64xf32, #tpu.memory_space<hbm>>
        %dma_wait3A_1217 = arith.constant 0 : i32
        %dma_wait3A_1218 = arith.constant 0 : i32
        %dma_wait3A_1219 = tpu.memref_slice %arg6[%dma_wait3A_1217, %dma_wait3A_1218] : memref<640x64xf32, #tpu.memory_space<vmem>> -> memref<128x64xf32, #tpu.memory_space<vmem>>
        tpu.wait_dma2 semaphore(%run_scoped3A : memref<!tpu.dma_semaphore, #tpu.memory_space<semaphore_mem>>) src(%dma_wait3A_1219 : memref<128x64xf32, #tpu.memory_space<vmem>>) dst(%dma_wait3A_1216 : memref<128x64xf32, #tpu.memory_space<hbm>>)
        tpu.yield
      }) : () -> ()
      %mul3A_228 = arith.constant 5 : i32
      %mul3A_229 = arith.muli %mul3A_59, %mul3A_228 : i32
      %add3A_230 = arith.addi %mul3A_2, %mul3A_229 : i32
      %add3A_231 = arith.constant 1 : i32
      %add3A_232 = arith.addi %add3A_230, %add3A_231 : i32
      %jit3A_233 = arith.constant 8 : i32
      %div3A_234 = arith.divsi %add3A_232, %jit3A_233 : i32
      %sign3A_235 = arith.constant 0 : i32
      %sign3A_236 = arith.cmpi sgt, %add3A_232, %sign3A_235 : i32
      %sign3A_237 = arith.extui %sign3A_236 : i1 to i32
      %sign3A_238 = arith.constant 0 : i32
      %sign3A_239 = arith.cmpi slt, %add3A_232, %sign3A_238 : i32
      %sign3A_240 = arith.extui %sign3A_239 : i1 to i32
      %sign3A_241 = arith.subi %sign3A_237, %sign3A_240 : i32
      %sign3A_242 = arith.constant 0 : i32
      %sign3A_243 = arith.cmpi sgt, %jit3A_233, %sign3A_242 : i32
      %sign3A_244 = arith.extui %sign3A_243 : i1 to i32
      %sign3A_245 = arith.constant 0 : i32
      %sign3A_246 = arith.cmpi slt, %jit3A_233, %sign3A_245 : i32
      %sign3A_247 = arith.extui %sign3A_246 : i1 to i32
      %sign3A_248 = arith.subi %sign3A_244, %sign3A_247 : i32
      %ne3A_249 = arith.cmpi ne, %sign3A_241, %sign3A_248 : i32
      %rem3A_250 = arith.remsi %add3A_232, %jit3A_233 : i32
      %ne3A_251 = arith.constant 0 : i32
      %ne3A_252 = arith.cmpi ne, %rem3A_250, %ne3A_251 : i32
      %and3A_253 = arith.andi %ne3A_249, %ne3A_252 : i1
      %sub3A_254 = arith.constant 1 : i32
      %sub3A_255 = arith.subi %div3A_234, %sub3A_254 : i32
      %select_n3A_256 = arith.select %and3A_253, %sub3A_255, %div3A_234 : i32
      %add3A_257 = arith.constant 100 : i32
      %add3A_258 = arith.addi %add3A_257, %select_n3A_256 : i32
      %min3A_259 = arith.constant 200 : i32
      %min3A_260 = arith.minsi %add3A_258, %min3A_259 : i32
      %jit3A_261 = arith.constant 2 : i32
      %div3A_262 = arith.divsi %min3A_260, %jit3A_261 : i32
      %sign3A_263 = arith.constant 0 : i32
      %sign3A_264 = arith.cmpi sgt, %min3A_260, %sign3A_263 : i32
      %sign3A_265 = arith.extui %sign3A_264 : i1 to i32
      %sign3A_266 = arith.constant 0 : i32
      %sign3A_267 = arith.cmpi slt, %min3A_260, %sign3A_266 : i32
      %sign3A_268 = arith.extui %sign3A_267 : i1 to i32
      %sign3A_269 = arith.subi %sign3A_265, %sign3A_268 : i32
      %sign3A_270 = arith.constant 0 : i32
      %sign3A_271 = arith.cmpi sgt, %jit3A_261, %sign3A_270 : i32
      %sign3A_272 = arith.extui %sign3A_271 : i1 to i32
      %sign3A_273 = arith.constant 0 : i32
      %sign3A_274 = arith.cmpi slt, %jit3A_261, %sign3A_273 : i32
      %sign3A_275 = arith.extui %sign3A_274 : i1 to i32
      %sign3A_276 = arith.subi %sign3A_272, %sign3A_275 : i32
      %ne3A_277 = arith.cmpi ne, %sign3A_269, %sign3A_276 : i32
      %rem3A_278 = arith.remsi %min3A_260, %jit3A_261 : i32
      %ne3A_279 = arith.constant 0 : i32
      %ne3A_280 = arith.cmpi ne, %rem3A_278, %ne3A_279 : i32
      %and3A_281 = arith.andi %ne3A_277, %ne3A_280 : i1
      %sub3A_282 = arith.constant 1 : i32
      %sub3A_283 = arith.subi %div3A_262, %sub3A_282 : i32
      %select_n3A_284 = arith.select %and3A_281, %sub3A_283, %div3A_262 : i32
      %sub3A_285 = arith.constant 50 : i32
      %sub3A_286 = arith.subi %select_n3A_284, %sub3A_285 : i32
      %mul3A_287 = arith.constant 1024 : i32
      %mul3A_288 = arith.muli %sub3A_286, %mul3A_287 : i32
      %jit3A_289 = arith.constant 8 : i32
      %eq3A_290 = arith.constant 0 : i32
      %eq3A_291 = arith.cmpi eq, %jit3A_289, %eq3A_290 : i32
      %jit3A_292 = arith.constant 1 : i32
      %select_n3A_293 = arith.select %eq3A_291, %jit3A_292, %jit3A_289 : i32
      %rem3A_294 = arith.remsi %add3A_232, %select_n3A_293 : i32
      %ne3A_295 = arith.constant 0 : i32
      %ne3A_296 = arith.cmpi ne, %rem3A_294, %ne3A_295 : i32
      %lt3A_297 = arith.constant 0 : i32
      %lt3A_298 = arith.cmpi slt, %rem3A_294, %lt3A_297 : i32
      %lt3A_299 = arith.constant 0 : i32
      %lt3A_300 = arith.cmpi slt, %select_n3A_293, %lt3A_299 : i32
      %ne3A_301 = arith.xori %lt3A_298, %lt3A_300 : i1
      %and3A_302 = arith.andi %ne3A_301, %ne3A_296 : i1
      %add3A_303 = arith.addi %rem3A_294, %select_n3A_293 : i32
      %select_n3A_304 = arith.select %and3A_302, %add3A_303, %rem3A_294 : i32
      %mul3A_305 = arith.constant 128 : i32
      %mul3A_306 = arith.muli %select_n3A_304, %mul3A_305 : i32
      %add3A_307 = arith.addi %mul3A_288, %mul3A_306 : i32
      %lt3A_308 = arith.constant 808 : i32
      %lt3A_309 = arith.cmpi slt, %add3A_232, %lt3A_308 : i32
      %sub3A_310 = arith.constant 808 : i32
      %sub3A_311 = arith.subi %add3A_232, %sub3A_310 : i32
      %mul3A_312 = arith.constant 128 : i32
      %mul3A_313 = arith.muli %sub3A_311, %mul3A_312 : i32
      %add3A_314 = arith.constant 52224 : i32
      %add3A_315 = arith.addi %add3A_314, %mul3A_313 : i32
      %select_n3A_316 = arith.select %lt3A_309, %add3A_307, %add3A_315 : i32
      %jit3A_317 = arith.constant 2 : i32
      %eq3A_318 = arith.constant 0 : i32
      %eq3A_319 = arith.cmpi eq, %jit3A_317, %eq3A_318 : i32
      %jit3A_320 = arith.constant 1 : i32
      %select_n3A_321 = arith.select %eq3A_319, %jit3A_320, %jit3A_317 : i32
      %rem3A_322 = arith.remsi %min3A_260, %select_n3A_321 : i32
      %ne3A_323 = arith.constant 0 : i32
      %ne3A_324 = arith.cmpi ne, %rem3A_322, %ne3A_323 : i32
      %lt3A_325 = arith.constant 0 : i32
      %lt3A_326 = arith.cmpi slt, %rem3A_322, %lt3A_325 : i32
      %lt3A_327 = arith.constant 0 : i32
      %lt3A_328 = arith.cmpi slt, %select_n3A_321, %lt3A_327 : i32
      %ne3A_329 = arith.xori %lt3A_326, %lt3A_328 : i1
      %and3A_330 = arith.andi %ne3A_329, %ne3A_324 : i1
      %add3A_331 = arith.addi %rem3A_322, %select_n3A_321 : i32
      %select_n3A_332 = arith.select %and3A_330, %add3A_331, %rem3A_322 : i32
      %mul3A_333 = arith.constant 64 : i32
      %mul3A_334 = arith.muli %select_n3A_332, %mul3A_333 : i32
      "tpu.region"() ({
        %run_scoped3A = tpu.sem_alloc : memref<!tpu.dma_semaphore, #tpu.memory_space<semaphore_mem>>
        %dma_start3A_1204 = arith.constant 128 : i32
        %dma_start3A_1205 = arith.constant 0 : i32
        %dma_start3A_1206 = tpu.memref_slice %arg6[%dma_start3A_1204, %dma_start3A_1205] : memref<640x64xf32, #tpu.memory_space<vmem>> -> memref<128x64xf32, #tpu.memory_space<vmem>>
        %dma_start3A_1207 = tpu.memref_slice %arg4[%select_n3A_316, %mul3A_334] : memref<71680x128xf32, #tpu.memory_space<hbm>> -> memref<128x64xf32, #tpu.memory_space<hbm>>
        %dma_start3A_1208 = tpu.memref_slice %arg4[%select_n3A_316, %mul3A_334] : memref<71680x128xf32, #tpu.memory_space<hbm>> -> memref<128x64xf32, #tpu.memory_space<hbm>>
        %dma_start3A_1209 = arith.constant 128 : i32
        %dma_start3A_1210 = arith.constant 0 : i32
        %dma_start3A_1211 = tpu.memref_slice %arg6[%dma_start3A_1209, %dma_start3A_1210] : memref<640x64xf32, #tpu.memory_space<vmem>> -> memref<128x64xf32, #tpu.memory_space<vmem>>
        tpu.enqueue_dma source(%dma_start3A_1211 : memref<128x64xf32, #tpu.memory_space<vmem>>) target(%dma_start3A_1208 : memref<128x64xf32, #tpu.memory_space<hbm>>) target_semaphore(%run_scoped3A : memref<!tpu.dma_semaphore, #tpu.memory_space<semaphore_mem>>)
        %dma_wait3A_1212 = arith.constant 128 : i32
        %dma_wait3A_1213 = arith.constant 0 : i32
        %dma_wait3A_1214 = tpu.memref_slice %arg6[%dma_wait3A_1212, %dma_wait3A_1213] : memref<640x64xf32, #tpu.memory_space<vmem>> -> memref<128x64xf32, #tpu.memory_space<vmem>>
        %dma_wait3A_1215 = tpu.memref_slice %arg4[%select_n3A_316, %mul3A_334] : memref<71680x128xf32, #tpu.memory_space<hbm>> -> memref<128x64xf32, #tpu.memory_space<hbm>>
        %dma_wait3A_1216 = tpu.memref_slice %arg4[%select_n3A_316, %mul3A_334] : memref<71680x128xf32, #tpu.memory_space<hbm>> -> memref<128x64xf32, #tpu.memory_space<hbm>>
        %dma_wait3A_1217 = arith.constant 128 : i32
        %dma_wait3A_1218 = arith.constant 0 : i32
        %dma_wait3A_1219 = tpu.memref_slice %arg6[%dma_wait3A_1217, %dma_wait3A_1218] : memref<640x64xf32, #tpu.memory_space<vmem>> -> memref<128x64xf32, #tpu.memory_space<vmem>>
        tpu.wait_dma2 semaphore(%run_scoped3A : memref<!tpu.dma_semaphore, #tpu.memory_space<semaphore_mem>>) src(%dma_wait3A_1219 : memref<128x64xf32, #tpu.memory_space<vmem>>) dst(%dma_wait3A_1216 : memref<128x64xf32, #tpu.memory_space<hbm>>)
        tpu.yield
      }) : () -> ()
      %mul3A_335 = arith.constant 5 : i32
      %mul3A_336 = arith.muli %mul3A_59, %mul3A_335 : i32
      %add3A_337 = arith.addi %mul3A_2, %mul3A_336 : i32
      %add3A_338 = arith.constant 2 : i32
      %add3A_339 = arith.addi %add3A_337, %add3A_338 : i32
      %jit3A_340 = arith.constant 8 : i32
      %div3A_341 = arith.divsi %add3A_339, %jit3A_340 : i32
      %sign3A_342 = arith.constant 0 : i32
      %sign3A_343 = arith.cmpi sgt, %add3A_339, %sign3A_342 : i32
      %sign3A_344 = arith.extui %sign3A_343 : i1 to i32
      %sign3A_345 = arith.constant 0 : i32
      %sign3A_346 = arith.cmpi slt, %add3A_339, %sign3A_345 : i32
      %sign3A_347 = arith.extui %sign3A_346 : i1 to i32
      %sign3A_348 = arith.subi %sign3A_344, %sign3A_347 : i32
      %sign3A_349 = arith.constant 0 : i32
      %sign3A_350 = arith.cmpi sgt, %jit3A_340, %sign3A_349 : i32
      %sign3A_351 = arith.extui %sign3A_350 : i1 to i32
      %sign3A_352 = arith.constant 0 : i32
      %sign3A_353 = arith.cmpi slt, %jit3A_340, %sign3A_352 : i32
      %sign3A_354 = arith.extui %sign3A_353 : i1 to i32
      %sign3A_355 = arith.subi %sign3A_351, %sign3A_354 : i32
      %ne3A_356 = arith.cmpi ne, %sign3A_348, %sign3A_355 : i32
      %rem3A_357 = arith.remsi %add3A_339, %jit3A_340 : i32
      %ne3A_358 = arith.constant 0 : i32
      %ne3A_359 = arith.cmpi ne, %rem3A_357, %ne3A_358 : i32
      %and3A_360 = arith.andi %ne3A_356, %ne3A_359 : i1
      %sub3A_361 = arith.constant 1 : i32
      %sub3A_362 = arith.subi %div3A_341, %sub3A_361 : i32
      %select_n3A_363 = arith.select %and3A_360, %sub3A_362, %div3A_341 : i32
      %add3A_364 = arith.constant 100 : i32
      %add3A_365 = arith.addi %add3A_364, %select_n3A_363 : i32
      %min3A_366 = arith.constant 200 : i32
      %min3A_367 = arith.minsi %add3A_365, %min3A_366 : i32
      %jit3A_368 = arith.constant 2 : i32
      %div3A_369 = arith.divsi %min3A_367, %jit3A_368 : i32
      %sign3A_370 = arith.constant 0 : i32
      %sign3A_371 = arith.cmpi sgt, %min3A_367, %sign3A_370 : i32
      %sign3A_372 = arith.extui %sign3A_371 : i1 to i32
      %sign3A_373 = arith.constant 0 : i32
      %sign3A_374 = arith.cmpi slt, %min3A_367, %sign3A_373 : i32
      %sign3A_375 = arith.extui %sign3A_374 : i1 to i32
      %sign3A_376 = arith.subi %sign3A_372, %sign3A_375 : i32
      %sign3A_377 = arith.constant 0 : i32
      %sign3A_378 = arith.cmpi sgt, %jit3A_368, %sign3A_377 : i32
      %sign3A_379 = arith.extui %sign3A_378 : i1 to i32
      %sign3A_380 = arith.constant 0 : i32
      %sign3A_381 = arith.cmpi slt, %jit3A_368, %sign3A_380 : i32
      %sign3A_382 = arith.extui %sign3A_381 : i1 to i32
      %sign3A_383 = arith.subi %sign3A_379, %sign3A_382 : i32
      %ne3A_384 = arith.cmpi ne, %sign3A_376, %sign3A_383 : i32
      %rem3A_385 = arith.remsi %min3A_367, %jit3A_368 : i32
      %ne3A_386 = arith.constant 0 : i32
      %ne3A_387 = arith.cmpi ne, %rem3A_385, %ne3A_386 : i32
      %and3A_388 = arith.andi %ne3A_384, %ne3A_387 : i1
      %sub3A_389 = arith.constant 1 : i32
      %sub3A_390 = arith.subi %div3A_369, %sub3A_389 : i32
      %select_n3A_391 = arith.select %and3A_388, %sub3A_390, %div3A_369 : i32
      %sub3A_392 = arith.constant 50 : i32
      %sub3A_393 = arith.subi %select_n3A_391, %sub3A_392 : i32
      %mul3A_394 = arith.constant 1024 : i32
      %mul3A_395 = arith.muli %sub3A_393, %mul3A_394 : i32
      %jit3A_396 = arith.constant 8 : i32
      %eq3A_397 = arith.constant 0 : i32
      %eq3A_398 = arith.cmpi eq, %jit3A_396, %eq3A_397 : i32
      %jit3A_399 = arith.constant 1 : i32
      %select_n3A_400 = arith.select %eq3A_398, %jit3A_399, %jit3A_396 : i32
      %rem3A_401 = arith.remsi %add3A_339, %select_n3A_400 : i32
      %ne3A_402 = arith.constant 0 : i32
      %ne3A_403 = arith.cmpi ne, %rem3A_401, %ne3A_402 : i32
      %lt3A_404 = arith.constant 0 : i32
      %lt3A_405 = arith.cmpi slt, %rem3A_401, %lt3A_404 : i32
      %lt3A_406 = arith.constant 0 : i32
      %lt3A_407 = arith.cmpi slt, %select_n3A_400, %lt3A_406 : i32
      %ne3A_408 = arith.xori %lt3A_405, %lt3A_407 : i1
      %and3A_409 = arith.andi %ne3A_408, %ne3A_403 : i1
      %add3A_410 = arith.addi %rem3A_401, %select_n3A_400 : i32
      %select_n3A_411 = arith.select %and3A_409, %add3A_410, %rem3A_401 : i32
      %mul3A_412 = arith.constant 128 : i32
      %mul3A_413 = arith.muli %select_n3A_411, %mul3A_412 : i32
      %add3A_414 = arith.addi %mul3A_395, %mul3A_413 : i32
      %lt3A_415 = arith.constant 808 : i32
      %lt3A_416 = arith.cmpi slt, %add3A_339, %lt3A_415 : i32
      %sub3A_417 = arith.constant 808 : i32
      %sub3A_418 = arith.subi %add3A_339, %sub3A_417 : i32
      %mul3A_419 = arith.constant 128 : i32
      %mul3A_420 = arith.muli %sub3A_418, %mul3A_419 : i32
      %add3A_421 = arith.constant 52224 : i32
      %add3A_422 = arith.addi %add3A_421, %mul3A_420 : i32
      %select_n3A_423 = arith.select %lt3A_416, %add3A_414, %add3A_422 : i32
      %jit3A_424 = arith.constant 2 : i32
      %eq3A_425 = arith.constant 0 : i32
      %eq3A_426 = arith.cmpi eq, %jit3A_424, %eq3A_425 : i32
      %jit3A_427 = arith.constant 1 : i32
      %select_n3A_428 = arith.select %eq3A_426, %jit3A_427, %jit3A_424 : i32
      %rem3A_429 = arith.remsi %min3A_367, %select_n3A_428 : i32
      %ne3A_430 = arith.constant 0 : i32
      %ne3A_431 = arith.cmpi ne, %rem3A_429, %ne3A_430 : i32
      %lt3A_432 = arith.constant 0 : i32
      %lt3A_433 = arith.cmpi slt, %rem3A_429, %lt3A_432 : i32
      %lt3A_434 = arith.constant 0 : i32
      %lt3A_435 = arith.cmpi slt, %select_n3A_428, %lt3A_434 : i32
      %ne3A_436 = arith.xori %lt3A_433, %lt3A_435 : i1
      %and3A_437 = arith.andi %ne3A_436, %ne3A_431 : i1
      %add3A_438 = arith.addi %rem3A_429, %select_n3A_428 : i32
      %select_n3A_439 = arith.select %and3A_437, %add3A_438, %rem3A_429 : i32
      %mul3A_440 = arith.constant 64 : i32
      %mul3A_441 = arith.muli %select_n3A_439, %mul3A_440 : i32
      "tpu.region"() ({
        %run_scoped3A = tpu.sem_alloc : memref<!tpu.dma_semaphore, #tpu.memory_space<semaphore_mem>>
        %dma_start3A_1204 = arith.constant 256 : i32
        %dma_start3A_1205 = arith.constant 0 : i32
        %dma_start3A_1206 = tpu.memref_slice %arg6[%dma_start3A_1204, %dma_start3A_1205] : memref<640x64xf32, #tpu.memory_space<vmem>> -> memref<128x64xf32, #tpu.memory_space<vmem>>
        %dma_start3A_1207 = tpu.memref_slice %arg4[%select_n3A_423, %mul3A_441] : memref<71680x128xf32, #tpu.memory_space<hbm>> -> memref<128x64xf32, #tpu.memory_space<hbm>>
        %dma_start3A_1208 = tpu.memref_slice %arg4[%select_n3A_423, %mul3A_441] : memref<71680x128xf32, #tpu.memory_space<hbm>> -> memref<128x64xf32, #tpu.memory_space<hbm>>
        %dma_start3A_1209 = arith.constant 256 : i32
        %dma_start3A_1210 = arith.constant 0 : i32
        %dma_start3A_1211 = tpu.memref_slice %arg6[%dma_start3A_1209, %dma_start3A_1210] : memref<640x64xf32, #tpu.memory_space<vmem>> -> memref<128x64xf32, #tpu.memory_space<vmem>>
        tpu.enqueue_dma source(%dma_start3A_1211 : memref<128x64xf32, #tpu.memory_space<vmem>>) target(%dma_start3A_1208 : memref<128x64xf32, #tpu.memory_space<hbm>>) target_semaphore(%run_scoped3A : memref<!tpu.dma_semaphore, #tpu.memory_space<semaphore_mem>>)
        %dma_wait3A_1212 = arith.constant 256 : i32
        %dma_wait3A_1213 = arith.constant 0 : i32
        %dma_wait3A_1214 = tpu.memref_slice %arg6[%dma_wait3A_1212, %dma_wait3A_1213] : memref<640x64xf32, #tpu.memory_space<vmem>> -> memref<128x64xf32, #tpu.memory_space<vmem>>
        %dma_wait3A_1215 = tpu.memref_slice %arg4[%select_n3A_423, %mul3A_441] : memref<71680x128xf32, #tpu.memory_space<hbm>> -> memref<128x64xf32, #tpu.memory_space<hbm>>
        %dma_wait3A_1216 = tpu.memref_slice %arg4[%select_n3A_423, %mul3A_441] : memref<71680x128xf32, #tpu.memory_space<hbm>> -> memref<128x64xf32, #tpu.memory_space<hbm>>
        %dma_wait3A_1217 = arith.constant 256 : i32
        %dma_wait3A_1218 = arith.constant 0 : i32
        %dma_wait3A_1219 = tpu.memref_slice %arg6[%dma_wait3A_1217, %dma_wait3A_1218] : memref<640x64xf32, #tpu.memory_space<vmem>> -> memref<128x64xf32, #tpu.memory_space<vmem>>
        tpu.wait_dma2 semaphore(%run_scoped3A : memref<!tpu.dma_semaphore, #tpu.memory_space<semaphore_mem>>) src(%dma_wait3A_1219 : memref<128x64xf32, #tpu.memory_space<vmem>>) dst(%dma_wait3A_1216 : memref<128x64xf32, #tpu.memory_space<hbm>>)
        tpu.yield
      }) : () -> ()
      %mul3A_442 = arith.constant 5 : i32
      %mul3A_443 = arith.muli %mul3A_59, %mul3A_442 : i32
      %add3A_444 = arith.addi %mul3A_2, %mul3A_443 : i32
      %add3A_445 = arith.constant 3 : i32
      %add3A_446 = arith.addi %add3A_444, %add3A_445 : i32
      %jit3A_447 = arith.constant 8 : i32
      %div3A_448 = arith.divsi %add3A_446, %jit3A_447 : i32
      %sign3A_449 = arith.constant 0 : i32
      %sign3A_450 = arith.cmpi sgt, %add3A_446, %sign3A_449 : i32
      %sign3A_451 = arith.extui %sign3A_450 : i1 to i32
      %sign3A_452 = arith.constant 0 : i32
      %sign3A_453 = arith.cmpi slt, %add3A_446, %sign3A_452 : i32
      %sign3A_454 = arith.extui %sign3A_453 : i1 to i32
      %sign3A_455 = arith.subi %sign3A_451, %sign3A_454 : i32
      %sign3A_456 = arith.constant 0 : i32
      %sign3A_457 = arith.cmpi sgt, %jit3A_447, %sign3A_456 : i32
      %sign3A_458 = arith.extui %sign3A_457 : i1 to i32
      %sign3A_459 = arith.constant 0 : i32
      %sign3A_460 = arith.cmpi slt, %jit3A_447, %sign3A_459 : i32
      %sign3A_461 = arith.extui %sign3A_460 : i1 to i32
      %sign3A_462 = arith.subi %sign3A_458, %sign3A_461 : i32
      %ne3A_463 = arith.cmpi ne, %sign3A_455, %sign3A_462 : i32
      %rem3A_464 = arith.remsi %add3A_446, %jit3A_447 : i32
      %ne3A_465 = arith.constant 0 : i32
      %ne3A_466 = arith.cmpi ne, %rem3A_464, %ne3A_465 : i32
      %and3A_467 = arith.andi %ne3A_463, %ne3A_466 : i1
      %sub3A_468 = arith.constant 1 : i32
      %sub3A_469 = arith.subi %div3A_448, %sub3A_468 : i32
      %select_n3A_470 = arith.select %and3A_467, %sub3A_469, %div3A_448 : i32
      %add3A_471 = arith.constant 100 : i32
      %add3A_472 = arith.addi %add3A_471, %select_n3A_470 : i32
      %min3A_473 = arith.constant 200 : i32
      %min3A_474 = arith.minsi %add3A_472, %min3A_473 : i32
      %jit3A_475 = arith.constant 2 : i32
      %div3A_476 = arith.divsi %min3A_474, %jit3A_475 : i32
      %sign3A_477 = arith.constant 0 : i32
      %sign3A_478 = arith.cmpi sgt, %min3A_474, %sign3A_477 : i32
      %sign3A_479 = arith.extui %sign3A_478 : i1 to i32
      %sign3A_480 = arith.constant 0 : i32
      %sign3A_481 = arith.cmpi slt, %min3A_474, %sign3A_480 : i32
      %sign3A_482 = arith.extui %sign3A_481 : i1 to i32
      %sign3A_483 = arith.subi %sign3A_479, %sign3A_482 : i32
      %sign3A_484 = arith.constant 0 : i32
      %sign3A_485 = arith.cmpi sgt, %jit3A_475, %sign3A_484 : i32
      %sign3A_486 = arith.extui %sign3A_485 : i1 to i32
      %sign3A_487 = arith.constant 0 : i32
      %sign3A_488 = arith.cmpi slt, %jit3A_475, %sign3A_487 : i32
      %sign3A_489 = arith.extui %sign3A_488 : i1 to i32
      %sign3A_490 = arith.subi %sign3A_486, %sign3A_489 : i32
      %ne3A_491 = arith.cmpi ne, %sign3A_483, %sign3A_490 : i32
      %rem3A_492 = arith.remsi %min3A_474, %jit3A_475 : i32
      %ne3A_493 = arith.constant 0 : i32
      %ne3A_494 = arith.cmpi ne, %rem3A_492, %ne3A_493 : i32
      %and3A_495 = arith.andi %ne3A_491, %ne3A_494 : i1
      %sub3A_496 = arith.constant 1 : i32
      %sub3A_497 = arith.subi %div3A_476, %sub3A_496 : i32
      %select_n3A_498 = arith.select %and3A_495, %sub3A_497, %div3A_476 : i32
      %sub3A_499 = arith.constant 50 : i32
      %sub3A_500 = arith.subi %select_n3A_498, %sub3A_499 : i32
      %mul3A_501 = arith.constant 1024 : i32
      %mul3A_502 = arith.muli %sub3A_500, %mul3A_501 : i32
      %jit3A_503 = arith.constant 8 : i32
      %eq3A_504 = arith.constant 0 : i32
      %eq3A_505 = arith.cmpi eq, %jit3A_503, %eq3A_504 : i32
      %jit3A_506 = arith.constant 1 : i32
      %select_n3A_507 = arith.select %eq3A_505, %jit3A_506, %jit3A_503 : i32
      %rem3A_508 = arith.remsi %add3A_446, %select_n3A_507 : i32
      %ne3A_509 = arith.constant 0 : i32
      %ne3A_510 = arith.cmpi ne, %rem3A_508, %ne3A_509 : i32
      %lt3A_511 = arith.constant 0 : i32
      %lt3A_512 = arith.cmpi slt, %rem3A_508, %lt3A_511 : i32
      %lt3A_513 = arith.constant 0 : i32
      %lt3A_514 = arith.cmpi slt, %select_n3A_507, %lt3A_513 : i32
      %ne3A_515 = arith.xori %lt3A_512, %lt3A_514 : i1
      %and3A_516 = arith.andi %ne3A_515, %ne3A_510 : i1
      %add3A_517 = arith.addi %rem3A_508, %select_n3A_507 : i32
      %select_n3A_518 = arith.select %and3A_516, %add3A_517, %rem3A_508 : i32
      %mul3A_519 = arith.constant 128 : i32
      %mul3A_520 = arith.muli %select_n3A_518, %mul3A_519 : i32
      %add3A_521 = arith.addi %mul3A_502, %mul3A_520 : i32
      %lt3A_522 = arith.constant 808 : i32
      %lt3A_523 = arith.cmpi slt, %add3A_446, %lt3A_522 : i32
      %sub3A_524 = arith.constant 808 : i32
      %sub3A_525 = arith.subi %add3A_446, %sub3A_524 : i32
      %mul3A_526 = arith.constant 128 : i32
      %mul3A_527 = arith.muli %sub3A_525, %mul3A_526 : i32
      %add3A_528 = arith.constant 52224 : i32
      %add3A_529 = arith.addi %add3A_528, %mul3A_527 : i32
      %select_n3A_530 = arith.select %lt3A_523, %add3A_521, %add3A_529 : i32
      %jit3A_531 = arith.constant 2 : i32
      %eq3A_532 = arith.constant 0 : i32
      %eq3A_533 = arith.cmpi eq, %jit3A_531, %eq3A_532 : i32
      %jit3A_534 = arith.constant 1 : i32
      %select_n3A_535 = arith.select %eq3A_533, %jit3A_534, %jit3A_531 : i32
      %rem3A_536 = arith.remsi %min3A_474, %select_n3A_535 : i32
      %ne3A_537 = arith.constant 0 : i32
      %ne3A_538 = arith.cmpi ne, %rem3A_536, %ne3A_537 : i32
      %lt3A_539 = arith.constant 0 : i32
      %lt3A_540 = arith.cmpi slt, %rem3A_536, %lt3A_539 : i32
      %lt3A_541 = arith.constant 0 : i32
      %lt3A_542 = arith.cmpi slt, %select_n3A_535, %lt3A_541 : i32
      %ne3A_543 = arith.xori %lt3A_540, %lt3A_542 : i1
      %and3A_544 = arith.andi %ne3A_543, %ne3A_538 : i1
      %add3A_545 = arith.addi %rem3A_536, %select_n3A_535 : i32
      %select_n3A_546 = arith.select %and3A_544, %add3A_545, %rem3A_536 : i32
      %mul3A_547 = arith.constant 64 : i32
      %mul3A_548 = arith.muli %select_n3A_546, %mul3A_547 : i32
      "tpu.region"() ({
        %run_scoped3A = tpu.sem_alloc : memref<!tpu.dma_semaphore, #tpu.memory_space<semaphore_mem>>
        %dma_start3A_1204 = arith.constant 384 : i32
        %dma_start3A_1205 = arith.constant 0 : i32
        %dma_start3A_1206 = tpu.memref_slice %arg6[%dma_start3A_1204, %dma_start3A_1205] : memref<640x64xf32, #tpu.memory_space<vmem>> -> memref<128x64xf32, #tpu.memory_space<vmem>>
        %dma_start3A_1207 = tpu.memref_slice %arg4[%select_n3A_530, %mul3A_548] : memref<71680x128xf32, #tpu.memory_space<hbm>> -> memref<128x64xf32, #tpu.memory_space<hbm>>
        %dma_start3A_1208 = tpu.memref_slice %arg4[%select_n3A_530, %mul3A_548] : memref<71680x128xf32, #tpu.memory_space<hbm>> -> memref<128x64xf32, #tpu.memory_space<hbm>>
        %dma_start3A_1209 = arith.constant 384 : i32
        %dma_start3A_1210 = arith.constant 0 : i32
        %dma_start3A_1211 = tpu.memref_slice %arg6[%dma_start3A_1209, %dma_start3A_1210] : memref<640x64xf32, #tpu.memory_space<vmem>> -> memref<128x64xf32, #tpu.memory_space<vmem>>
        tpu.enqueue_dma source(%dma_start3A_1211 : memref<128x64xf32, #tpu.memory_space<vmem>>) target(%dma_start3A_1208 : memref<128x64xf32, #tpu.memory_space<hbm>>) target_semaphore(%run_scoped3A : memref<!tpu.dma_semaphore, #tpu.memory_space<semaphore_mem>>)
        %dma_wait3A_1212 = arith.constant 384 : i32
        %dma_wait3A_1213 = arith.constant 0 : i32
        %dma_wait3A_1214 = tpu.memref_slice %arg6[%dma_wait3A_1212, %dma_wait3A_1213] : memref<640x64xf32, #tpu.memory_space<vmem>> -> memref<128x64xf32, #tpu.memory_space<vmem>>
        %dma_wait3A_1215 = tpu.memref_slice %arg4[%select_n3A_530, %mul3A_548] : memref<71680x128xf32, #tpu.memory_space<hbm>> -> memref<128x64xf32, #tpu.memory_space<hbm>>
        %dma_wait3A_1216 = tpu.memref_slice %arg4[%select_n3A_530, %mul3A_548] : memref<71680x128xf32, #tpu.memory_space<hbm>> -> memref<128x64xf32, #tpu.memory_space<hbm>>
        %dma_wait3A_1217 = arith.constant 384 : i32
        %dma_wait3A_1218 = arith.constant 0 : i32
        %dma_wait3A_1219 = tpu.memref_slice %arg6[%dma_wait3A_1217, %dma_wait3A_1218] : memref<640x64xf32, #tpu.memory_space<vmem>> -> memref<128x64xf32, #tpu.memory_space<vmem>>
        tpu.wait_dma2 semaphore(%run_scoped3A : memref<!tpu.dma_semaphore, #tpu.memory_space<semaphore_mem>>) src(%dma_wait3A_1219 : memref<128x64xf32, #tpu.memory_space<vmem>>) dst(%dma_wait3A_1216 : memref<128x64xf32, #tpu.memory_space<hbm>>)
        tpu.yield
      }) : () -> ()
      %mul3A_549 = arith.constant 5 : i32
      %mul3A_550 = arith.muli %mul3A_59, %mul3A_549 : i32
      %add3A_551 = arith.addi %mul3A_2, %mul3A_550 : i32
      %add3A_552 = arith.constant 4 : i32
      %add3A_553 = arith.addi %add3A_551, %add3A_552 : i32
      %jit3A_554 = arith.constant 8 : i32
      %div3A_555 = arith.divsi %add3A_553, %jit3A_554 : i32
      %sign3A_556 = arith.constant 0 : i32
      %sign3A_557 = arith.cmpi sgt, %add3A_553, %sign3A_556 : i32
      %sign3A_558 = arith.extui %sign3A_557 : i1 to i32
      %sign3A_559 = arith.constant 0 : i32
      %sign3A_560 = arith.cmpi slt, %add3A_553, %sign3A_559 : i32
      %sign3A_561 = arith.extui %sign3A_560 : i1 to i32
      %sign3A_562 = arith.subi %sign3A_558, %sign3A_561 : i32
      %sign3A_563 = arith.constant 0 : i32
      %sign3A_564 = arith.cmpi sgt, %jit3A_554, %sign3A_563 : i32
      %sign3A_565 = arith.extui %sign3A_564 : i1 to i32
      %sign3A_566 = arith.constant 0 : i32
      %sign3A_567 = arith.cmpi slt, %jit3A_554, %sign3A_566 : i32
      %sign3A_568 = arith.extui %sign3A_567 : i1 to i32
      %sign3A_569 = arith.subi %sign3A_565, %sign3A_568 : i32
      %ne3A_570 = arith.cmpi ne, %sign3A_562, %sign3A_569 : i32
      %rem3A_571 = arith.remsi %add3A_553, %jit3A_554 : i32
      %ne3A_572 = arith.constant 0 : i32
      %ne3A_573 = arith.cmpi ne, %rem3A_571, %ne3A_572 : i32
      %and3A_574 = arith.andi %ne3A_570, %ne3A_573 : i1
      %sub3A_575 = arith.constant 1 : i32
      %sub3A_576 = arith.subi %div3A_555, %sub3A_575 : i32
      %select_n3A_577 = arith.select %and3A_574, %sub3A_576, %div3A_555 : i32
      %add3A_578 = arith.constant 100 : i32
      %add3A_579 = arith.addi %add3A_578, %select_n3A_577 : i32
      %min3A_580 = arith.constant 200 : i32
      %min3A_581 = arith.minsi %add3A_579, %min3A_580 : i32
      %jit3A_582 = arith.constant 2 : i32
      %div3A_583 = arith.divsi %min3A_581, %jit3A_582 : i32
      %sign3A_584 = arith.constant 0 : i32
      %sign3A_585 = arith.cmpi sgt, %min3A_581, %sign3A_584 : i32
      %sign3A_586 = arith.extui %sign3A_585 : i1 to i32
      %sign3A_587 = arith.constant 0 : i32
      %sign3A_588 = arith.cmpi slt, %min3A_581, %sign3A_587 : i32
      %sign3A_589 = arith.extui %sign3A_588 : i1 to i32
      %sign3A_590 = arith.subi %sign3A_586, %sign3A_589 : i32
      %sign3A_591 = arith.constant 0 : i32
      %sign3A_592 = arith.cmpi sgt, %jit3A_582, %sign3A_591 : i32
      %sign3A_593 = arith.extui %sign3A_592 : i1 to i32
      %sign3A_594 = arith.constant 0 : i32
      %sign3A_595 = arith.cmpi slt, %jit3A_582, %sign3A_594 : i32
      %sign3A_596 = arith.extui %sign3A_595 : i1 to i32
      %sign3A_597 = arith.subi %sign3A_593, %sign3A_596 : i32
      %ne3A_598 = arith.cmpi ne, %sign3A_590, %sign3A_597 : i32
      %rem3A_599 = arith.remsi %min3A_581, %jit3A_582 : i32
      %ne3A_600 = arith.constant 0 : i32
      %ne3A_601 = arith.cmpi ne, %rem3A_599, %ne3A_600 : i32
      %and3A_602 = arith.andi %ne3A_598, %ne3A_601 : i1
      %sub3A_603 = arith.constant 1 : i32
      %sub3A_604 = arith.subi %div3A_583, %sub3A_603 : i32
      %select_n3A_605 = arith.select %and3A_602, %sub3A_604, %div3A_583 : i32
      %sub3A_606 = arith.constant 50 : i32
      %sub3A_607 = arith.subi %select_n3A_605, %sub3A_606 : i32
      %mul3A_608 = arith.constant 1024 : i32
      %mul3A_609 = arith.muli %sub3A_607, %mul3A_608 : i32
      %jit3A_610 = arith.constant 8 : i32
      %eq3A_611 = arith.constant 0 : i32
      %eq3A_612 = arith.cmpi eq, %jit3A_610, %eq3A_611 : i32
      %jit3A_613 = arith.constant 1 : i32
      %select_n3A_614 = arith.select %eq3A_612, %jit3A_613, %jit3A_610 : i32
      %rem3A_615 = arith.remsi %add3A_553, %select_n3A_614 : i32
      %ne3A_616 = arith.constant 0 : i32
      %ne3A_617 = arith.cmpi ne, %rem3A_615, %ne3A_616 : i32
      %lt3A_618 = arith.constant 0 : i32
      %lt3A_619 = arith.cmpi slt, %rem3A_615, %lt3A_618 : i32
      %lt3A_620 = arith.constant 0 : i32
      %lt3A_621 = arith.cmpi slt, %select_n3A_614, %lt3A_620 : i32
      %ne3A_622 = arith.xori %lt3A_619, %lt3A_621 : i1
      %and3A_623 = arith.andi %ne3A_622, %ne3A_617 : i1
      %add3A_624 = arith.addi %rem3A_615, %select_n3A_614 : i32
      %select_n3A_625 = arith.select %and3A_623, %add3A_624, %rem3A_615 : i32
      %mul3A_626 = arith.constant 128 : i32
      %mul3A_627 = arith.muli %select_n3A_625, %mul3A_626 : i32
      %add3A_628 = arith.addi %mul3A_609, %mul3A_627 : i32
      %lt3A_629 = arith.constant 808 : i32
      %lt3A_630 = arith.cmpi slt, %add3A_553, %lt3A_629 : i32
      %sub3A_631 = arith.constant 808 : i32
      %sub3A_632 = arith.subi %add3A_553, %sub3A_631 : i32
      %mul3A_633 = arith.constant 128 : i32
      %mul3A_634 = arith.muli %sub3A_632, %mul3A_633 : i32
      %add3A_635 = arith.constant 52224 : i32
      %add3A_636 = arith.addi %add3A_635, %mul3A_634 : i32
      %select_n3A_637 = arith.select %lt3A_630, %add3A_628, %add3A_636 : i32
      %jit3A_638 = arith.constant 2 : i32
      %eq3A_639 = arith.constant 0 : i32
      %eq3A_640 = arith.cmpi eq, %jit3A_638, %eq3A_639 : i32
      %jit3A_641 = arith.constant 1 : i32
      %select_n3A_642 = arith.select %eq3A_640, %jit3A_641, %jit3A_638 : i32
      %rem3A_643 = arith.remsi %min3A_581, %select_n3A_642 : i32
      %ne3A_644 = arith.constant 0 : i32
      %ne3A_645 = arith.cmpi ne, %rem3A_643, %ne3A_644 : i32
      %lt3A_646 = arith.constant 0 : i32
      %lt3A_647 = arith.cmpi slt, %rem3A_643, %lt3A_646 : i32
      %lt3A_648 = arith.constant 0 : i32
      %lt3A_649 = arith.cmpi slt, %select_n3A_642, %lt3A_648 : i32
      %ne3A_650 = arith.xori %lt3A_647, %lt3A_649 : i1
      %and3A_651 = arith.andi %ne3A_650, %ne3A_645 : i1
      %add3A_652 = arith.addi %rem3A_643, %select_n3A_642 : i32
      %select_n3A_653 = arith.select %and3A_651, %add3A_652, %rem3A_643 : i32
      %mul3A_654 = arith.constant 64 : i32
      %mul3A_655 = arith.muli %select_n3A_653, %mul3A_654 : i32
      "tpu.region"() ({
        %run_scoped3A = tpu.sem_alloc : memref<!tpu.dma_semaphore, #tpu.memory_space<semaphore_mem>>
        %dma_start3A_1204 = arith.constant 512 : i32
        %dma_start3A_1205 = arith.constant 0 : i32
        %dma_start3A_1206 = tpu.memref_slice %arg6[%dma_start3A_1204, %dma_start3A_1205] : memref<640x64xf32, #tpu.memory_space<vmem>> -> memref<128x64xf32, #tpu.memory_space<vmem>>
        %dma_start3A_1207 = tpu.memref_slice %arg4[%select_n3A_637, %mul3A_655] : memref<71680x128xf32, #tpu.memory_space<hbm>> -> memref<128x64xf32, #tpu.memory_space<hbm>>
        %dma_start3A_1208 = tpu.memref_slice %arg4[%select_n3A_637, %mul3A_655] : memref<71680x128xf32, #tpu.memory_space<hbm>> -> memref<128x64xf32, #tpu.memory_space<hbm>>
        %dma_start3A_1209 = arith.constant 512 : i32
        %dma_start3A_1210 = arith.constant 0 : i32
        %dma_start3A_1211 = tpu.memref_slice %arg6[%dma_start3A_1209, %dma_start3A_1210] : memref<640x64xf32, #tpu.memory_space<vmem>> -> memref<128x64xf32, #tpu.memory_space<vmem>>
        tpu.enqueue_dma source(%dma_start3A_1211 : memref<128x64xf32, #tpu.memory_space<vmem>>) target(%dma_start3A_1208 : memref<128x64xf32, #tpu.memory_space<hbm>>) target_semaphore(%run_scoped3A : memref<!tpu.dma_semaphore, #tpu.memory_space<semaphore_mem>>)
        %dma_wait3A_1212 = arith.constant 512 : i32
        %dma_wait3A_1213 = arith.constant 0 : i32
        %dma_wait3A_1214 = tpu.memref_slice %arg6[%dma_wait3A_1212, %dma_wait3A_1213] : memref<640x64xf32, #tpu.memory_space<vmem>> -> memref<128x64xf32, #tpu.memory_space<vmem>>
        %dma_wait3A_1215 = tpu.memref_slice %arg4[%select_n3A_637, %mul3A_655] : memref<71680x128xf32, #tpu.memory_space<hbm>> -> memref<128x64xf32, #tpu.memory_space<hbm>>
        %dma_wait3A_1216 = tpu.memref_slice %arg4[%select_n3A_637, %mul3A_655] : memref<71680x128xf32, #tpu.memory_space<hbm>> -> memref<128x64xf32, #tpu.memory_space<hbm>>
        %dma_wait3A_1217 = arith.constant 512 : i32
        %dma_wait3A_1218 = arith.constant 0 : i32
        %dma_wait3A_1219 = tpu.memref_slice %arg6[%dma_wait3A_1217, %dma_wait3A_1218] : memref<640x64xf32, #tpu.memory_space<vmem>> -> memref<128x64xf32, #tpu.memory_space<vmem>>
        tpu.wait_dma2 semaphore(%run_scoped3A : memref<!tpu.dma_semaphore, #tpu.memory_space<semaphore_mem>>) src(%dma_wait3A_1219 : memref<128x64xf32, #tpu.memory_space<vmem>>) dst(%dma_wait3A_1216 : memref<128x64xf32, #tpu.memory_space<hbm>>)
        tpu.yield
      }) : () -> ()
      %add3A_656 = arith.constant 2 : i32
      %add3A_657 = arith.addi %mul3A_59, %add3A_656 : i32
      %lt3A_658 = arith.constant 6 : i32
      %lt3A_659 = arith.cmpi slt, %add3A_657, %lt3A_658 : i32
      %convert_element_type3A = arith.extui %lt3A_659 : i1 to i32
      %cond3A = arith.constant 0 : i32
      %cond3A_660 = arith.cmpi ne, %convert_element_type3A, %cond3A : i32
      scf.if %cond3A_660 {
        %add3A_1204 = arith.constant 2 : i32
        %add3A_1205 = arith.addi %mul3A_59, %add3A_1204 : i32
        %mul3A_1206 = arith.constant 5 : i32
        %mul3A_1207 = arith.muli %add3A_1205, %mul3A_1206 : i32
        %add3A_1208 = arith.constant 0 : i32
        %add3A_1209 = arith.addi %mul3A_1207, %add3A_1208 : i32
        %dma_start3A_1210 = arith.constant 0 : i32
        %dma_start3A_1211 = arith.constant 0 : i32
        %dma_start3A_1212 = tpu.memref_slice %arg6[%dma_start3A_1210, %dma_start3A_1211] : memref<640x64xf32, #tpu.memory_space<vmem>> -> memref<128x64xf32, #tpu.memory_space<vmem>>
        %dma_start3A_1213 = arith.constant 0 : i32
        %dma_start3A_1214 = tpu.memref_slice %arg5[%add3A_1209, %dma_start3A_1213] : memref<30x128xi32, #tpu.memory_space<vmem>> -> memref<1x128xi32, #tpu.memory_space<vmem>>
        %dma_start3A_1215 = tpu.memref_squeeze %dma_start3A_1214 : memref<1x128xi32, #tpu.memory_space<vmem>> -> memref<128xi32, #tpu.memory_space<vmem>>
        %dma_start3A_1216 = arith.constant 0 : i32
        %dma_start3A_1217 = arith.constant 0 : i32
        %dma_start3A_1218 = tpu.memref_slice %arg3[%dma_start3A_1216, %dma_start3A_1217] : memref<100352x64xf32, #tpu.memory_space<hbm>> -> memref<100352x64xf32, #tpu.memory_space<hbm>>
        tpu.enqueue_indirect_dma source(%dma_start3A_1218 : memref<100352x64xf32, #tpu.memory_space<hbm>>) target(%dma_start3A_1212 : memref<128x64xf32, #tpu.memory_space<vmem>>) offsets(%dma_start3A_1215 : memref<128xi32, #tpu.memory_space<vmem>>) semaphore(%arg8 : memref<!tpu.dma_semaphore, #tpu.memory_space<semaphore_mem>>)
        %mul3A_1219 = arith.constant 5 : i32
        %mul3A_1220 = arith.muli %add3A_1205, %mul3A_1219 : i32
        %add3A_1221 = arith.constant 1 : i32
        %add3A_1222 = arith.addi %mul3A_1220, %add3A_1221 : i32
        %dma_start3A_1223 = arith.constant 128 : i32
        %dma_start3A_1224 = arith.constant 0 : i32
        %dma_start3A_1225 = tpu.memref_slice %arg6[%dma_start3A_1223, %dma_start3A_1224] : memref<640x64xf32, #tpu.memory_space<vmem>> -> memref<128x64xf32, #tpu.memory_space<vmem>>
        %dma_start3A_1226 = arith.constant 0 : i32
        %dma_start3A_1227 = tpu.memref_slice %arg5[%add3A_1222, %dma_start3A_1226] : memref<30x128xi32, #tpu.memory_space<vmem>> -> memref<1x128xi32, #tpu.memory_space<vmem>>
        %dma_start3A_1228 = tpu.memref_squeeze %dma_start3A_1227 : memref<1x128xi32, #tpu.memory_space<vmem>> -> memref<128xi32, #tpu.memory_space<vmem>>
        %dma_start3A_1229 = arith.constant 0 : i32
        %dma_start3A_1230 = arith.constant 0 : i32
        %dma_start3A_1231 = tpu.memref_slice %arg3[%dma_start3A_1229, %dma_start3A_1230] : memref<100352x64xf32, #tpu.memory_space<hbm>> -> memref<100352x64xf32, #tpu.memory_space<hbm>>
        tpu.enqueue_indirect_dma source(%dma_start3A_1231 : memref<100352x64xf32, #tpu.memory_space<hbm>>) target(%dma_start3A_1225 : memref<128x64xf32, #tpu.memory_space<vmem>>) offsets(%dma_start3A_1228 : memref<128xi32, #tpu.memory_space<vmem>>) semaphore(%arg8 : memref<!tpu.dma_semaphore, #tpu.memory_space<semaphore_mem>>)
        %mul3A_1232 = arith.constant 5 : i32
        %mul3A_1233 = arith.muli %add3A_1205, %mul3A_1232 : i32
        %add3A_1234 = arith.constant 2 : i32
        %add3A_1235 = arith.addi %mul3A_1233, %add3A_1234 : i32
        %dma_start3A_1236 = arith.constant 256 : i32
        %dma_start3A_1237 = arith.constant 0 : i32
        %dma_start3A_1238 = tpu.memref_slice %arg6[%dma_start3A_1236, %dma_start3A_1237] : memref<640x64xf32, #tpu.memory_space<vmem>> -> memref<128x64xf32, #tpu.memory_space<vmem>>
        %dma_start3A_1239 = arith.constant 0 : i32
        %dma_start3A_1240 = tpu.memref_slice %arg5[%add3A_1235, %dma_start3A_1239] : memref<30x128xi32, #tpu.memory_space<vmem>> -> memref<1x128xi32, #tpu.memory_space<vmem>>
        %dma_start3A_1241 = tpu.memref_squeeze %dma_start3A_1240 : memref<1x128xi32, #tpu.memory_space<vmem>> -> memref<128xi32, #tpu.memory_space<vmem>>
        %dma_start3A_1242 = arith.constant 0 : i32
        %dma_start3A_1243 = arith.constant 0 : i32
        %dma_start3A_1244 = tpu.memref_slice %arg3[%dma_start3A_1242, %dma_start3A_1243] : memref<100352x64xf32, #tpu.memory_space<hbm>> -> memref<100352x64xf32, #tpu.memory_space<hbm>>
        tpu.enqueue_indirect_dma source(%dma_start3A_1244 : memref<100352x64xf32, #tpu.memory_space<hbm>>) target(%dma_start3A_1238 : memref<128x64xf32, #tpu.memory_space<vmem>>) offsets(%dma_start3A_1241 : memref<128xi32, #tpu.memory_space<vmem>>) semaphore(%arg8 : memref<!tpu.dma_semaphore, #tpu.memory_space<semaphore_mem>>)
        %mul3A_1245 = arith.constant 5 : i32
        %mul3A_1246 = arith.muli %add3A_1205, %mul3A_1245 : i32
        %add3A_1247 = arith.constant 3 : i32
        %add3A_1248 = arith.addi %mul3A_1246, %add3A_1247 : i32
        %dma_start3A_1249 = arith.constant 384 : i32
        %dma_start3A_1250 = arith.constant 0 : i32
        %dma_start3A_1251 = tpu.memref_slice %arg6[%dma_start3A_1249, %dma_start3A_1250] : memref<640x64xf32, #tpu.memory_space<vmem>> -> memref<128x64xf32, #tpu.memory_space<vmem>>
        %dma_start3A_1252 = arith.constant 0 : i32
        %dma_start3A_1253 = tpu.memref_slice %arg5[%add3A_1248, %dma_start3A_1252] : memref<30x128xi32, #tpu.memory_space<vmem>> -> memref<1x128xi32, #tpu.memory_space<vmem>>
        %dma_start3A_1254 = tpu.memref_squeeze %dma_start3A_1253 : memref<1x128xi32, #tpu.memory_space<vmem>> -> memref<128xi32, #tpu.memory_space<vmem>>
        %dma_start3A_1255 = arith.constant 0 : i32
        %dma_start3A_1256 = arith.constant 0 : i32
        %dma_start3A_1257 = tpu.memref_slice %arg3[%dma_start3A_1255, %dma_start3A_1256] : memref<100352x64xf32, #tpu.memory_space<hbm>> -> memref<100352x64xf32, #tpu.memory_space<hbm>>
        tpu.enqueue_indirect_dma source(%dma_start3A_1257 : memref<100352x64xf32, #tpu.memory_space<hbm>>) target(%dma_start3A_1251 : memref<128x64xf32, #tpu.memory_space<vmem>>) offsets(%dma_start3A_1254 : memref<128xi32, #tpu.memory_space<vmem>>) semaphore(%arg8 : memref<!tpu.dma_semaphore, #tpu.memory_space<semaphore_mem>>)
        %mul3A_1258 = arith.constant 5 : i32
        %mul3A_1259 = arith.muli %add3A_1205, %mul3A_1258 : i32
        %add3A_1260 = arith.constant 4 : i32
        %add3A_1261 = arith.addi %mul3A_1259, %add3A_1260 : i32
        %dma_start3A_1262 = arith.constant 512 : i32
        %dma_start3A_1263 = arith.constant 0 : i32
        %dma_start3A_1264 = tpu.memref_slice %arg6[%dma_start3A_1262, %dma_start3A_1263] : memref<640x64xf32, #tpu.memory_space<vmem>> -> memref<128x64xf32, #tpu.memory_space<vmem>>
        %dma_start3A_1265 = arith.constant 0 : i32
        %dma_start3A_1266 = tpu.memref_slice %arg5[%add3A_1261, %dma_start3A_1265] : memref<30x128xi32, #tpu.memory_space<vmem>> -> memref<1x128xi32, #tpu.memory_space<vmem>>
        %dma_start3A_1267 = tpu.memref_squeeze %dma_start3A_1266 : memref<1x128xi32, #tpu.memory_space<vmem>> -> memref<128xi32, #tpu.memory_space<vmem>>
        %dma_start3A_1268 = arith.constant 0 : i32
        %dma_start3A_1269 = arith.constant 0 : i32
        %dma_start3A_1270 = tpu.memref_slice %arg3[%dma_start3A_1268, %dma_start3A_1269] : memref<100352x64xf32, #tpu.memory_space<hbm>> -> memref<100352x64xf32, #tpu.memory_space<hbm>>
        tpu.enqueue_indirect_dma source(%dma_start3A_1270 : memref<100352x64xf32, #tpu.memory_space<hbm>>) target(%dma_start3A_1264 : memref<128x64xf32, #tpu.memory_space<vmem>>) offsets(%dma_start3A_1267 : memref<128xi32, #tpu.memory_space<vmem>>) semaphore(%arg8 : memref<!tpu.dma_semaphore, #tpu.memory_space<semaphore_mem>>)
      } else {
      }
      %dma_wait3A_661 = arith.constant 0 : i32
      %dma_wait3A_662 = arith.constant 0 : i32
      %dma_wait3A_663 = tpu.memref_slice %arg3[%dma_wait3A_661, %dma_wait3A_662] : memref<100352x64xf32, #tpu.memory_space<hbm>> -> memref<640x64xf32, #tpu.memory_space<hbm>>
      %dma_wait3A_664 = arith.constant 0 : i32
      %dma_wait3A_665 = arith.constant 0 : i32
      %dma_wait3A_666 = tpu.memref_slice %arg3[%dma_wait3A_664, %dma_wait3A_665] : memref<100352x64xf32, #tpu.memory_space<hbm>> -> memref<640x64xf32, #tpu.memory_space<hbm>>
      tpu.wait_dma2 semaphore(%arg9 : memref<!tpu.dma_semaphore, #tpu.memory_space<semaphore_mem>>) src(%dma_wait3A_666 : memref<640x64xf32, #tpu.memory_space<hbm>>) dst(%arg7 : memref<640x64xf32, #tpu.memory_space<vmem>>)
      %add3A_667 = arith.constant 1 : i32
      %add3A_668 = arith.addi %mul3A_59, %add3A_667 : i32
      %mul3A_669 = arith.constant 5 : i32
      %mul3A_670 = arith.muli %add3A_668, %mul3A_669 : i32
      %add3A_671 = arith.addi %mul3A_2, %mul3A_670 : i32
      %add3A_672 = arith.constant 0 : i32
      %add3A_673 = arith.addi %add3A_671, %add3A_672 : i32
      %jit3A_674 = arith.constant 8 : i32
      %div3A_675 = arith.divsi %add3A_673, %jit3A_674 : i32
      %sign3A_676 = arith.constant 0 : i32
      %sign3A_677 = arith.cmpi sgt, %add3A_673, %sign3A_676 : i32
      %sign3A_678 = arith.extui %sign3A_677 : i1 to i32
      %sign3A_679 = arith.constant 0 : i32
      %sign3A_680 = arith.cmpi slt, %add3A_673, %sign3A_679 : i32
      %sign3A_681 = arith.extui %sign3A_680 : i1 to i32
      %sign3A_682 = arith.subi %sign3A_678, %sign3A_681 : i32
      %sign3A_683 = arith.constant 0 : i32
      %sign3A_684 = arith.cmpi sgt, %jit3A_674, %sign3A_683 : i32
      %sign3A_685 = arith.extui %sign3A_684 : i1 to i32
      %sign3A_686 = arith.constant 0 : i32
      %sign3A_687 = arith.cmpi slt, %jit3A_674, %sign3A_686 : i32
      %sign3A_688 = arith.extui %sign3A_687 : i1 to i32
      %sign3A_689 = arith.subi %sign3A_685, %sign3A_688 : i32
      %ne3A_690 = arith.cmpi ne, %sign3A_682, %sign3A_689 : i32
      %rem3A_691 = arith.remsi %add3A_673, %jit3A_674 : i32
      %ne3A_692 = arith.constant 0 : i32
      %ne3A_693 = arith.cmpi ne, %rem3A_691, %ne3A_692 : i32
      %and3A_694 = arith.andi %ne3A_690, %ne3A_693 : i1
      %sub3A_695 = arith.constant 1 : i32
      %sub3A_696 = arith.subi %div3A_675, %sub3A_695 : i32
      %select_n3A_697 = arith.select %and3A_694, %sub3A_696, %div3A_675 : i32
      %add3A_698 = arith.constant 100 : i32
      %add3A_699 = arith.addi %add3A_698, %select_n3A_697 : i32
      %min3A_700 = arith.constant 200 : i32
      %min3A_701 = arith.minsi %add3A_699, %min3A_700 : i32
      %jit3A_702 = arith.constant 2 : i32
      %div3A_703 = arith.divsi %min3A_701, %jit3A_702 : i32
      %sign3A_704 = arith.constant 0 : i32
      %sign3A_705 = arith.cmpi sgt, %min3A_701, %sign3A_704 : i32
      %sign3A_706 = arith.extui %sign3A_705 : i1 to i32
      %sign3A_707 = arith.constant 0 : i32
      %sign3A_708 = arith.cmpi slt, %min3A_701, %sign3A_707 : i32
      %sign3A_709 = arith.extui %sign3A_708 : i1 to i32
      %sign3A_710 = arith.subi %sign3A_706, %sign3A_709 : i32
      %sign3A_711 = arith.constant 0 : i32
      %sign3A_712 = arith.cmpi sgt, %jit3A_702, %sign3A_711 : i32
      %sign3A_713 = arith.extui %sign3A_712 : i1 to i32
      %sign3A_714 = arith.constant 0 : i32
      %sign3A_715 = arith.cmpi slt, %jit3A_702, %sign3A_714 : i32
      %sign3A_716 = arith.extui %sign3A_715 : i1 to i32
      %sign3A_717 = arith.subi %sign3A_713, %sign3A_716 : i32
      %ne3A_718 = arith.cmpi ne, %sign3A_710, %sign3A_717 : i32
      %rem3A_719 = arith.remsi %min3A_701, %jit3A_702 : i32
      %ne3A_720 = arith.constant 0 : i32
      %ne3A_721 = arith.cmpi ne, %rem3A_719, %ne3A_720 : i32
      %and3A_722 = arith.andi %ne3A_718, %ne3A_721 : i1
      %sub3A_723 = arith.constant 1 : i32
      %sub3A_724 = arith.subi %div3A_703, %sub3A_723 : i32
      %select_n3A_725 = arith.select %and3A_722, %sub3A_724, %div3A_703 : i32
      %sub3A_726 = arith.constant 50 : i32
      %sub3A_727 = arith.subi %select_n3A_725, %sub3A_726 : i32
      %mul3A_728 = arith.constant 1024 : i32
      %mul3A_729 = arith.muli %sub3A_727, %mul3A_728 : i32
      %jit3A_730 = arith.constant 8 : i32
      %eq3A_731 = arith.constant 0 : i32
      %eq3A_732 = arith.cmpi eq, %jit3A_730, %eq3A_731 : i32
      %jit3A_733 = arith.constant 1 : i32
      %select_n3A_734 = arith.select %eq3A_732, %jit3A_733, %jit3A_730 : i32
      %rem3A_735 = arith.remsi %add3A_673, %select_n3A_734 : i32
      %ne3A_736 = arith.constant 0 : i32
      %ne3A_737 = arith.cmpi ne, %rem3A_735, %ne3A_736 : i32
      %lt3A_738 = arith.constant 0 : i32
      %lt3A_739 = arith.cmpi slt, %rem3A_735, %lt3A_738 : i32
      %lt3A_740 = arith.constant 0 : i32
      %lt3A_741 = arith.cmpi slt, %select_n3A_734, %lt3A_740 : i32
      %ne3A_742 = arith.xori %lt3A_739, %lt3A_741 : i1
      %and3A_743 = arith.andi %ne3A_742, %ne3A_737 : i1
      %add3A_744 = arith.addi %rem3A_735, %select_n3A_734 : i32
      %select_n3A_745 = arith.select %and3A_743, %add3A_744, %rem3A_735 : i32
      %mul3A_746 = arith.constant 128 : i32
      %mul3A_747 = arith.muli %select_n3A_745, %mul3A_746 : i32
      %add3A_748 = arith.addi %mul3A_729, %mul3A_747 : i32
      %lt3A_749 = arith.constant 808 : i32
      %lt3A_750 = arith.cmpi slt, %add3A_673, %lt3A_749 : i32
      %sub3A_751 = arith.constant 808 : i32
      %sub3A_752 = arith.subi %add3A_673, %sub3A_751 : i32
      %mul3A_753 = arith.constant 128 : i32
      %mul3A_754 = arith.muli %sub3A_752, %mul3A_753 : i32
      %add3A_755 = arith.constant 52224 : i32
      %add3A_756 = arith.addi %add3A_755, %mul3A_754 : i32
      %select_n3A_757 = arith.select %lt3A_750, %add3A_748, %add3A_756 : i32
      %jit3A_758 = arith.constant 2 : i32
      %eq3A_759 = arith.constant 0 : i32
      %eq3A_760 = arith.cmpi eq, %jit3A_758, %eq3A_759 : i32
      %jit3A_761 = arith.constant 1 : i32
      %select_n3A_762 = arith.select %eq3A_760, %jit3A_761, %jit3A_758 : i32
      %rem3A_763 = arith.remsi %min3A_701, %select_n3A_762 : i32
      %ne3A_764 = arith.constant 0 : i32
      %ne3A_765 = arith.cmpi ne, %rem3A_763, %ne3A_764 : i32
      %lt3A_766 = arith.constant 0 : i32
      %lt3A_767 = arith.cmpi slt, %rem3A_763, %lt3A_766 : i32
      %lt3A_768 = arith.constant 0 : i32
      %lt3A_769 = arith.cmpi slt, %select_n3A_762, %lt3A_768 : i32
      %ne3A_770 = arith.xori %lt3A_767, %lt3A_769 : i1
      %and3A_771 = arith.andi %ne3A_770, %ne3A_765 : i1
      %add3A_772 = arith.addi %rem3A_763, %select_n3A_762 : i32
      %select_n3A_773 = arith.select %and3A_771, %add3A_772, %rem3A_763 : i32
      %mul3A_774 = arith.constant 64 : i32
      %mul3A_775 = arith.muli %select_n3A_773, %mul3A_774 : i32
      "tpu.region"() ({
        %run_scoped3A = tpu.sem_alloc : memref<!tpu.dma_semaphore, #tpu.memory_space<semaphore_mem>>
        %dma_start3A_1204 = arith.constant 0 : i32
        %dma_start3A_1205 = arith.constant 0 : i32
        %dma_start3A_1206 = tpu.memref_slice %arg7[%dma_start3A_1204, %dma_start3A_1205] : memref<640x64xf32, #tpu.memory_space<vmem>> -> memref<128x64xf32, #tpu.memory_space<vmem>>
        %dma_start3A_1207 = tpu.memref_slice %arg4[%select_n3A_757, %mul3A_775] : memref<71680x128xf32, #tpu.memory_space<hbm>> -> memref<128x64xf32, #tpu.memory_space<hbm>>
        %dma_start3A_1208 = tpu.memref_slice %arg4[%select_n3A_757, %mul3A_775] : memref<71680x128xf32, #tpu.memory_space<hbm>> -> memref<128x64xf32, #tpu.memory_space<hbm>>
        %dma_start3A_1209 = arith.constant 0 : i32
        %dma_start3A_1210 = arith.constant 0 : i32
        %dma_start3A_1211 = tpu.memref_slice %arg7[%dma_start3A_1209, %dma_start3A_1210] : memref<640x64xf32, #tpu.memory_space<vmem>> -> memref<128x64xf32, #tpu.memory_space<vmem>>
        tpu.enqueue_dma source(%dma_start3A_1211 : memref<128x64xf32, #tpu.memory_space<vmem>>) target(%dma_start3A_1208 : memref<128x64xf32, #tpu.memory_space<hbm>>) target_semaphore(%run_scoped3A : memref<!tpu.dma_semaphore, #tpu.memory_space<semaphore_mem>>)
        %dma_wait3A_1212 = arith.constant 0 : i32
        %dma_wait3A_1213 = arith.constant 0 : i32
        %dma_wait3A_1214 = tpu.memref_slice %arg7[%dma_wait3A_1212, %dma_wait3A_1213] : memref<640x64xf32, #tpu.memory_space<vmem>> -> memref<128x64xf32, #tpu.memory_space<vmem>>
        %dma_wait3A_1215 = tpu.memref_slice %arg4[%select_n3A_757, %mul3A_775] : memref<71680x128xf32, #tpu.memory_space<hbm>> -> memref<128x64xf32, #tpu.memory_space<hbm>>
        %dma_wait3A_1216 = tpu.memref_slice %arg4[%select_n3A_757, %mul3A_775] : memref<71680x128xf32, #tpu.memory_space<hbm>> -> memref<128x64xf32, #tpu.memory_space<hbm>>
        %dma_wait3A_1217 = arith.constant 0 : i32
        %dma_wait3A_1218 = arith.constant 0 : i32
        %dma_wait3A_1219 = tpu.memref_slice %arg7[%dma_wait3A_1217, %dma_wait3A_1218] : memref<640x64xf32, #tpu.memory_space<vmem>> -> memref<128x64xf32, #tpu.memory_space<vmem>>
        tpu.wait_dma2 semaphore(%run_scoped3A : memref<!tpu.dma_semaphore, #tpu.memory_space<semaphore_mem>>) src(%dma_wait3A_1219 : memref<128x64xf32, #tpu.memory_space<vmem>>) dst(%dma_wait3A_1216 : memref<128x64xf32, #tpu.memory_space<hbm>>)
        tpu.yield
      }) : () -> ()
      %mul3A_776 = arith.constant 5 : i32
      %mul3A_777 = arith.muli %add3A_668, %mul3A_776 : i32
      %add3A_778 = arith.addi %mul3A_2, %mul3A_777 : i32
      %add3A_779 = arith.constant 1 : i32
      %add3A_780 = arith.addi %add3A_778, %add3A_779 : i32
      %jit3A_781 = arith.constant 8 : i32
      %div3A_782 = arith.divsi %add3A_780, %jit3A_781 : i32
      %sign3A_783 = arith.constant 0 : i32
      %sign3A_784 = arith.cmpi sgt, %add3A_780, %sign3A_783 : i32
      %sign3A_785 = arith.extui %sign3A_784 : i1 to i32
      %sign3A_786 = arith.constant 0 : i32
      %sign3A_787 = arith.cmpi slt, %add3A_780, %sign3A_786 : i32
      %sign3A_788 = arith.extui %sign3A_787 : i1 to i32
      %sign3A_789 = arith.subi %sign3A_785, %sign3A_788 : i32
      %sign3A_790 = arith.constant 0 : i32
      %sign3A_791 = arith.cmpi sgt, %jit3A_781, %sign3A_790 : i32
      %sign3A_792 = arith.extui %sign3A_791 : i1 to i32
      %sign3A_793 = arith.constant 0 : i32
      %sign3A_794 = arith.cmpi slt, %jit3A_781, %sign3A_793 : i32
      %sign3A_795 = arith.extui %sign3A_794 : i1 to i32
      %sign3A_796 = arith.subi %sign3A_792, %sign3A_795 : i32
      %ne3A_797 = arith.cmpi ne, %sign3A_789, %sign3A_796 : i32
      %rem3A_798 = arith.remsi %add3A_780, %jit3A_781 : i32
      %ne3A_799 = arith.constant 0 : i32
      %ne3A_800 = arith.cmpi ne, %rem3A_798, %ne3A_799 : i32
      %and3A_801 = arith.andi %ne3A_797, %ne3A_800 : i1
      %sub3A_802 = arith.constant 1 : i32
      %sub3A_803 = arith.subi %div3A_782, %sub3A_802 : i32
      %select_n3A_804 = arith.select %and3A_801, %sub3A_803, %div3A_782 : i32
      %add3A_805 = arith.constant 100 : i32
      %add3A_806 = arith.addi %add3A_805, %select_n3A_804 : i32
      %min3A_807 = arith.constant 200 : i32
      %min3A_808 = arith.minsi %add3A_806, %min3A_807 : i32
      %jit3A_809 = arith.constant 2 : i32
      %div3A_810 = arith.divsi %min3A_808, %jit3A_809 : i32
      %sign3A_811 = arith.constant 0 : i32
      %sign3A_812 = arith.cmpi sgt, %min3A_808, %sign3A_811 : i32
      %sign3A_813 = arith.extui %sign3A_812 : i1 to i32
      %sign3A_814 = arith.constant 0 : i32
      %sign3A_815 = arith.cmpi slt, %min3A_808, %sign3A_814 : i32
      %sign3A_816 = arith.extui %sign3A_815 : i1 to i32
      %sign3A_817 = arith.subi %sign3A_813, %sign3A_816 : i32
      %sign3A_818 = arith.constant 0 : i32
      %sign3A_819 = arith.cmpi sgt, %jit3A_809, %sign3A_818 : i32
      %sign3A_820 = arith.extui %sign3A_819 : i1 to i32
      %sign3A_821 = arith.constant 0 : i32
      %sign3A_822 = arith.cmpi slt, %jit3A_809, %sign3A_821 : i32
      %sign3A_823 = arith.extui %sign3A_822 : i1 to i32
      %sign3A_824 = arith.subi %sign3A_820, %sign3A_823 : i32
      %ne3A_825 = arith.cmpi ne, %sign3A_817, %sign3A_824 : i32
      %rem3A_826 = arith.remsi %min3A_808, %jit3A_809 : i32
      %ne3A_827 = arith.constant 0 : i32
      %ne3A_828 = arith.cmpi ne, %rem3A_826, %ne3A_827 : i32
      %and3A_829 = arith.andi %ne3A_825, %ne3A_828 : i1
      %sub3A_830 = arith.constant 1 : i32
      %sub3A_831 = arith.subi %div3A_810, %sub3A_830 : i32
      %select_n3A_832 = arith.select %and3A_829, %sub3A_831, %div3A_810 : i32
      %sub3A_833 = arith.constant 50 : i32
      %sub3A_834 = arith.subi %select_n3A_832, %sub3A_833 : i32
      %mul3A_835 = arith.constant 1024 : i32
      %mul3A_836 = arith.muli %sub3A_834, %mul3A_835 : i32
      %jit3A_837 = arith.constant 8 : i32
      %eq3A_838 = arith.constant 0 : i32
      %eq3A_839 = arith.cmpi eq, %jit3A_837, %eq3A_838 : i32
      %jit3A_840 = arith.constant 1 : i32
      %select_n3A_841 = arith.select %eq3A_839, %jit3A_840, %jit3A_837 : i32
      %rem3A_842 = arith.remsi %add3A_780, %select_n3A_841 : i32
      %ne3A_843 = arith.constant 0 : i32
      %ne3A_844 = arith.cmpi ne, %rem3A_842, %ne3A_843 : i32
      %lt3A_845 = arith.constant 0 : i32
      %lt3A_846 = arith.cmpi slt, %rem3A_842, %lt3A_845 : i32
      %lt3A_847 = arith.constant 0 : i32
      %lt3A_848 = arith.cmpi slt, %select_n3A_841, %lt3A_847 : i32
      %ne3A_849 = arith.xori %lt3A_846, %lt3A_848 : i1
      %and3A_850 = arith.andi %ne3A_849, %ne3A_844 : i1
      %add3A_851 = arith.addi %rem3A_842, %select_n3A_841 : i32
      %select_n3A_852 = arith.select %and3A_850, %add3A_851, %rem3A_842 : i32
      %mul3A_853 = arith.constant 128 : i32
      %mul3A_854 = arith.muli %select_n3A_852, %mul3A_853 : i32
      %add3A_855 = arith.addi %mul3A_836, %mul3A_854 : i32
      %lt3A_856 = arith.constant 808 : i32
      %lt3A_857 = arith.cmpi slt, %add3A_780, %lt3A_856 : i32
      %sub3A_858 = arith.constant 808 : i32
      %sub3A_859 = arith.subi %add3A_780, %sub3A_858 : i32
      %mul3A_860 = arith.constant 128 : i32
      %mul3A_861 = arith.muli %sub3A_859, %mul3A_860 : i32
      %add3A_862 = arith.constant 52224 : i32
      %add3A_863 = arith.addi %add3A_862, %mul3A_861 : i32
      %select_n3A_864 = arith.select %lt3A_857, %add3A_855, %add3A_863 : i32
      %jit3A_865 = arith.constant 2 : i32
      %eq3A_866 = arith.constant 0 : i32
      %eq3A_867 = arith.cmpi eq, %jit3A_865, %eq3A_866 : i32
      %jit3A_868 = arith.constant 1 : i32
      %select_n3A_869 = arith.select %eq3A_867, %jit3A_868, %jit3A_865 : i32
      %rem3A_870 = arith.remsi %min3A_808, %select_n3A_869 : i32
      %ne3A_871 = arith.constant 0 : i32
      %ne3A_872 = arith.cmpi ne, %rem3A_870, %ne3A_871 : i32
      %lt3A_873 = arith.constant 0 : i32
      %lt3A_874 = arith.cmpi slt, %rem3A_870, %lt3A_873 : i32
      %lt3A_875 = arith.constant 0 : i32
      %lt3A_876 = arith.cmpi slt, %select_n3A_869, %lt3A_875 : i32
      %ne3A_877 = arith.xori %lt3A_874, %lt3A_876 : i1
      %and3A_878 = arith.andi %ne3A_877, %ne3A_872 : i1
      %add3A_879 = arith.addi %rem3A_870, %select_n3A_869 : i32
      %select_n3A_880 = arith.select %and3A_878, %add3A_879, %rem3A_870 : i32
      %mul3A_881 = arith.constant 64 : i32
      %mul3A_882 = arith.muli %select_n3A_880, %mul3A_881 : i32
      "tpu.region"() ({
        %run_scoped3A = tpu.sem_alloc : memref<!tpu.dma_semaphore, #tpu.memory_space<semaphore_mem>>
        %dma_start3A_1204 = arith.constant 128 : i32
        %dma_start3A_1205 = arith.constant 0 : i32
        %dma_start3A_1206 = tpu.memref_slice %arg7[%dma_start3A_1204, %dma_start3A_1205] : memref<640x64xf32, #tpu.memory_space<vmem>> -> memref<128x64xf32, #tpu.memory_space<vmem>>
        %dma_start3A_1207 = tpu.memref_slice %arg4[%select_n3A_864, %mul3A_882] : memref<71680x128xf32, #tpu.memory_space<hbm>> -> memref<128x64xf32, #tpu.memory_space<hbm>>
        %dma_start3A_1208 = tpu.memref_slice %arg4[%select_n3A_864, %mul3A_882] : memref<71680x128xf32, #tpu.memory_space<hbm>> -> memref<128x64xf32, #tpu.memory_space<hbm>>
        %dma_start3A_1209 = arith.constant 128 : i32
        %dma_start3A_1210 = arith.constant 0 : i32
        %dma_start3A_1211 = tpu.memref_slice %arg7[%dma_start3A_1209, %dma_start3A_1210] : memref<640x64xf32, #tpu.memory_space<vmem>> -> memref<128x64xf32, #tpu.memory_space<vmem>>
        tpu.enqueue_dma source(%dma_start3A_1211 : memref<128x64xf32, #tpu.memory_space<vmem>>) target(%dma_start3A_1208 : memref<128x64xf32, #tpu.memory_space<hbm>>) target_semaphore(%run_scoped3A : memref<!tpu.dma_semaphore, #tpu.memory_space<semaphore_mem>>)
        %dma_wait3A_1212 = arith.constant 128 : i32
        %dma_wait3A_1213 = arith.constant 0 : i32
        %dma_wait3A_1214 = tpu.memref_slice %arg7[%dma_wait3A_1212, %dma_wait3A_1213] : memref<640x64xf32, #tpu.memory_space<vmem>> -> memref<128x64xf32, #tpu.memory_space<vmem>>
        %dma_wait3A_1215 = tpu.memref_slice %arg4[%select_n3A_864, %mul3A_882] : memref<71680x128xf32, #tpu.memory_space<hbm>> -> memref<128x64xf32, #tpu.memory_space<hbm>>
        %dma_wait3A_1216 = tpu.memref_slice %arg4[%select_n3A_864, %mul3A_882] : memref<71680x128xf32, #tpu.memory_space<hbm>> -> memref<128x64xf32, #tpu.memory_space<hbm>>
        %dma_wait3A_1217 = arith.constant 128 : i32
        %dma_wait3A_1218 = arith.constant 0 : i32
        %dma_wait3A_1219 = tpu.memref_slice %arg7[%dma_wait3A_1217, %dma_wait3A_1218] : memref<640x64xf32, #tpu.memory_space<vmem>> -> memref<128x64xf32, #tpu.memory_space<vmem>>
        tpu.wait_dma2 semaphore(%run_scoped3A : memref<!tpu.dma_semaphore, #tpu.memory_space<semaphore_mem>>) src(%dma_wait3A_1219 : memref<128x64xf32, #tpu.memory_space<vmem>>) dst(%dma_wait3A_1216 : memref<128x64xf32, #tpu.memory_space<hbm>>)
        tpu.yield
      }) : () -> ()
      %mul3A_883 = arith.constant 5 : i32
      %mul3A_884 = arith.muli %add3A_668, %mul3A_883 : i32
      %add3A_885 = arith.addi %mul3A_2, %mul3A_884 : i32
      %add3A_886 = arith.constant 2 : i32
      %add3A_887 = arith.addi %add3A_885, %add3A_886 : i32
      %jit3A_888 = arith.constant 8 : i32
      %div3A_889 = arith.divsi %add3A_887, %jit3A_888 : i32
      %sign3A_890 = arith.constant 0 : i32
      %sign3A_891 = arith.cmpi sgt, %add3A_887, %sign3A_890 : i32
      %sign3A_892 = arith.extui %sign3A_891 : i1 to i32
      %sign3A_893 = arith.constant 0 : i32
      %sign3A_894 = arith.cmpi slt, %add3A_887, %sign3A_893 : i32
      %sign3A_895 = arith.extui %sign3A_894 : i1 to i32
      %sign3A_896 = arith.subi %sign3A_892, %sign3A_895 : i32
      %sign3A_897 = arith.constant 0 : i32
      %sign3A_898 = arith.cmpi sgt, %jit3A_888, %sign3A_897 : i32
      %sign3A_899 = arith.extui %sign3A_898 : i1 to i32
      %sign3A_900 = arith.constant 0 : i32
      %sign3A_901 = arith.cmpi slt, %jit3A_888, %sign3A_900 : i32
      %sign3A_902 = arith.extui %sign3A_901 : i1 to i32
      %sign3A_903 = arith.subi %sign3A_899, %sign3A_902 : i32
      %ne3A_904 = arith.cmpi ne, %sign3A_896, %sign3A_903 : i32
      %rem3A_905 = arith.remsi %add3A_887, %jit3A_888 : i32
      %ne3A_906 = arith.constant 0 : i32
      %ne3A_907 = arith.cmpi ne, %rem3A_905, %ne3A_906 : i32
      %and3A_908 = arith.andi %ne3A_904, %ne3A_907 : i1
      %sub3A_909 = arith.constant 1 : i32
      %sub3A_910 = arith.subi %div3A_889, %sub3A_909 : i32
      %select_n3A_911 = arith.select %and3A_908, %sub3A_910, %div3A_889 : i32
      %add3A_912 = arith.constant 100 : i32
      %add3A_913 = arith.addi %add3A_912, %select_n3A_911 : i32
      %min3A_914 = arith.constant 200 : i32
      %min3A_915 = arith.minsi %add3A_913, %min3A_914 : i32
      %jit3A_916 = arith.constant 2 : i32
      %div3A_917 = arith.divsi %min3A_915, %jit3A_916 : i32
      %sign3A_918 = arith.constant 0 : i32
      %sign3A_919 = arith.cmpi sgt, %min3A_915, %sign3A_918 : i32
      %sign3A_920 = arith.extui %sign3A_919 : i1 to i32
      %sign3A_921 = arith.constant 0 : i32
      %sign3A_922 = arith.cmpi slt, %min3A_915, %sign3A_921 : i32
      %sign3A_923 = arith.extui %sign3A_922 : i1 to i32
      %sign3A_924 = arith.subi %sign3A_920, %sign3A_923 : i32
      %sign3A_925 = arith.constant 0 : i32
      %sign3A_926 = arith.cmpi sgt, %jit3A_916, %sign3A_925 : i32
      %sign3A_927 = arith.extui %sign3A_926 : i1 to i32
      %sign3A_928 = arith.constant 0 : i32
      %sign3A_929 = arith.cmpi slt, %jit3A_916, %sign3A_928 : i32
      %sign3A_930 = arith.extui %sign3A_929 : i1 to i32
      %sign3A_931 = arith.subi %sign3A_927, %sign3A_930 : i32
      %ne3A_932 = arith.cmpi ne, %sign3A_924, %sign3A_931 : i32
      %rem3A_933 = arith.remsi %min3A_915, %jit3A_916 : i32
      %ne3A_934 = arith.constant 0 : i32
      %ne3A_935 = arith.cmpi ne, %rem3A_933, %ne3A_934 : i32
      %and3A_936 = arith.andi %ne3A_932, %ne3A_935 : i1
      %sub3A_937 = arith.constant 1 : i32
      %sub3A_938 = arith.subi %div3A_917, %sub3A_937 : i32
      %select_n3A_939 = arith.select %and3A_936, %sub3A_938, %div3A_917 : i32
      %sub3A_940 = arith.constant 50 : i32
      %sub3A_941 = arith.subi %select_n3A_939, %sub3A_940 : i32
      %mul3A_942 = arith.constant 1024 : i32
      %mul3A_943 = arith.muli %sub3A_941, %mul3A_942 : i32
      %jit3A_944 = arith.constant 8 : i32
      %eq3A_945 = arith.constant 0 : i32
      %eq3A_946 = arith.cmpi eq, %jit3A_944, %eq3A_945 : i32
      %jit3A_947 = arith.constant 1 : i32
      %select_n3A_948 = arith.select %eq3A_946, %jit3A_947, %jit3A_944 : i32
      %rem3A_949 = arith.remsi %add3A_887, %select_n3A_948 : i32
      %ne3A_950 = arith.constant 0 : i32
      %ne3A_951 = arith.cmpi ne, %rem3A_949, %ne3A_950 : i32
      %lt3A_952 = arith.constant 0 : i32
      %lt3A_953 = arith.cmpi slt, %rem3A_949, %lt3A_952 : i32
      %lt3A_954 = arith.constant 0 : i32
      %lt3A_955 = arith.cmpi slt, %select_n3A_948, %lt3A_954 : i32
      %ne3A_956 = arith.xori %lt3A_953, %lt3A_955 : i1
      %and3A_957 = arith.andi %ne3A_956, %ne3A_951 : i1
      %add3A_958 = arith.addi %rem3A_949, %select_n3A_948 : i32
      %select_n3A_959 = arith.select %and3A_957, %add3A_958, %rem3A_949 : i32
      %mul3A_960 = arith.constant 128 : i32
      %mul3A_961 = arith.muli %select_n3A_959, %mul3A_960 : i32
      %add3A_962 = arith.addi %mul3A_943, %mul3A_961 : i32
      %lt3A_963 = arith.constant 808 : i32
      %lt3A_964 = arith.cmpi slt, %add3A_887, %lt3A_963 : i32
      %sub3A_965 = arith.constant 808 : i32
      %sub3A_966 = arith.subi %add3A_887, %sub3A_965 : i32
      %mul3A_967 = arith.constant 128 : i32
      %mul3A_968 = arith.muli %sub3A_966, %mul3A_967 : i32
      %add3A_969 = arith.constant 52224 : i32
      %add3A_970 = arith.addi %add3A_969, %mul3A_968 : i32
      %select_n3A_971 = arith.select %lt3A_964, %add3A_962, %add3A_970 : i32
      %jit3A_972 = arith.constant 2 : i32
      %eq3A_973 = arith.constant 0 : i32
      %eq3A_974 = arith.cmpi eq, %jit3A_972, %eq3A_973 : i32
      %jit3A_975 = arith.constant 1 : i32
      %select_n3A_976 = arith.select %eq3A_974, %jit3A_975, %jit3A_972 : i32
      %rem3A_977 = arith.remsi %min3A_915, %select_n3A_976 : i32
      %ne3A_978 = arith.constant 0 : i32
      %ne3A_979 = arith.cmpi ne, %rem3A_977, %ne3A_978 : i32
      %lt3A_980 = arith.constant 0 : i32
      %lt3A_981 = arith.cmpi slt, %rem3A_977, %lt3A_980 : i32
      %lt3A_982 = arith.constant 0 : i32
      %lt3A_983 = arith.cmpi slt, %select_n3A_976, %lt3A_982 : i32
      %ne3A_984 = arith.xori %lt3A_981, %lt3A_983 : i1
      %and3A_985 = arith.andi %ne3A_984, %ne3A_979 : i1
      %add3A_986 = arith.addi %rem3A_977, %select_n3A_976 : i32
      %select_n3A_987 = arith.select %and3A_985, %add3A_986, %rem3A_977 : i32
      %mul3A_988 = arith.constant 64 : i32
      %mul3A_989 = arith.muli %select_n3A_987, %mul3A_988 : i32
      "tpu.region"() ({
        %run_scoped3A = tpu.sem_alloc : memref<!tpu.dma_semaphore, #tpu.memory_space<semaphore_mem>>
        %dma_start3A_1204 = arith.constant 256 : i32
        %dma_start3A_1205 = arith.constant 0 : i32
        %dma_start3A_1206 = tpu.memref_slice %arg7[%dma_start3A_1204, %dma_start3A_1205] : memref<640x64xf32, #tpu.memory_space<vmem>> -> memref<128x64xf32, #tpu.memory_space<vmem>>
        %dma_start3A_1207 = tpu.memref_slice %arg4[%select_n3A_971, %mul3A_989] : memref<71680x128xf32, #tpu.memory_space<hbm>> -> memref<128x64xf32, #tpu.memory_space<hbm>>
        %dma_start3A_1208 = tpu.memref_slice %arg4[%select_n3A_971, %mul3A_989] : memref<71680x128xf32, #tpu.memory_space<hbm>> -> memref<128x64xf32, #tpu.memory_space<hbm>>
        %dma_start3A_1209 = arith.constant 256 : i32
        %dma_start3A_1210 = arith.constant 0 : i32
        %dma_start3A_1211 = tpu.memref_slice %arg7[%dma_start3A_1209, %dma_start3A_1210] : memref<640x64xf32, #tpu.memory_space<vmem>> -> memref<128x64xf32, #tpu.memory_space<vmem>>
        tpu.enqueue_dma source(%dma_start3A_1211 : memref<128x64xf32, #tpu.memory_space<vmem>>) target(%dma_start3A_1208 : memref<128x64xf32, #tpu.memory_space<hbm>>) target_semaphore(%run_scoped3A : memref<!tpu.dma_semaphore, #tpu.memory_space<semaphore_mem>>)
        %dma_wait3A_1212 = arith.constant 256 : i32
        %dma_wait3A_1213 = arith.constant 0 : i32
        %dma_wait3A_1214 = tpu.memref_slice %arg7[%dma_wait3A_1212, %dma_wait3A_1213] : memref<640x64xf32, #tpu.memory_space<vmem>> -> memref<128x64xf32, #tpu.memory_space<vmem>>
        %dma_wait3A_1215 = tpu.memref_slice %arg4[%select_n3A_971, %mul3A_989] : memref<71680x128xf32, #tpu.memory_space<hbm>> -> memref<128x64xf32, #tpu.memory_space<hbm>>
        %dma_wait3A_1216 = tpu.memref_slice %arg4[%select_n3A_971, %mul3A_989] : memref<71680x128xf32, #tpu.memory_space<hbm>> -> memref<128x64xf32, #tpu.memory_space<hbm>>
        %dma_wait3A_1217 = arith.constant 256 : i32
        %dma_wait3A_1218 = arith.constant 0 : i32
        %dma_wait3A_1219 = tpu.memref_slice %arg7[%dma_wait3A_1217, %dma_wait3A_1218] : memref<640x64xf32, #tpu.memory_space<vmem>> -> memref<128x64xf32, #tpu.memory_space<vmem>>
        tpu.wait_dma2 semaphore(%run_scoped3A : memref<!tpu.dma_semaphore, #tpu.memory_space<semaphore_mem>>) src(%dma_wait3A_1219 : memref<128x64xf32, #tpu.memory_space<vmem>>) dst(%dma_wait3A_1216 : memref<128x64xf32, #tpu.memory_space<hbm>>)
        tpu.yield
      }) : () -> ()
      %mul3A_990 = arith.constant 5 : i32
      %mul3A_991 = arith.muli %add3A_668, %mul3A_990 : i32
      %add3A_992 = arith.addi %mul3A_2, %mul3A_991 : i32
      %add3A_993 = arith.constant 3 : i32
      %add3A_994 = arith.addi %add3A_992, %add3A_993 : i32
      %jit3A_995 = arith.constant 8 : i32
      %div3A_996 = arith.divsi %add3A_994, %jit3A_995 : i32
      %sign3A_997 = arith.constant 0 : i32
      %sign3A_998 = arith.cmpi sgt, %add3A_994, %sign3A_997 : i32
      %sign3A_999 = arith.extui %sign3A_998 : i1 to i32
      %sign3A_1000 = arith.constant 0 : i32
      %sign3A_1001 = arith.cmpi slt, %add3A_994, %sign3A_1000 : i32
      %sign3A_1002 = arith.extui %sign3A_1001 : i1 to i32
      %sign3A_1003 = arith.subi %sign3A_999, %sign3A_1002 : i32
      %sign3A_1004 = arith.constant 0 : i32
      %sign3A_1005 = arith.cmpi sgt, %jit3A_995, %sign3A_1004 : i32
      %sign3A_1006 = arith.extui %sign3A_1005 : i1 to i32
      %sign3A_1007 = arith.constant 0 : i32
      %sign3A_1008 = arith.cmpi slt, %jit3A_995, %sign3A_1007 : i32
      %sign3A_1009 = arith.extui %sign3A_1008 : i1 to i32
      %sign3A_1010 = arith.subi %sign3A_1006, %sign3A_1009 : i32
      %ne3A_1011 = arith.cmpi ne, %sign3A_1003, %sign3A_1010 : i32
      %rem3A_1012 = arith.remsi %add3A_994, %jit3A_995 : i32
      %ne3A_1013 = arith.constant 0 : i32
      %ne3A_1014 = arith.cmpi ne, %rem3A_1012, %ne3A_1013 : i32
      %and3A_1015 = arith.andi %ne3A_1011, %ne3A_1014 : i1
      %sub3A_1016 = arith.constant 1 : i32
      %sub3A_1017 = arith.subi %div3A_996, %sub3A_1016 : i32
      %select_n3A_1018 = arith.select %and3A_1015, %sub3A_1017, %div3A_996 : i32
      %add3A_1019 = arith.constant 100 : i32
      %add3A_1020 = arith.addi %add3A_1019, %select_n3A_1018 : i32
      %min3A_1021 = arith.constant 200 : i32
      %min3A_1022 = arith.minsi %add3A_1020, %min3A_1021 : i32
      %jit3A_1023 = arith.constant 2 : i32
      %div3A_1024 = arith.divsi %min3A_1022, %jit3A_1023 : i32
      %sign3A_1025 = arith.constant 0 : i32
      %sign3A_1026 = arith.cmpi sgt, %min3A_1022, %sign3A_1025 : i32
      %sign3A_1027 = arith.extui %sign3A_1026 : i1 to i32
      %sign3A_1028 = arith.constant 0 : i32
      %sign3A_1029 = arith.cmpi slt, %min3A_1022, %sign3A_1028 : i32
      %sign3A_1030 = arith.extui %sign3A_1029 : i1 to i32
      %sign3A_1031 = arith.subi %sign3A_1027, %sign3A_1030 : i32
      %sign3A_1032 = arith.constant 0 : i32
      %sign3A_1033 = arith.cmpi sgt, %jit3A_1023, %sign3A_1032 : i32
      %sign3A_1034 = arith.extui %sign3A_1033 : i1 to i32
      %sign3A_1035 = arith.constant 0 : i32
      %sign3A_1036 = arith.cmpi slt, %jit3A_1023, %sign3A_1035 : i32
      %sign3A_1037 = arith.extui %sign3A_1036 : i1 to i32
      %sign3A_1038 = arith.subi %sign3A_1034, %sign3A_1037 : i32
      %ne3A_1039 = arith.cmpi ne, %sign3A_1031, %sign3A_1038 : i32
      %rem3A_1040 = arith.remsi %min3A_1022, %jit3A_1023 : i32
      %ne3A_1041 = arith.constant 0 : i32
      %ne3A_1042 = arith.cmpi ne, %rem3A_1040, %ne3A_1041 : i32
      %and3A_1043 = arith.andi %ne3A_1039, %ne3A_1042 : i1
      %sub3A_1044 = arith.constant 1 : i32
      %sub3A_1045 = arith.subi %div3A_1024, %sub3A_1044 : i32
      %select_n3A_1046 = arith.select %and3A_1043, %sub3A_1045, %div3A_1024 : i32
      %sub3A_1047 = arith.constant 50 : i32
      %sub3A_1048 = arith.subi %select_n3A_1046, %sub3A_1047 : i32
      %mul3A_1049 = arith.constant 1024 : i32
      %mul3A_1050 = arith.muli %sub3A_1048, %mul3A_1049 : i32
      %jit3A_1051 = arith.constant 8 : i32
      %eq3A_1052 = arith.constant 0 : i32
      %eq3A_1053 = arith.cmpi eq, %jit3A_1051, %eq3A_1052 : i32
      %jit3A_1054 = arith.constant 1 : i32
      %select_n3A_1055 = arith.select %eq3A_1053, %jit3A_1054, %jit3A_1051 : i32
      %rem3A_1056 = arith.remsi %add3A_994, %select_n3A_1055 : i32
      %ne3A_1057 = arith.constant 0 : i32
      %ne3A_1058 = arith.cmpi ne, %rem3A_1056, %ne3A_1057 : i32
      %lt3A_1059 = arith.constant 0 : i32
      %lt3A_1060 = arith.cmpi slt, %rem3A_1056, %lt3A_1059 : i32
      %lt3A_1061 = arith.constant 0 : i32
      %lt3A_1062 = arith.cmpi slt, %select_n3A_1055, %lt3A_1061 : i32
      %ne3A_1063 = arith.xori %lt3A_1060, %lt3A_1062 : i1
      %and3A_1064 = arith.andi %ne3A_1063, %ne3A_1058 : i1
      %add3A_1065 = arith.addi %rem3A_1056, %select_n3A_1055 : i32
      %select_n3A_1066 = arith.select %and3A_1064, %add3A_1065, %rem3A_1056 : i32
      %mul3A_1067 = arith.constant 128 : i32
      %mul3A_1068 = arith.muli %select_n3A_1066, %mul3A_1067 : i32
      %add3A_1069 = arith.addi %mul3A_1050, %mul3A_1068 : i32
      %lt3A_1070 = arith.constant 808 : i32
      %lt3A_1071 = arith.cmpi slt, %add3A_994, %lt3A_1070 : i32
      %sub3A_1072 = arith.constant 808 : i32
      %sub3A_1073 = arith.subi %add3A_994, %sub3A_1072 : i32
      %mul3A_1074 = arith.constant 128 : i32
      %mul3A_1075 = arith.muli %sub3A_1073, %mul3A_1074 : i32
      %add3A_1076 = arith.constant 52224 : i32
      %add3A_1077 = arith.addi %add3A_1076, %mul3A_1075 : i32
      %select_n3A_1078 = arith.select %lt3A_1071, %add3A_1069, %add3A_1077 : i32
      %jit3A_1079 = arith.constant 2 : i32
      %eq3A_1080 = arith.constant 0 : i32
      %eq3A_1081 = arith.cmpi eq, %jit3A_1079, %eq3A_1080 : i32
      %jit3A_1082 = arith.constant 1 : i32
      %select_n3A_1083 = arith.select %eq3A_1081, %jit3A_1082, %jit3A_1079 : i32
      %rem3A_1084 = arith.remsi %min3A_1022, %select_n3A_1083 : i32
      %ne3A_1085 = arith.constant 0 : i32
      %ne3A_1086 = arith.cmpi ne, %rem3A_1084, %ne3A_1085 : i32
      %lt3A_1087 = arith.constant 0 : i32
      %lt3A_1088 = arith.cmpi slt, %rem3A_1084, %lt3A_1087 : i32
      %lt3A_1089 = arith.constant 0 : i32
      %lt3A_1090 = arith.cmpi slt, %select_n3A_1083, %lt3A_1089 : i32
      %ne3A_1091 = arith.xori %lt3A_1088, %lt3A_1090 : i1
      %and3A_1092 = arith.andi %ne3A_1091, %ne3A_1086 : i1
      %add3A_1093 = arith.addi %rem3A_1084, %select_n3A_1083 : i32
      %select_n3A_1094 = arith.select %and3A_1092, %add3A_1093, %rem3A_1084 : i32
      %mul3A_1095 = arith.constant 64 : i32
      %mul3A_1096 = arith.muli %select_n3A_1094, %mul3A_1095 : i32
      "tpu.region"() ({
        %run_scoped3A = tpu.sem_alloc : memref<!tpu.dma_semaphore, #tpu.memory_space<semaphore_mem>>
        %dma_start3A_1204 = arith.constant 384 : i32
        %dma_start3A_1205 = arith.constant 0 : i32
        %dma_start3A_1206 = tpu.memref_slice %arg7[%dma_start3A_1204, %dma_start3A_1205] : memref<640x64xf32, #tpu.memory_space<vmem>> -> memref<128x64xf32, #tpu.memory_space<vmem>>
        %dma_start3A_1207 = tpu.memref_slice %arg4[%select_n3A_1078, %mul3A_1096] : memref<71680x128xf32, #tpu.memory_space<hbm>> -> memref<128x64xf32, #tpu.memory_space<hbm>>
        %dma_start3A_1208 = tpu.memref_slice %arg4[%select_n3A_1078, %mul3A_1096] : memref<71680x128xf32, #tpu.memory_space<hbm>> -> memref<128x64xf32, #tpu.memory_space<hbm>>
        %dma_start3A_1209 = arith.constant 384 : i32
        %dma_start3A_1210 = arith.constant 0 : i32
        %dma_start3A_1211 = tpu.memref_slice %arg7[%dma_start3A_1209, %dma_start3A_1210] : memref<640x64xf32, #tpu.memory_space<vmem>> -> memref<128x64xf32, #tpu.memory_space<vmem>>
        tpu.enqueue_dma source(%dma_start3A_1211 : memref<128x64xf32, #tpu.memory_space<vmem>>) target(%dma_start3A_1208 : memref<128x64xf32, #tpu.memory_space<hbm>>) target_semaphore(%run_scoped3A : memref<!tpu.dma_semaphore, #tpu.memory_space<semaphore_mem>>)
        %dma_wait3A_1212 = arith.constant 384 : i32
        %dma_wait3A_1213 = arith.constant 0 : i32
        %dma_wait3A_1214 = tpu.memref_slice %arg7[%dma_wait3A_1212, %dma_wait3A_1213] : memref<640x64xf32, #tpu.memory_space<vmem>> -> memref<128x64xf32, #tpu.memory_space<vmem>>
        %dma_wait3A_1215 = tpu.memref_slice %arg4[%select_n3A_1078, %mul3A_1096] : memref<71680x128xf32, #tpu.memory_space<hbm>> -> memref<128x64xf32, #tpu.memory_space<hbm>>
        %dma_wait3A_1216 = tpu.memref_slice %arg4[%select_n3A_1078, %mul3A_1096] : memref<71680x128xf32, #tpu.memory_space<hbm>> -> memref<128x64xf32, #tpu.memory_space<hbm>>
        %dma_wait3A_1217 = arith.constant 384 : i32
        %dma_wait3A_1218 = arith.constant 0 : i32
        %dma_wait3A_1219 = tpu.memref_slice %arg7[%dma_wait3A_1217, %dma_wait3A_1218] : memref<640x64xf32, #tpu.memory_space<vmem>> -> memref<128x64xf32, #tpu.memory_space<vmem>>
        tpu.wait_dma2 semaphore(%run_scoped3A : memref<!tpu.dma_semaphore, #tpu.memory_space<semaphore_mem>>) src(%dma_wait3A_1219 : memref<128x64xf32, #tpu.memory_space<vmem>>) dst(%dma_wait3A_1216 : memref<128x64xf32, #tpu.memory_space<hbm>>)
        tpu.yield
      }) : () -> ()
      %mul3A_1097 = arith.constant 5 : i32
      %mul3A_1098 = arith.muli %add3A_668, %mul3A_1097 : i32
      %add3A_1099 = arith.addi %mul3A_2, %mul3A_1098 : i32
      %add3A_1100 = arith.constant 4 : i32
      %add3A_1101 = arith.addi %add3A_1099, %add3A_1100 : i32
      %jit3A_1102 = arith.constant 8 : i32
      %div3A_1103 = arith.divsi %add3A_1101, %jit3A_1102 : i32
      %sign3A_1104 = arith.constant 0 : i32
      %sign3A_1105 = arith.cmpi sgt, %add3A_1101, %sign3A_1104 : i32
      %sign3A_1106 = arith.extui %sign3A_1105 : i1 to i32
      %sign3A_1107 = arith.constant 0 : i32
      %sign3A_1108 = arith.cmpi slt, %add3A_1101, %sign3A_1107 : i32
      %sign3A_1109 = arith.extui %sign3A_1108 : i1 to i32
      %sign3A_1110 = arith.subi %sign3A_1106, %sign3A_1109 : i32
      %sign3A_1111 = arith.constant 0 : i32
      %sign3A_1112 = arith.cmpi sgt, %jit3A_1102, %sign3A_1111 : i32
      %sign3A_1113 = arith.extui %sign3A_1112 : i1 to i32
      %sign3A_1114 = arith.constant 0 : i32
      %sign3A_1115 = arith.cmpi slt, %jit3A_1102, %sign3A_1114 : i32
      %sign3A_1116 = arith.extui %sign3A_1115 : i1 to i32
      %sign3A_1117 = arith.subi %sign3A_1113, %sign3A_1116 : i32
      %ne3A_1118 = arith.cmpi ne, %sign3A_1110, %sign3A_1117 : i32
      %rem3A_1119 = arith.remsi %add3A_1101, %jit3A_1102 : i32
      %ne3A_1120 = arith.constant 0 : i32
      %ne3A_1121 = arith.cmpi ne, %rem3A_1119, %ne3A_1120 : i32
      %and3A_1122 = arith.andi %ne3A_1118, %ne3A_1121 : i1
      %sub3A_1123 = arith.constant 1 : i32
      %sub3A_1124 = arith.subi %div3A_1103, %sub3A_1123 : i32
      %select_n3A_1125 = arith.select %and3A_1122, %sub3A_1124, %div3A_1103 : i32
      %add3A_1126 = arith.constant 100 : i32
      %add3A_1127 = arith.addi %add3A_1126, %select_n3A_1125 : i32
      %min3A_1128 = arith.constant 200 : i32
      %min3A_1129 = arith.minsi %add3A_1127, %min3A_1128 : i32
      %jit3A_1130 = arith.constant 2 : i32
      %div3A_1131 = arith.divsi %min3A_1129, %jit3A_1130 : i32
      %sign3A_1132 = arith.constant 0 : i32
      %sign3A_1133 = arith.cmpi sgt, %min3A_1129, %sign3A_1132 : i32
      %sign3A_1134 = arith.extui %sign3A_1133 : i1 to i32
      %sign3A_1135 = arith.constant 0 : i32
      %sign3A_1136 = arith.cmpi slt, %min3A_1129, %sign3A_1135 : i32
      %sign3A_1137 = arith.extui %sign3A_1136 : i1 to i32
      %sign3A_1138 = arith.subi %sign3A_1134, %sign3A_1137 : i32
      %sign3A_1139 = arith.constant 0 : i32
      %sign3A_1140 = arith.cmpi sgt, %jit3A_1130, %sign3A_1139 : i32
      %sign3A_1141 = arith.extui %sign3A_1140 : i1 to i32
      %sign3A_1142 = arith.constant 0 : i32
      %sign3A_1143 = arith.cmpi slt, %jit3A_1130, %sign3A_1142 : i32
      %sign3A_1144 = arith.extui %sign3A_1143 : i1 to i32
      %sign3A_1145 = arith.subi %sign3A_1141, %sign3A_1144 : i32
      %ne3A_1146 = arith.cmpi ne, %sign3A_1138, %sign3A_1145 : i32
      %rem3A_1147 = arith.remsi %min3A_1129, %jit3A_1130 : i32
      %ne3A_1148 = arith.constant 0 : i32
      %ne3A_1149 = arith.cmpi ne, %rem3A_1147, %ne3A_1148 : i32
      %and3A_1150 = arith.andi %ne3A_1146, %ne3A_1149 : i1
      %sub3A_1151 = arith.constant 1 : i32
      %sub3A_1152 = arith.subi %div3A_1131, %sub3A_1151 : i32
      %select_n3A_1153 = arith.select %and3A_1150, %sub3A_1152, %div3A_1131 : i32
      %sub3A_1154 = arith.constant 50 : i32
      %sub3A_1155 = arith.subi %select_n3A_1153, %sub3A_1154 : i32
      %mul3A_1156 = arith.constant 1024 : i32
      %mul3A_1157 = arith.muli %sub3A_1155, %mul3A_1156 : i32
      %jit3A_1158 = arith.constant 8 : i32
      %eq3A_1159 = arith.constant 0 : i32
      %eq3A_1160 = arith.cmpi eq, %jit3A_1158, %eq3A_1159 : i32
      %jit3A_1161 = arith.constant 1 : i32
      %select_n3A_1162 = arith.select %eq3A_1160, %jit3A_1161, %jit3A_1158 : i32
      %rem3A_1163 = arith.remsi %add3A_1101, %select_n3A_1162 : i32
      %ne3A_1164 = arith.constant 0 : i32
      %ne3A_1165 = arith.cmpi ne, %rem3A_1163, %ne3A_1164 : i32
      %lt3A_1166 = arith.constant 0 : i32
      %lt3A_1167 = arith.cmpi slt, %rem3A_1163, %lt3A_1166 : i32
      %lt3A_1168 = arith.constant 0 : i32
      %lt3A_1169 = arith.cmpi slt, %select_n3A_1162, %lt3A_1168 : i32
      %ne3A_1170 = arith.xori %lt3A_1167, %lt3A_1169 : i1
      %and3A_1171 = arith.andi %ne3A_1170, %ne3A_1165 : i1
      %add3A_1172 = arith.addi %rem3A_1163, %select_n3A_1162 : i32
      %select_n3A_1173 = arith.select %and3A_1171, %add3A_1172, %rem3A_1163 : i32
      %mul3A_1174 = arith.constant 128 : i32
      %mul3A_1175 = arith.muli %select_n3A_1173, %mul3A_1174 : i32
      %add3A_1176 = arith.addi %mul3A_1157, %mul3A_1175 : i32
      %lt3A_1177 = arith.constant 808 : i32
      %lt3A_1178 = arith.cmpi slt, %add3A_1101, %lt3A_1177 : i32
      %sub3A_1179 = arith.constant 808 : i32
      %sub3A_1180 = arith.subi %add3A_1101, %sub3A_1179 : i32
      %mul3A_1181 = arith.constant 128 : i32
      %mul3A_1182 = arith.muli %sub3A_1180, %mul3A_1181 : i32
      %add3A_1183 = arith.constant 52224 : i32
      %add3A_1184 = arith.addi %add3A_1183, %mul3A_1182 : i32
      %select_n3A_1185 = arith.select %lt3A_1178, %add3A_1176, %add3A_1184 : i32
      %jit3A_1186 = arith.constant 2 : i32
      %eq3A_1187 = arith.constant 0 : i32
      %eq3A_1188 = arith.cmpi eq, %jit3A_1186, %eq3A_1187 : i32
      %jit3A_1189 = arith.constant 1 : i32
      %select_n3A_1190 = arith.select %eq3A_1188, %jit3A_1189, %jit3A_1186 : i32
      %rem3A_1191 = arith.remsi %min3A_1129, %select_n3A_1190 : i32
      %ne3A_1192 = arith.constant 0 : i32
      %ne3A_1193 = arith.cmpi ne, %rem3A_1191, %ne3A_1192 : i32
      %lt3A_1194 = arith.constant 0 : i32
      %lt3A_1195 = arith.cmpi slt, %rem3A_1191, %lt3A_1194 : i32
      %lt3A_1196 = arith.constant 0 : i32
      %lt3A_1197 = arith.cmpi slt, %select_n3A_1190, %lt3A_1196 : i32
      %ne3A_1198 = arith.xori %lt3A_1195, %lt3A_1197 : i1
      %and3A_1199 = arith.andi %ne3A_1198, %ne3A_1193 : i1
      %add3A_1200 = arith.addi %rem3A_1191, %select_n3A_1190 : i32
      %select_n3A_1201 = arith.select %and3A_1199, %add3A_1200, %rem3A_1191 : i32
      %mul3A_1202 = arith.constant 64 : i32
      %mul3A_1203 = arith.muli %select_n3A_1201, %mul3A_1202 : i32
      "tpu.region"() ({
        %run_scoped3A = tpu.sem_alloc : memref<!tpu.dma_semaphore, #tpu.memory_space<semaphore_mem>>
        %dma_start3A_1204 = arith.constant 512 : i32
        %dma_start3A_1205 = arith.constant 0 : i32
        %dma_start3A_1206 = tpu.memref_slice %arg7[%dma_start3A_1204, %dma_start3A_1205] : memref<640x64xf32, #tpu.memory_space<vmem>> -> memref<128x64xf32, #tpu.memory_space<vmem>>
        %dma_start3A_1207 = tpu.memref_slice %arg4[%select_n3A_1185, %mul3A_1203] : memref<71680x128xf32, #tpu.memory_space<hbm>> -> memref<128x64xf32, #tpu.memory_space<hbm>>
        %dma_start3A_1208 = tpu.memref_slice %arg4[%select_n3A_1185, %mul3A_1203] : memref<71680x128xf32, #tpu.memory_space<hbm>> -> memref<128x64xf32, #tpu.memory_space<hbm>>
        %dma_start3A_1209 = arith.constant 512 : i32
        %dma_start3A_1210 = arith.constant 0 : i32
        %dma_start3A_1211 = tpu.memref_slice %arg7[%dma_start3A_1209, %dma_start3A_1210] : memref<640x64xf32, #tpu.memory_space<vmem>> -> memref<128x64xf32, #tpu.memory_space<vmem>>
        tpu.enqueue_dma source(%dma_start3A_1211 : memref<128x64xf32, #tpu.memory_space<vmem>>) target(%dma_start3A_1208 : memref<128x64xf32, #tpu.memory_space<hbm>>) target_semaphore(%run_scoped3A : memref<!tpu.dma_semaphore, #tpu.memory_space<semaphore_mem>>)
        %dma_wait3A_1212 = arith.constant 512 : i32
        %dma_wait3A_1213 = arith.constant 0 : i32
        %dma_wait3A_1214 = tpu.memref_slice %arg7[%dma_wait3A_1212, %dma_wait3A_1213] : memref<640x64xf32, #tpu.memory_space<vmem>> -> memref<128x64xf32, #tpu.memory_space<vmem>>
        %dma_wait3A_1215 = tpu.memref_slice %arg4[%select_n3A_1185, %mul3A_1203] : memref<71680x128xf32, #tpu.memory_space<hbm>> -> memref<128x64xf32, #tpu.memory_space<hbm>>
        %dma_wait3A_1216 = tpu.memref_slice %arg4[%select_n3A_1185, %mul3A_1203] : memref<71680x128xf32, #tpu.memory_space<hbm>> -> memref<128x64xf32, #tpu.memory_space<hbm>>
        %dma_wait3A_1217 = arith.constant 512 : i32
        %dma_wait3A_1218 = arith.constant 0 : i32
        %dma_wait3A_1219 = tpu.memref_slice %arg7[%dma_wait3A_1217, %dma_wait3A_1218] : memref<640x64xf32, #tpu.memory_space<vmem>> -> memref<128x64xf32, #tpu.memory_space<vmem>>
        tpu.wait_dma2 semaphore(%run_scoped3A : memref<!tpu.dma_semaphore, #tpu.memory_space<semaphore_mem>>) src(%dma_wait3A_1219 : memref<128x64xf32, #tpu.memory_space<vmem>>) dst(%dma_wait3A_1216 : memref<128x64xf32, #tpu.memory_space<hbm>>)
        tpu.yield
      }) : () -> ()
    }
    %scan3A_56 = arith.constant 3 : i32
    return
  }
}

#map = affine_map<(d0, d1) -> (0, 0)>
module attributes {stable_mosaic.version = 14 : i64} {
  func.func @body(%arg0: i32, %arg1: i32, %arg2: memref<800x128xi32, #tpu.memory_space<hbm>>, %arg3: memref<100352x64xf32, #tpu.memory_space<hbm>>, %arg4: memref<52224x128xf32, #tpu.memory_space<hbm>>, %arg5: memref<25x128xi32, #tpu.memory_space<vmem>>, %arg6: memref<640x64xf32, #tpu.memory_space<vmem>>, %arg7: memref<640x64xf32, #tpu.memory_space<vmem>>, %arg8: memref<!tpu.dma_semaphore, #tpu.memory_space<semaphore_mem>>, %arg9: memref<!tpu.dma_semaphore, #tpu.memory_space<semaphore_mem>>) attributes {dimension_semantics = [#tpu.dimension_semantics<core_parallel>, #tpu.dimension_semantics<subcore_parallel>], iteration_bounds = array<i64: 2, 16>, scalar_prefetch = 0 : i64, scratch_operands = 5 : i64, tpu.core_type = #tpu.core_type<sc_vector_subcore>, window_params = [{transform_indices = #map}, {transform_indices = #map}, {transform_indices = #map}]} {
    %mul3A = arith.constant 2 : i32
    %mul3A_0 = arith.muli %arg1, %mul3A : i32
    %add3A = arith.addi %mul3A_0, %arg0 : i32
    %mul3A_1 = arith.constant 25 : i32
    %mul3A_2 = arith.muli %add3A, %mul3A_1 : i32
    "tpu.region"() ({
      %run_scoped3A = tpu.sem_alloc : memref<!tpu.dma_semaphore, #tpu.memory_space<semaphore_mem>>
      %dma_start3A_581 = arith.constant 0 : i32
      %dma_start3A_582 = tpu.memref_slice %arg2[%mul3A_2, %dma_start3A_581] : memref<800x128xi32, #tpu.memory_space<hbm>> -> memref<25x128xi32, #tpu.memory_space<hbm>>
      %dma_start3A_583 = arith.constant 0 : i32
      %dma_start3A_584 = tpu.memref_slice %arg2[%mul3A_2, %dma_start3A_583] : memref<800x128xi32, #tpu.memory_space<hbm>> -> memref<25x128xi32, #tpu.memory_space<hbm>>
      tpu.enqueue_dma source(%dma_start3A_584 : memref<25x128xi32, #tpu.memory_space<hbm>>) target(%arg5 : memref<25x128xi32, #tpu.memory_space<vmem>>) target_semaphore(%run_scoped3A : memref<!tpu.dma_semaphore, #tpu.memory_space<semaphore_mem>>)
      %dma_wait3A_585 = arith.constant 0 : i32
      %dma_wait3A_586 = tpu.memref_slice %arg2[%mul3A_2, %dma_wait3A_585] : memref<800x128xi32, #tpu.memory_space<hbm>> -> memref<25x128xi32, #tpu.memory_space<hbm>>
      %dma_wait3A_587 = arith.constant 0 : i32
      %dma_wait3A_588 = tpu.memref_slice %arg2[%mul3A_2, %dma_wait3A_587] : memref<800x128xi32, #tpu.memory_space<hbm>> -> memref<25x128xi32, #tpu.memory_space<hbm>>
      tpu.wait_dma2 semaphore(%run_scoped3A : memref<!tpu.dma_semaphore, #tpu.memory_space<semaphore_mem>>) src(%dma_wait3A_588 : memref<25x128xi32, #tpu.memory_space<hbm>>) dst(%arg5 : memref<25x128xi32, #tpu.memory_space<vmem>>)
      tpu.yield
    }) : () -> ()
    %dma_start3A = arith.constant 0 : i32
    %dma_start3A_3 = arith.constant 0 : i32
    %dma_start3A_4 = arith.constant 0 : i32
    %dma_start3A_5 = tpu.memref_slice %arg6[%dma_start3A_3, %dma_start3A_4] : memref<640x64xf32, #tpu.memory_space<vmem>> -> memref<128x64xf32, #tpu.memory_space<vmem>>
    %dma_start3A_6 = arith.constant 0 : i32
    %dma_start3A_7 = tpu.memref_slice %arg5[%dma_start3A, %dma_start3A_6] : memref<25x128xi32, #tpu.memory_space<vmem>> -> memref<1x128xi32, #tpu.memory_space<vmem>>
    %dma_start3A_8 = tpu.memref_squeeze %dma_start3A_7 : memref<1x128xi32, #tpu.memory_space<vmem>> -> memref<128xi32, #tpu.memory_space<vmem>>
    %dma_start3A_9 = arith.constant 0 : i32
    %dma_start3A_10 = arith.constant 0 : i32
    %dma_start3A_11 = tpu.memref_slice %arg3[%dma_start3A_9, %dma_start3A_10] : memref<100352x64xf32, #tpu.memory_space<hbm>> -> memref<100352x64xf32, #tpu.memory_space<hbm>>
    tpu.enqueue_indirect_dma source(%dma_start3A_11 : memref<100352x64xf32, #tpu.memory_space<hbm>>) target(%dma_start3A_5 : memref<128x64xf32, #tpu.memory_space<vmem>>) offsets(%dma_start3A_8 : memref<128xi32, #tpu.memory_space<vmem>>) semaphore(%arg8 : memref<!tpu.dma_semaphore, #tpu.memory_space<semaphore_mem>>)
    %dma_start3A_12 = arith.constant 1 : i32
    %dma_start3A_13 = arith.constant 128 : i32
    %dma_start3A_14 = arith.constant 0 : i32
    %dma_start3A_15 = tpu.memref_slice %arg6[%dma_start3A_13, %dma_start3A_14] : memref<640x64xf32, #tpu.memory_space<vmem>> -> memref<128x64xf32, #tpu.memory_space<vmem>>
    %dma_start3A_16 = arith.constant 0 : i32
    %dma_start3A_17 = tpu.memref_slice %arg5[%dma_start3A_12, %dma_start3A_16] : memref<25x128xi32, #tpu.memory_space<vmem>> -> memref<1x128xi32, #tpu.memory_space<vmem>>
    %dma_start3A_18 = tpu.memref_squeeze %dma_start3A_17 : memref<1x128xi32, #tpu.memory_space<vmem>> -> memref<128xi32, #tpu.memory_space<vmem>>
    %dma_start3A_19 = arith.constant 0 : i32
    %dma_start3A_20 = arith.constant 0 : i32
    %dma_start3A_21 = tpu.memref_slice %arg3[%dma_start3A_19, %dma_start3A_20] : memref<100352x64xf32, #tpu.memory_space<hbm>> -> memref<100352x64xf32, #tpu.memory_space<hbm>>
    tpu.enqueue_indirect_dma source(%dma_start3A_21 : memref<100352x64xf32, #tpu.memory_space<hbm>>) target(%dma_start3A_15 : memref<128x64xf32, #tpu.memory_space<vmem>>) offsets(%dma_start3A_18 : memref<128xi32, #tpu.memory_space<vmem>>) semaphore(%arg8 : memref<!tpu.dma_semaphore, #tpu.memory_space<semaphore_mem>>)
    %dma_start3A_22 = arith.constant 2 : i32
    %dma_start3A_23 = arith.constant 256 : i32
    %dma_start3A_24 = arith.constant 0 : i32
    %dma_start3A_25 = tpu.memref_slice %arg6[%dma_start3A_23, %dma_start3A_24] : memref<640x64xf32, #tpu.memory_space<vmem>> -> memref<128x64xf32, #tpu.memory_space<vmem>>
    %dma_start3A_26 = arith.constant 0 : i32
    %dma_start3A_27 = tpu.memref_slice %arg5[%dma_start3A_22, %dma_start3A_26] : memref<25x128xi32, #tpu.memory_space<vmem>> -> memref<1x128xi32, #tpu.memory_space<vmem>>
    %dma_start3A_28 = tpu.memref_squeeze %dma_start3A_27 : memref<1x128xi32, #tpu.memory_space<vmem>> -> memref<128xi32, #tpu.memory_space<vmem>>
    %dma_start3A_29 = arith.constant 0 : i32
    %dma_start3A_30 = arith.constant 0 : i32
    %dma_start3A_31 = tpu.memref_slice %arg3[%dma_start3A_29, %dma_start3A_30] : memref<100352x64xf32, #tpu.memory_space<hbm>> -> memref<100352x64xf32, #tpu.memory_space<hbm>>
    tpu.enqueue_indirect_dma source(%dma_start3A_31 : memref<100352x64xf32, #tpu.memory_space<hbm>>) target(%dma_start3A_25 : memref<128x64xf32, #tpu.memory_space<vmem>>) offsets(%dma_start3A_28 : memref<128xi32, #tpu.memory_space<vmem>>) semaphore(%arg8 : memref<!tpu.dma_semaphore, #tpu.memory_space<semaphore_mem>>)
    %dma_start3A_32 = arith.constant 3 : i32
    %dma_start3A_33 = arith.constant 384 : i32
    %dma_start3A_34 = arith.constant 0 : i32
    %dma_start3A_35 = tpu.memref_slice %arg6[%dma_start3A_33, %dma_start3A_34] : memref<640x64xf32, #tpu.memory_space<vmem>> -> memref<128x64xf32, #tpu.memory_space<vmem>>
    %dma_start3A_36 = arith.constant 0 : i32
    %dma_start3A_37 = tpu.memref_slice %arg5[%dma_start3A_32, %dma_start3A_36] : memref<25x128xi32, #tpu.memory_space<vmem>> -> memref<1x128xi32, #tpu.memory_space<vmem>>
    %dma_start3A_38 = tpu.memref_squeeze %dma_start3A_37 : memref<1x128xi32, #tpu.memory_space<vmem>> -> memref<128xi32, #tpu.memory_space<vmem>>
    %dma_start3A_39 = arith.constant 0 : i32
    %dma_start3A_40 = arith.constant 0 : i32
    %dma_start3A_41 = tpu.memref_slice %arg3[%dma_start3A_39, %dma_start3A_40] : memref<100352x64xf32, #tpu.memory_space<hbm>> -> memref<100352x64xf32, #tpu.memory_space<hbm>>
    tpu.enqueue_indirect_dma source(%dma_start3A_41 : memref<100352x64xf32, #tpu.memory_space<hbm>>) target(%dma_start3A_35 : memref<128x64xf32, #tpu.memory_space<vmem>>) offsets(%dma_start3A_38 : memref<128xi32, #tpu.memory_space<vmem>>) semaphore(%arg8 : memref<!tpu.dma_semaphore, #tpu.memory_space<semaphore_mem>>)
    %dma_start3A_42 = arith.constant 4 : i32
    %dma_start3A_43 = arith.constant 512 : i32
    %dma_start3A_44 = arith.constant 0 : i32
    %dma_start3A_45 = tpu.memref_slice %arg6[%dma_start3A_43, %dma_start3A_44] : memref<640x64xf32, #tpu.memory_space<vmem>> -> memref<128x64xf32, #tpu.memory_space<vmem>>
    %dma_start3A_46 = arith.constant 0 : i32
    %dma_start3A_47 = tpu.memref_slice %arg5[%dma_start3A_42, %dma_start3A_46] : memref<25x128xi32, #tpu.memory_space<vmem>> -> memref<1x128xi32, #tpu.memory_space<vmem>>
    %dma_start3A_48 = tpu.memref_squeeze %dma_start3A_47 : memref<1x128xi32, #tpu.memory_space<vmem>> -> memref<128xi32, #tpu.memory_space<vmem>>
    %dma_start3A_49 = arith.constant 0 : i32
    %dma_start3A_50 = arith.constant 0 : i32
    %dma_start3A_51 = tpu.memref_slice %arg3[%dma_start3A_49, %dma_start3A_50] : memref<100352x64xf32, #tpu.memory_space<hbm>> -> memref<100352x64xf32, #tpu.memory_space<hbm>>
    tpu.enqueue_indirect_dma source(%dma_start3A_51 : memref<100352x64xf32, #tpu.memory_space<hbm>>) target(%dma_start3A_45 : memref<128x64xf32, #tpu.memory_space<vmem>>) offsets(%dma_start3A_48 : memref<128xi32, #tpu.memory_space<vmem>>) semaphore(%arg8 : memref<!tpu.dma_semaphore, #tpu.memory_space<semaphore_mem>>)
    %scan3A = arith.constant 0 : i32
    %scan3A_52 = arith.constant 0 : i32
    %scan3A_53 = arith.constant 2 : i32
    %scan3A_54 = arith.addi %scan3A_52, %scan3A_53 : i32
    %scan3A_55 = arith.constant 1 : i32
    scf.for %scan3A_581 = %scan3A_52 to %scan3A_54 step %scan3A_55  : i32 {
      %mul3A_582 = arith.constant 2 : i32
      %mul3A_583 = arith.muli %mul3A_582, %scan3A_581 : i32
      %add3A_584 = arith.constant 1 : i32
      %add3A_585 = arith.addi %mul3A_583, %add3A_584 : i32
      %mul3A_586 = arith.constant 5 : i32
      %mul3A_587 = arith.muli %add3A_585, %mul3A_586 : i32
      %add3A_588 = arith.constant 0 : i32
      %add3A_589 = arith.addi %mul3A_587, %add3A_588 : i32
      %dma_start3A_590 = arith.constant 0 : i32
      %dma_start3A_591 = arith.constant 0 : i32
      %dma_start3A_592 = tpu.memref_slice %arg7[%dma_start3A_590, %dma_start3A_591] : memref<640x64xf32, #tpu.memory_space<vmem>> -> memref<128x64xf32, #tpu.memory_space<vmem>>
      %dma_start3A_593 = arith.constant 0 : i32
      %dma_start3A_594 = tpu.memref_slice %arg5[%add3A_589, %dma_start3A_593] : memref<25x128xi32, #tpu.memory_space<vmem>> -> memref<1x128xi32, #tpu.memory_space<vmem>>
      %dma_start3A_595 = tpu.memref_squeeze %dma_start3A_594 : memref<1x128xi32, #tpu.memory_space<vmem>> -> memref<128xi32, #tpu.memory_space<vmem>>
      %dma_start3A_596 = arith.constant 0 : i32
      %dma_start3A_597 = arith.constant 0 : i32
      %dma_start3A_598 = tpu.memref_slice %arg3[%dma_start3A_596, %dma_start3A_597] : memref<100352x64xf32, #tpu.memory_space<hbm>> -> memref<100352x64xf32, #tpu.memory_space<hbm>>
      tpu.enqueue_indirect_dma source(%dma_start3A_598 : memref<100352x64xf32, #tpu.memory_space<hbm>>) target(%dma_start3A_592 : memref<128x64xf32, #tpu.memory_space<vmem>>) offsets(%dma_start3A_595 : memref<128xi32, #tpu.memory_space<vmem>>) semaphore(%arg9 : memref<!tpu.dma_semaphore, #tpu.memory_space<semaphore_mem>>)
      %mul3A_599 = arith.constant 5 : i32
      %mul3A_600 = arith.muli %add3A_585, %mul3A_599 : i32
      %add3A_601 = arith.constant 1 : i32
      %add3A_602 = arith.addi %mul3A_600, %add3A_601 : i32
      %dma_start3A_603 = arith.constant 128 : i32
      %dma_start3A_604 = arith.constant 0 : i32
      %dma_start3A_605 = tpu.memref_slice %arg7[%dma_start3A_603, %dma_start3A_604] : memref<640x64xf32, #tpu.memory_space<vmem>> -> memref<128x64xf32, #tpu.memory_space<vmem>>
      %dma_start3A_606 = arith.constant 0 : i32
      %dma_start3A_607 = tpu.memref_slice %arg5[%add3A_602, %dma_start3A_606] : memref<25x128xi32, #tpu.memory_space<vmem>> -> memref<1x128xi32, #tpu.memory_space<vmem>>
      %dma_start3A_608 = tpu.memref_squeeze %dma_start3A_607 : memref<1x128xi32, #tpu.memory_space<vmem>> -> memref<128xi32, #tpu.memory_space<vmem>>
      %dma_start3A_609 = arith.constant 0 : i32
      %dma_start3A_610 = arith.constant 0 : i32
      %dma_start3A_611 = tpu.memref_slice %arg3[%dma_start3A_609, %dma_start3A_610] : memref<100352x64xf32, #tpu.memory_space<hbm>> -> memref<100352x64xf32, #tpu.memory_space<hbm>>
      tpu.enqueue_indirect_dma source(%dma_start3A_611 : memref<100352x64xf32, #tpu.memory_space<hbm>>) target(%dma_start3A_605 : memref<128x64xf32, #tpu.memory_space<vmem>>) offsets(%dma_start3A_608 : memref<128xi32, #tpu.memory_space<vmem>>) semaphore(%arg9 : memref<!tpu.dma_semaphore, #tpu.memory_space<semaphore_mem>>)
      %mul3A_612 = arith.constant 5 : i32
      %mul3A_613 = arith.muli %add3A_585, %mul3A_612 : i32
      %add3A_614 = arith.constant 2 : i32
      %add3A_615 = arith.addi %mul3A_613, %add3A_614 : i32
      %dma_start3A_616 = arith.constant 256 : i32
      %dma_start3A_617 = arith.constant 0 : i32
      %dma_start3A_618 = tpu.memref_slice %arg7[%dma_start3A_616, %dma_start3A_617] : memref<640x64xf32, #tpu.memory_space<vmem>> -> memref<128x64xf32, #tpu.memory_space<vmem>>
      %dma_start3A_619 = arith.constant 0 : i32
      %dma_start3A_620 = tpu.memref_slice %arg5[%add3A_615, %dma_start3A_619] : memref<25x128xi32, #tpu.memory_space<vmem>> -> memref<1x128xi32, #tpu.memory_space<vmem>>
      %dma_start3A_621 = tpu.memref_squeeze %dma_start3A_620 : memref<1x128xi32, #tpu.memory_space<vmem>> -> memref<128xi32, #tpu.memory_space<vmem>>
      %dma_start3A_622 = arith.constant 0 : i32
      %dma_start3A_623 = arith.constant 0 : i32
      %dma_start3A_624 = tpu.memref_slice %arg3[%dma_start3A_622, %dma_start3A_623] : memref<100352x64xf32, #tpu.memory_space<hbm>> -> memref<100352x64xf32, #tpu.memory_space<hbm>>
      tpu.enqueue_indirect_dma source(%dma_start3A_624 : memref<100352x64xf32, #tpu.memory_space<hbm>>) target(%dma_start3A_618 : memref<128x64xf32, #tpu.memory_space<vmem>>) offsets(%dma_start3A_621 : memref<128xi32, #tpu.memory_space<vmem>>) semaphore(%arg9 : memref<!tpu.dma_semaphore, #tpu.memory_space<semaphore_mem>>)
      %mul3A_625 = arith.constant 5 : i32
      %mul3A_626 = arith.muli %add3A_585, %mul3A_625 : i32
      %add3A_627 = arith.constant 3 : i32
      %add3A_628 = arith.addi %mul3A_626, %add3A_627 : i32
      %dma_start3A_629 = arith.constant 384 : i32
      %dma_start3A_630 = arith.constant 0 : i32
      %dma_start3A_631 = tpu.memref_slice %arg7[%dma_start3A_629, %dma_start3A_630] : memref<640x64xf32, #tpu.memory_space<vmem>> -> memref<128x64xf32, #tpu.memory_space<vmem>>
      %dma_start3A_632 = arith.constant 0 : i32
      %dma_start3A_633 = tpu.memref_slice %arg5[%add3A_628, %dma_start3A_632] : memref<25x128xi32, #tpu.memory_space<vmem>> -> memref<1x128xi32, #tpu.memory_space<vmem>>
      %dma_start3A_634 = tpu.memref_squeeze %dma_start3A_633 : memref<1x128xi32, #tpu.memory_space<vmem>> -> memref<128xi32, #tpu.memory_space<vmem>>
      %dma_start3A_635 = arith.constant 0 : i32
      %dma_start3A_636 = arith.constant 0 : i32
      %dma_start3A_637 = tpu.memref_slice %arg3[%dma_start3A_635, %dma_start3A_636] : memref<100352x64xf32, #tpu.memory_space<hbm>> -> memref<100352x64xf32, #tpu.memory_space<hbm>>
      tpu.enqueue_indirect_dma source(%dma_start3A_637 : memref<100352x64xf32, #tpu.memory_space<hbm>>) target(%dma_start3A_631 : memref<128x64xf32, #tpu.memory_space<vmem>>) offsets(%dma_start3A_634 : memref<128xi32, #tpu.memory_space<vmem>>) semaphore(%arg9 : memref<!tpu.dma_semaphore, #tpu.memory_space<semaphore_mem>>)
      %mul3A_638 = arith.constant 5 : i32
      %mul3A_639 = arith.muli %add3A_585, %mul3A_638 : i32
      %add3A_640 = arith.constant 4 : i32
      %add3A_641 = arith.addi %mul3A_639, %add3A_640 : i32
      %dma_start3A_642 = arith.constant 512 : i32
      %dma_start3A_643 = arith.constant 0 : i32
      %dma_start3A_644 = tpu.memref_slice %arg7[%dma_start3A_642, %dma_start3A_643] : memref<640x64xf32, #tpu.memory_space<vmem>> -> memref<128x64xf32, #tpu.memory_space<vmem>>
      %dma_start3A_645 = arith.constant 0 : i32
      %dma_start3A_646 = tpu.memref_slice %arg5[%add3A_641, %dma_start3A_645] : memref<25x128xi32, #tpu.memory_space<vmem>> -> memref<1x128xi32, #tpu.memory_space<vmem>>
      %dma_start3A_647 = tpu.memref_squeeze %dma_start3A_646 : memref<1x128xi32, #tpu.memory_space<vmem>> -> memref<128xi32, #tpu.memory_space<vmem>>
      %dma_start3A_648 = arith.constant 0 : i32
      %dma_start3A_649 = arith.constant 0 : i32
      %dma_start3A_650 = tpu.memref_slice %arg3[%dma_start3A_648, %dma_start3A_649] : memref<100352x64xf32, #tpu.memory_space<hbm>> -> memref<100352x64xf32, #tpu.memory_space<hbm>>
      tpu.enqueue_indirect_dma source(%dma_start3A_650 : memref<100352x64xf32, #tpu.memory_space<hbm>>) target(%dma_start3A_644 : memref<128x64xf32, #tpu.memory_space<vmem>>) offsets(%dma_start3A_647 : memref<128xi32, #tpu.memory_space<vmem>>) semaphore(%arg9 : memref<!tpu.dma_semaphore, #tpu.memory_space<semaphore_mem>>)
      %dma_wait3A_651 = arith.constant 0 : i32
      %dma_wait3A_652 = arith.constant 0 : i32
      %dma_wait3A_653 = tpu.memref_slice %arg3[%dma_wait3A_651, %dma_wait3A_652] : memref<100352x64xf32, #tpu.memory_space<hbm>> -> memref<640x64xf32, #tpu.memory_space<hbm>>
      %dma_wait3A_654 = arith.constant 0 : i32
      %dma_wait3A_655 = arith.constant 0 : i32
      %dma_wait3A_656 = tpu.memref_slice %arg3[%dma_wait3A_654, %dma_wait3A_655] : memref<100352x64xf32, #tpu.memory_space<hbm>> -> memref<640x64xf32, #tpu.memory_space<hbm>>
      tpu.wait_dma2 semaphore(%arg8 : memref<!tpu.dma_semaphore, #tpu.memory_space<semaphore_mem>>) src(%dma_wait3A_656 : memref<640x64xf32, #tpu.memory_space<hbm>>) dst(%arg6 : memref<640x64xf32, #tpu.memory_space<vmem>>)
      %mul3A_657 = arith.constant 5 : i32
      %mul3A_658 = arith.muli %mul3A_583, %mul3A_657 : i32
      %add3A_659 = arith.addi %mul3A_2, %mul3A_658 : i32
      %add3A_660 = arith.constant 0 : i32
      %add3A_661 = arith.addi %add3A_659, %add3A_660 : i32
      %jit3A_662 = arith.constant 8 : i32
      %div3A_663 = arith.divsi %add3A_661, %jit3A_662 : i32
      %sign3A_664 = arith.constant 0 : i32
      %sign3A_665 = arith.cmpi sgt, %add3A_661, %sign3A_664 : i32
      %sign3A_666 = arith.extui %sign3A_665 : i1 to i32
      %sign3A_667 = arith.constant 0 : i32
      %sign3A_668 = arith.cmpi slt, %add3A_661, %sign3A_667 : i32
      %sign3A_669 = arith.extui %sign3A_668 : i1 to i32
      %sign3A_670 = arith.subi %sign3A_666, %sign3A_669 : i32
      %sign3A_671 = arith.constant 0 : i32
      %sign3A_672 = arith.cmpi sgt, %jit3A_662, %sign3A_671 : i32
      %sign3A_673 = arith.extui %sign3A_672 : i1 to i32
      %sign3A_674 = arith.constant 0 : i32
      %sign3A_675 = arith.cmpi slt, %jit3A_662, %sign3A_674 : i32
      %sign3A_676 = arith.extui %sign3A_675 : i1 to i32
      %sign3A_677 = arith.subi %sign3A_673, %sign3A_676 : i32
      %ne3A_678 = arith.cmpi ne, %sign3A_670, %sign3A_677 : i32
      %rem3A_679 = arith.remsi %add3A_661, %jit3A_662 : i32
      %ne3A_680 = arith.constant 0 : i32
      %ne3A_681 = arith.cmpi ne, %rem3A_679, %ne3A_680 : i32
      %and3A_682 = arith.andi %ne3A_678, %ne3A_681 : i1
      %sub3A_683 = arith.constant 1 : i32
      %sub3A_684 = arith.subi %div3A_663, %sub3A_683 : i32
      %select_n3A_685 = arith.select %and3A_682, %sub3A_684, %div3A_663 : i32
      %add3A_686 = arith.constant 1 : i32
      %add3A_687 = arith.addi %add3A_686, %select_n3A_685 : i32
      %min3A_688 = arith.constant 200 : i32
      %min3A_689 = arith.minsi %add3A_687, %min3A_688 : i32
      %jit3A_690 = arith.constant 2 : i32
      %div3A_691 = arith.divsi %min3A_689, %jit3A_690 : i32
      %sign3A_692 = arith.constant 0 : i32
      %sign3A_693 = arith.cmpi sgt, %min3A_689, %sign3A_692 : i32
      %sign3A_694 = arith.extui %sign3A_693 : i1 to i32
      %sign3A_695 = arith.constant 0 : i32
      %sign3A_696 = arith.cmpi slt, %min3A_689, %sign3A_695 : i32
      %sign3A_697 = arith.extui %sign3A_696 : i1 to i32
      %sign3A_698 = arith.subi %sign3A_694, %sign3A_697 : i32
      %sign3A_699 = arith.constant 0 : i32
      %sign3A_700 = arith.cmpi sgt, %jit3A_690, %sign3A_699 : i32
      %sign3A_701 = arith.extui %sign3A_700 : i1 to i32
      %sign3A_702 = arith.constant 0 : i32
      %sign3A_703 = arith.cmpi slt, %jit3A_690, %sign3A_702 : i32
      %sign3A_704 = arith.extui %sign3A_703 : i1 to i32
      %sign3A_705 = arith.subi %sign3A_701, %sign3A_704 : i32
      %ne3A_706 = arith.cmpi ne, %sign3A_698, %sign3A_705 : i32
      %rem3A_707 = arith.remsi %min3A_689, %jit3A_690 : i32
      %ne3A_708 = arith.constant 0 : i32
      %ne3A_709 = arith.cmpi ne, %rem3A_707, %ne3A_708 : i32
      %and3A_710 = arith.andi %ne3A_706, %ne3A_709 : i1
      %sub3A_711 = arith.constant 1 : i32
      %sub3A_712 = arith.subi %div3A_691, %sub3A_711 : i32
      %select_n3A_713 = arith.select %and3A_710, %sub3A_712, %div3A_691 : i32
      %sub3A_714 = arith.constant 0 : i32
      %sub3A_715 = arith.subi %select_n3A_713, %sub3A_714 : i32
      %mul3A_716 = arith.constant 1024 : i32
      %mul3A_717 = arith.muli %sub3A_715, %mul3A_716 : i32
      %jit3A_718 = arith.constant 8 : i32
      %eq3A_719 = arith.constant 0 : i32
      %eq3A_720 = arith.cmpi eq, %jit3A_718, %eq3A_719 : i32
      %jit3A_721 = arith.constant 1 : i32
      %select_n3A_722 = arith.select %eq3A_720, %jit3A_721, %jit3A_718 : i32
      %rem3A_723 = arith.remsi %add3A_661, %select_n3A_722 : i32
      %ne3A_724 = arith.constant 0 : i32
      %ne3A_725 = arith.cmpi ne, %rem3A_723, %ne3A_724 : i32
      %lt3A_726 = arith.constant 0 : i32
      %lt3A_727 = arith.cmpi slt, %rem3A_723, %lt3A_726 : i32
      %lt3A_728 = arith.constant 0 : i32
      %lt3A_729 = arith.cmpi slt, %select_n3A_722, %lt3A_728 : i32
      %ne3A_730 = arith.xori %lt3A_727, %lt3A_729 : i1
      %and3A_731 = arith.andi %ne3A_730, %ne3A_725 : i1
      %add3A_732 = arith.addi %rem3A_723, %select_n3A_722 : i32
      %select_n3A_733 = arith.select %and3A_731, %add3A_732, %rem3A_723 : i32
      %mul3A_734 = arith.constant 128 : i32
      %mul3A_735 = arith.muli %select_n3A_733, %mul3A_734 : i32
      %add3A_736 = arith.addi %mul3A_717, %mul3A_735 : i32
      %lt3A_737 = arith.constant 792 : i32
      %lt3A_738 = arith.cmpi slt, %add3A_661, %lt3A_737 : i32
      %sub3A_739 = arith.constant 792 : i32
      %sub3A_740 = arith.subi %add3A_661, %sub3A_739 : i32
      %mul3A_741 = arith.constant 128 : i32
      %mul3A_742 = arith.muli %sub3A_740, %mul3A_741 : i32
      %add3A_743 = arith.constant 51200 : i32
      %add3A_744 = arith.addi %add3A_743, %mul3A_742 : i32
      %select_n3A_745 = arith.select %lt3A_738, %add3A_736, %add3A_744 : i32
      %jit3A_746 = arith.constant 2 : i32
      %eq3A_747 = arith.constant 0 : i32
      %eq3A_748 = arith.cmpi eq, %jit3A_746, %eq3A_747 : i32
      %jit3A_749 = arith.constant 1 : i32
      %select_n3A_750 = arith.select %eq3A_748, %jit3A_749, %jit3A_746 : i32
      %rem3A_751 = arith.remsi %min3A_689, %select_n3A_750 : i32
      %ne3A_752 = arith.constant 0 : i32
      %ne3A_753 = arith.cmpi ne, %rem3A_751, %ne3A_752 : i32
      %lt3A_754 = arith.constant 0 : i32
      %lt3A_755 = arith.cmpi slt, %rem3A_751, %lt3A_754 : i32
      %lt3A_756 = arith.constant 0 : i32
      %lt3A_757 = arith.cmpi slt, %select_n3A_750, %lt3A_756 : i32
      %ne3A_758 = arith.xori %lt3A_755, %lt3A_757 : i1
      %and3A_759 = arith.andi %ne3A_758, %ne3A_753 : i1
      %add3A_760 = arith.addi %rem3A_751, %select_n3A_750 : i32
      %select_n3A_761 = arith.select %and3A_759, %add3A_760, %rem3A_751 : i32
      %mul3A_762 = arith.constant 64 : i32
      %mul3A_763 = arith.muli %select_n3A_761, %mul3A_762 : i32
      "tpu.region"() ({
        %run_scoped3A = tpu.sem_alloc : memref<!tpu.dma_semaphore, #tpu.memory_space<semaphore_mem>>
        %dma_start3A_1740 = arith.constant 0 : i32
        %dma_start3A_1741 = arith.constant 0 : i32
        %dma_start3A_1742 = tpu.memref_slice %arg6[%dma_start3A_1740, %dma_start3A_1741] : memref<640x64xf32, #tpu.memory_space<vmem>> -> memref<128x64xf32, #tpu.memory_space<vmem>>
        %dma_start3A_1743 = tpu.memref_slice %arg4[%select_n3A_745, %mul3A_763] : memref<52224x128xf32, #tpu.memory_space<hbm>> -> memref<128x64xf32, #tpu.memory_space<hbm>>
        %dma_start3A_1744 = tpu.memref_slice %arg4[%select_n3A_745, %mul3A_763] : memref<52224x128xf32, #tpu.memory_space<hbm>> -> memref<128x64xf32, #tpu.memory_space<hbm>>
        %dma_start3A_1745 = arith.constant 0 : i32
        %dma_start3A_1746 = arith.constant 0 : i32
        %dma_start3A_1747 = tpu.memref_slice %arg6[%dma_start3A_1745, %dma_start3A_1746] : memref<640x64xf32, #tpu.memory_space<vmem>> -> memref<128x64xf32, #tpu.memory_space<vmem>>
        tpu.enqueue_dma source(%dma_start3A_1747 : memref<128x64xf32, #tpu.memory_space<vmem>>) target(%dma_start3A_1744 : memref<128x64xf32, #tpu.memory_space<hbm>>) target_semaphore(%run_scoped3A : memref<!tpu.dma_semaphore, #tpu.memory_space<semaphore_mem>>)
        %dma_wait3A_1748 = arith.constant 0 : i32
        %dma_wait3A_1749 = arith.constant 0 : i32
        %dma_wait3A_1750 = tpu.memref_slice %arg6[%dma_wait3A_1748, %dma_wait3A_1749] : memref<640x64xf32, #tpu.memory_space<vmem>> -> memref<128x64xf32, #tpu.memory_space<vmem>>
        %dma_wait3A_1751 = tpu.memref_slice %arg4[%select_n3A_745, %mul3A_763] : memref<52224x128xf32, #tpu.memory_space<hbm>> -> memref<128x64xf32, #tpu.memory_space<hbm>>
        %dma_wait3A_1752 = tpu.memref_slice %arg4[%select_n3A_745, %mul3A_763] : memref<52224x128xf32, #tpu.memory_space<hbm>> -> memref<128x64xf32, #tpu.memory_space<hbm>>
        %dma_wait3A_1753 = arith.constant 0 : i32
        %dma_wait3A_1754 = arith.constant 0 : i32
        %dma_wait3A_1755 = tpu.memref_slice %arg6[%dma_wait3A_1753, %dma_wait3A_1754] : memref<640x64xf32, #tpu.memory_space<vmem>> -> memref<128x64xf32, #tpu.memory_space<vmem>>
        tpu.wait_dma2 semaphore(%run_scoped3A : memref<!tpu.dma_semaphore, #tpu.memory_space<semaphore_mem>>) src(%dma_wait3A_1755 : memref<128x64xf32, #tpu.memory_space<vmem>>) dst(%dma_wait3A_1752 : memref<128x64xf32, #tpu.memory_space<hbm>>)
        tpu.yield
      }) : () -> ()
      %mul3A_764 = arith.constant 5 : i32
      %mul3A_765 = arith.muli %mul3A_583, %mul3A_764 : i32
      %add3A_766 = arith.addi %mul3A_2, %mul3A_765 : i32
      %add3A_767 = arith.constant 1 : i32
      %add3A_768 = arith.addi %add3A_766, %add3A_767 : i32
      %jit3A_769 = arith.constant 8 : i32
      %div3A_770 = arith.divsi %add3A_768, %jit3A_769 : i32
      %sign3A_771 = arith.constant 0 : i32
      %sign3A_772 = arith.cmpi sgt, %add3A_768, %sign3A_771 : i32
      %sign3A_773 = arith.extui %sign3A_772 : i1 to i32
      %sign3A_774 = arith.constant 0 : i32
      %sign3A_775 = arith.cmpi slt, %add3A_768, %sign3A_774 : i32
      %sign3A_776 = arith.extui %sign3A_775 : i1 to i32
      %sign3A_777 = arith.subi %sign3A_773, %sign3A_776 : i32
      %sign3A_778 = arith.constant 0 : i32
      %sign3A_779 = arith.cmpi sgt, %jit3A_769, %sign3A_778 : i32
      %sign3A_780 = arith.extui %sign3A_779 : i1 to i32
      %sign3A_781 = arith.constant 0 : i32
      %sign3A_782 = arith.cmpi slt, %jit3A_769, %sign3A_781 : i32
      %sign3A_783 = arith.extui %sign3A_782 : i1 to i32
      %sign3A_784 = arith.subi %sign3A_780, %sign3A_783 : i32
      %ne3A_785 = arith.cmpi ne, %sign3A_777, %sign3A_784 : i32
      %rem3A_786 = arith.remsi %add3A_768, %jit3A_769 : i32
      %ne3A_787 = arith.constant 0 : i32
      %ne3A_788 = arith.cmpi ne, %rem3A_786, %ne3A_787 : i32
      %and3A_789 = arith.andi %ne3A_785, %ne3A_788 : i1
      %sub3A_790 = arith.constant 1 : i32
      %sub3A_791 = arith.subi %div3A_770, %sub3A_790 : i32
      %select_n3A_792 = arith.select %and3A_789, %sub3A_791, %div3A_770 : i32
      %add3A_793 = arith.constant 1 : i32
      %add3A_794 = arith.addi %add3A_793, %select_n3A_792 : i32
      %min3A_795 = arith.constant 200 : i32
      %min3A_796 = arith.minsi %add3A_794, %min3A_795 : i32
      %jit3A_797 = arith.constant 2 : i32
      %div3A_798 = arith.divsi %min3A_796, %jit3A_797 : i32
      %sign3A_799 = arith.constant 0 : i32
      %sign3A_800 = arith.cmpi sgt, %min3A_796, %sign3A_799 : i32
      %sign3A_801 = arith.extui %sign3A_800 : i1 to i32
      %sign3A_802 = arith.constant 0 : i32
      %sign3A_803 = arith.cmpi slt, %min3A_796, %sign3A_802 : i32
      %sign3A_804 = arith.extui %sign3A_803 : i1 to i32
      %sign3A_805 = arith.subi %sign3A_801, %sign3A_804 : i32
      %sign3A_806 = arith.constant 0 : i32
      %sign3A_807 = arith.cmpi sgt, %jit3A_797, %sign3A_806 : i32
      %sign3A_808 = arith.extui %sign3A_807 : i1 to i32
      %sign3A_809 = arith.constant 0 : i32
      %sign3A_810 = arith.cmpi slt, %jit3A_797, %sign3A_809 : i32
      %sign3A_811 = arith.extui %sign3A_810 : i1 to i32
      %sign3A_812 = arith.subi %sign3A_808, %sign3A_811 : i32
      %ne3A_813 = arith.cmpi ne, %sign3A_805, %sign3A_812 : i32
      %rem3A_814 = arith.remsi %min3A_796, %jit3A_797 : i32
      %ne3A_815 = arith.constant 0 : i32
      %ne3A_816 = arith.cmpi ne, %rem3A_814, %ne3A_815 : i32
      %and3A_817 = arith.andi %ne3A_813, %ne3A_816 : i1
      %sub3A_818 = arith.constant 1 : i32
      %sub3A_819 = arith.subi %div3A_798, %sub3A_818 : i32
      %select_n3A_820 = arith.select %and3A_817, %sub3A_819, %div3A_798 : i32
      %sub3A_821 = arith.constant 0 : i32
      %sub3A_822 = arith.subi %select_n3A_820, %sub3A_821 : i32
      %mul3A_823 = arith.constant 1024 : i32
      %mul3A_824 = arith.muli %sub3A_822, %mul3A_823 : i32
      %jit3A_825 = arith.constant 8 : i32
      %eq3A_826 = arith.constant 0 : i32
      %eq3A_827 = arith.cmpi eq, %jit3A_825, %eq3A_826 : i32
      %jit3A_828 = arith.constant 1 : i32
      %select_n3A_829 = arith.select %eq3A_827, %jit3A_828, %jit3A_825 : i32
      %rem3A_830 = arith.remsi %add3A_768, %select_n3A_829 : i32
      %ne3A_831 = arith.constant 0 : i32
      %ne3A_832 = arith.cmpi ne, %rem3A_830, %ne3A_831 : i32
      %lt3A_833 = arith.constant 0 : i32
      %lt3A_834 = arith.cmpi slt, %rem3A_830, %lt3A_833 : i32
      %lt3A_835 = arith.constant 0 : i32
      %lt3A_836 = arith.cmpi slt, %select_n3A_829, %lt3A_835 : i32
      %ne3A_837 = arith.xori %lt3A_834, %lt3A_836 : i1
      %and3A_838 = arith.andi %ne3A_837, %ne3A_832 : i1
      %add3A_839 = arith.addi %rem3A_830, %select_n3A_829 : i32
      %select_n3A_840 = arith.select %and3A_838, %add3A_839, %rem3A_830 : i32
      %mul3A_841 = arith.constant 128 : i32
      %mul3A_842 = arith.muli %select_n3A_840, %mul3A_841 : i32
      %add3A_843 = arith.addi %mul3A_824, %mul3A_842 : i32
      %lt3A_844 = arith.constant 792 : i32
      %lt3A_845 = arith.cmpi slt, %add3A_768, %lt3A_844 : i32
      %sub3A_846 = arith.constant 792 : i32
      %sub3A_847 = arith.subi %add3A_768, %sub3A_846 : i32
      %mul3A_848 = arith.constant 128 : i32
      %mul3A_849 = arith.muli %sub3A_847, %mul3A_848 : i32
      %add3A_850 = arith.constant 51200 : i32
      %add3A_851 = arith.addi %add3A_850, %mul3A_849 : i32
      %select_n3A_852 = arith.select %lt3A_845, %add3A_843, %add3A_851 : i32
      %jit3A_853 = arith.constant 2 : i32
      %eq3A_854 = arith.constant 0 : i32
      %eq3A_855 = arith.cmpi eq, %jit3A_853, %eq3A_854 : i32
      %jit3A_856 = arith.constant 1 : i32
      %select_n3A_857 = arith.select %eq3A_855, %jit3A_856, %jit3A_853 : i32
      %rem3A_858 = arith.remsi %min3A_796, %select_n3A_857 : i32
      %ne3A_859 = arith.constant 0 : i32
      %ne3A_860 = arith.cmpi ne, %rem3A_858, %ne3A_859 : i32
      %lt3A_861 = arith.constant 0 : i32
      %lt3A_862 = arith.cmpi slt, %rem3A_858, %lt3A_861 : i32
      %lt3A_863 = arith.constant 0 : i32
      %lt3A_864 = arith.cmpi slt, %select_n3A_857, %lt3A_863 : i32
      %ne3A_865 = arith.xori %lt3A_862, %lt3A_864 : i1
      %and3A_866 = arith.andi %ne3A_865, %ne3A_860 : i1
      %add3A_867 = arith.addi %rem3A_858, %select_n3A_857 : i32
      %select_n3A_868 = arith.select %and3A_866, %add3A_867, %rem3A_858 : i32
      %mul3A_869 = arith.constant 64 : i32
      %mul3A_870 = arith.muli %select_n3A_868, %mul3A_869 : i32
      "tpu.region"() ({
        %run_scoped3A = tpu.sem_alloc : memref<!tpu.dma_semaphore, #tpu.memory_space<semaphore_mem>>
        %dma_start3A_1740 = arith.constant 128 : i32
        %dma_start3A_1741 = arith.constant 0 : i32
        %dma_start3A_1742 = tpu.memref_slice %arg6[%dma_start3A_1740, %dma_start3A_1741] : memref<640x64xf32, #tpu.memory_space<vmem>> -> memref<128x64xf32, #tpu.memory_space<vmem>>
        %dma_start3A_1743 = tpu.memref_slice %arg4[%select_n3A_852, %mul3A_870] : memref<52224x128xf32, #tpu.memory_space<hbm>> -> memref<128x64xf32, #tpu.memory_space<hbm>>
        %dma_start3A_1744 = tpu.memref_slice %arg4[%select_n3A_852, %mul3A_870] : memref<52224x128xf32, #tpu.memory_space<hbm>> -> memref<128x64xf32, #tpu.memory_space<hbm>>
        %dma_start3A_1745 = arith.constant 128 : i32
        %dma_start3A_1746 = arith.constant 0 : i32
        %dma_start3A_1747 = tpu.memref_slice %arg6[%dma_start3A_1745, %dma_start3A_1746] : memref<640x64xf32, #tpu.memory_space<vmem>> -> memref<128x64xf32, #tpu.memory_space<vmem>>
        tpu.enqueue_dma source(%dma_start3A_1747 : memref<128x64xf32, #tpu.memory_space<vmem>>) target(%dma_start3A_1744 : memref<128x64xf32, #tpu.memory_space<hbm>>) target_semaphore(%run_scoped3A : memref<!tpu.dma_semaphore, #tpu.memory_space<semaphore_mem>>)
        %dma_wait3A_1748 = arith.constant 128 : i32
        %dma_wait3A_1749 = arith.constant 0 : i32
        %dma_wait3A_1750 = tpu.memref_slice %arg6[%dma_wait3A_1748, %dma_wait3A_1749] : memref<640x64xf32, #tpu.memory_space<vmem>> -> memref<128x64xf32, #tpu.memory_space<vmem>>
        %dma_wait3A_1751 = tpu.memref_slice %arg4[%select_n3A_852, %mul3A_870] : memref<52224x128xf32, #tpu.memory_space<hbm>> -> memref<128x64xf32, #tpu.memory_space<hbm>>
        %dma_wait3A_1752 = tpu.memref_slice %arg4[%select_n3A_852, %mul3A_870] : memref<52224x128xf32, #tpu.memory_space<hbm>> -> memref<128x64xf32, #tpu.memory_space<hbm>>
        %dma_wait3A_1753 = arith.constant 128 : i32
        %dma_wait3A_1754 = arith.constant 0 : i32
        %dma_wait3A_1755 = tpu.memref_slice %arg6[%dma_wait3A_1753, %dma_wait3A_1754] : memref<640x64xf32, #tpu.memory_space<vmem>> -> memref<128x64xf32, #tpu.memory_space<vmem>>
        tpu.wait_dma2 semaphore(%run_scoped3A : memref<!tpu.dma_semaphore, #tpu.memory_space<semaphore_mem>>) src(%dma_wait3A_1755 : memref<128x64xf32, #tpu.memory_space<vmem>>) dst(%dma_wait3A_1752 : memref<128x64xf32, #tpu.memory_space<hbm>>)
        tpu.yield
      }) : () -> ()
      %mul3A_871 = arith.constant 5 : i32
      %mul3A_872 = arith.muli %mul3A_583, %mul3A_871 : i32
      %add3A_873 = arith.addi %mul3A_2, %mul3A_872 : i32
      %add3A_874 = arith.constant 2 : i32
      %add3A_875 = arith.addi %add3A_873, %add3A_874 : i32
      %jit3A_876 = arith.constant 8 : i32
      %div3A_877 = arith.divsi %add3A_875, %jit3A_876 : i32
      %sign3A_878 = arith.constant 0 : i32
      %sign3A_879 = arith.cmpi sgt, %add3A_875, %sign3A_878 : i32
      %sign3A_880 = arith.extui %sign3A_879 : i1 to i32
      %sign3A_881 = arith.constant 0 : i32
      %sign3A_882 = arith.cmpi slt, %add3A_875, %sign3A_881 : i32
      %sign3A_883 = arith.extui %sign3A_882 : i1 to i32
      %sign3A_884 = arith.subi %sign3A_880, %sign3A_883 : i32
      %sign3A_885 = arith.constant 0 : i32
      %sign3A_886 = arith.cmpi sgt, %jit3A_876, %sign3A_885 : i32
      %sign3A_887 = arith.extui %sign3A_886 : i1 to i32
      %sign3A_888 = arith.constant 0 : i32
      %sign3A_889 = arith.cmpi slt, %jit3A_876, %sign3A_888 : i32
      %sign3A_890 = arith.extui %sign3A_889 : i1 to i32
      %sign3A_891 = arith.subi %sign3A_887, %sign3A_890 : i32
      %ne3A_892 = arith.cmpi ne, %sign3A_884, %sign3A_891 : i32
      %rem3A_893 = arith.remsi %add3A_875, %jit3A_876 : i32
      %ne3A_894 = arith.constant 0 : i32
      %ne3A_895 = arith.cmpi ne, %rem3A_893, %ne3A_894 : i32
      %and3A_896 = arith.andi %ne3A_892, %ne3A_895 : i1
      %sub3A_897 = arith.constant 1 : i32
      %sub3A_898 = arith.subi %div3A_877, %sub3A_897 : i32
      %select_n3A_899 = arith.select %and3A_896, %sub3A_898, %div3A_877 : i32
      %add3A_900 = arith.constant 1 : i32
      %add3A_901 = arith.addi %add3A_900, %select_n3A_899 : i32
      %min3A_902 = arith.constant 200 : i32
      %min3A_903 = arith.minsi %add3A_901, %min3A_902 : i32
      %jit3A_904 = arith.constant 2 : i32
      %div3A_905 = arith.divsi %min3A_903, %jit3A_904 : i32
      %sign3A_906 = arith.constant 0 : i32
      %sign3A_907 = arith.cmpi sgt, %min3A_903, %sign3A_906 : i32
      %sign3A_908 = arith.extui %sign3A_907 : i1 to i32
      %sign3A_909 = arith.constant 0 : i32
      %sign3A_910 = arith.cmpi slt, %min3A_903, %sign3A_909 : i32
      %sign3A_911 = arith.extui %sign3A_910 : i1 to i32
      %sign3A_912 = arith.subi %sign3A_908, %sign3A_911 : i32
      %sign3A_913 = arith.constant 0 : i32
      %sign3A_914 = arith.cmpi sgt, %jit3A_904, %sign3A_913 : i32
      %sign3A_915 = arith.extui %sign3A_914 : i1 to i32
      %sign3A_916 = arith.constant 0 : i32
      %sign3A_917 = arith.cmpi slt, %jit3A_904, %sign3A_916 : i32
      %sign3A_918 = arith.extui %sign3A_917 : i1 to i32
      %sign3A_919 = arith.subi %sign3A_915, %sign3A_918 : i32
      %ne3A_920 = arith.cmpi ne, %sign3A_912, %sign3A_919 : i32
      %rem3A_921 = arith.remsi %min3A_903, %jit3A_904 : i32
      %ne3A_922 = arith.constant 0 : i32
      %ne3A_923 = arith.cmpi ne, %rem3A_921, %ne3A_922 : i32
      %and3A_924 = arith.andi %ne3A_920, %ne3A_923 : i1
      %sub3A_925 = arith.constant 1 : i32
      %sub3A_926 = arith.subi %div3A_905, %sub3A_925 : i32
      %select_n3A_927 = arith.select %and3A_924, %sub3A_926, %div3A_905 : i32
      %sub3A_928 = arith.constant 0 : i32
      %sub3A_929 = arith.subi %select_n3A_927, %sub3A_928 : i32
      %mul3A_930 = arith.constant 1024 : i32
      %mul3A_931 = arith.muli %sub3A_929, %mul3A_930 : i32
      %jit3A_932 = arith.constant 8 : i32
      %eq3A_933 = arith.constant 0 : i32
      %eq3A_934 = arith.cmpi eq, %jit3A_932, %eq3A_933 : i32
      %jit3A_935 = arith.constant 1 : i32
      %select_n3A_936 = arith.select %eq3A_934, %jit3A_935, %jit3A_932 : i32
      %rem3A_937 = arith.remsi %add3A_875, %select_n3A_936 : i32
      %ne3A_938 = arith.constant 0 : i32
      %ne3A_939 = arith.cmpi ne, %rem3A_937, %ne3A_938 : i32
      %lt3A_940 = arith.constant 0 : i32
      %lt3A_941 = arith.cmpi slt, %rem3A_937, %lt3A_940 : i32
      %lt3A_942 = arith.constant 0 : i32
      %lt3A_943 = arith.cmpi slt, %select_n3A_936, %lt3A_942 : i32
      %ne3A_944 = arith.xori %lt3A_941, %lt3A_943 : i1
      %and3A_945 = arith.andi %ne3A_944, %ne3A_939 : i1
      %add3A_946 = arith.addi %rem3A_937, %select_n3A_936 : i32
      %select_n3A_947 = arith.select %and3A_945, %add3A_946, %rem3A_937 : i32
      %mul3A_948 = arith.constant 128 : i32
      %mul3A_949 = arith.muli %select_n3A_947, %mul3A_948 : i32
      %add3A_950 = arith.addi %mul3A_931, %mul3A_949 : i32
      %lt3A_951 = arith.constant 792 : i32
      %lt3A_952 = arith.cmpi slt, %add3A_875, %lt3A_951 : i32
      %sub3A_953 = arith.constant 792 : i32
      %sub3A_954 = arith.subi %add3A_875, %sub3A_953 : i32
      %mul3A_955 = arith.constant 128 : i32
      %mul3A_956 = arith.muli %sub3A_954, %mul3A_955 : i32
      %add3A_957 = arith.constant 51200 : i32
      %add3A_958 = arith.addi %add3A_957, %mul3A_956 : i32
      %select_n3A_959 = arith.select %lt3A_952, %add3A_950, %add3A_958 : i32
      %jit3A_960 = arith.constant 2 : i32
      %eq3A_961 = arith.constant 0 : i32
      %eq3A_962 = arith.cmpi eq, %jit3A_960, %eq3A_961 : i32
      %jit3A_963 = arith.constant 1 : i32
      %select_n3A_964 = arith.select %eq3A_962, %jit3A_963, %jit3A_960 : i32
      %rem3A_965 = arith.remsi %min3A_903, %select_n3A_964 : i32
      %ne3A_966 = arith.constant 0 : i32
      %ne3A_967 = arith.cmpi ne, %rem3A_965, %ne3A_966 : i32
      %lt3A_968 = arith.constant 0 : i32
      %lt3A_969 = arith.cmpi slt, %rem3A_965, %lt3A_968 : i32
      %lt3A_970 = arith.constant 0 : i32
      %lt3A_971 = arith.cmpi slt, %select_n3A_964, %lt3A_970 : i32
      %ne3A_972 = arith.xori %lt3A_969, %lt3A_971 : i1
      %and3A_973 = arith.andi %ne3A_972, %ne3A_967 : i1
      %add3A_974 = arith.addi %rem3A_965, %select_n3A_964 : i32
      %select_n3A_975 = arith.select %and3A_973, %add3A_974, %rem3A_965 : i32
      %mul3A_976 = arith.constant 64 : i32
      %mul3A_977 = arith.muli %select_n3A_975, %mul3A_976 : i32
      "tpu.region"() ({
        %run_scoped3A = tpu.sem_alloc : memref<!tpu.dma_semaphore, #tpu.memory_space<semaphore_mem>>
        %dma_start3A_1740 = arith.constant 256 : i32
        %dma_start3A_1741 = arith.constant 0 : i32
        %dma_start3A_1742 = tpu.memref_slice %arg6[%dma_start3A_1740, %dma_start3A_1741] : memref<640x64xf32, #tpu.memory_space<vmem>> -> memref<128x64xf32, #tpu.memory_space<vmem>>
        %dma_start3A_1743 = tpu.memref_slice %arg4[%select_n3A_959, %mul3A_977] : memref<52224x128xf32, #tpu.memory_space<hbm>> -> memref<128x64xf32, #tpu.memory_space<hbm>>
        %dma_start3A_1744 = tpu.memref_slice %arg4[%select_n3A_959, %mul3A_977] : memref<52224x128xf32, #tpu.memory_space<hbm>> -> memref<128x64xf32, #tpu.memory_space<hbm>>
        %dma_start3A_1745 = arith.constant 256 : i32
        %dma_start3A_1746 = arith.constant 0 : i32
        %dma_start3A_1747 = tpu.memref_slice %arg6[%dma_start3A_1745, %dma_start3A_1746] : memref<640x64xf32, #tpu.memory_space<vmem>> -> memref<128x64xf32, #tpu.memory_space<vmem>>
        tpu.enqueue_dma source(%dma_start3A_1747 : memref<128x64xf32, #tpu.memory_space<vmem>>) target(%dma_start3A_1744 : memref<128x64xf32, #tpu.memory_space<hbm>>) target_semaphore(%run_scoped3A : memref<!tpu.dma_semaphore, #tpu.memory_space<semaphore_mem>>)
        %dma_wait3A_1748 = arith.constant 256 : i32
        %dma_wait3A_1749 = arith.constant 0 : i32
        %dma_wait3A_1750 = tpu.memref_slice %arg6[%dma_wait3A_1748, %dma_wait3A_1749] : memref<640x64xf32, #tpu.memory_space<vmem>> -> memref<128x64xf32, #tpu.memory_space<vmem>>
        %dma_wait3A_1751 = tpu.memref_slice %arg4[%select_n3A_959, %mul3A_977] : memref<52224x128xf32, #tpu.memory_space<hbm>> -> memref<128x64xf32, #tpu.memory_space<hbm>>
        %dma_wait3A_1752 = tpu.memref_slice %arg4[%select_n3A_959, %mul3A_977] : memref<52224x128xf32, #tpu.memory_space<hbm>> -> memref<128x64xf32, #tpu.memory_space<hbm>>
        %dma_wait3A_1753 = arith.constant 256 : i32
        %dma_wait3A_1754 = arith.constant 0 : i32
        %dma_wait3A_1755 = tpu.memref_slice %arg6[%dma_wait3A_1753, %dma_wait3A_1754] : memref<640x64xf32, #tpu.memory_space<vmem>> -> memref<128x64xf32, #tpu.memory_space<vmem>>
        tpu.wait_dma2 semaphore(%run_scoped3A : memref<!tpu.dma_semaphore, #tpu.memory_space<semaphore_mem>>) src(%dma_wait3A_1755 : memref<128x64xf32, #tpu.memory_space<vmem>>) dst(%dma_wait3A_1752 : memref<128x64xf32, #tpu.memory_space<hbm>>)
        tpu.yield
      }) : () -> ()
      %mul3A_978 = arith.constant 5 : i32
      %mul3A_979 = arith.muli %mul3A_583, %mul3A_978 : i32
      %add3A_980 = arith.addi %mul3A_2, %mul3A_979 : i32
      %add3A_981 = arith.constant 3 : i32
      %add3A_982 = arith.addi %add3A_980, %add3A_981 : i32
      %jit3A_983 = arith.constant 8 : i32
      %div3A_984 = arith.divsi %add3A_982, %jit3A_983 : i32
      %sign3A_985 = arith.constant 0 : i32
      %sign3A_986 = arith.cmpi sgt, %add3A_982, %sign3A_985 : i32
      %sign3A_987 = arith.extui %sign3A_986 : i1 to i32
      %sign3A_988 = arith.constant 0 : i32
      %sign3A_989 = arith.cmpi slt, %add3A_982, %sign3A_988 : i32
      %sign3A_990 = arith.extui %sign3A_989 : i1 to i32
      %sign3A_991 = arith.subi %sign3A_987, %sign3A_990 : i32
      %sign3A_992 = arith.constant 0 : i32
      %sign3A_993 = arith.cmpi sgt, %jit3A_983, %sign3A_992 : i32
      %sign3A_994 = arith.extui %sign3A_993 : i1 to i32
      %sign3A_995 = arith.constant 0 : i32
      %sign3A_996 = arith.cmpi slt, %jit3A_983, %sign3A_995 : i32
      %sign3A_997 = arith.extui %sign3A_996 : i1 to i32
      %sign3A_998 = arith.subi %sign3A_994, %sign3A_997 : i32
      %ne3A_999 = arith.cmpi ne, %sign3A_991, %sign3A_998 : i32
      %rem3A_1000 = arith.remsi %add3A_982, %jit3A_983 : i32
      %ne3A_1001 = arith.constant 0 : i32
      %ne3A_1002 = arith.cmpi ne, %rem3A_1000, %ne3A_1001 : i32
      %and3A_1003 = arith.andi %ne3A_999, %ne3A_1002 : i1
      %sub3A_1004 = arith.constant 1 : i32
      %sub3A_1005 = arith.subi %div3A_984, %sub3A_1004 : i32
      %select_n3A_1006 = arith.select %and3A_1003, %sub3A_1005, %div3A_984 : i32
      %add3A_1007 = arith.constant 1 : i32
      %add3A_1008 = arith.addi %add3A_1007, %select_n3A_1006 : i32
      %min3A_1009 = arith.constant 200 : i32
      %min3A_1010 = arith.minsi %add3A_1008, %min3A_1009 : i32
      %jit3A_1011 = arith.constant 2 : i32
      %div3A_1012 = arith.divsi %min3A_1010, %jit3A_1011 : i32
      %sign3A_1013 = arith.constant 0 : i32
      %sign3A_1014 = arith.cmpi sgt, %min3A_1010, %sign3A_1013 : i32
      %sign3A_1015 = arith.extui %sign3A_1014 : i1 to i32
      %sign3A_1016 = arith.constant 0 : i32
      %sign3A_1017 = arith.cmpi slt, %min3A_1010, %sign3A_1016 : i32
      %sign3A_1018 = arith.extui %sign3A_1017 : i1 to i32
      %sign3A_1019 = arith.subi %sign3A_1015, %sign3A_1018 : i32
      %sign3A_1020 = arith.constant 0 : i32
      %sign3A_1021 = arith.cmpi sgt, %jit3A_1011, %sign3A_1020 : i32
      %sign3A_1022 = arith.extui %sign3A_1021 : i1 to i32
      %sign3A_1023 = arith.constant 0 : i32
      %sign3A_1024 = arith.cmpi slt, %jit3A_1011, %sign3A_1023 : i32
      %sign3A_1025 = arith.extui %sign3A_1024 : i1 to i32
      %sign3A_1026 = arith.subi %sign3A_1022, %sign3A_1025 : i32
      %ne3A_1027 = arith.cmpi ne, %sign3A_1019, %sign3A_1026 : i32
      %rem3A_1028 = arith.remsi %min3A_1010, %jit3A_1011 : i32
      %ne3A_1029 = arith.constant 0 : i32
      %ne3A_1030 = arith.cmpi ne, %rem3A_1028, %ne3A_1029 : i32
      %and3A_1031 = arith.andi %ne3A_1027, %ne3A_1030 : i1
      %sub3A_1032 = arith.constant 1 : i32
      %sub3A_1033 = arith.subi %div3A_1012, %sub3A_1032 : i32
      %select_n3A_1034 = arith.select %and3A_1031, %sub3A_1033, %div3A_1012 : i32
      %sub3A_1035 = arith.constant 0 : i32
      %sub3A_1036 = arith.subi %select_n3A_1034, %sub3A_1035 : i32
      %mul3A_1037 = arith.constant 1024 : i32
      %mul3A_1038 = arith.muli %sub3A_1036, %mul3A_1037 : i32
      %jit3A_1039 = arith.constant 8 : i32
      %eq3A_1040 = arith.constant 0 : i32
      %eq3A_1041 = arith.cmpi eq, %jit3A_1039, %eq3A_1040 : i32
      %jit3A_1042 = arith.constant 1 : i32
      %select_n3A_1043 = arith.select %eq3A_1041, %jit3A_1042, %jit3A_1039 : i32
      %rem3A_1044 = arith.remsi %add3A_982, %select_n3A_1043 : i32
      %ne3A_1045 = arith.constant 0 : i32
      %ne3A_1046 = arith.cmpi ne, %rem3A_1044, %ne3A_1045 : i32
      %lt3A_1047 = arith.constant 0 : i32
      %lt3A_1048 = arith.cmpi slt, %rem3A_1044, %lt3A_1047 : i32
      %lt3A_1049 = arith.constant 0 : i32
      %lt3A_1050 = arith.cmpi slt, %select_n3A_1043, %lt3A_1049 : i32
      %ne3A_1051 = arith.xori %lt3A_1048, %lt3A_1050 : i1
      %and3A_1052 = arith.andi %ne3A_1051, %ne3A_1046 : i1
      %add3A_1053 = arith.addi %rem3A_1044, %select_n3A_1043 : i32
      %select_n3A_1054 = arith.select %and3A_1052, %add3A_1053, %rem3A_1044 : i32
      %mul3A_1055 = arith.constant 128 : i32
      %mul3A_1056 = arith.muli %select_n3A_1054, %mul3A_1055 : i32
      %add3A_1057 = arith.addi %mul3A_1038, %mul3A_1056 : i32
      %lt3A_1058 = arith.constant 792 : i32
      %lt3A_1059 = arith.cmpi slt, %add3A_982, %lt3A_1058 : i32
      %sub3A_1060 = arith.constant 792 : i32
      %sub3A_1061 = arith.subi %add3A_982, %sub3A_1060 : i32
      %mul3A_1062 = arith.constant 128 : i32
      %mul3A_1063 = arith.muli %sub3A_1061, %mul3A_1062 : i32
      %add3A_1064 = arith.constant 51200 : i32
      %add3A_1065 = arith.addi %add3A_1064, %mul3A_1063 : i32
      %select_n3A_1066 = arith.select %lt3A_1059, %add3A_1057, %add3A_1065 : i32
      %jit3A_1067 = arith.constant 2 : i32
      %eq3A_1068 = arith.constant 0 : i32
      %eq3A_1069 = arith.cmpi eq, %jit3A_1067, %eq3A_1068 : i32
      %jit3A_1070 = arith.constant 1 : i32
      %select_n3A_1071 = arith.select %eq3A_1069, %jit3A_1070, %jit3A_1067 : i32
      %rem3A_1072 = arith.remsi %min3A_1010, %select_n3A_1071 : i32
      %ne3A_1073 = arith.constant 0 : i32
      %ne3A_1074 = arith.cmpi ne, %rem3A_1072, %ne3A_1073 : i32
      %lt3A_1075 = arith.constant 0 : i32
      %lt3A_1076 = arith.cmpi slt, %rem3A_1072, %lt3A_1075 : i32
      %lt3A_1077 = arith.constant 0 : i32
      %lt3A_1078 = arith.cmpi slt, %select_n3A_1071, %lt3A_1077 : i32
      %ne3A_1079 = arith.xori %lt3A_1076, %lt3A_1078 : i1
      %and3A_1080 = arith.andi %ne3A_1079, %ne3A_1074 : i1
      %add3A_1081 = arith.addi %rem3A_1072, %select_n3A_1071 : i32
      %select_n3A_1082 = arith.select %and3A_1080, %add3A_1081, %rem3A_1072 : i32
      %mul3A_1083 = arith.constant 64 : i32
      %mul3A_1084 = arith.muli %select_n3A_1082, %mul3A_1083 : i32
      "tpu.region"() ({
        %run_scoped3A = tpu.sem_alloc : memref<!tpu.dma_semaphore, #tpu.memory_space<semaphore_mem>>
        %dma_start3A_1740 = arith.constant 384 : i32
        %dma_start3A_1741 = arith.constant 0 : i32
        %dma_start3A_1742 = tpu.memref_slice %arg6[%dma_start3A_1740, %dma_start3A_1741] : memref<640x64xf32, #tpu.memory_space<vmem>> -> memref<128x64xf32, #tpu.memory_space<vmem>>
        %dma_start3A_1743 = tpu.memref_slice %arg4[%select_n3A_1066, %mul3A_1084] : memref<52224x128xf32, #tpu.memory_space<hbm>> -> memref<128x64xf32, #tpu.memory_space<hbm>>
        %dma_start3A_1744 = tpu.memref_slice %arg4[%select_n3A_1066, %mul3A_1084] : memref<52224x128xf32, #tpu.memory_space<hbm>> -> memref<128x64xf32, #tpu.memory_space<hbm>>
        %dma_start3A_1745 = arith.constant 384 : i32
        %dma_start3A_1746 = arith.constant 0 : i32
        %dma_start3A_1747 = tpu.memref_slice %arg6[%dma_start3A_1745, %dma_start3A_1746] : memref<640x64xf32, #tpu.memory_space<vmem>> -> memref<128x64xf32, #tpu.memory_space<vmem>>
        tpu.enqueue_dma source(%dma_start3A_1747 : memref<128x64xf32, #tpu.memory_space<vmem>>) target(%dma_start3A_1744 : memref<128x64xf32, #tpu.memory_space<hbm>>) target_semaphore(%run_scoped3A : memref<!tpu.dma_semaphore, #tpu.memory_space<semaphore_mem>>)
        %dma_wait3A_1748 = arith.constant 384 : i32
        %dma_wait3A_1749 = arith.constant 0 : i32
        %dma_wait3A_1750 = tpu.memref_slice %arg6[%dma_wait3A_1748, %dma_wait3A_1749] : memref<640x64xf32, #tpu.memory_space<vmem>> -> memref<128x64xf32, #tpu.memory_space<vmem>>
        %dma_wait3A_1751 = tpu.memref_slice %arg4[%select_n3A_1066, %mul3A_1084] : memref<52224x128xf32, #tpu.memory_space<hbm>> -> memref<128x64xf32, #tpu.memory_space<hbm>>
        %dma_wait3A_1752 = tpu.memref_slice %arg4[%select_n3A_1066, %mul3A_1084] : memref<52224x128xf32, #tpu.memory_space<hbm>> -> memref<128x64xf32, #tpu.memory_space<hbm>>
        %dma_wait3A_1753 = arith.constant 384 : i32
        %dma_wait3A_1754 = arith.constant 0 : i32
        %dma_wait3A_1755 = tpu.memref_slice %arg6[%dma_wait3A_1753, %dma_wait3A_1754] : memref<640x64xf32, #tpu.memory_space<vmem>> -> memref<128x64xf32, #tpu.memory_space<vmem>>
        tpu.wait_dma2 semaphore(%run_scoped3A : memref<!tpu.dma_semaphore, #tpu.memory_space<semaphore_mem>>) src(%dma_wait3A_1755 : memref<128x64xf32, #tpu.memory_space<vmem>>) dst(%dma_wait3A_1752 : memref<128x64xf32, #tpu.memory_space<hbm>>)
        tpu.yield
      }) : () -> ()
      %mul3A_1085 = arith.constant 5 : i32
      %mul3A_1086 = arith.muli %mul3A_583, %mul3A_1085 : i32
      %add3A_1087 = arith.addi %mul3A_2, %mul3A_1086 : i32
      %add3A_1088 = arith.constant 4 : i32
      %add3A_1089 = arith.addi %add3A_1087, %add3A_1088 : i32
      %jit3A_1090 = arith.constant 8 : i32
      %div3A_1091 = arith.divsi %add3A_1089, %jit3A_1090 : i32
      %sign3A_1092 = arith.constant 0 : i32
      %sign3A_1093 = arith.cmpi sgt, %add3A_1089, %sign3A_1092 : i32
      %sign3A_1094 = arith.extui %sign3A_1093 : i1 to i32
      %sign3A_1095 = arith.constant 0 : i32
      %sign3A_1096 = arith.cmpi slt, %add3A_1089, %sign3A_1095 : i32
      %sign3A_1097 = arith.extui %sign3A_1096 : i1 to i32
      %sign3A_1098 = arith.subi %sign3A_1094, %sign3A_1097 : i32
      %sign3A_1099 = arith.constant 0 : i32
      %sign3A_1100 = arith.cmpi sgt, %jit3A_1090, %sign3A_1099 : i32
      %sign3A_1101 = arith.extui %sign3A_1100 : i1 to i32
      %sign3A_1102 = arith.constant 0 : i32
      %sign3A_1103 = arith.cmpi slt, %jit3A_1090, %sign3A_1102 : i32
      %sign3A_1104 = arith.extui %sign3A_1103 : i1 to i32
      %sign3A_1105 = arith.subi %sign3A_1101, %sign3A_1104 : i32
      %ne3A_1106 = arith.cmpi ne, %sign3A_1098, %sign3A_1105 : i32
      %rem3A_1107 = arith.remsi %add3A_1089, %jit3A_1090 : i32
      %ne3A_1108 = arith.constant 0 : i32
      %ne3A_1109 = arith.cmpi ne, %rem3A_1107, %ne3A_1108 : i32
      %and3A_1110 = arith.andi %ne3A_1106, %ne3A_1109 : i1
      %sub3A_1111 = arith.constant 1 : i32
      %sub3A_1112 = arith.subi %div3A_1091, %sub3A_1111 : i32
      %select_n3A_1113 = arith.select %and3A_1110, %sub3A_1112, %div3A_1091 : i32
      %add3A_1114 = arith.constant 1 : i32
      %add3A_1115 = arith.addi %add3A_1114, %select_n3A_1113 : i32
      %min3A_1116 = arith.constant 200 : i32
      %min3A_1117 = arith.minsi %add3A_1115, %min3A_1116 : i32
      %jit3A_1118 = arith.constant 2 : i32
      %div3A_1119 = arith.divsi %min3A_1117, %jit3A_1118 : i32
      %sign3A_1120 = arith.constant 0 : i32
      %sign3A_1121 = arith.cmpi sgt, %min3A_1117, %sign3A_1120 : i32
      %sign3A_1122 = arith.extui %sign3A_1121 : i1 to i32
      %sign3A_1123 = arith.constant 0 : i32
      %sign3A_1124 = arith.cmpi slt, %min3A_1117, %sign3A_1123 : i32
      %sign3A_1125 = arith.extui %sign3A_1124 : i1 to i32
      %sign3A_1126 = arith.subi %sign3A_1122, %sign3A_1125 : i32
      %sign3A_1127 = arith.constant 0 : i32
      %sign3A_1128 = arith.cmpi sgt, %jit3A_1118, %sign3A_1127 : i32
      %sign3A_1129 = arith.extui %sign3A_1128 : i1 to i32
      %sign3A_1130 = arith.constant 0 : i32
      %sign3A_1131 = arith.cmpi slt, %jit3A_1118, %sign3A_1130 : i32
      %sign3A_1132 = arith.extui %sign3A_1131 : i1 to i32
      %sign3A_1133 = arith.subi %sign3A_1129, %sign3A_1132 : i32
      %ne3A_1134 = arith.cmpi ne, %sign3A_1126, %sign3A_1133 : i32
      %rem3A_1135 = arith.remsi %min3A_1117, %jit3A_1118 : i32
      %ne3A_1136 = arith.constant 0 : i32
      %ne3A_1137 = arith.cmpi ne, %rem3A_1135, %ne3A_1136 : i32
      %and3A_1138 = arith.andi %ne3A_1134, %ne3A_1137 : i1
      %sub3A_1139 = arith.constant 1 : i32
      %sub3A_1140 = arith.subi %div3A_1119, %sub3A_1139 : i32
      %select_n3A_1141 = arith.select %and3A_1138, %sub3A_1140, %div3A_1119 : i32
      %sub3A_1142 = arith.constant 0 : i32
      %sub3A_1143 = arith.subi %select_n3A_1141, %sub3A_1142 : i32
      %mul3A_1144 = arith.constant 1024 : i32
      %mul3A_1145 = arith.muli %sub3A_1143, %mul3A_1144 : i32
      %jit3A_1146 = arith.constant 8 : i32
      %eq3A_1147 = arith.constant 0 : i32
      %eq3A_1148 = arith.cmpi eq, %jit3A_1146, %eq3A_1147 : i32
      %jit3A_1149 = arith.constant 1 : i32
      %select_n3A_1150 = arith.select %eq3A_1148, %jit3A_1149, %jit3A_1146 : i32
      %rem3A_1151 = arith.remsi %add3A_1089, %select_n3A_1150 : i32
      %ne3A_1152 = arith.constant 0 : i32
      %ne3A_1153 = arith.cmpi ne, %rem3A_1151, %ne3A_1152 : i32
      %lt3A_1154 = arith.constant 0 : i32
      %lt3A_1155 = arith.cmpi slt, %rem3A_1151, %lt3A_1154 : i32
      %lt3A_1156 = arith.constant 0 : i32
      %lt3A_1157 = arith.cmpi slt, %select_n3A_1150, %lt3A_1156 : i32
      %ne3A_1158 = arith.xori %lt3A_1155, %lt3A_1157 : i1
      %and3A_1159 = arith.andi %ne3A_1158, %ne3A_1153 : i1
      %add3A_1160 = arith.addi %rem3A_1151, %select_n3A_1150 : i32
      %select_n3A_1161 = arith.select %and3A_1159, %add3A_1160, %rem3A_1151 : i32
      %mul3A_1162 = arith.constant 128 : i32
      %mul3A_1163 = arith.muli %select_n3A_1161, %mul3A_1162 : i32
      %add3A_1164 = arith.addi %mul3A_1145, %mul3A_1163 : i32
      %lt3A_1165 = arith.constant 792 : i32
      %lt3A_1166 = arith.cmpi slt, %add3A_1089, %lt3A_1165 : i32
      %sub3A_1167 = arith.constant 792 : i32
      %sub3A_1168 = arith.subi %add3A_1089, %sub3A_1167 : i32
      %mul3A_1169 = arith.constant 128 : i32
      %mul3A_1170 = arith.muli %sub3A_1168, %mul3A_1169 : i32
      %add3A_1171 = arith.constant 51200 : i32
      %add3A_1172 = arith.addi %add3A_1171, %mul3A_1170 : i32
      %select_n3A_1173 = arith.select %lt3A_1166, %add3A_1164, %add3A_1172 : i32
      %jit3A_1174 = arith.constant 2 : i32
      %eq3A_1175 = arith.constant 0 : i32
      %eq3A_1176 = arith.cmpi eq, %jit3A_1174, %eq3A_1175 : i32
      %jit3A_1177 = arith.constant 1 : i32
      %select_n3A_1178 = arith.select %eq3A_1176, %jit3A_1177, %jit3A_1174 : i32
      %rem3A_1179 = arith.remsi %min3A_1117, %select_n3A_1178 : i32
      %ne3A_1180 = arith.constant 0 : i32
      %ne3A_1181 = arith.cmpi ne, %rem3A_1179, %ne3A_1180 : i32
      %lt3A_1182 = arith.constant 0 : i32
      %lt3A_1183 = arith.cmpi slt, %rem3A_1179, %lt3A_1182 : i32
      %lt3A_1184 = arith.constant 0 : i32
      %lt3A_1185 = arith.cmpi slt, %select_n3A_1178, %lt3A_1184 : i32
      %ne3A_1186 = arith.xori %lt3A_1183, %lt3A_1185 : i1
      %and3A_1187 = arith.andi %ne3A_1186, %ne3A_1181 : i1
      %add3A_1188 = arith.addi %rem3A_1179, %select_n3A_1178 : i32
      %select_n3A_1189 = arith.select %and3A_1187, %add3A_1188, %rem3A_1179 : i32
      %mul3A_1190 = arith.constant 64 : i32
      %mul3A_1191 = arith.muli %select_n3A_1189, %mul3A_1190 : i32
      "tpu.region"() ({
        %run_scoped3A = tpu.sem_alloc : memref<!tpu.dma_semaphore, #tpu.memory_space<semaphore_mem>>
        %dma_start3A_1740 = arith.constant 512 : i32
        %dma_start3A_1741 = arith.constant 0 : i32
        %dma_start3A_1742 = tpu.memref_slice %arg6[%dma_start3A_1740, %dma_start3A_1741] : memref<640x64xf32, #tpu.memory_space<vmem>> -> memref<128x64xf32, #tpu.memory_space<vmem>>
        %dma_start3A_1743 = tpu.memref_slice %arg4[%select_n3A_1173, %mul3A_1191] : memref<52224x128xf32, #tpu.memory_space<hbm>> -> memref<128x64xf32, #tpu.memory_space<hbm>>
        %dma_start3A_1744 = tpu.memref_slice %arg4[%select_n3A_1173, %mul3A_1191] : memref<52224x128xf32, #tpu.memory_space<hbm>> -> memref<128x64xf32, #tpu.memory_space<hbm>>
        %dma_start3A_1745 = arith.constant 512 : i32
        %dma_start3A_1746 = arith.constant 0 : i32
        %dma_start3A_1747 = tpu.memref_slice %arg6[%dma_start3A_1745, %dma_start3A_1746] : memref<640x64xf32, #tpu.memory_space<vmem>> -> memref<128x64xf32, #tpu.memory_space<vmem>>
        tpu.enqueue_dma source(%dma_start3A_1747 : memref<128x64xf32, #tpu.memory_space<vmem>>) target(%dma_start3A_1744 : memref<128x64xf32, #tpu.memory_space<hbm>>) target_semaphore(%run_scoped3A : memref<!tpu.dma_semaphore, #tpu.memory_space<semaphore_mem>>)
        %dma_wait3A_1748 = arith.constant 512 : i32
        %dma_wait3A_1749 = arith.constant 0 : i32
        %dma_wait3A_1750 = tpu.memref_slice %arg6[%dma_wait3A_1748, %dma_wait3A_1749] : memref<640x64xf32, #tpu.memory_space<vmem>> -> memref<128x64xf32, #tpu.memory_space<vmem>>
        %dma_wait3A_1751 = tpu.memref_slice %arg4[%select_n3A_1173, %mul3A_1191] : memref<52224x128xf32, #tpu.memory_space<hbm>> -> memref<128x64xf32, #tpu.memory_space<hbm>>
        %dma_wait3A_1752 = tpu.memref_slice %arg4[%select_n3A_1173, %mul3A_1191] : memref<52224x128xf32, #tpu.memory_space<hbm>> -> memref<128x64xf32, #tpu.memory_space<hbm>>
        %dma_wait3A_1753 = arith.constant 512 : i32
        %dma_wait3A_1754 = arith.constant 0 : i32
        %dma_wait3A_1755 = tpu.memref_slice %arg6[%dma_wait3A_1753, %dma_wait3A_1754] : memref<640x64xf32, #tpu.memory_space<vmem>> -> memref<128x64xf32, #tpu.memory_space<vmem>>
        tpu.wait_dma2 semaphore(%run_scoped3A : memref<!tpu.dma_semaphore, #tpu.memory_space<semaphore_mem>>) src(%dma_wait3A_1755 : memref<128x64xf32, #tpu.memory_space<vmem>>) dst(%dma_wait3A_1752 : memref<128x64xf32, #tpu.memory_space<hbm>>)
        tpu.yield
      }) : () -> ()
      %add3A_1192 = arith.constant 2 : i32
      %add3A_1193 = arith.addi %mul3A_583, %add3A_1192 : i32
      %lt3A_1194 = arith.constant 5 : i32
      %lt3A_1195 = arith.cmpi slt, %add3A_1193, %lt3A_1194 : i32
      %convert_element_type3A = arith.extui %lt3A_1195 : i1 to i32
      %cond3A = arith.constant 0 : i32
      %cond3A_1196 = arith.cmpi ne, %convert_element_type3A, %cond3A : i32
      scf.if %cond3A_1196 {
        %add3A_1740 = arith.constant 2 : i32
        %add3A_1741 = arith.addi %mul3A_583, %add3A_1740 : i32
        %mul3A_1742 = arith.constant 5 : i32
        %mul3A_1743 = arith.muli %add3A_1741, %mul3A_1742 : i32
        %add3A_1744 = arith.constant 0 : i32
        %add3A_1745 = arith.addi %mul3A_1743, %add3A_1744 : i32
        %dma_start3A_1746 = arith.constant 0 : i32
        %dma_start3A_1747 = arith.constant 0 : i32
        %dma_start3A_1748 = tpu.memref_slice %arg6[%dma_start3A_1746, %dma_start3A_1747] : memref<640x64xf32, #tpu.memory_space<vmem>> -> memref<128x64xf32, #tpu.memory_space<vmem>>
        %dma_start3A_1749 = arith.constant 0 : i32
        %dma_start3A_1750 = tpu.memref_slice %arg5[%add3A_1745, %dma_start3A_1749] : memref<25x128xi32, #tpu.memory_space<vmem>> -> memref<1x128xi32, #tpu.memory_space<vmem>>
        %dma_start3A_1751 = tpu.memref_squeeze %dma_start3A_1750 : memref<1x128xi32, #tpu.memory_space<vmem>> -> memref<128xi32, #tpu.memory_space<vmem>>
        %dma_start3A_1752 = arith.constant 0 : i32
        %dma_start3A_1753 = arith.constant 0 : i32
        %dma_start3A_1754 = tpu.memref_slice %arg3[%dma_start3A_1752, %dma_start3A_1753] : memref<100352x64xf32, #tpu.memory_space<hbm>> -> memref<100352x64xf32, #tpu.memory_space<hbm>>
        tpu.enqueue_indirect_dma source(%dma_start3A_1754 : memref<100352x64xf32, #tpu.memory_space<hbm>>) target(%dma_start3A_1748 : memref<128x64xf32, #tpu.memory_space<vmem>>) offsets(%dma_start3A_1751 : memref<128xi32, #tpu.memory_space<vmem>>) semaphore(%arg8 : memref<!tpu.dma_semaphore, #tpu.memory_space<semaphore_mem>>)
        %mul3A_1755 = arith.constant 5 : i32
        %mul3A_1756 = arith.muli %add3A_1741, %mul3A_1755 : i32
        %add3A_1757 = arith.constant 1 : i32
        %add3A_1758 = arith.addi %mul3A_1756, %add3A_1757 : i32
        %dma_start3A_1759 = arith.constant 128 : i32
        %dma_start3A_1760 = arith.constant 0 : i32
        %dma_start3A_1761 = tpu.memref_slice %arg6[%dma_start3A_1759, %dma_start3A_1760] : memref<640x64xf32, #tpu.memory_space<vmem>> -> memref<128x64xf32, #tpu.memory_space<vmem>>
        %dma_start3A_1762 = arith.constant 0 : i32
        %dma_start3A_1763 = tpu.memref_slice %arg5[%add3A_1758, %dma_start3A_1762] : memref<25x128xi32, #tpu.memory_space<vmem>> -> memref<1x128xi32, #tpu.memory_space<vmem>>
        %dma_start3A_1764 = tpu.memref_squeeze %dma_start3A_1763 : memref<1x128xi32, #tpu.memory_space<vmem>> -> memref<128xi32, #tpu.memory_space<vmem>>
        %dma_start3A_1765 = arith.constant 0 : i32
        %dma_start3A_1766 = arith.constant 0 : i32
        %dma_start3A_1767 = tpu.memref_slice %arg3[%dma_start3A_1765, %dma_start3A_1766] : memref<100352x64xf32, #tpu.memory_space<hbm>> -> memref<100352x64xf32, #tpu.memory_space<hbm>>
        tpu.enqueue_indirect_dma source(%dma_start3A_1767 : memref<100352x64xf32, #tpu.memory_space<hbm>>) target(%dma_start3A_1761 : memref<128x64xf32, #tpu.memory_space<vmem>>) offsets(%dma_start3A_1764 : memref<128xi32, #tpu.memory_space<vmem>>) semaphore(%arg8 : memref<!tpu.dma_semaphore, #tpu.memory_space<semaphore_mem>>)
        %mul3A_1768 = arith.constant 5 : i32
        %mul3A_1769 = arith.muli %add3A_1741, %mul3A_1768 : i32
        %add3A_1770 = arith.constant 2 : i32
        %add3A_1771 = arith.addi %mul3A_1769, %add3A_1770 : i32
        %dma_start3A_1772 = arith.constant 256 : i32
        %dma_start3A_1773 = arith.constant 0 : i32
        %dma_start3A_1774 = tpu.memref_slice %arg6[%dma_start3A_1772, %dma_start3A_1773] : memref<640x64xf32, #tpu.memory_space<vmem>> -> memref<128x64xf32, #tpu.memory_space<vmem>>
        %dma_start3A_1775 = arith.constant 0 : i32
        %dma_start3A_1776 = tpu.memref_slice %arg5[%add3A_1771, %dma_start3A_1775] : memref<25x128xi32, #tpu.memory_space<vmem>> -> memref<1x128xi32, #tpu.memory_space<vmem>>
        %dma_start3A_1777 = tpu.memref_squeeze %dma_start3A_1776 : memref<1x128xi32, #tpu.memory_space<vmem>> -> memref<128xi32, #tpu.memory_space<vmem>>
        %dma_start3A_1778 = arith.constant 0 : i32
        %dma_start3A_1779 = arith.constant 0 : i32
        %dma_start3A_1780 = tpu.memref_slice %arg3[%dma_start3A_1778, %dma_start3A_1779] : memref<100352x64xf32, #tpu.memory_space<hbm>> -> memref<100352x64xf32, #tpu.memory_space<hbm>>
        tpu.enqueue_indirect_dma source(%dma_start3A_1780 : memref<100352x64xf32, #tpu.memory_space<hbm>>) target(%dma_start3A_1774 : memref<128x64xf32, #tpu.memory_space<vmem>>) offsets(%dma_start3A_1777 : memref<128xi32, #tpu.memory_space<vmem>>) semaphore(%arg8 : memref<!tpu.dma_semaphore, #tpu.memory_space<semaphore_mem>>)
        %mul3A_1781 = arith.constant 5 : i32
        %mul3A_1782 = arith.muli %add3A_1741, %mul3A_1781 : i32
        %add3A_1783 = arith.constant 3 : i32
        %add3A_1784 = arith.addi %mul3A_1782, %add3A_1783 : i32
        %dma_start3A_1785 = arith.constant 384 : i32
        %dma_start3A_1786 = arith.constant 0 : i32
        %dma_start3A_1787 = tpu.memref_slice %arg6[%dma_start3A_1785, %dma_start3A_1786] : memref<640x64xf32, #tpu.memory_space<vmem>> -> memref<128x64xf32, #tpu.memory_space<vmem>>
        %dma_start3A_1788 = arith.constant 0 : i32
        %dma_start3A_1789 = tpu.memref_slice %arg5[%add3A_1784, %dma_start3A_1788] : memref<25x128xi32, #tpu.memory_space<vmem>> -> memref<1x128xi32, #tpu.memory_space<vmem>>
        %dma_start3A_1790 = tpu.memref_squeeze %dma_start3A_1789 : memref<1x128xi32, #tpu.memory_space<vmem>> -> memref<128xi32, #tpu.memory_space<vmem>>
        %dma_start3A_1791 = arith.constant 0 : i32
        %dma_start3A_1792 = arith.constant 0 : i32
        %dma_start3A_1793 = tpu.memref_slice %arg3[%dma_start3A_1791, %dma_start3A_1792] : memref<100352x64xf32, #tpu.memory_space<hbm>> -> memref<100352x64xf32, #tpu.memory_space<hbm>>
        tpu.enqueue_indirect_dma source(%dma_start3A_1793 : memref<100352x64xf32, #tpu.memory_space<hbm>>) target(%dma_start3A_1787 : memref<128x64xf32, #tpu.memory_space<vmem>>) offsets(%dma_start3A_1790 : memref<128xi32, #tpu.memory_space<vmem>>) semaphore(%arg8 : memref<!tpu.dma_semaphore, #tpu.memory_space<semaphore_mem>>)
        %mul3A_1794 = arith.constant 5 : i32
        %mul3A_1795 = arith.muli %add3A_1741, %mul3A_1794 : i32
        %add3A_1796 = arith.constant 4 : i32
        %add3A_1797 = arith.addi %mul3A_1795, %add3A_1796 : i32
        %dma_start3A_1798 = arith.constant 512 : i32
        %dma_start3A_1799 = arith.constant 0 : i32
        %dma_start3A_1800 = tpu.memref_slice %arg6[%dma_start3A_1798, %dma_start3A_1799] : memref<640x64xf32, #tpu.memory_space<vmem>> -> memref<128x64xf32, #tpu.memory_space<vmem>>
        %dma_start3A_1801 = arith.constant 0 : i32
        %dma_start3A_1802 = tpu.memref_slice %arg5[%add3A_1797, %dma_start3A_1801] : memref<25x128xi32, #tpu.memory_space<vmem>> -> memref<1x128xi32, #tpu.memory_space<vmem>>
        %dma_start3A_1803 = tpu.memref_squeeze %dma_start3A_1802 : memref<1x128xi32, #tpu.memory_space<vmem>> -> memref<128xi32, #tpu.memory_space<vmem>>
        %dma_start3A_1804 = arith.constant 0 : i32
        %dma_start3A_1805 = arith.constant 0 : i32
        %dma_start3A_1806 = tpu.memref_slice %arg3[%dma_start3A_1804, %dma_start3A_1805] : memref<100352x64xf32, #tpu.memory_space<hbm>> -> memref<100352x64xf32, #tpu.memory_space<hbm>>
        tpu.enqueue_indirect_dma source(%dma_start3A_1806 : memref<100352x64xf32, #tpu.memory_space<hbm>>) target(%dma_start3A_1800 : memref<128x64xf32, #tpu.memory_space<vmem>>) offsets(%dma_start3A_1803 : memref<128xi32, #tpu.memory_space<vmem>>) semaphore(%arg8 : memref<!tpu.dma_semaphore, #tpu.memory_space<semaphore_mem>>)
      } else {
      }
      %dma_wait3A_1197 = arith.constant 0 : i32
      %dma_wait3A_1198 = arith.constant 0 : i32
      %dma_wait3A_1199 = tpu.memref_slice %arg3[%dma_wait3A_1197, %dma_wait3A_1198] : memref<100352x64xf32, #tpu.memory_space<hbm>> -> memref<640x64xf32, #tpu.memory_space<hbm>>
      %dma_wait3A_1200 = arith.constant 0 : i32
      %dma_wait3A_1201 = arith.constant 0 : i32
      %dma_wait3A_1202 = tpu.memref_slice %arg3[%dma_wait3A_1200, %dma_wait3A_1201] : memref<100352x64xf32, #tpu.memory_space<hbm>> -> memref<640x64xf32, #tpu.memory_space<hbm>>
      tpu.wait_dma2 semaphore(%arg9 : memref<!tpu.dma_semaphore, #tpu.memory_space<semaphore_mem>>) src(%dma_wait3A_1202 : memref<640x64xf32, #tpu.memory_space<hbm>>) dst(%arg7 : memref<640x64xf32, #tpu.memory_space<vmem>>)
      %add3A_1203 = arith.constant 1 : i32
      %add3A_1204 = arith.addi %mul3A_583, %add3A_1203 : i32
      %mul3A_1205 = arith.constant 5 : i32
      %mul3A_1206 = arith.muli %add3A_1204, %mul3A_1205 : i32
      %add3A_1207 = arith.addi %mul3A_2, %mul3A_1206 : i32
      %add3A_1208 = arith.constant 0 : i32
      %add3A_1209 = arith.addi %add3A_1207, %add3A_1208 : i32
      %jit3A_1210 = arith.constant 8 : i32
      %div3A_1211 = arith.divsi %add3A_1209, %jit3A_1210 : i32
      %sign3A_1212 = arith.constant 0 : i32
      %sign3A_1213 = arith.cmpi sgt, %add3A_1209, %sign3A_1212 : i32
      %sign3A_1214 = arith.extui %sign3A_1213 : i1 to i32
      %sign3A_1215 = arith.constant 0 : i32
      %sign3A_1216 = arith.cmpi slt, %add3A_1209, %sign3A_1215 : i32
      %sign3A_1217 = arith.extui %sign3A_1216 : i1 to i32
      %sign3A_1218 = arith.subi %sign3A_1214, %sign3A_1217 : i32
      %sign3A_1219 = arith.constant 0 : i32
      %sign3A_1220 = arith.cmpi sgt, %jit3A_1210, %sign3A_1219 : i32
      %sign3A_1221 = arith.extui %sign3A_1220 : i1 to i32
      %sign3A_1222 = arith.constant 0 : i32
      %sign3A_1223 = arith.cmpi slt, %jit3A_1210, %sign3A_1222 : i32
      %sign3A_1224 = arith.extui %sign3A_1223 : i1 to i32
      %sign3A_1225 = arith.subi %sign3A_1221, %sign3A_1224 : i32
      %ne3A_1226 = arith.cmpi ne, %sign3A_1218, %sign3A_1225 : i32
      %rem3A_1227 = arith.remsi %add3A_1209, %jit3A_1210 : i32
      %ne3A_1228 = arith.constant 0 : i32
      %ne3A_1229 = arith.cmpi ne, %rem3A_1227, %ne3A_1228 : i32
      %and3A_1230 = arith.andi %ne3A_1226, %ne3A_1229 : i1
      %sub3A_1231 = arith.constant 1 : i32
      %sub3A_1232 = arith.subi %div3A_1211, %sub3A_1231 : i32
      %select_n3A_1233 = arith.select %and3A_1230, %sub3A_1232, %div3A_1211 : i32
      %add3A_1234 = arith.constant 1 : i32
      %add3A_1235 = arith.addi %add3A_1234, %select_n3A_1233 : i32
      %min3A_1236 = arith.constant 200 : i32
      %min3A_1237 = arith.minsi %add3A_1235, %min3A_1236 : i32
      %jit3A_1238 = arith.constant 2 : i32
      %div3A_1239 = arith.divsi %min3A_1237, %jit3A_1238 : i32
      %sign3A_1240 = arith.constant 0 : i32
      %sign3A_1241 = arith.cmpi sgt, %min3A_1237, %sign3A_1240 : i32
      %sign3A_1242 = arith.extui %sign3A_1241 : i1 to i32
      %sign3A_1243 = arith.constant 0 : i32
      %sign3A_1244 = arith.cmpi slt, %min3A_1237, %sign3A_1243 : i32
      %sign3A_1245 = arith.extui %sign3A_1244 : i1 to i32
      %sign3A_1246 = arith.subi %sign3A_1242, %sign3A_1245 : i32
      %sign3A_1247 = arith.constant 0 : i32
      %sign3A_1248 = arith.cmpi sgt, %jit3A_1238, %sign3A_1247 : i32
      %sign3A_1249 = arith.extui %sign3A_1248 : i1 to i32
      %sign3A_1250 = arith.constant 0 : i32
      %sign3A_1251 = arith.cmpi slt, %jit3A_1238, %sign3A_1250 : i32
      %sign3A_1252 = arith.extui %sign3A_1251 : i1 to i32
      %sign3A_1253 = arith.subi %sign3A_1249, %sign3A_1252 : i32
      %ne3A_1254 = arith.cmpi ne, %sign3A_1246, %sign3A_1253 : i32
      %rem3A_1255 = arith.remsi %min3A_1237, %jit3A_1238 : i32
      %ne3A_1256 = arith.constant 0 : i32
      %ne3A_1257 = arith.cmpi ne, %rem3A_1255, %ne3A_1256 : i32
      %and3A_1258 = arith.andi %ne3A_1254, %ne3A_1257 : i1
      %sub3A_1259 = arith.constant 1 : i32
      %sub3A_1260 = arith.subi %div3A_1239, %sub3A_1259 : i32
      %select_n3A_1261 = arith.select %and3A_1258, %sub3A_1260, %div3A_1239 : i32
      %sub3A_1262 = arith.constant 0 : i32
      %sub3A_1263 = arith.subi %select_n3A_1261, %sub3A_1262 : i32
      %mul3A_1264 = arith.constant 1024 : i32
      %mul3A_1265 = arith.muli %sub3A_1263, %mul3A_1264 : i32
      %jit3A_1266 = arith.constant 8 : i32
      %eq3A_1267 = arith.constant 0 : i32
      %eq3A_1268 = arith.cmpi eq, %jit3A_1266, %eq3A_1267 : i32
      %jit3A_1269 = arith.constant 1 : i32
      %select_n3A_1270 = arith.select %eq3A_1268, %jit3A_1269, %jit3A_1266 : i32
      %rem3A_1271 = arith.remsi %add3A_1209, %select_n3A_1270 : i32
      %ne3A_1272 = arith.constant 0 : i32
      %ne3A_1273 = arith.cmpi ne, %rem3A_1271, %ne3A_1272 : i32
      %lt3A_1274 = arith.constant 0 : i32
      %lt3A_1275 = arith.cmpi slt, %rem3A_1271, %lt3A_1274 : i32
      %lt3A_1276 = arith.constant 0 : i32
      %lt3A_1277 = arith.cmpi slt, %select_n3A_1270, %lt3A_1276 : i32
      %ne3A_1278 = arith.xori %lt3A_1275, %lt3A_1277 : i1
      %and3A_1279 = arith.andi %ne3A_1278, %ne3A_1273 : i1
      %add3A_1280 = arith.addi %rem3A_1271, %select_n3A_1270 : i32
      %select_n3A_1281 = arith.select %and3A_1279, %add3A_1280, %rem3A_1271 : i32
      %mul3A_1282 = arith.constant 128 : i32
      %mul3A_1283 = arith.muli %select_n3A_1281, %mul3A_1282 : i32
      %add3A_1284 = arith.addi %mul3A_1265, %mul3A_1283 : i32
      %lt3A_1285 = arith.constant 792 : i32
      %lt3A_1286 = arith.cmpi slt, %add3A_1209, %lt3A_1285 : i32
      %sub3A_1287 = arith.constant 792 : i32
      %sub3A_1288 = arith.subi %add3A_1209, %sub3A_1287 : i32
      %mul3A_1289 = arith.constant 128 : i32
      %mul3A_1290 = arith.muli %sub3A_1288, %mul3A_1289 : i32
      %add3A_1291 = arith.constant 51200 : i32
      %add3A_1292 = arith.addi %add3A_1291, %mul3A_1290 : i32
      %select_n3A_1293 = arith.select %lt3A_1286, %add3A_1284, %add3A_1292 : i32
      %jit3A_1294 = arith.constant 2 : i32
      %eq3A_1295 = arith.constant 0 : i32
      %eq3A_1296 = arith.cmpi eq, %jit3A_1294, %eq3A_1295 : i32
      %jit3A_1297 = arith.constant 1 : i32
      %select_n3A_1298 = arith.select %eq3A_1296, %jit3A_1297, %jit3A_1294 : i32
      %rem3A_1299 = arith.remsi %min3A_1237, %select_n3A_1298 : i32
      %ne3A_1300 = arith.constant 0 : i32
      %ne3A_1301 = arith.cmpi ne, %rem3A_1299, %ne3A_1300 : i32
      %lt3A_1302 = arith.constant 0 : i32
      %lt3A_1303 = arith.cmpi slt, %rem3A_1299, %lt3A_1302 : i32
      %lt3A_1304 = arith.constant 0 : i32
      %lt3A_1305 = arith.cmpi slt, %select_n3A_1298, %lt3A_1304 : i32
      %ne3A_1306 = arith.xori %lt3A_1303, %lt3A_1305 : i1
      %and3A_1307 = arith.andi %ne3A_1306, %ne3A_1301 : i1
      %add3A_1308 = arith.addi %rem3A_1299, %select_n3A_1298 : i32
      %select_n3A_1309 = arith.select %and3A_1307, %add3A_1308, %rem3A_1299 : i32
      %mul3A_1310 = arith.constant 64 : i32
      %mul3A_1311 = arith.muli %select_n3A_1309, %mul3A_1310 : i32
      "tpu.region"() ({
        %run_scoped3A = tpu.sem_alloc : memref<!tpu.dma_semaphore, #tpu.memory_space<semaphore_mem>>
        %dma_start3A_1740 = arith.constant 0 : i32
        %dma_start3A_1741 = arith.constant 0 : i32
        %dma_start3A_1742 = tpu.memref_slice %arg7[%dma_start3A_1740, %dma_start3A_1741] : memref<640x64xf32, #tpu.memory_space<vmem>> -> memref<128x64xf32, #tpu.memory_space<vmem>>
        %dma_start3A_1743 = tpu.memref_slice %arg4[%select_n3A_1293, %mul3A_1311] : memref<52224x128xf32, #tpu.memory_space<hbm>> -> memref<128x64xf32, #tpu.memory_space<hbm>>
        %dma_start3A_1744 = tpu.memref_slice %arg4[%select_n3A_1293, %mul3A_1311] : memref<52224x128xf32, #tpu.memory_space<hbm>> -> memref<128x64xf32, #tpu.memory_space<hbm>>
        %dma_start3A_1745 = arith.constant 0 : i32
        %dma_start3A_1746 = arith.constant 0 : i32
        %dma_start3A_1747 = tpu.memref_slice %arg7[%dma_start3A_1745, %dma_start3A_1746] : memref<640x64xf32, #tpu.memory_space<vmem>> -> memref<128x64xf32, #tpu.memory_space<vmem>>
        tpu.enqueue_dma source(%dma_start3A_1747 : memref<128x64xf32, #tpu.memory_space<vmem>>) target(%dma_start3A_1744 : memref<128x64xf32, #tpu.memory_space<hbm>>) target_semaphore(%run_scoped3A : memref<!tpu.dma_semaphore, #tpu.memory_space<semaphore_mem>>)
        %dma_wait3A_1748 = arith.constant 0 : i32
        %dma_wait3A_1749 = arith.constant 0 : i32
        %dma_wait3A_1750 = tpu.memref_slice %arg7[%dma_wait3A_1748, %dma_wait3A_1749] : memref<640x64xf32, #tpu.memory_space<vmem>> -> memref<128x64xf32, #tpu.memory_space<vmem>>
        %dma_wait3A_1751 = tpu.memref_slice %arg4[%select_n3A_1293, %mul3A_1311] : memref<52224x128xf32, #tpu.memory_space<hbm>> -> memref<128x64xf32, #tpu.memory_space<hbm>>
        %dma_wait3A_1752 = tpu.memref_slice %arg4[%select_n3A_1293, %mul3A_1311] : memref<52224x128xf32, #tpu.memory_space<hbm>> -> memref<128x64xf32, #tpu.memory_space<hbm>>
        %dma_wait3A_1753 = arith.constant 0 : i32
        %dma_wait3A_1754 = arith.constant 0 : i32
        %dma_wait3A_1755 = tpu.memref_slice %arg7[%dma_wait3A_1753, %dma_wait3A_1754] : memref<640x64xf32, #tpu.memory_space<vmem>> -> memref<128x64xf32, #tpu.memory_space<vmem>>
        tpu.wait_dma2 semaphore(%run_scoped3A : memref<!tpu.dma_semaphore, #tpu.memory_space<semaphore_mem>>) src(%dma_wait3A_1755 : memref<128x64xf32, #tpu.memory_space<vmem>>) dst(%dma_wait3A_1752 : memref<128x64xf32, #tpu.memory_space<hbm>>)
        tpu.yield
      }) : () -> ()
      %mul3A_1312 = arith.constant 5 : i32
      %mul3A_1313 = arith.muli %add3A_1204, %mul3A_1312 : i32
      %add3A_1314 = arith.addi %mul3A_2, %mul3A_1313 : i32
      %add3A_1315 = arith.constant 1 : i32
      %add3A_1316 = arith.addi %add3A_1314, %add3A_1315 : i32
      %jit3A_1317 = arith.constant 8 : i32
      %div3A_1318 = arith.divsi %add3A_1316, %jit3A_1317 : i32
      %sign3A_1319 = arith.constant 0 : i32
      %sign3A_1320 = arith.cmpi sgt, %add3A_1316, %sign3A_1319 : i32
      %sign3A_1321 = arith.extui %sign3A_1320 : i1 to i32
      %sign3A_1322 = arith.constant 0 : i32
      %sign3A_1323 = arith.cmpi slt, %add3A_1316, %sign3A_1322 : i32
      %sign3A_1324 = arith.extui %sign3A_1323 : i1 to i32
      %sign3A_1325 = arith.subi %sign3A_1321, %sign3A_1324 : i32
      %sign3A_1326 = arith.constant 0 : i32
      %sign3A_1327 = arith.cmpi sgt, %jit3A_1317, %sign3A_1326 : i32
      %sign3A_1328 = arith.extui %sign3A_1327 : i1 to i32
      %sign3A_1329 = arith.constant 0 : i32
      %sign3A_1330 = arith.cmpi slt, %jit3A_1317, %sign3A_1329 : i32
      %sign3A_1331 = arith.extui %sign3A_1330 : i1 to i32
      %sign3A_1332 = arith.subi %sign3A_1328, %sign3A_1331 : i32
      %ne3A_1333 = arith.cmpi ne, %sign3A_1325, %sign3A_1332 : i32
      %rem3A_1334 = arith.remsi %add3A_1316, %jit3A_1317 : i32
      %ne3A_1335 = arith.constant 0 : i32
      %ne3A_1336 = arith.cmpi ne, %rem3A_1334, %ne3A_1335 : i32
      %and3A_1337 = arith.andi %ne3A_1333, %ne3A_1336 : i1
      %sub3A_1338 = arith.constant 1 : i32
      %sub3A_1339 = arith.subi %div3A_1318, %sub3A_1338 : i32
      %select_n3A_1340 = arith.select %and3A_1337, %sub3A_1339, %div3A_1318 : i32
      %add3A_1341 = arith.constant 1 : i32
      %add3A_1342 = arith.addi %add3A_1341, %select_n3A_1340 : i32
      %min3A_1343 = arith.constant 200 : i32
      %min3A_1344 = arith.minsi %add3A_1342, %min3A_1343 : i32
      %jit3A_1345 = arith.constant 2 : i32
      %div3A_1346 = arith.divsi %min3A_1344, %jit3A_1345 : i32
      %sign3A_1347 = arith.constant 0 : i32
      %sign3A_1348 = arith.cmpi sgt, %min3A_1344, %sign3A_1347 : i32
      %sign3A_1349 = arith.extui %sign3A_1348 : i1 to i32
      %sign3A_1350 = arith.constant 0 : i32
      %sign3A_1351 = arith.cmpi slt, %min3A_1344, %sign3A_1350 : i32
      %sign3A_1352 = arith.extui %sign3A_1351 : i1 to i32
      %sign3A_1353 = arith.subi %sign3A_1349, %sign3A_1352 : i32
      %sign3A_1354 = arith.constant 0 : i32
      %sign3A_1355 = arith.cmpi sgt, %jit3A_1345, %sign3A_1354 : i32
      %sign3A_1356 = arith.extui %sign3A_1355 : i1 to i32
      %sign3A_1357 = arith.constant 0 : i32
      %sign3A_1358 = arith.cmpi slt, %jit3A_1345, %sign3A_1357 : i32
      %sign3A_1359 = arith.extui %sign3A_1358 : i1 to i32
      %sign3A_1360 = arith.subi %sign3A_1356, %sign3A_1359 : i32
      %ne3A_1361 = arith.cmpi ne, %sign3A_1353, %sign3A_1360 : i32
      %rem3A_1362 = arith.remsi %min3A_1344, %jit3A_1345 : i32
      %ne3A_1363 = arith.constant 0 : i32
      %ne3A_1364 = arith.cmpi ne, %rem3A_1362, %ne3A_1363 : i32
      %and3A_1365 = arith.andi %ne3A_1361, %ne3A_1364 : i1
      %sub3A_1366 = arith.constant 1 : i32
      %sub3A_1367 = arith.subi %div3A_1346, %sub3A_1366 : i32
      %select_n3A_1368 = arith.select %and3A_1365, %sub3A_1367, %div3A_1346 : i32
      %sub3A_1369 = arith.constant 0 : i32
      %sub3A_1370 = arith.subi %select_n3A_1368, %sub3A_1369 : i32
      %mul3A_1371 = arith.constant 1024 : i32
      %mul3A_1372 = arith.muli %sub3A_1370, %mul3A_1371 : i32
      %jit3A_1373 = arith.constant 8 : i32
      %eq3A_1374 = arith.constant 0 : i32
      %eq3A_1375 = arith.cmpi eq, %jit3A_1373, %eq3A_1374 : i32
      %jit3A_1376 = arith.constant 1 : i32
      %select_n3A_1377 = arith.select %eq3A_1375, %jit3A_1376, %jit3A_1373 : i32
      %rem3A_1378 = arith.remsi %add3A_1316, %select_n3A_1377 : i32
      %ne3A_1379 = arith.constant 0 : i32
      %ne3A_1380 = arith.cmpi ne, %rem3A_1378, %ne3A_1379 : i32
      %lt3A_1381 = arith.constant 0 : i32
      %lt3A_1382 = arith.cmpi slt, %rem3A_1378, %lt3A_1381 : i32
      %lt3A_1383 = arith.constant 0 : i32
      %lt3A_1384 = arith.cmpi slt, %select_n3A_1377, %lt3A_1383 : i32
      %ne3A_1385 = arith.xori %lt3A_1382, %lt3A_1384 : i1
      %and3A_1386 = arith.andi %ne3A_1385, %ne3A_1380 : i1
      %add3A_1387 = arith.addi %rem3A_1378, %select_n3A_1377 : i32
      %select_n3A_1388 = arith.select %and3A_1386, %add3A_1387, %rem3A_1378 : i32
      %mul3A_1389 = arith.constant 128 : i32
      %mul3A_1390 = arith.muli %select_n3A_1388, %mul3A_1389 : i32
      %add3A_1391 = arith.addi %mul3A_1372, %mul3A_1390 : i32
      %lt3A_1392 = arith.constant 792 : i32
      %lt3A_1393 = arith.cmpi slt, %add3A_1316, %lt3A_1392 : i32
      %sub3A_1394 = arith.constant 792 : i32
      %sub3A_1395 = arith.subi %add3A_1316, %sub3A_1394 : i32
      %mul3A_1396 = arith.constant 128 : i32
      %mul3A_1397 = arith.muli %sub3A_1395, %mul3A_1396 : i32
      %add3A_1398 = arith.constant 51200 : i32
      %add3A_1399 = arith.addi %add3A_1398, %mul3A_1397 : i32
      %select_n3A_1400 = arith.select %lt3A_1393, %add3A_1391, %add3A_1399 : i32
      %jit3A_1401 = arith.constant 2 : i32
      %eq3A_1402 = arith.constant 0 : i32
      %eq3A_1403 = arith.cmpi eq, %jit3A_1401, %eq3A_1402 : i32
      %jit3A_1404 = arith.constant 1 : i32
      %select_n3A_1405 = arith.select %eq3A_1403, %jit3A_1404, %jit3A_1401 : i32
      %rem3A_1406 = arith.remsi %min3A_1344, %select_n3A_1405 : i32
      %ne3A_1407 = arith.constant 0 : i32
      %ne3A_1408 = arith.cmpi ne, %rem3A_1406, %ne3A_1407 : i32
      %lt3A_1409 = arith.constant 0 : i32
      %lt3A_1410 = arith.cmpi slt, %rem3A_1406, %lt3A_1409 : i32
      %lt3A_1411 = arith.constant 0 : i32
      %lt3A_1412 = arith.cmpi slt, %select_n3A_1405, %lt3A_1411 : i32
      %ne3A_1413 = arith.xori %lt3A_1410, %lt3A_1412 : i1
      %and3A_1414 = arith.andi %ne3A_1413, %ne3A_1408 : i1
      %add3A_1415 = arith.addi %rem3A_1406, %select_n3A_1405 : i32
      %select_n3A_1416 = arith.select %and3A_1414, %add3A_1415, %rem3A_1406 : i32
      %mul3A_1417 = arith.constant 64 : i32
      %mul3A_1418 = arith.muli %select_n3A_1416, %mul3A_1417 : i32
      "tpu.region"() ({
        %run_scoped3A = tpu.sem_alloc : memref<!tpu.dma_semaphore, #tpu.memory_space<semaphore_mem>>
        %dma_start3A_1740 = arith.constant 128 : i32
        %dma_start3A_1741 = arith.constant 0 : i32
        %dma_start3A_1742 = tpu.memref_slice %arg7[%dma_start3A_1740, %dma_start3A_1741] : memref<640x64xf32, #tpu.memory_space<vmem>> -> memref<128x64xf32, #tpu.memory_space<vmem>>
        %dma_start3A_1743 = tpu.memref_slice %arg4[%select_n3A_1400, %mul3A_1418] : memref<52224x128xf32, #tpu.memory_space<hbm>> -> memref<128x64xf32, #tpu.memory_space<hbm>>
        %dma_start3A_1744 = tpu.memref_slice %arg4[%select_n3A_1400, %mul3A_1418] : memref<52224x128xf32, #tpu.memory_space<hbm>> -> memref<128x64xf32, #tpu.memory_space<hbm>>
        %dma_start3A_1745 = arith.constant 128 : i32
        %dma_start3A_1746 = arith.constant 0 : i32
        %dma_start3A_1747 = tpu.memref_slice %arg7[%dma_start3A_1745, %dma_start3A_1746] : memref<640x64xf32, #tpu.memory_space<vmem>> -> memref<128x64xf32, #tpu.memory_space<vmem>>
        tpu.enqueue_dma source(%dma_start3A_1747 : memref<128x64xf32, #tpu.memory_space<vmem>>) target(%dma_start3A_1744 : memref<128x64xf32, #tpu.memory_space<hbm>>) target_semaphore(%run_scoped3A : memref<!tpu.dma_semaphore, #tpu.memory_space<semaphore_mem>>)
        %dma_wait3A_1748 = arith.constant 128 : i32
        %dma_wait3A_1749 = arith.constant 0 : i32
        %dma_wait3A_1750 = tpu.memref_slice %arg7[%dma_wait3A_1748, %dma_wait3A_1749] : memref<640x64xf32, #tpu.memory_space<vmem>> -> memref<128x64xf32, #tpu.memory_space<vmem>>
        %dma_wait3A_1751 = tpu.memref_slice %arg4[%select_n3A_1400, %mul3A_1418] : memref<52224x128xf32, #tpu.memory_space<hbm>> -> memref<128x64xf32, #tpu.memory_space<hbm>>
        %dma_wait3A_1752 = tpu.memref_slice %arg4[%select_n3A_1400, %mul3A_1418] : memref<52224x128xf32, #tpu.memory_space<hbm>> -> memref<128x64xf32, #tpu.memory_space<hbm>>
        %dma_wait3A_1753 = arith.constant 128 : i32
        %dma_wait3A_1754 = arith.constant 0 : i32
        %dma_wait3A_1755 = tpu.memref_slice %arg7[%dma_wait3A_1753, %dma_wait3A_1754] : memref<640x64xf32, #tpu.memory_space<vmem>> -> memref<128x64xf32, #tpu.memory_space<vmem>>
        tpu.wait_dma2 semaphore(%run_scoped3A : memref<!tpu.dma_semaphore, #tpu.memory_space<semaphore_mem>>) src(%dma_wait3A_1755 : memref<128x64xf32, #tpu.memory_space<vmem>>) dst(%dma_wait3A_1752 : memref<128x64xf32, #tpu.memory_space<hbm>>)
        tpu.yield
      }) : () -> ()
      %mul3A_1419 = arith.constant 5 : i32
      %mul3A_1420 = arith.muli %add3A_1204, %mul3A_1419 : i32
      %add3A_1421 = arith.addi %mul3A_2, %mul3A_1420 : i32
      %add3A_1422 = arith.constant 2 : i32
      %add3A_1423 = arith.addi %add3A_1421, %add3A_1422 : i32
      %jit3A_1424 = arith.constant 8 : i32
      %div3A_1425 = arith.divsi %add3A_1423, %jit3A_1424 : i32
      %sign3A_1426 = arith.constant 0 : i32
      %sign3A_1427 = arith.cmpi sgt, %add3A_1423, %sign3A_1426 : i32
      %sign3A_1428 = arith.extui %sign3A_1427 : i1 to i32
      %sign3A_1429 = arith.constant 0 : i32
      %sign3A_1430 = arith.cmpi slt, %add3A_1423, %sign3A_1429 : i32
      %sign3A_1431 = arith.extui %sign3A_1430 : i1 to i32
      %sign3A_1432 = arith.subi %sign3A_1428, %sign3A_1431 : i32
      %sign3A_1433 = arith.constant 0 : i32
      %sign3A_1434 = arith.cmpi sgt, %jit3A_1424, %sign3A_1433 : i32
      %sign3A_1435 = arith.extui %sign3A_1434 : i1 to i32
      %sign3A_1436 = arith.constant 0 : i32
      %sign3A_1437 = arith.cmpi slt, %jit3A_1424, %sign3A_1436 : i32
      %sign3A_1438 = arith.extui %sign3A_1437 : i1 to i32
      %sign3A_1439 = arith.subi %sign3A_1435, %sign3A_1438 : i32
      %ne3A_1440 = arith.cmpi ne, %sign3A_1432, %sign3A_1439 : i32
      %rem3A_1441 = arith.remsi %add3A_1423, %jit3A_1424 : i32
      %ne3A_1442 = arith.constant 0 : i32
      %ne3A_1443 = arith.cmpi ne, %rem3A_1441, %ne3A_1442 : i32
      %and3A_1444 = arith.andi %ne3A_1440, %ne3A_1443 : i1
      %sub3A_1445 = arith.constant 1 : i32
      %sub3A_1446 = arith.subi %div3A_1425, %sub3A_1445 : i32
      %select_n3A_1447 = arith.select %and3A_1444, %sub3A_1446, %div3A_1425 : i32
      %add3A_1448 = arith.constant 1 : i32
      %add3A_1449 = arith.addi %add3A_1448, %select_n3A_1447 : i32
      %min3A_1450 = arith.constant 200 : i32
      %min3A_1451 = arith.minsi %add3A_1449, %min3A_1450 : i32
      %jit3A_1452 = arith.constant 2 : i32
      %div3A_1453 = arith.divsi %min3A_1451, %jit3A_1452 : i32
      %sign3A_1454 = arith.constant 0 : i32
      %sign3A_1455 = arith.cmpi sgt, %min3A_1451, %sign3A_1454 : i32
      %sign3A_1456 = arith.extui %sign3A_1455 : i1 to i32
      %sign3A_1457 = arith.constant 0 : i32
      %sign3A_1458 = arith.cmpi slt, %min3A_1451, %sign3A_1457 : i32
      %sign3A_1459 = arith.extui %sign3A_1458 : i1 to i32
      %sign3A_1460 = arith.subi %sign3A_1456, %sign3A_1459 : i32
      %sign3A_1461 = arith.constant 0 : i32
      %sign3A_1462 = arith.cmpi sgt, %jit3A_1452, %sign3A_1461 : i32
      %sign3A_1463 = arith.extui %sign3A_1462 : i1 to i32
      %sign3A_1464 = arith.constant 0 : i32
      %sign3A_1465 = arith.cmpi slt, %jit3A_1452, %sign3A_1464 : i32
      %sign3A_1466 = arith.extui %sign3A_1465 : i1 to i32
      %sign3A_1467 = arith.subi %sign3A_1463, %sign3A_1466 : i32
      %ne3A_1468 = arith.cmpi ne, %sign3A_1460, %sign3A_1467 : i32
      %rem3A_1469 = arith.remsi %min3A_1451, %jit3A_1452 : i32
      %ne3A_1470 = arith.constant 0 : i32
      %ne3A_1471 = arith.cmpi ne, %rem3A_1469, %ne3A_1470 : i32
      %and3A_1472 = arith.andi %ne3A_1468, %ne3A_1471 : i1
      %sub3A_1473 = arith.constant 1 : i32
      %sub3A_1474 = arith.subi %div3A_1453, %sub3A_1473 : i32
      %select_n3A_1475 = arith.select %and3A_1472, %sub3A_1474, %div3A_1453 : i32
      %sub3A_1476 = arith.constant 0 : i32
      %sub3A_1477 = arith.subi %select_n3A_1475, %sub3A_1476 : i32
      %mul3A_1478 = arith.constant 1024 : i32
      %mul3A_1479 = arith.muli %sub3A_1477, %mul3A_1478 : i32
      %jit3A_1480 = arith.constant 8 : i32
      %eq3A_1481 = arith.constant 0 : i32
      %eq3A_1482 = arith.cmpi eq, %jit3A_1480, %eq3A_1481 : i32
      %jit3A_1483 = arith.constant 1 : i32
      %select_n3A_1484 = arith.select %eq3A_1482, %jit3A_1483, %jit3A_1480 : i32
      %rem3A_1485 = arith.remsi %add3A_1423, %select_n3A_1484 : i32
      %ne3A_1486 = arith.constant 0 : i32
      %ne3A_1487 = arith.cmpi ne, %rem3A_1485, %ne3A_1486 : i32
      %lt3A_1488 = arith.constant 0 : i32
      %lt3A_1489 = arith.cmpi slt, %rem3A_1485, %lt3A_1488 : i32
      %lt3A_1490 = arith.constant 0 : i32
      %lt3A_1491 = arith.cmpi slt, %select_n3A_1484, %lt3A_1490 : i32
      %ne3A_1492 = arith.xori %lt3A_1489, %lt3A_1491 : i1
      %and3A_1493 = arith.andi %ne3A_1492, %ne3A_1487 : i1
      %add3A_1494 = arith.addi %rem3A_1485, %select_n3A_1484 : i32
      %select_n3A_1495 = arith.select %and3A_1493, %add3A_1494, %rem3A_1485 : i32
      %mul3A_1496 = arith.constant 128 : i32
      %mul3A_1497 = arith.muli %select_n3A_1495, %mul3A_1496 : i32
      %add3A_1498 = arith.addi %mul3A_1479, %mul3A_1497 : i32
      %lt3A_1499 = arith.constant 792 : i32
      %lt3A_1500 = arith.cmpi slt, %add3A_1423, %lt3A_1499 : i32
      %sub3A_1501 = arith.constant 792 : i32
      %sub3A_1502 = arith.subi %add3A_1423, %sub3A_1501 : i32
      %mul3A_1503 = arith.constant 128 : i32
      %mul3A_1504 = arith.muli %sub3A_1502, %mul3A_1503 : i32
      %add3A_1505 = arith.constant 51200 : i32
      %add3A_1506 = arith.addi %add3A_1505, %mul3A_1504 : i32
      %select_n3A_1507 = arith.select %lt3A_1500, %add3A_1498, %add3A_1506 : i32
      %jit3A_1508 = arith.constant 2 : i32
      %eq3A_1509 = arith.constant 0 : i32
      %eq3A_1510 = arith.cmpi eq, %jit3A_1508, %eq3A_1509 : i32
      %jit3A_1511 = arith.constant 1 : i32
      %select_n3A_1512 = arith.select %eq3A_1510, %jit3A_1511, %jit3A_1508 : i32
      %rem3A_1513 = arith.remsi %min3A_1451, %select_n3A_1512 : i32
      %ne3A_1514 = arith.constant 0 : i32
      %ne3A_1515 = arith.cmpi ne, %rem3A_1513, %ne3A_1514 : i32
      %lt3A_1516 = arith.constant 0 : i32
      %lt3A_1517 = arith.cmpi slt, %rem3A_1513, %lt3A_1516 : i32
      %lt3A_1518 = arith.constant 0 : i32
      %lt3A_1519 = arith.cmpi slt, %select_n3A_1512, %lt3A_1518 : i32
      %ne3A_1520 = arith.xori %lt3A_1517, %lt3A_1519 : i1
      %and3A_1521 = arith.andi %ne3A_1520, %ne3A_1515 : i1
      %add3A_1522 = arith.addi %rem3A_1513, %select_n3A_1512 : i32
      %select_n3A_1523 = arith.select %and3A_1521, %add3A_1522, %rem3A_1513 : i32
      %mul3A_1524 = arith.constant 64 : i32
      %mul3A_1525 = arith.muli %select_n3A_1523, %mul3A_1524 : i32
      "tpu.region"() ({
        %run_scoped3A = tpu.sem_alloc : memref<!tpu.dma_semaphore, #tpu.memory_space<semaphore_mem>>
        %dma_start3A_1740 = arith.constant 256 : i32
        %dma_start3A_1741 = arith.constant 0 : i32
        %dma_start3A_1742 = tpu.memref_slice %arg7[%dma_start3A_1740, %dma_start3A_1741] : memref<640x64xf32, #tpu.memory_space<vmem>> -> memref<128x64xf32, #tpu.memory_space<vmem>>
        %dma_start3A_1743 = tpu.memref_slice %arg4[%select_n3A_1507, %mul3A_1525] : memref<52224x128xf32, #tpu.memory_space<hbm>> -> memref<128x64xf32, #tpu.memory_space<hbm>>
        %dma_start3A_1744 = tpu.memref_slice %arg4[%select_n3A_1507, %mul3A_1525] : memref<52224x128xf32, #tpu.memory_space<hbm>> -> memref<128x64xf32, #tpu.memory_space<hbm>>
        %dma_start3A_1745 = arith.constant 256 : i32
        %dma_start3A_1746 = arith.constant 0 : i32
        %dma_start3A_1747 = tpu.memref_slice %arg7[%dma_start3A_1745, %dma_start3A_1746] : memref<640x64xf32, #tpu.memory_space<vmem>> -> memref<128x64xf32, #tpu.memory_space<vmem>>
        tpu.enqueue_dma source(%dma_start3A_1747 : memref<128x64xf32, #tpu.memory_space<vmem>>) target(%dma_start3A_1744 : memref<128x64xf32, #tpu.memory_space<hbm>>) target_semaphore(%run_scoped3A : memref<!tpu.dma_semaphore, #tpu.memory_space<semaphore_mem>>)
        %dma_wait3A_1748 = arith.constant 256 : i32
        %dma_wait3A_1749 = arith.constant 0 : i32
        %dma_wait3A_1750 = tpu.memref_slice %arg7[%dma_wait3A_1748, %dma_wait3A_1749] : memref<640x64xf32, #tpu.memory_space<vmem>> -> memref<128x64xf32, #tpu.memory_space<vmem>>
        %dma_wait3A_1751 = tpu.memref_slice %arg4[%select_n3A_1507, %mul3A_1525] : memref<52224x128xf32, #tpu.memory_space<hbm>> -> memref<128x64xf32, #tpu.memory_space<hbm>>
        %dma_wait3A_1752 = tpu.memref_slice %arg4[%select_n3A_1507, %mul3A_1525] : memref<52224x128xf32, #tpu.memory_space<hbm>> -> memref<128x64xf32, #tpu.memory_space<hbm>>
        %dma_wait3A_1753 = arith.constant 256 : i32
        %dma_wait3A_1754 = arith.constant 0 : i32
        %dma_wait3A_1755 = tpu.memref_slice %arg7[%dma_wait3A_1753, %dma_wait3A_1754] : memref<640x64xf32, #tpu.memory_space<vmem>> -> memref<128x64xf32, #tpu.memory_space<vmem>>
        tpu.wait_dma2 semaphore(%run_scoped3A : memref<!tpu.dma_semaphore, #tpu.memory_space<semaphore_mem>>) src(%dma_wait3A_1755 : memref<128x64xf32, #tpu.memory_space<vmem>>) dst(%dma_wait3A_1752 : memref<128x64xf32, #tpu.memory_space<hbm>>)
        tpu.yield
      }) : () -> ()
      %mul3A_1526 = arith.constant 5 : i32
      %mul3A_1527 = arith.muli %add3A_1204, %mul3A_1526 : i32
      %add3A_1528 = arith.addi %mul3A_2, %mul3A_1527 : i32
      %add3A_1529 = arith.constant 3 : i32
      %add3A_1530 = arith.addi %add3A_1528, %add3A_1529 : i32
      %jit3A_1531 = arith.constant 8 : i32
      %div3A_1532 = arith.divsi %add3A_1530, %jit3A_1531 : i32
      %sign3A_1533 = arith.constant 0 : i32
      %sign3A_1534 = arith.cmpi sgt, %add3A_1530, %sign3A_1533 : i32
      %sign3A_1535 = arith.extui %sign3A_1534 : i1 to i32
      %sign3A_1536 = arith.constant 0 : i32
      %sign3A_1537 = arith.cmpi slt, %add3A_1530, %sign3A_1536 : i32
      %sign3A_1538 = arith.extui %sign3A_1537 : i1 to i32
      %sign3A_1539 = arith.subi %sign3A_1535, %sign3A_1538 : i32
      %sign3A_1540 = arith.constant 0 : i32
      %sign3A_1541 = arith.cmpi sgt, %jit3A_1531, %sign3A_1540 : i32
      %sign3A_1542 = arith.extui %sign3A_1541 : i1 to i32
      %sign3A_1543 = arith.constant 0 : i32
      %sign3A_1544 = arith.cmpi slt, %jit3A_1531, %sign3A_1543 : i32
      %sign3A_1545 = arith.extui %sign3A_1544 : i1 to i32
      %sign3A_1546 = arith.subi %sign3A_1542, %sign3A_1545 : i32
      %ne3A_1547 = arith.cmpi ne, %sign3A_1539, %sign3A_1546 : i32
      %rem3A_1548 = arith.remsi %add3A_1530, %jit3A_1531 : i32
      %ne3A_1549 = arith.constant 0 : i32
      %ne3A_1550 = arith.cmpi ne, %rem3A_1548, %ne3A_1549 : i32
      %and3A_1551 = arith.andi %ne3A_1547, %ne3A_1550 : i1
      %sub3A_1552 = arith.constant 1 : i32
      %sub3A_1553 = arith.subi %div3A_1532, %sub3A_1552 : i32
      %select_n3A_1554 = arith.select %and3A_1551, %sub3A_1553, %div3A_1532 : i32
      %add3A_1555 = arith.constant 1 : i32
      %add3A_1556 = arith.addi %add3A_1555, %select_n3A_1554 : i32
      %min3A_1557 = arith.constant 200 : i32
      %min3A_1558 = arith.minsi %add3A_1556, %min3A_1557 : i32
      %jit3A_1559 = arith.constant 2 : i32
      %div3A_1560 = arith.divsi %min3A_1558, %jit3A_1559 : i32
      %sign3A_1561 = arith.constant 0 : i32
      %sign3A_1562 = arith.cmpi sgt, %min3A_1558, %sign3A_1561 : i32
      %sign3A_1563 = arith.extui %sign3A_1562 : i1 to i32
      %sign3A_1564 = arith.constant 0 : i32
      %sign3A_1565 = arith.cmpi slt, %min3A_1558, %sign3A_1564 : i32
      %sign3A_1566 = arith.extui %sign3A_1565 : i1 to i32
      %sign3A_1567 = arith.subi %sign3A_1563, %sign3A_1566 : i32
      %sign3A_1568 = arith.constant 0 : i32
      %sign3A_1569 = arith.cmpi sgt, %jit3A_1559, %sign3A_1568 : i32
      %sign3A_1570 = arith.extui %sign3A_1569 : i1 to i32
      %sign3A_1571 = arith.constant 0 : i32
      %sign3A_1572 = arith.cmpi slt, %jit3A_1559, %sign3A_1571 : i32
      %sign3A_1573 = arith.extui %sign3A_1572 : i1 to i32
      %sign3A_1574 = arith.subi %sign3A_1570, %sign3A_1573 : i32
      %ne3A_1575 = arith.cmpi ne, %sign3A_1567, %sign3A_1574 : i32
      %rem3A_1576 = arith.remsi %min3A_1558, %jit3A_1559 : i32
      %ne3A_1577 = arith.constant 0 : i32
      %ne3A_1578 = arith.cmpi ne, %rem3A_1576, %ne3A_1577 : i32
      %and3A_1579 = arith.andi %ne3A_1575, %ne3A_1578 : i1
      %sub3A_1580 = arith.constant 1 : i32
      %sub3A_1581 = arith.subi %div3A_1560, %sub3A_1580 : i32
      %select_n3A_1582 = arith.select %and3A_1579, %sub3A_1581, %div3A_1560 : i32
      %sub3A_1583 = arith.constant 0 : i32
      %sub3A_1584 = arith.subi %select_n3A_1582, %sub3A_1583 : i32
      %mul3A_1585 = arith.constant 1024 : i32
      %mul3A_1586 = arith.muli %sub3A_1584, %mul3A_1585 : i32
      %jit3A_1587 = arith.constant 8 : i32
      %eq3A_1588 = arith.constant 0 : i32
      %eq3A_1589 = arith.cmpi eq, %jit3A_1587, %eq3A_1588 : i32
      %jit3A_1590 = arith.constant 1 : i32
      %select_n3A_1591 = arith.select %eq3A_1589, %jit3A_1590, %jit3A_1587 : i32
      %rem3A_1592 = arith.remsi %add3A_1530, %select_n3A_1591 : i32
      %ne3A_1593 = arith.constant 0 : i32
      %ne3A_1594 = arith.cmpi ne, %rem3A_1592, %ne3A_1593 : i32
      %lt3A_1595 = arith.constant 0 : i32
      %lt3A_1596 = arith.cmpi slt, %rem3A_1592, %lt3A_1595 : i32
      %lt3A_1597 = arith.constant 0 : i32
      %lt3A_1598 = arith.cmpi slt, %select_n3A_1591, %lt3A_1597 : i32
      %ne3A_1599 = arith.xori %lt3A_1596, %lt3A_1598 : i1
      %and3A_1600 = arith.andi %ne3A_1599, %ne3A_1594 : i1
      %add3A_1601 = arith.addi %rem3A_1592, %select_n3A_1591 : i32
      %select_n3A_1602 = arith.select %and3A_1600, %add3A_1601, %rem3A_1592 : i32
      %mul3A_1603 = arith.constant 128 : i32
      %mul3A_1604 = arith.muli %select_n3A_1602, %mul3A_1603 : i32
      %add3A_1605 = arith.addi %mul3A_1586, %mul3A_1604 : i32
      %lt3A_1606 = arith.constant 792 : i32
      %lt3A_1607 = arith.cmpi slt, %add3A_1530, %lt3A_1606 : i32
      %sub3A_1608 = arith.constant 792 : i32
      %sub3A_1609 = arith.subi %add3A_1530, %sub3A_1608 : i32
      %mul3A_1610 = arith.constant 128 : i32
      %mul3A_1611 = arith.muli %sub3A_1609, %mul3A_1610 : i32
      %add3A_1612 = arith.constant 51200 : i32
      %add3A_1613 = arith.addi %add3A_1612, %mul3A_1611 : i32
      %select_n3A_1614 = arith.select %lt3A_1607, %add3A_1605, %add3A_1613 : i32
      %jit3A_1615 = arith.constant 2 : i32
      %eq3A_1616 = arith.constant 0 : i32
      %eq3A_1617 = arith.cmpi eq, %jit3A_1615, %eq3A_1616 : i32
      %jit3A_1618 = arith.constant 1 : i32
      %select_n3A_1619 = arith.select %eq3A_1617, %jit3A_1618, %jit3A_1615 : i32
      %rem3A_1620 = arith.remsi %min3A_1558, %select_n3A_1619 : i32
      %ne3A_1621 = arith.constant 0 : i32
      %ne3A_1622 = arith.cmpi ne, %rem3A_1620, %ne3A_1621 : i32
      %lt3A_1623 = arith.constant 0 : i32
      %lt3A_1624 = arith.cmpi slt, %rem3A_1620, %lt3A_1623 : i32
      %lt3A_1625 = arith.constant 0 : i32
      %lt3A_1626 = arith.cmpi slt, %select_n3A_1619, %lt3A_1625 : i32
      %ne3A_1627 = arith.xori %lt3A_1624, %lt3A_1626 : i1
      %and3A_1628 = arith.andi %ne3A_1627, %ne3A_1622 : i1
      %add3A_1629 = arith.addi %rem3A_1620, %select_n3A_1619 : i32
      %select_n3A_1630 = arith.select %and3A_1628, %add3A_1629, %rem3A_1620 : i32
      %mul3A_1631 = arith.constant 64 : i32
      %mul3A_1632 = arith.muli %select_n3A_1630, %mul3A_1631 : i32
      "tpu.region"() ({
        %run_scoped3A = tpu.sem_alloc : memref<!tpu.dma_semaphore, #tpu.memory_space<semaphore_mem>>
        %dma_start3A_1740 = arith.constant 384 : i32
        %dma_start3A_1741 = arith.constant 0 : i32
        %dma_start3A_1742 = tpu.memref_slice %arg7[%dma_start3A_1740, %dma_start3A_1741] : memref<640x64xf32, #tpu.memory_space<vmem>> -> memref<128x64xf32, #tpu.memory_space<vmem>>
        %dma_start3A_1743 = tpu.memref_slice %arg4[%select_n3A_1614, %mul3A_1632] : memref<52224x128xf32, #tpu.memory_space<hbm>> -> memref<128x64xf32, #tpu.memory_space<hbm>>
        %dma_start3A_1744 = tpu.memref_slice %arg4[%select_n3A_1614, %mul3A_1632] : memref<52224x128xf32, #tpu.memory_space<hbm>> -> memref<128x64xf32, #tpu.memory_space<hbm>>
        %dma_start3A_1745 = arith.constant 384 : i32
        %dma_start3A_1746 = arith.constant 0 : i32
        %dma_start3A_1747 = tpu.memref_slice %arg7[%dma_start3A_1745, %dma_start3A_1746] : memref<640x64xf32, #tpu.memory_space<vmem>> -> memref<128x64xf32, #tpu.memory_space<vmem>>
        tpu.enqueue_dma source(%dma_start3A_1747 : memref<128x64xf32, #tpu.memory_space<vmem>>) target(%dma_start3A_1744 : memref<128x64xf32, #tpu.memory_space<hbm>>) target_semaphore(%run_scoped3A : memref<!tpu.dma_semaphore, #tpu.memory_space<semaphore_mem>>)
        %dma_wait3A_1748 = arith.constant 384 : i32
        %dma_wait3A_1749 = arith.constant 0 : i32
        %dma_wait3A_1750 = tpu.memref_slice %arg7[%dma_wait3A_1748, %dma_wait3A_1749] : memref<640x64xf32, #tpu.memory_space<vmem>> -> memref<128x64xf32, #tpu.memory_space<vmem>>
        %dma_wait3A_1751 = tpu.memref_slice %arg4[%select_n3A_1614, %mul3A_1632] : memref<52224x128xf32, #tpu.memory_space<hbm>> -> memref<128x64xf32, #tpu.memory_space<hbm>>
        %dma_wait3A_1752 = tpu.memref_slice %arg4[%select_n3A_1614, %mul3A_1632] : memref<52224x128xf32, #tpu.memory_space<hbm>> -> memref<128x64xf32, #tpu.memory_space<hbm>>
        %dma_wait3A_1753 = arith.constant 384 : i32
        %dma_wait3A_1754 = arith.constant 0 : i32
        %dma_wait3A_1755 = tpu.memref_slice %arg7[%dma_wait3A_1753, %dma_wait3A_1754] : memref<640x64xf32, #tpu.memory_space<vmem>> -> memref<128x64xf32, #tpu.memory_space<vmem>>
        tpu.wait_dma2 semaphore(%run_scoped3A : memref<!tpu.dma_semaphore, #tpu.memory_space<semaphore_mem>>) src(%dma_wait3A_1755 : memref<128x64xf32, #tpu.memory_space<vmem>>) dst(%dma_wait3A_1752 : memref<128x64xf32, #tpu.memory_space<hbm>>)
        tpu.yield
      }) : () -> ()
      %mul3A_1633 = arith.constant 5 : i32
      %mul3A_1634 = arith.muli %add3A_1204, %mul3A_1633 : i32
      %add3A_1635 = arith.addi %mul3A_2, %mul3A_1634 : i32
      %add3A_1636 = arith.constant 4 : i32
      %add3A_1637 = arith.addi %add3A_1635, %add3A_1636 : i32
      %jit3A_1638 = arith.constant 8 : i32
      %div3A_1639 = arith.divsi %add3A_1637, %jit3A_1638 : i32
      %sign3A_1640 = arith.constant 0 : i32
      %sign3A_1641 = arith.cmpi sgt, %add3A_1637, %sign3A_1640 : i32
      %sign3A_1642 = arith.extui %sign3A_1641 : i1 to i32
      %sign3A_1643 = arith.constant 0 : i32
      %sign3A_1644 = arith.cmpi slt, %add3A_1637, %sign3A_1643 : i32
      %sign3A_1645 = arith.extui %sign3A_1644 : i1 to i32
      %sign3A_1646 = arith.subi %sign3A_1642, %sign3A_1645 : i32
      %sign3A_1647 = arith.constant 0 : i32
      %sign3A_1648 = arith.cmpi sgt, %jit3A_1638, %sign3A_1647 : i32
      %sign3A_1649 = arith.extui %sign3A_1648 : i1 to i32
      %sign3A_1650 = arith.constant 0 : i32
      %sign3A_1651 = arith.cmpi slt, %jit3A_1638, %sign3A_1650 : i32
      %sign3A_1652 = arith.extui %sign3A_1651 : i1 to i32
      %sign3A_1653 = arith.subi %sign3A_1649, %sign3A_1652 : i32
      %ne3A_1654 = arith.cmpi ne, %sign3A_1646, %sign3A_1653 : i32
      %rem3A_1655 = arith.remsi %add3A_1637, %jit3A_1638 : i32
      %ne3A_1656 = arith.constant 0 : i32
      %ne3A_1657 = arith.cmpi ne, %rem3A_1655, %ne3A_1656 : i32
      %and3A_1658 = arith.andi %ne3A_1654, %ne3A_1657 : i1
      %sub3A_1659 = arith.constant 1 : i32
      %sub3A_1660 = arith.subi %div3A_1639, %sub3A_1659 : i32
      %select_n3A_1661 = arith.select %and3A_1658, %sub3A_1660, %div3A_1639 : i32
      %add3A_1662 = arith.constant 1 : i32
      %add3A_1663 = arith.addi %add3A_1662, %select_n3A_1661 : i32
      %min3A_1664 = arith.constant 200 : i32
      %min3A_1665 = arith.minsi %add3A_1663, %min3A_1664 : i32
      %jit3A_1666 = arith.constant 2 : i32
      %div3A_1667 = arith.divsi %min3A_1665, %jit3A_1666 : i32
      %sign3A_1668 = arith.constant 0 : i32
      %sign3A_1669 = arith.cmpi sgt, %min3A_1665, %sign3A_1668 : i32
      %sign3A_1670 = arith.extui %sign3A_1669 : i1 to i32
      %sign3A_1671 = arith.constant 0 : i32
      %sign3A_1672 = arith.cmpi slt, %min3A_1665, %sign3A_1671 : i32
      %sign3A_1673 = arith.extui %sign3A_1672 : i1 to i32
      %sign3A_1674 = arith.subi %sign3A_1670, %sign3A_1673 : i32
      %sign3A_1675 = arith.constant 0 : i32
      %sign3A_1676 = arith.cmpi sgt, %jit3A_1666, %sign3A_1675 : i32
      %sign3A_1677 = arith.extui %sign3A_1676 : i1 to i32
      %sign3A_1678 = arith.constant 0 : i32
      %sign3A_1679 = arith.cmpi slt, %jit3A_1666, %sign3A_1678 : i32
      %sign3A_1680 = arith.extui %sign3A_1679 : i1 to i32
      %sign3A_1681 = arith.subi %sign3A_1677, %sign3A_1680 : i32
      %ne3A_1682 = arith.cmpi ne, %sign3A_1674, %sign3A_1681 : i32
      %rem3A_1683 = arith.remsi %min3A_1665, %jit3A_1666 : i32
      %ne3A_1684 = arith.constant 0 : i32
      %ne3A_1685 = arith.cmpi ne, %rem3A_1683, %ne3A_1684 : i32
      %and3A_1686 = arith.andi %ne3A_1682, %ne3A_1685 : i1
      %sub3A_1687 = arith.constant 1 : i32
      %sub3A_1688 = arith.subi %div3A_1667, %sub3A_1687 : i32
      %select_n3A_1689 = arith.select %and3A_1686, %sub3A_1688, %div3A_1667 : i32
      %sub3A_1690 = arith.constant 0 : i32
      %sub3A_1691 = arith.subi %select_n3A_1689, %sub3A_1690 : i32
      %mul3A_1692 = arith.constant 1024 : i32
      %mul3A_1693 = arith.muli %sub3A_1691, %mul3A_1692 : i32
      %jit3A_1694 = arith.constant 8 : i32
      %eq3A_1695 = arith.constant 0 : i32
      %eq3A_1696 = arith.cmpi eq, %jit3A_1694, %eq3A_1695 : i32
      %jit3A_1697 = arith.constant 1 : i32
      %select_n3A_1698 = arith.select %eq3A_1696, %jit3A_1697, %jit3A_1694 : i32
      %rem3A_1699 = arith.remsi %add3A_1637, %select_n3A_1698 : i32
      %ne3A_1700 = arith.constant 0 : i32
      %ne3A_1701 = arith.cmpi ne, %rem3A_1699, %ne3A_1700 : i32
      %lt3A_1702 = arith.constant 0 : i32
      %lt3A_1703 = arith.cmpi slt, %rem3A_1699, %lt3A_1702 : i32
      %lt3A_1704 = arith.constant 0 : i32
      %lt3A_1705 = arith.cmpi slt, %select_n3A_1698, %lt3A_1704 : i32
      %ne3A_1706 = arith.xori %lt3A_1703, %lt3A_1705 : i1
      %and3A_1707 = arith.andi %ne3A_1706, %ne3A_1701 : i1
      %add3A_1708 = arith.addi %rem3A_1699, %select_n3A_1698 : i32
      %select_n3A_1709 = arith.select %and3A_1707, %add3A_1708, %rem3A_1699 : i32
      %mul3A_1710 = arith.constant 128 : i32
      %mul3A_1711 = arith.muli %select_n3A_1709, %mul3A_1710 : i32
      %add3A_1712 = arith.addi %mul3A_1693, %mul3A_1711 : i32
      %lt3A_1713 = arith.constant 792 : i32
      %lt3A_1714 = arith.cmpi slt, %add3A_1637, %lt3A_1713 : i32
      %sub3A_1715 = arith.constant 792 : i32
      %sub3A_1716 = arith.subi %add3A_1637, %sub3A_1715 : i32
      %mul3A_1717 = arith.constant 128 : i32
      %mul3A_1718 = arith.muli %sub3A_1716, %mul3A_1717 : i32
      %add3A_1719 = arith.constant 51200 : i32
      %add3A_1720 = arith.addi %add3A_1719, %mul3A_1718 : i32
      %select_n3A_1721 = arith.select %lt3A_1714, %add3A_1712, %add3A_1720 : i32
      %jit3A_1722 = arith.constant 2 : i32
      %eq3A_1723 = arith.constant 0 : i32
      %eq3A_1724 = arith.cmpi eq, %jit3A_1722, %eq3A_1723 : i32
      %jit3A_1725 = arith.constant 1 : i32
      %select_n3A_1726 = arith.select %eq3A_1724, %jit3A_1725, %jit3A_1722 : i32
      %rem3A_1727 = arith.remsi %min3A_1665, %select_n3A_1726 : i32
      %ne3A_1728 = arith.constant 0 : i32
      %ne3A_1729 = arith.cmpi ne, %rem3A_1727, %ne3A_1728 : i32
      %lt3A_1730 = arith.constant 0 : i32
      %lt3A_1731 = arith.cmpi slt, %rem3A_1727, %lt3A_1730 : i32
      %lt3A_1732 = arith.constant 0 : i32
      %lt3A_1733 = arith.cmpi slt, %select_n3A_1726, %lt3A_1732 : i32
      %ne3A_1734 = arith.xori %lt3A_1731, %lt3A_1733 : i1
      %and3A_1735 = arith.andi %ne3A_1734, %ne3A_1729 : i1
      %add3A_1736 = arith.addi %rem3A_1727, %select_n3A_1726 : i32
      %select_n3A_1737 = arith.select %and3A_1735, %add3A_1736, %rem3A_1727 : i32
      %mul3A_1738 = arith.constant 64 : i32
      %mul3A_1739 = arith.muli %select_n3A_1737, %mul3A_1738 : i32
      "tpu.region"() ({
        %run_scoped3A = tpu.sem_alloc : memref<!tpu.dma_semaphore, #tpu.memory_space<semaphore_mem>>
        %dma_start3A_1740 = arith.constant 512 : i32
        %dma_start3A_1741 = arith.constant 0 : i32
        %dma_start3A_1742 = tpu.memref_slice %arg7[%dma_start3A_1740, %dma_start3A_1741] : memref<640x64xf32, #tpu.memory_space<vmem>> -> memref<128x64xf32, #tpu.memory_space<vmem>>
        %dma_start3A_1743 = tpu.memref_slice %arg4[%select_n3A_1721, %mul3A_1739] : memref<52224x128xf32, #tpu.memory_space<hbm>> -> memref<128x64xf32, #tpu.memory_space<hbm>>
        %dma_start3A_1744 = tpu.memref_slice %arg4[%select_n3A_1721, %mul3A_1739] : memref<52224x128xf32, #tpu.memory_space<hbm>> -> memref<128x64xf32, #tpu.memory_space<hbm>>
        %dma_start3A_1745 = arith.constant 512 : i32
        %dma_start3A_1746 = arith.constant 0 : i32
        %dma_start3A_1747 = tpu.memref_slice %arg7[%dma_start3A_1745, %dma_start3A_1746] : memref<640x64xf32, #tpu.memory_space<vmem>> -> memref<128x64xf32, #tpu.memory_space<vmem>>
        tpu.enqueue_dma source(%dma_start3A_1747 : memref<128x64xf32, #tpu.memory_space<vmem>>) target(%dma_start3A_1744 : memref<128x64xf32, #tpu.memory_space<hbm>>) target_semaphore(%run_scoped3A : memref<!tpu.dma_semaphore, #tpu.memory_space<semaphore_mem>>)
        %dma_wait3A_1748 = arith.constant 512 : i32
        %dma_wait3A_1749 = arith.constant 0 : i32
        %dma_wait3A_1750 = tpu.memref_slice %arg7[%dma_wait3A_1748, %dma_wait3A_1749] : memref<640x64xf32, #tpu.memory_space<vmem>> -> memref<128x64xf32, #tpu.memory_space<vmem>>
        %dma_wait3A_1751 = tpu.memref_slice %arg4[%select_n3A_1721, %mul3A_1739] : memref<52224x128xf32, #tpu.memory_space<hbm>> -> memref<128x64xf32, #tpu.memory_space<hbm>>
        %dma_wait3A_1752 = tpu.memref_slice %arg4[%select_n3A_1721, %mul3A_1739] : memref<52224x128xf32, #tpu.memory_space<hbm>> -> memref<128x64xf32, #tpu.memory_space<hbm>>
        %dma_wait3A_1753 = arith.constant 512 : i32
        %dma_wait3A_1754 = arith.constant 0 : i32
        %dma_wait3A_1755 = tpu.memref_slice %arg7[%dma_wait3A_1753, %dma_wait3A_1754] : memref<640x64xf32, #tpu.memory_space<vmem>> -> memref<128x64xf32, #tpu.memory_space<vmem>>
        tpu.wait_dma2 semaphore(%run_scoped3A : memref<!tpu.dma_semaphore, #tpu.memory_space<semaphore_mem>>) src(%dma_wait3A_1755 : memref<128x64xf32, #tpu.memory_space<vmem>>) dst(%dma_wait3A_1752 : memref<128x64xf32, #tpu.memory_space<hbm>>)
        tpu.yield
      }) : () -> ()
    }
    %scan3A_56 = arith.constant 2 : i32
    %dma_wait3A = arith.constant 0 : i32
    %dma_wait3A_57 = arith.constant 0 : i32
    %dma_wait3A_58 = tpu.memref_slice %arg3[%dma_wait3A, %dma_wait3A_57] : memref<100352x64xf32, #tpu.memory_space<hbm>> -> memref<640x64xf32, #tpu.memory_space<hbm>>
    %dma_wait3A_59 = arith.constant 0 : i32
    %dma_wait3A_60 = arith.constant 0 : i32
    %dma_wait3A_61 = tpu.memref_slice %arg3[%dma_wait3A_59, %dma_wait3A_60] : memref<100352x64xf32, #tpu.memory_space<hbm>> -> memref<640x64xf32, #tpu.memory_space<hbm>>
    tpu.wait_dma2 semaphore(%arg8 : memref<!tpu.dma_semaphore, #tpu.memory_space<semaphore_mem>>) src(%dma_wait3A_61 : memref<640x64xf32, #tpu.memory_space<hbm>>) dst(%arg6 : memref<640x64xf32, #tpu.memory_space<vmem>>)
    %add3A_62 = arith.constant 20 : i32
    %add3A_63 = arith.addi %mul3A_2, %add3A_62 : i32
    %add3A_64 = arith.constant 0 : i32
    %add3A_65 = arith.addi %add3A_63, %add3A_64 : i32
    %jit3A = arith.constant 8 : i32
    %div3A = arith.divsi %add3A_65, %jit3A : i32
    %sign3A = arith.constant 0 : i32
    %sign3A_66 = arith.cmpi sgt, %add3A_65, %sign3A : i32
    %sign3A_67 = arith.extui %sign3A_66 : i1 to i32
    %sign3A_68 = arith.constant 0 : i32
    %sign3A_69 = arith.cmpi slt, %add3A_65, %sign3A_68 : i32
    %sign3A_70 = arith.extui %sign3A_69 : i1 to i32
    %sign3A_71 = arith.subi %sign3A_67, %sign3A_70 : i32
    %sign3A_72 = arith.constant 0 : i32
    %sign3A_73 = arith.cmpi sgt, %jit3A, %sign3A_72 : i32
    %sign3A_74 = arith.extui %sign3A_73 : i1 to i32
    %sign3A_75 = arith.constant 0 : i32
    %sign3A_76 = arith.cmpi slt, %jit3A, %sign3A_75 : i32
    %sign3A_77 = arith.extui %sign3A_76 : i1 to i32
    %sign3A_78 = arith.subi %sign3A_74, %sign3A_77 : i32
    %ne3A = arith.cmpi ne, %sign3A_71, %sign3A_78 : i32
    %rem3A = arith.remsi %add3A_65, %jit3A : i32
    %ne3A_79 = arith.constant 0 : i32
    %ne3A_80 = arith.cmpi ne, %rem3A, %ne3A_79 : i32
    %and3A = arith.andi %ne3A, %ne3A_80 : i1
    %sub3A = arith.constant 1 : i32
    %sub3A_81 = arith.subi %div3A, %sub3A : i32
    %select_n3A = arith.select %and3A, %sub3A_81, %div3A : i32
    %add3A_82 = arith.constant 1 : i32
    %add3A_83 = arith.addi %add3A_82, %select_n3A : i32
    %min3A = arith.constant 200 : i32
    %min3A_84 = arith.minsi %add3A_83, %min3A : i32
    %jit3A_85 = arith.constant 2 : i32
    %div3A_86 = arith.divsi %min3A_84, %jit3A_85 : i32
    %sign3A_87 = arith.constant 0 : i32
    %sign3A_88 = arith.cmpi sgt, %min3A_84, %sign3A_87 : i32
    %sign3A_89 = arith.extui %sign3A_88 : i1 to i32
    %sign3A_90 = arith.constant 0 : i32
    %sign3A_91 = arith.cmpi slt, %min3A_84, %sign3A_90 : i32
    %sign3A_92 = arith.extui %sign3A_91 : i1 to i32
    %sign3A_93 = arith.subi %sign3A_89, %sign3A_92 : i32
    %sign3A_94 = arith.constant 0 : i32
    %sign3A_95 = arith.cmpi sgt, %jit3A_85, %sign3A_94 : i32
    %sign3A_96 = arith.extui %sign3A_95 : i1 to i32
    %sign3A_97 = arith.constant 0 : i32
    %sign3A_98 = arith.cmpi slt, %jit3A_85, %sign3A_97 : i32
    %sign3A_99 = arith.extui %sign3A_98 : i1 to i32
    %sign3A_100 = arith.subi %sign3A_96, %sign3A_99 : i32
    %ne3A_101 = arith.cmpi ne, %sign3A_93, %sign3A_100 : i32
    %rem3A_102 = arith.remsi %min3A_84, %jit3A_85 : i32
    %ne3A_103 = arith.constant 0 : i32
    %ne3A_104 = arith.cmpi ne, %rem3A_102, %ne3A_103 : i32
    %and3A_105 = arith.andi %ne3A_101, %ne3A_104 : i1
    %sub3A_106 = arith.constant 1 : i32
    %sub3A_107 = arith.subi %div3A_86, %sub3A_106 : i32
    %select_n3A_108 = arith.select %and3A_105, %sub3A_107, %div3A_86 : i32
    %sub3A_109 = arith.constant 0 : i32
    %sub3A_110 = arith.subi %select_n3A_108, %sub3A_109 : i32
    %mul3A_111 = arith.constant 1024 : i32
    %mul3A_112 = arith.muli %sub3A_110, %mul3A_111 : i32
    %jit3A_113 = arith.constant 8 : i32
    %eq3A = arith.constant 0 : i32
    %eq3A_114 = arith.cmpi eq, %jit3A_113, %eq3A : i32
    %jit3A_115 = arith.constant 1 : i32
    %select_n3A_116 = arith.select %eq3A_114, %jit3A_115, %jit3A_113 : i32
    %rem3A_117 = arith.remsi %add3A_65, %select_n3A_116 : i32
    %ne3A_118 = arith.constant 0 : i32
    %ne3A_119 = arith.cmpi ne, %rem3A_117, %ne3A_118 : i32
    %lt3A = arith.constant 0 : i32
    %lt3A_120 = arith.cmpi slt, %rem3A_117, %lt3A : i32
    %lt3A_121 = arith.constant 0 : i32
    %lt3A_122 = arith.cmpi slt, %select_n3A_116, %lt3A_121 : i32
    %ne3A_123 = arith.xori %lt3A_120, %lt3A_122 : i1
    %and3A_124 = arith.andi %ne3A_123, %ne3A_119 : i1
    %add3A_125 = arith.addi %rem3A_117, %select_n3A_116 : i32
    %select_n3A_126 = arith.select %and3A_124, %add3A_125, %rem3A_117 : i32
    %mul3A_127 = arith.constant 128 : i32
    %mul3A_128 = arith.muli %select_n3A_126, %mul3A_127 : i32
    %add3A_129 = arith.addi %mul3A_112, %mul3A_128 : i32
    %lt3A_130 = arith.constant 792 : i32
    %lt3A_131 = arith.cmpi slt, %add3A_65, %lt3A_130 : i32
    %sub3A_132 = arith.constant 792 : i32
    %sub3A_133 = arith.subi %add3A_65, %sub3A_132 : i32
    %mul3A_134 = arith.constant 128 : i32
    %mul3A_135 = arith.muli %sub3A_133, %mul3A_134 : i32
    %add3A_136 = arith.constant 51200 : i32
    %add3A_137 = arith.addi %add3A_136, %mul3A_135 : i32
    %select_n3A_138 = arith.select %lt3A_131, %add3A_129, %add3A_137 : i32
    %jit3A_139 = arith.constant 2 : i32
    %eq3A_140 = arith.constant 0 : i32
    %eq3A_141 = arith.cmpi eq, %jit3A_139, %eq3A_140 : i32
    %jit3A_142 = arith.constant 1 : i32
    %select_n3A_143 = arith.select %eq3A_141, %jit3A_142, %jit3A_139 : i32
    %rem3A_144 = arith.remsi %min3A_84, %select_n3A_143 : i32
    %ne3A_145 = arith.constant 0 : i32
    %ne3A_146 = arith.cmpi ne, %rem3A_144, %ne3A_145 : i32
    %lt3A_147 = arith.constant 0 : i32
    %lt3A_148 = arith.cmpi slt, %rem3A_144, %lt3A_147 : i32
    %lt3A_149 = arith.constant 0 : i32
    %lt3A_150 = arith.cmpi slt, %select_n3A_143, %lt3A_149 : i32
    %ne3A_151 = arith.xori %lt3A_148, %lt3A_150 : i1
    %and3A_152 = arith.andi %ne3A_151, %ne3A_146 : i1
    %add3A_153 = arith.addi %rem3A_144, %select_n3A_143 : i32
    %select_n3A_154 = arith.select %and3A_152, %add3A_153, %rem3A_144 : i32
    %mul3A_155 = arith.constant 64 : i32
    %mul3A_156 = arith.muli %select_n3A_154, %mul3A_155 : i32
    "tpu.region"() ({
      %run_scoped3A = tpu.sem_alloc : memref<!tpu.dma_semaphore, #tpu.memory_space<semaphore_mem>>
      %dma_start3A_581 = arith.constant 0 : i32
      %dma_start3A_582 = arith.constant 0 : i32
      %dma_start3A_583 = tpu.memref_slice %arg6[%dma_start3A_581, %dma_start3A_582] : memref<640x64xf32, #tpu.memory_space<vmem>> -> memref<128x64xf32, #tpu.memory_space<vmem>>
      %dma_start3A_584 = tpu.memref_slice %arg4[%select_n3A_138, %mul3A_156] : memref<52224x128xf32, #tpu.memory_space<hbm>> -> memref<128x64xf32, #tpu.memory_space<hbm>>
      %dma_start3A_585 = tpu.memref_slice %arg4[%select_n3A_138, %mul3A_156] : memref<52224x128xf32, #tpu.memory_space<hbm>> -> memref<128x64xf32, #tpu.memory_space<hbm>>
      %dma_start3A_586 = arith.constant 0 : i32
      %dma_start3A_587 = arith.constant 0 : i32
      %dma_start3A_588 = tpu.memref_slice %arg6[%dma_start3A_586, %dma_start3A_587] : memref<640x64xf32, #tpu.memory_space<vmem>> -> memref<128x64xf32, #tpu.memory_space<vmem>>
      tpu.enqueue_dma source(%dma_start3A_588 : memref<128x64xf32, #tpu.memory_space<vmem>>) target(%dma_start3A_585 : memref<128x64xf32, #tpu.memory_space<hbm>>) target_semaphore(%run_scoped3A : memref<!tpu.dma_semaphore, #tpu.memory_space<semaphore_mem>>)
      %dma_wait3A_589 = arith.constant 0 : i32
      %dma_wait3A_590 = arith.constant 0 : i32
      %dma_wait3A_591 = tpu.memref_slice %arg6[%dma_wait3A_589, %dma_wait3A_590] : memref<640x64xf32, #tpu.memory_space<vmem>> -> memref<128x64xf32, #tpu.memory_space<vmem>>
      %dma_wait3A_592 = tpu.memref_slice %arg4[%select_n3A_138, %mul3A_156] : memref<52224x128xf32, #tpu.memory_space<hbm>> -> memref<128x64xf32, #tpu.memory_space<hbm>>
      %dma_wait3A_593 = tpu.memref_slice %arg4[%select_n3A_138, %mul3A_156] : memref<52224x128xf32, #tpu.memory_space<hbm>> -> memref<128x64xf32, #tpu.memory_space<hbm>>
      %dma_wait3A_594 = arith.constant 0 : i32
      %dma_wait3A_595 = arith.constant 0 : i32
      %dma_wait3A_596 = tpu.memref_slice %arg6[%dma_wait3A_594, %dma_wait3A_595] : memref<640x64xf32, #tpu.memory_space<vmem>> -> memref<128x64xf32, #tpu.memory_space<vmem>>
      tpu.wait_dma2 semaphore(%run_scoped3A : memref<!tpu.dma_semaphore, #tpu.memory_space<semaphore_mem>>) src(%dma_wait3A_596 : memref<128x64xf32, #tpu.memory_space<vmem>>) dst(%dma_wait3A_593 : memref<128x64xf32, #tpu.memory_space<hbm>>)
      tpu.yield
    }) : () -> ()
    %add3A_157 = arith.constant 20 : i32
    %add3A_158 = arith.addi %mul3A_2, %add3A_157 : i32
    %add3A_159 = arith.constant 1 : i32
    %add3A_160 = arith.addi %add3A_158, %add3A_159 : i32
    %jit3A_161 = arith.constant 8 : i32
    %div3A_162 = arith.divsi %add3A_160, %jit3A_161 : i32
    %sign3A_163 = arith.constant 0 : i32
    %sign3A_164 = arith.cmpi sgt, %add3A_160, %sign3A_163 : i32
    %sign3A_165 = arith.extui %sign3A_164 : i1 to i32
    %sign3A_166 = arith.constant 0 : i32
    %sign3A_167 = arith.cmpi slt, %add3A_160, %sign3A_166 : i32
    %sign3A_168 = arith.extui %sign3A_167 : i1 to i32
    %sign3A_169 = arith.subi %sign3A_165, %sign3A_168 : i32
    %sign3A_170 = arith.constant 0 : i32
    %sign3A_171 = arith.cmpi sgt, %jit3A_161, %sign3A_170 : i32
    %sign3A_172 = arith.extui %sign3A_171 : i1 to i32
    %sign3A_173 = arith.constant 0 : i32
    %sign3A_174 = arith.cmpi slt, %jit3A_161, %sign3A_173 : i32
    %sign3A_175 = arith.extui %sign3A_174 : i1 to i32
    %sign3A_176 = arith.subi %sign3A_172, %sign3A_175 : i32
    %ne3A_177 = arith.cmpi ne, %sign3A_169, %sign3A_176 : i32
    %rem3A_178 = arith.remsi %add3A_160, %jit3A_161 : i32
    %ne3A_179 = arith.constant 0 : i32
    %ne3A_180 = arith.cmpi ne, %rem3A_178, %ne3A_179 : i32
    %and3A_181 = arith.andi %ne3A_177, %ne3A_180 : i1
    %sub3A_182 = arith.constant 1 : i32
    %sub3A_183 = arith.subi %div3A_162, %sub3A_182 : i32
    %select_n3A_184 = arith.select %and3A_181, %sub3A_183, %div3A_162 : i32
    %add3A_185 = arith.constant 1 : i32
    %add3A_186 = arith.addi %add3A_185, %select_n3A_184 : i32
    %min3A_187 = arith.constant 200 : i32
    %min3A_188 = arith.minsi %add3A_186, %min3A_187 : i32
    %jit3A_189 = arith.constant 2 : i32
    %div3A_190 = arith.divsi %min3A_188, %jit3A_189 : i32
    %sign3A_191 = arith.constant 0 : i32
    %sign3A_192 = arith.cmpi sgt, %min3A_188, %sign3A_191 : i32
    %sign3A_193 = arith.extui %sign3A_192 : i1 to i32
    %sign3A_194 = arith.constant 0 : i32
    %sign3A_195 = arith.cmpi slt, %min3A_188, %sign3A_194 : i32
    %sign3A_196 = arith.extui %sign3A_195 : i1 to i32
    %sign3A_197 = arith.subi %sign3A_193, %sign3A_196 : i32
    %sign3A_198 = arith.constant 0 : i32
    %sign3A_199 = arith.cmpi sgt, %jit3A_189, %sign3A_198 : i32
    %sign3A_200 = arith.extui %sign3A_199 : i1 to i32
    %sign3A_201 = arith.constant 0 : i32
    %sign3A_202 = arith.cmpi slt, %jit3A_189, %sign3A_201 : i32
    %sign3A_203 = arith.extui %sign3A_202 : i1 to i32
    %sign3A_204 = arith.subi %sign3A_200, %sign3A_203 : i32
    %ne3A_205 = arith.cmpi ne, %sign3A_197, %sign3A_204 : i32
    %rem3A_206 = arith.remsi %min3A_188, %jit3A_189 : i32
    %ne3A_207 = arith.constant 0 : i32
    %ne3A_208 = arith.cmpi ne, %rem3A_206, %ne3A_207 : i32
    %and3A_209 = arith.andi %ne3A_205, %ne3A_208 : i1
    %sub3A_210 = arith.constant 1 : i32
    %sub3A_211 = arith.subi %div3A_190, %sub3A_210 : i32
    %select_n3A_212 = arith.select %and3A_209, %sub3A_211, %div3A_190 : i32
    %sub3A_213 = arith.constant 0 : i32
    %sub3A_214 = arith.subi %select_n3A_212, %sub3A_213 : i32
    %mul3A_215 = arith.constant 1024 : i32
    %mul3A_216 = arith.muli %sub3A_214, %mul3A_215 : i32
    %jit3A_217 = arith.constant 8 : i32
    %eq3A_218 = arith.constant 0 : i32
    %eq3A_219 = arith.cmpi eq, %jit3A_217, %eq3A_218 : i32
    %jit3A_220 = arith.constant 1 : i32
    %select_n3A_221 = arith.select %eq3A_219, %jit3A_220, %jit3A_217 : i32
    %rem3A_222 = arith.remsi %add3A_160, %select_n3A_221 : i32
    %ne3A_223 = arith.constant 0 : i32
    %ne3A_224 = arith.cmpi ne, %rem3A_222, %ne3A_223 : i32
    %lt3A_225 = arith.constant 0 : i32
    %lt3A_226 = arith.cmpi slt, %rem3A_222, %lt3A_225 : i32
    %lt3A_227 = arith.constant 0 : i32
    %lt3A_228 = arith.cmpi slt, %select_n3A_221, %lt3A_227 : i32
    %ne3A_229 = arith.xori %lt3A_226, %lt3A_228 : i1
    %and3A_230 = arith.andi %ne3A_229, %ne3A_224 : i1
    %add3A_231 = arith.addi %rem3A_222, %select_n3A_221 : i32
    %select_n3A_232 = arith.select %and3A_230, %add3A_231, %rem3A_222 : i32
    %mul3A_233 = arith.constant 128 : i32
    %mul3A_234 = arith.muli %select_n3A_232, %mul3A_233 : i32
    %add3A_235 = arith.addi %mul3A_216, %mul3A_234 : i32
    %lt3A_236 = arith.constant 792 : i32
    %lt3A_237 = arith.cmpi slt, %add3A_160, %lt3A_236 : i32
    %sub3A_238 = arith.constant 792 : i32
    %sub3A_239 = arith.subi %add3A_160, %sub3A_238 : i32
    %mul3A_240 = arith.constant 128 : i32
    %mul3A_241 = arith.muli %sub3A_239, %mul3A_240 : i32
    %add3A_242 = arith.constant 51200 : i32
    %add3A_243 = arith.addi %add3A_242, %mul3A_241 : i32
    %select_n3A_244 = arith.select %lt3A_237, %add3A_235, %add3A_243 : i32
    %jit3A_245 = arith.constant 2 : i32
    %eq3A_246 = arith.constant 0 : i32
    %eq3A_247 = arith.cmpi eq, %jit3A_245, %eq3A_246 : i32
    %jit3A_248 = arith.constant 1 : i32
    %select_n3A_249 = arith.select %eq3A_247, %jit3A_248, %jit3A_245 : i32
    %rem3A_250 = arith.remsi %min3A_188, %select_n3A_249 : i32
    %ne3A_251 = arith.constant 0 : i32
    %ne3A_252 = arith.cmpi ne, %rem3A_250, %ne3A_251 : i32
    %lt3A_253 = arith.constant 0 : i32
    %lt3A_254 = arith.cmpi slt, %rem3A_250, %lt3A_253 : i32
    %lt3A_255 = arith.constant 0 : i32
    %lt3A_256 = arith.cmpi slt, %select_n3A_249, %lt3A_255 : i32
    %ne3A_257 = arith.xori %lt3A_254, %lt3A_256 : i1
    %and3A_258 = arith.andi %ne3A_257, %ne3A_252 : i1
    %add3A_259 = arith.addi %rem3A_250, %select_n3A_249 : i32
    %select_n3A_260 = arith.select %and3A_258, %add3A_259, %rem3A_250 : i32
    %mul3A_261 = arith.constant 64 : i32
    %mul3A_262 = arith.muli %select_n3A_260, %mul3A_261 : i32
    "tpu.region"() ({
      %run_scoped3A = tpu.sem_alloc : memref<!tpu.dma_semaphore, #tpu.memory_space<semaphore_mem>>
      %dma_start3A_581 = arith.constant 128 : i32
      %dma_start3A_582 = arith.constant 0 : i32
      %dma_start3A_583 = tpu.memref_slice %arg6[%dma_start3A_581, %dma_start3A_582] : memref<640x64xf32, #tpu.memory_space<vmem>> -> memref<128x64xf32, #tpu.memory_space<vmem>>
      %dma_start3A_584 = tpu.memref_slice %arg4[%select_n3A_244, %mul3A_262] : memref<52224x128xf32, #tpu.memory_space<hbm>> -> memref<128x64xf32, #tpu.memory_space<hbm>>
      %dma_start3A_585 = tpu.memref_slice %arg4[%select_n3A_244, %mul3A_262] : memref<52224x128xf32, #tpu.memory_space<hbm>> -> memref<128x64xf32, #tpu.memory_space<hbm>>
      %dma_start3A_586 = arith.constant 128 : i32
      %dma_start3A_587 = arith.constant 0 : i32
      %dma_start3A_588 = tpu.memref_slice %arg6[%dma_start3A_586, %dma_start3A_587] : memref<640x64xf32, #tpu.memory_space<vmem>> -> memref<128x64xf32, #tpu.memory_space<vmem>>
      tpu.enqueue_dma source(%dma_start3A_588 : memref<128x64xf32, #tpu.memory_space<vmem>>) target(%dma_start3A_585 : memref<128x64xf32, #tpu.memory_space<hbm>>) target_semaphore(%run_scoped3A : memref<!tpu.dma_semaphore, #tpu.memory_space<semaphore_mem>>)
      %dma_wait3A_589 = arith.constant 128 : i32
      %dma_wait3A_590 = arith.constant 0 : i32
      %dma_wait3A_591 = tpu.memref_slice %arg6[%dma_wait3A_589, %dma_wait3A_590] : memref<640x64xf32, #tpu.memory_space<vmem>> -> memref<128x64xf32, #tpu.memory_space<vmem>>
      %dma_wait3A_592 = tpu.memref_slice %arg4[%select_n3A_244, %mul3A_262] : memref<52224x128xf32, #tpu.memory_space<hbm>> -> memref<128x64xf32, #tpu.memory_space<hbm>>
      %dma_wait3A_593 = tpu.memref_slice %arg4[%select_n3A_244, %mul3A_262] : memref<52224x128xf32, #tpu.memory_space<hbm>> -> memref<128x64xf32, #tpu.memory_space<hbm>>
      %dma_wait3A_594 = arith.constant 128 : i32
      %dma_wait3A_595 = arith.constant 0 : i32
      %dma_wait3A_596 = tpu.memref_slice %arg6[%dma_wait3A_594, %dma_wait3A_595] : memref<640x64xf32, #tpu.memory_space<vmem>> -> memref<128x64xf32, #tpu.memory_space<vmem>>
      tpu.wait_dma2 semaphore(%run_scoped3A : memref<!tpu.dma_semaphore, #tpu.memory_space<semaphore_mem>>) src(%dma_wait3A_596 : memref<128x64xf32, #tpu.memory_space<vmem>>) dst(%dma_wait3A_593 : memref<128x64xf32, #tpu.memory_space<hbm>>)
      tpu.yield
    }) : () -> ()
    %add3A_263 = arith.constant 20 : i32
    %add3A_264 = arith.addi %mul3A_2, %add3A_263 : i32
    %add3A_265 = arith.constant 2 : i32
    %add3A_266 = arith.addi %add3A_264, %add3A_265 : i32
    %jit3A_267 = arith.constant 8 : i32
    %div3A_268 = arith.divsi %add3A_266, %jit3A_267 : i32
    %sign3A_269 = arith.constant 0 : i32
    %sign3A_270 = arith.cmpi sgt, %add3A_266, %sign3A_269 : i32
    %sign3A_271 = arith.extui %sign3A_270 : i1 to i32
    %sign3A_272 = arith.constant 0 : i32
    %sign3A_273 = arith.cmpi slt, %add3A_266, %sign3A_272 : i32
    %sign3A_274 = arith.extui %sign3A_273 : i1 to i32
    %sign3A_275 = arith.subi %sign3A_271, %sign3A_274 : i32
    %sign3A_276 = arith.constant 0 : i32
    %sign3A_277 = arith.cmpi sgt, %jit3A_267, %sign3A_276 : i32
    %sign3A_278 = arith.extui %sign3A_277 : i1 to i32
    %sign3A_279 = arith.constant 0 : i32
    %sign3A_280 = arith.cmpi slt, %jit3A_267, %sign3A_279 : i32
    %sign3A_281 = arith.extui %sign3A_280 : i1 to i32
    %sign3A_282 = arith.subi %sign3A_278, %sign3A_281 : i32
    %ne3A_283 = arith.cmpi ne, %sign3A_275, %sign3A_282 : i32
    %rem3A_284 = arith.remsi %add3A_266, %jit3A_267 : i32
    %ne3A_285 = arith.constant 0 : i32
    %ne3A_286 = arith.cmpi ne, %rem3A_284, %ne3A_285 : i32
    %and3A_287 = arith.andi %ne3A_283, %ne3A_286 : i1
    %sub3A_288 = arith.constant 1 : i32
    %sub3A_289 = arith.subi %div3A_268, %sub3A_288 : i32
    %select_n3A_290 = arith.select %and3A_287, %sub3A_289, %div3A_268 : i32
    %add3A_291 = arith.constant 1 : i32
    %add3A_292 = arith.addi %add3A_291, %select_n3A_290 : i32
    %min3A_293 = arith.constant 200 : i32
    %min3A_294 = arith.minsi %add3A_292, %min3A_293 : i32
    %jit3A_295 = arith.constant 2 : i32
    %div3A_296 = arith.divsi %min3A_294, %jit3A_295 : i32
    %sign3A_297 = arith.constant 0 : i32
    %sign3A_298 = arith.cmpi sgt, %min3A_294, %sign3A_297 : i32
    %sign3A_299 = arith.extui %sign3A_298 : i1 to i32
    %sign3A_300 = arith.constant 0 : i32
    %sign3A_301 = arith.cmpi slt, %min3A_294, %sign3A_300 : i32
    %sign3A_302 = arith.extui %sign3A_301 : i1 to i32
    %sign3A_303 = arith.subi %sign3A_299, %sign3A_302 : i32
    %sign3A_304 = arith.constant 0 : i32
    %sign3A_305 = arith.cmpi sgt, %jit3A_295, %sign3A_304 : i32
    %sign3A_306 = arith.extui %sign3A_305 : i1 to i32
    %sign3A_307 = arith.constant 0 : i32
    %sign3A_308 = arith.cmpi slt, %jit3A_295, %sign3A_307 : i32
    %sign3A_309 = arith.extui %sign3A_308 : i1 to i32
    %sign3A_310 = arith.subi %sign3A_306, %sign3A_309 : i32
    %ne3A_311 = arith.cmpi ne, %sign3A_303, %sign3A_310 : i32
    %rem3A_312 = arith.remsi %min3A_294, %jit3A_295 : i32
    %ne3A_313 = arith.constant 0 : i32
    %ne3A_314 = arith.cmpi ne, %rem3A_312, %ne3A_313 : i32
    %and3A_315 = arith.andi %ne3A_311, %ne3A_314 : i1
    %sub3A_316 = arith.constant 1 : i32
    %sub3A_317 = arith.subi %div3A_296, %sub3A_316 : i32
    %select_n3A_318 = arith.select %and3A_315, %sub3A_317, %div3A_296 : i32
    %sub3A_319 = arith.constant 0 : i32
    %sub3A_320 = arith.subi %select_n3A_318, %sub3A_319 : i32
    %mul3A_321 = arith.constant 1024 : i32
    %mul3A_322 = arith.muli %sub3A_320, %mul3A_321 : i32
    %jit3A_323 = arith.constant 8 : i32
    %eq3A_324 = arith.constant 0 : i32
    %eq3A_325 = arith.cmpi eq, %jit3A_323, %eq3A_324 : i32
    %jit3A_326 = arith.constant 1 : i32
    %select_n3A_327 = arith.select %eq3A_325, %jit3A_326, %jit3A_323 : i32
    %rem3A_328 = arith.remsi %add3A_266, %select_n3A_327 : i32
    %ne3A_329 = arith.constant 0 : i32
    %ne3A_330 = arith.cmpi ne, %rem3A_328, %ne3A_329 : i32
    %lt3A_331 = arith.constant 0 : i32
    %lt3A_332 = arith.cmpi slt, %rem3A_328, %lt3A_331 : i32
    %lt3A_333 = arith.constant 0 : i32
    %lt3A_334 = arith.cmpi slt, %select_n3A_327, %lt3A_333 : i32
    %ne3A_335 = arith.xori %lt3A_332, %lt3A_334 : i1
    %and3A_336 = arith.andi %ne3A_335, %ne3A_330 : i1
    %add3A_337 = arith.addi %rem3A_328, %select_n3A_327 : i32
    %select_n3A_338 = arith.select %and3A_336, %add3A_337, %rem3A_328 : i32
    %mul3A_339 = arith.constant 128 : i32
    %mul3A_340 = arith.muli %select_n3A_338, %mul3A_339 : i32
    %add3A_341 = arith.addi %mul3A_322, %mul3A_340 : i32
    %lt3A_342 = arith.constant 792 : i32
    %lt3A_343 = arith.cmpi slt, %add3A_266, %lt3A_342 : i32
    %sub3A_344 = arith.constant 792 : i32
    %sub3A_345 = arith.subi %add3A_266, %sub3A_344 : i32
    %mul3A_346 = arith.constant 128 : i32
    %mul3A_347 = arith.muli %sub3A_345, %mul3A_346 : i32
    %add3A_348 = arith.constant 51200 : i32
    %add3A_349 = arith.addi %add3A_348, %mul3A_347 : i32
    %select_n3A_350 = arith.select %lt3A_343, %add3A_341, %add3A_349 : i32
    %jit3A_351 = arith.constant 2 : i32
    %eq3A_352 = arith.constant 0 : i32
    %eq3A_353 = arith.cmpi eq, %jit3A_351, %eq3A_352 : i32
    %jit3A_354 = arith.constant 1 : i32
    %select_n3A_355 = arith.select %eq3A_353, %jit3A_354, %jit3A_351 : i32
    %rem3A_356 = arith.remsi %min3A_294, %select_n3A_355 : i32
    %ne3A_357 = arith.constant 0 : i32
    %ne3A_358 = arith.cmpi ne, %rem3A_356, %ne3A_357 : i32
    %lt3A_359 = arith.constant 0 : i32
    %lt3A_360 = arith.cmpi slt, %rem3A_356, %lt3A_359 : i32
    %lt3A_361 = arith.constant 0 : i32
    %lt3A_362 = arith.cmpi slt, %select_n3A_355, %lt3A_361 : i32
    %ne3A_363 = arith.xori %lt3A_360, %lt3A_362 : i1
    %and3A_364 = arith.andi %ne3A_363, %ne3A_358 : i1
    %add3A_365 = arith.addi %rem3A_356, %select_n3A_355 : i32
    %select_n3A_366 = arith.select %and3A_364, %add3A_365, %rem3A_356 : i32
    %mul3A_367 = arith.constant 64 : i32
    %mul3A_368 = arith.muli %select_n3A_366, %mul3A_367 : i32
    "tpu.region"() ({
      %run_scoped3A = tpu.sem_alloc : memref<!tpu.dma_semaphore, #tpu.memory_space<semaphore_mem>>
      %dma_start3A_581 = arith.constant 256 : i32
      %dma_start3A_582 = arith.constant 0 : i32
      %dma_start3A_583 = tpu.memref_slice %arg6[%dma_start3A_581, %dma_start3A_582] : memref<640x64xf32, #tpu.memory_space<vmem>> -> memref<128x64xf32, #tpu.memory_space<vmem>>
      %dma_start3A_584 = tpu.memref_slice %arg4[%select_n3A_350, %mul3A_368] : memref<52224x128xf32, #tpu.memory_space<hbm>> -> memref<128x64xf32, #tpu.memory_space<hbm>>
      %dma_start3A_585 = tpu.memref_slice %arg4[%select_n3A_350, %mul3A_368] : memref<52224x128xf32, #tpu.memory_space<hbm>> -> memref<128x64xf32, #tpu.memory_space<hbm>>
      %dma_start3A_586 = arith.constant 256 : i32
      %dma_start3A_587 = arith.constant 0 : i32
      %dma_start3A_588 = tpu.memref_slice %arg6[%dma_start3A_586, %dma_start3A_587] : memref<640x64xf32, #tpu.memory_space<vmem>> -> memref<128x64xf32, #tpu.memory_space<vmem>>
      tpu.enqueue_dma source(%dma_start3A_588 : memref<128x64xf32, #tpu.memory_space<vmem>>) target(%dma_start3A_585 : memref<128x64xf32, #tpu.memory_space<hbm>>) target_semaphore(%run_scoped3A : memref<!tpu.dma_semaphore, #tpu.memory_space<semaphore_mem>>)
      %dma_wait3A_589 = arith.constant 256 : i32
      %dma_wait3A_590 = arith.constant 0 : i32
      %dma_wait3A_591 = tpu.memref_slice %arg6[%dma_wait3A_589, %dma_wait3A_590] : memref<640x64xf32, #tpu.memory_space<vmem>> -> memref<128x64xf32, #tpu.memory_space<vmem>>
      %dma_wait3A_592 = tpu.memref_slice %arg4[%select_n3A_350, %mul3A_368] : memref<52224x128xf32, #tpu.memory_space<hbm>> -> memref<128x64xf32, #tpu.memory_space<hbm>>
      %dma_wait3A_593 = tpu.memref_slice %arg4[%select_n3A_350, %mul3A_368] : memref<52224x128xf32, #tpu.memory_space<hbm>> -> memref<128x64xf32, #tpu.memory_space<hbm>>
      %dma_wait3A_594 = arith.constant 256 : i32
      %dma_wait3A_595 = arith.constant 0 : i32
      %dma_wait3A_596 = tpu.memref_slice %arg6[%dma_wait3A_594, %dma_wait3A_595] : memref<640x64xf32, #tpu.memory_space<vmem>> -> memref<128x64xf32, #tpu.memory_space<vmem>>
      tpu.wait_dma2 semaphore(%run_scoped3A : memref<!tpu.dma_semaphore, #tpu.memory_space<semaphore_mem>>) src(%dma_wait3A_596 : memref<128x64xf32, #tpu.memory_space<vmem>>) dst(%dma_wait3A_593 : memref<128x64xf32, #tpu.memory_space<hbm>>)
      tpu.yield
    }) : () -> ()
    %add3A_369 = arith.constant 20 : i32
    %add3A_370 = arith.addi %mul3A_2, %add3A_369 : i32
    %add3A_371 = arith.constant 3 : i32
    %add3A_372 = arith.addi %add3A_370, %add3A_371 : i32
    %jit3A_373 = arith.constant 8 : i32
    %div3A_374 = arith.divsi %add3A_372, %jit3A_373 : i32
    %sign3A_375 = arith.constant 0 : i32
    %sign3A_376 = arith.cmpi sgt, %add3A_372, %sign3A_375 : i32
    %sign3A_377 = arith.extui %sign3A_376 : i1 to i32
    %sign3A_378 = arith.constant 0 : i32
    %sign3A_379 = arith.cmpi slt, %add3A_372, %sign3A_378 : i32
    %sign3A_380 = arith.extui %sign3A_379 : i1 to i32
    %sign3A_381 = arith.subi %sign3A_377, %sign3A_380 : i32
    %sign3A_382 = arith.constant 0 : i32
    %sign3A_383 = arith.cmpi sgt, %jit3A_373, %sign3A_382 : i32
    %sign3A_384 = arith.extui %sign3A_383 : i1 to i32
    %sign3A_385 = arith.constant 0 : i32
    %sign3A_386 = arith.cmpi slt, %jit3A_373, %sign3A_385 : i32
    %sign3A_387 = arith.extui %sign3A_386 : i1 to i32
    %sign3A_388 = arith.subi %sign3A_384, %sign3A_387 : i32
    %ne3A_389 = arith.cmpi ne, %sign3A_381, %sign3A_388 : i32
    %rem3A_390 = arith.remsi %add3A_372, %jit3A_373 : i32
    %ne3A_391 = arith.constant 0 : i32
    %ne3A_392 = arith.cmpi ne, %rem3A_390, %ne3A_391 : i32
    %and3A_393 = arith.andi %ne3A_389, %ne3A_392 : i1
    %sub3A_394 = arith.constant 1 : i32
    %sub3A_395 = arith.subi %div3A_374, %sub3A_394 : i32
    %select_n3A_396 = arith.select %and3A_393, %sub3A_395, %div3A_374 : i32
    %add3A_397 = arith.constant 1 : i32
    %add3A_398 = arith.addi %add3A_397, %select_n3A_396 : i32
    %min3A_399 = arith.constant 200 : i32
    %min3A_400 = arith.minsi %add3A_398, %min3A_399 : i32
    %jit3A_401 = arith.constant 2 : i32
    %div3A_402 = arith.divsi %min3A_400, %jit3A_401 : i32
    %sign3A_403 = arith.constant 0 : i32
    %sign3A_404 = arith.cmpi sgt, %min3A_400, %sign3A_403 : i32
    %sign3A_405 = arith.extui %sign3A_404 : i1 to i32
    %sign3A_406 = arith.constant 0 : i32
    %sign3A_407 = arith.cmpi slt, %min3A_400, %sign3A_406 : i32
    %sign3A_408 = arith.extui %sign3A_407 : i1 to i32
    %sign3A_409 = arith.subi %sign3A_405, %sign3A_408 : i32
    %sign3A_410 = arith.constant 0 : i32
    %sign3A_411 = arith.cmpi sgt, %jit3A_401, %sign3A_410 : i32
    %sign3A_412 = arith.extui %sign3A_411 : i1 to i32
    %sign3A_413 = arith.constant 0 : i32
    %sign3A_414 = arith.cmpi slt, %jit3A_401, %sign3A_413 : i32
    %sign3A_415 = arith.extui %sign3A_414 : i1 to i32
    %sign3A_416 = arith.subi %sign3A_412, %sign3A_415 : i32
    %ne3A_417 = arith.cmpi ne, %sign3A_409, %sign3A_416 : i32
    %rem3A_418 = arith.remsi %min3A_400, %jit3A_401 : i32
    %ne3A_419 = arith.constant 0 : i32
    %ne3A_420 = arith.cmpi ne, %rem3A_418, %ne3A_419 : i32
    %and3A_421 = arith.andi %ne3A_417, %ne3A_420 : i1
    %sub3A_422 = arith.constant 1 : i32
    %sub3A_423 = arith.subi %div3A_402, %sub3A_422 : i32
    %select_n3A_424 = arith.select %and3A_421, %sub3A_423, %div3A_402 : i32
    %sub3A_425 = arith.constant 0 : i32
    %sub3A_426 = arith.subi %select_n3A_424, %sub3A_425 : i32
    %mul3A_427 = arith.constant 1024 : i32
    %mul3A_428 = arith.muli %sub3A_426, %mul3A_427 : i32
    %jit3A_429 = arith.constant 8 : i32
    %eq3A_430 = arith.constant 0 : i32
    %eq3A_431 = arith.cmpi eq, %jit3A_429, %eq3A_430 : i32
    %jit3A_432 = arith.constant 1 : i32
    %select_n3A_433 = arith.select %eq3A_431, %jit3A_432, %jit3A_429 : i32
    %rem3A_434 = arith.remsi %add3A_372, %select_n3A_433 : i32
    %ne3A_435 = arith.constant 0 : i32
    %ne3A_436 = arith.cmpi ne, %rem3A_434, %ne3A_435 : i32
    %lt3A_437 = arith.constant 0 : i32
    %lt3A_438 = arith.cmpi slt, %rem3A_434, %lt3A_437 : i32
    %lt3A_439 = arith.constant 0 : i32
    %lt3A_440 = arith.cmpi slt, %select_n3A_433, %lt3A_439 : i32
    %ne3A_441 = arith.xori %lt3A_438, %lt3A_440 : i1
    %and3A_442 = arith.andi %ne3A_441, %ne3A_436 : i1
    %add3A_443 = arith.addi %rem3A_434, %select_n3A_433 : i32
    %select_n3A_444 = arith.select %and3A_442, %add3A_443, %rem3A_434 : i32
    %mul3A_445 = arith.constant 128 : i32
    %mul3A_446 = arith.muli %select_n3A_444, %mul3A_445 : i32
    %add3A_447 = arith.addi %mul3A_428, %mul3A_446 : i32
    %lt3A_448 = arith.constant 792 : i32
    %lt3A_449 = arith.cmpi slt, %add3A_372, %lt3A_448 : i32
    %sub3A_450 = arith.constant 792 : i32
    %sub3A_451 = arith.subi %add3A_372, %sub3A_450 : i32
    %mul3A_452 = arith.constant 128 : i32
    %mul3A_453 = arith.muli %sub3A_451, %mul3A_452 : i32
    %add3A_454 = arith.constant 51200 : i32
    %add3A_455 = arith.addi %add3A_454, %mul3A_453 : i32
    %select_n3A_456 = arith.select %lt3A_449, %add3A_447, %add3A_455 : i32
    %jit3A_457 = arith.constant 2 : i32
    %eq3A_458 = arith.constant 0 : i32
    %eq3A_459 = arith.cmpi eq, %jit3A_457, %eq3A_458 : i32
    %jit3A_460 = arith.constant 1 : i32
    %select_n3A_461 = arith.select %eq3A_459, %jit3A_460, %jit3A_457 : i32
    %rem3A_462 = arith.remsi %min3A_400, %select_n3A_461 : i32
    %ne3A_463 = arith.constant 0 : i32
    %ne3A_464 = arith.cmpi ne, %rem3A_462, %ne3A_463 : i32
    %lt3A_465 = arith.constant 0 : i32
    %lt3A_466 = arith.cmpi slt, %rem3A_462, %lt3A_465 : i32
    %lt3A_467 = arith.constant 0 : i32
    %lt3A_468 = arith.cmpi slt, %select_n3A_461, %lt3A_467 : i32
    %ne3A_469 = arith.xori %lt3A_466, %lt3A_468 : i1
    %and3A_470 = arith.andi %ne3A_469, %ne3A_464 : i1
    %add3A_471 = arith.addi %rem3A_462, %select_n3A_461 : i32
    %select_n3A_472 = arith.select %and3A_470, %add3A_471, %rem3A_462 : i32
    %mul3A_473 = arith.constant 64 : i32
    %mul3A_474 = arith.muli %select_n3A_472, %mul3A_473 : i32
    "tpu.region"() ({
      %run_scoped3A = tpu.sem_alloc : memref<!tpu.dma_semaphore, #tpu.memory_space<semaphore_mem>>
      %dma_start3A_581 = arith.constant 384 : i32
      %dma_start3A_582 = arith.constant 0 : i32
      %dma_start3A_583 = tpu.memref_slice %arg6[%dma_start3A_581, %dma_start3A_582] : memref<640x64xf32, #tpu.memory_space<vmem>> -> memref<128x64xf32, #tpu.memory_space<vmem>>
      %dma_start3A_584 = tpu.memref_slice %arg4[%select_n3A_456, %mul3A_474] : memref<52224x128xf32, #tpu.memory_space<hbm>> -> memref<128x64xf32, #tpu.memory_space<hbm>>
      %dma_start3A_585 = tpu.memref_slice %arg4[%select_n3A_456, %mul3A_474] : memref<52224x128xf32, #tpu.memory_space<hbm>> -> memref<128x64xf32, #tpu.memory_space<hbm>>
      %dma_start3A_586 = arith.constant 384 : i32
      %dma_start3A_587 = arith.constant 0 : i32
      %dma_start3A_588 = tpu.memref_slice %arg6[%dma_start3A_586, %dma_start3A_587] : memref<640x64xf32, #tpu.memory_space<vmem>> -> memref<128x64xf32, #tpu.memory_space<vmem>>
      tpu.enqueue_dma source(%dma_start3A_588 : memref<128x64xf32, #tpu.memory_space<vmem>>) target(%dma_start3A_585 : memref<128x64xf32, #tpu.memory_space<hbm>>) target_semaphore(%run_scoped3A : memref<!tpu.dma_semaphore, #tpu.memory_space<semaphore_mem>>)
      %dma_wait3A_589 = arith.constant 384 : i32
      %dma_wait3A_590 = arith.constant 0 : i32
      %dma_wait3A_591 = tpu.memref_slice %arg6[%dma_wait3A_589, %dma_wait3A_590] : memref<640x64xf32, #tpu.memory_space<vmem>> -> memref<128x64xf32, #tpu.memory_space<vmem>>
      %dma_wait3A_592 = tpu.memref_slice %arg4[%select_n3A_456, %mul3A_474] : memref<52224x128xf32, #tpu.memory_space<hbm>> -> memref<128x64xf32, #tpu.memory_space<hbm>>
      %dma_wait3A_593 = tpu.memref_slice %arg4[%select_n3A_456, %mul3A_474] : memref<52224x128xf32, #tpu.memory_space<hbm>> -> memref<128x64xf32, #tpu.memory_space<hbm>>
      %dma_wait3A_594 = arith.constant 384 : i32
      %dma_wait3A_595 = arith.constant 0 : i32
      %dma_wait3A_596 = tpu.memref_slice %arg6[%dma_wait3A_594, %dma_wait3A_595] : memref<640x64xf32, #tpu.memory_space<vmem>> -> memref<128x64xf32, #tpu.memory_space<vmem>>
      tpu.wait_dma2 semaphore(%run_scoped3A : memref<!tpu.dma_semaphore, #tpu.memory_space<semaphore_mem>>) src(%dma_wait3A_596 : memref<128x64xf32, #tpu.memory_space<vmem>>) dst(%dma_wait3A_593 : memref<128x64xf32, #tpu.memory_space<hbm>>)
      tpu.yield
    }) : () -> ()
    %add3A_475 = arith.constant 20 : i32
    %add3A_476 = arith.addi %mul3A_2, %add3A_475 : i32
    %add3A_477 = arith.constant 4 : i32
    %add3A_478 = arith.addi %add3A_476, %add3A_477 : i32
    %jit3A_479 = arith.constant 8 : i32
    %div3A_480 = arith.divsi %add3A_478, %jit3A_479 : i32
    %sign3A_481 = arith.constant 0 : i32
    %sign3A_482 = arith.cmpi sgt, %add3A_478, %sign3A_481 : i32
    %sign3A_483 = arith.extui %sign3A_482 : i1 to i32
    %sign3A_484 = arith.constant 0 : i32
    %sign3A_485 = arith.cmpi slt, %add3A_478, %sign3A_484 : i32
    %sign3A_486 = arith.extui %sign3A_485 : i1 to i32
    %sign3A_487 = arith.subi %sign3A_483, %sign3A_486 : i32
    %sign3A_488 = arith.constant 0 : i32
    %sign3A_489 = arith.cmpi sgt, %jit3A_479, %sign3A_488 : i32
    %sign3A_490 = arith.extui %sign3A_489 : i1 to i32
    %sign3A_491 = arith.constant 0 : i32
    %sign3A_492 = arith.cmpi slt, %jit3A_479, %sign3A_491 : i32
    %sign3A_493 = arith.extui %sign3A_492 : i1 to i32
    %sign3A_494 = arith.subi %sign3A_490, %sign3A_493 : i32
    %ne3A_495 = arith.cmpi ne, %sign3A_487, %sign3A_494 : i32
    %rem3A_496 = arith.remsi %add3A_478, %jit3A_479 : i32
    %ne3A_497 = arith.constant 0 : i32
    %ne3A_498 = arith.cmpi ne, %rem3A_496, %ne3A_497 : i32
    %and3A_499 = arith.andi %ne3A_495, %ne3A_498 : i1
    %sub3A_500 = arith.constant 1 : i32
    %sub3A_501 = arith.subi %div3A_480, %sub3A_500 : i32
    %select_n3A_502 = arith.select %and3A_499, %sub3A_501, %div3A_480 : i32
    %add3A_503 = arith.constant 1 : i32
    %add3A_504 = arith.addi %add3A_503, %select_n3A_502 : i32
    %min3A_505 = arith.constant 200 : i32
    %min3A_506 = arith.minsi %add3A_504, %min3A_505 : i32
    %jit3A_507 = arith.constant 2 : i32
    %div3A_508 = arith.divsi %min3A_506, %jit3A_507 : i32
    %sign3A_509 = arith.constant 0 : i32
    %sign3A_510 = arith.cmpi sgt, %min3A_506, %sign3A_509 : i32
    %sign3A_511 = arith.extui %sign3A_510 : i1 to i32
    %sign3A_512 = arith.constant 0 : i32
    %sign3A_513 = arith.cmpi slt, %min3A_506, %sign3A_512 : i32
    %sign3A_514 = arith.extui %sign3A_513 : i1 to i32
    %sign3A_515 = arith.subi %sign3A_511, %sign3A_514 : i32
    %sign3A_516 = arith.constant 0 : i32
    %sign3A_517 = arith.cmpi sgt, %jit3A_507, %sign3A_516 : i32
    %sign3A_518 = arith.extui %sign3A_517 : i1 to i32
    %sign3A_519 = arith.constant 0 : i32
    %sign3A_520 = arith.cmpi slt, %jit3A_507, %sign3A_519 : i32
    %sign3A_521 = arith.extui %sign3A_520 : i1 to i32
    %sign3A_522 = arith.subi %sign3A_518, %sign3A_521 : i32
    %ne3A_523 = arith.cmpi ne, %sign3A_515, %sign3A_522 : i32
    %rem3A_524 = arith.remsi %min3A_506, %jit3A_507 : i32
    %ne3A_525 = arith.constant 0 : i32
    %ne3A_526 = arith.cmpi ne, %rem3A_524, %ne3A_525 : i32
    %and3A_527 = arith.andi %ne3A_523, %ne3A_526 : i1
    %sub3A_528 = arith.constant 1 : i32
    %sub3A_529 = arith.subi %div3A_508, %sub3A_528 : i32
    %select_n3A_530 = arith.select %and3A_527, %sub3A_529, %div3A_508 : i32
    %sub3A_531 = arith.constant 0 : i32
    %sub3A_532 = arith.subi %select_n3A_530, %sub3A_531 : i32
    %mul3A_533 = arith.constant 1024 : i32
    %mul3A_534 = arith.muli %sub3A_532, %mul3A_533 : i32
    %jit3A_535 = arith.constant 8 : i32
    %eq3A_536 = arith.constant 0 : i32
    %eq3A_537 = arith.cmpi eq, %jit3A_535, %eq3A_536 : i32
    %jit3A_538 = arith.constant 1 : i32
    %select_n3A_539 = arith.select %eq3A_537, %jit3A_538, %jit3A_535 : i32
    %rem3A_540 = arith.remsi %add3A_478, %select_n3A_539 : i32
    %ne3A_541 = arith.constant 0 : i32
    %ne3A_542 = arith.cmpi ne, %rem3A_540, %ne3A_541 : i32
    %lt3A_543 = arith.constant 0 : i32
    %lt3A_544 = arith.cmpi slt, %rem3A_540, %lt3A_543 : i32
    %lt3A_545 = arith.constant 0 : i32
    %lt3A_546 = arith.cmpi slt, %select_n3A_539, %lt3A_545 : i32
    %ne3A_547 = arith.xori %lt3A_544, %lt3A_546 : i1
    %and3A_548 = arith.andi %ne3A_547, %ne3A_542 : i1
    %add3A_549 = arith.addi %rem3A_540, %select_n3A_539 : i32
    %select_n3A_550 = arith.select %and3A_548, %add3A_549, %rem3A_540 : i32
    %mul3A_551 = arith.constant 128 : i32
    %mul3A_552 = arith.muli %select_n3A_550, %mul3A_551 : i32
    %add3A_553 = arith.addi %mul3A_534, %mul3A_552 : i32
    %lt3A_554 = arith.constant 792 : i32
    %lt3A_555 = arith.cmpi slt, %add3A_478, %lt3A_554 : i32
    %sub3A_556 = arith.constant 792 : i32
    %sub3A_557 = arith.subi %add3A_478, %sub3A_556 : i32
    %mul3A_558 = arith.constant 128 : i32
    %mul3A_559 = arith.muli %sub3A_557, %mul3A_558 : i32
    %add3A_560 = arith.constant 51200 : i32
    %add3A_561 = arith.addi %add3A_560, %mul3A_559 : i32
    %select_n3A_562 = arith.select %lt3A_555, %add3A_553, %add3A_561 : i32
    %jit3A_563 = arith.constant 2 : i32
    %eq3A_564 = arith.constant 0 : i32
    %eq3A_565 = arith.cmpi eq, %jit3A_563, %eq3A_564 : i32
    %jit3A_566 = arith.constant 1 : i32
    %select_n3A_567 = arith.select %eq3A_565, %jit3A_566, %jit3A_563 : i32
    %rem3A_568 = arith.remsi %min3A_506, %select_n3A_567 : i32
    %ne3A_569 = arith.constant 0 : i32
    %ne3A_570 = arith.cmpi ne, %rem3A_568, %ne3A_569 : i32
    %lt3A_571 = arith.constant 0 : i32
    %lt3A_572 = arith.cmpi slt, %rem3A_568, %lt3A_571 : i32
    %lt3A_573 = arith.constant 0 : i32
    %lt3A_574 = arith.cmpi slt, %select_n3A_567, %lt3A_573 : i32
    %ne3A_575 = arith.xori %lt3A_572, %lt3A_574 : i1
    %and3A_576 = arith.andi %ne3A_575, %ne3A_570 : i1
    %add3A_577 = arith.addi %rem3A_568, %select_n3A_567 : i32
    %select_n3A_578 = arith.select %and3A_576, %add3A_577, %rem3A_568 : i32
    %mul3A_579 = arith.constant 64 : i32
    %mul3A_580 = arith.muli %select_n3A_578, %mul3A_579 : i32
    "tpu.region"() ({
      %run_scoped3A = tpu.sem_alloc : memref<!tpu.dma_semaphore, #tpu.memory_space<semaphore_mem>>
      %dma_start3A_581 = arith.constant 512 : i32
      %dma_start3A_582 = arith.constant 0 : i32
      %dma_start3A_583 = tpu.memref_slice %arg6[%dma_start3A_581, %dma_start3A_582] : memref<640x64xf32, #tpu.memory_space<vmem>> -> memref<128x64xf32, #tpu.memory_space<vmem>>
      %dma_start3A_584 = tpu.memref_slice %arg4[%select_n3A_562, %mul3A_580] : memref<52224x128xf32, #tpu.memory_space<hbm>> -> memref<128x64xf32, #tpu.memory_space<hbm>>
      %dma_start3A_585 = tpu.memref_slice %arg4[%select_n3A_562, %mul3A_580] : memref<52224x128xf32, #tpu.memory_space<hbm>> -> memref<128x64xf32, #tpu.memory_space<hbm>>
      %dma_start3A_586 = arith.constant 512 : i32
      %dma_start3A_587 = arith.constant 0 : i32
      %dma_start3A_588 = tpu.memref_slice %arg6[%dma_start3A_586, %dma_start3A_587] : memref<640x64xf32, #tpu.memory_space<vmem>> -> memref<128x64xf32, #tpu.memory_space<vmem>>
      tpu.enqueue_dma source(%dma_start3A_588 : memref<128x64xf32, #tpu.memory_space<vmem>>) target(%dma_start3A_585 : memref<128x64xf32, #tpu.memory_space<hbm>>) target_semaphore(%run_scoped3A : memref<!tpu.dma_semaphore, #tpu.memory_space<semaphore_mem>>)
      %dma_wait3A_589 = arith.constant 512 : i32
      %dma_wait3A_590 = arith.constant 0 : i32
      %dma_wait3A_591 = tpu.memref_slice %arg6[%dma_wait3A_589, %dma_wait3A_590] : memref<640x64xf32, #tpu.memory_space<vmem>> -> memref<128x64xf32, #tpu.memory_space<vmem>>
      %dma_wait3A_592 = tpu.memref_slice %arg4[%select_n3A_562, %mul3A_580] : memref<52224x128xf32, #tpu.memory_space<hbm>> -> memref<128x64xf32, #tpu.memory_space<hbm>>
      %dma_wait3A_593 = tpu.memref_slice %arg4[%select_n3A_562, %mul3A_580] : memref<52224x128xf32, #tpu.memory_space<hbm>> -> memref<128x64xf32, #tpu.memory_space<hbm>>
      %dma_wait3A_594 = arith.constant 512 : i32
      %dma_wait3A_595 = arith.constant 0 : i32
      %dma_wait3A_596 = tpu.memref_slice %arg6[%dma_wait3A_594, %dma_wait3A_595] : memref<640x64xf32, #tpu.memory_space<vmem>> -> memref<128x64xf32, #tpu.memory_space<vmem>>
      tpu.wait_dma2 semaphore(%run_scoped3A : memref<!tpu.dma_semaphore, #tpu.memory_space<semaphore_mem>>) src(%dma_wait3A_596 : memref<128x64xf32, #tpu.memory_space<vmem>>) dst(%dma_wait3A_593 : memref<128x64xf32, #tpu.memory_space<hbm>>)
      tpu.yield
    }) : () -> ()
    return
  }
}

module attributes {stable_mosaic.version = 14 : i64} {
  func.func @_table_body(%arg0: i32, %arg1: memref<64x1024xf32, #tpu.memory_space<vmem>>, %arg2: memref<64x1024xf32, #tpu.memory_space<vmem>>, %arg3: memref<1024x128xf32, #tpu.memory_space<vmem>>) attributes {dimension_semantics = [#tpu.dimension_semantics<arbitrary>], iteration_bounds = array<i64: 49>, scalar_prefetch = 0 : i64, scratch_operands = 0 : i64, tpu.core_type = #tpu.core_type<tc>, window_params = [{transform_indices = @transform_0, window_bounds = array<i64: 64, 1024>}, {transform_indices = @transform_1, window_bounds = array<i64: 64, 1024>}, {transform_indices = @transform_2, window_bounds = array<i64: 1024, 128>}]} {
    %get3A = arith.constant 0 : index
    %get3A_0 = arith.constant 0 : index
    %get3A_1 = vector.load %arg1[%get3A, %get3A_0] : memref<64x1024xf32, #tpu.memory_space<vmem>>, vector<64x1024xf32>
    %get3A_2 = arith.constant 0 : index
    %get3A_3 = arith.constant 0 : index
    %get3A_4 = vector.load %arg2[%get3A_2, %get3A_3] : memref<64x1024xf32, #tpu.memory_space<vmem>>, vector<64x1024xf32>
    %concatenate3A = tpu.concatenate %get3A_1, %get3A_4 in 0 : vector<64x1024xf32>, vector<64x1024xf32> -> vector<128x1024xf32>
    %transpose3A = tpu.transpose %concatenate3A, [1, 0] : vector<128x1024xf32> -> vector<1024x128xf32>
    %swap3A = arith.constant 0 : index
    %swap3A_5 = arith.constant 0 : index
    %swap3A_6 = vector.load %arg3[%swap3A, %swap3A_5] : memref<1024x128xf32, #tpu.memory_space<vmem>>, vector<1024x128xf32>
    tpu.vector_store %arg3[%swap3A, %swap3A_5], %transpose3A {strides = array<i32>} : memref<1024x128xf32, #tpu.memory_space<vmem>>, vector<1024x128xf32>,
    return
  }
  func.func @transform_0(%arg0: i32) -> (i32, i32) {
    %c0_i32 = arith.constant 0 : i32
    %c0_i32_0 = arith.constant 0 : i32
    return %c0_i32, %arg0 : i32, i32
  }
  func.func @transform_1(%arg0: i32) -> (i32, i32) {
    %add3A = arith.constant 49 : i32
    %add3A_0 = arith.addi %arg0, %add3A : i32
    %c0_i32 = arith.constant 0 : i32
    %c0_i32_1 = arith.constant 0 : i32
    return %c0_i32, %add3A_0 : i32, i32
  }
  func.func @transform_2(%arg0: i32) -> (i32, i32) {
    %c0_i32 = arith.constant 0 : i32
    %c0_i32_0 = arith.constant 0 : i32
    return %arg0, %c0_i32 : i32, i32
  }
}

module attributes {stable_mosaic.version = 14 : i64} {
  func.func @_transpose_body_aliased(%arg0: i32, %arg1: memref<1024x128xf32, #tpu.memory_space<vmem>>, %arg2: memref<201x64x1024xf32, #tpu.memory_space<any>>, %arg3: memref<2x64x1024xf32, #tpu.memory_space<vmem>>) attributes {dimension_semantics = [#tpu.dimension_semantics<arbitrary>], iteration_bounds = array<i64: 51>, scalar_prefetch = 0 : i64, scratch_operands = 0 : i64, tpu.core_type = #tpu.core_type<tc>, window_params = [{transform_indices = @transform_0, window_bounds = array<i64: 1024, 128>}, {}, {transform_indices = @transform_2, window_bounds = array<i64: 2, 64, 1024>}]} {
    %get3A = arith.constant 0 : index
    %get3A_0 = arith.constant 0 : index
    %get3A_1 = vector.load %arg1[%get3A, %get3A_0] : memref<1024x128xf32, #tpu.memory_space<vmem>>, vector<1024x128xf32>
    %transpose3A = tpu.transpose %get3A_1, [1, 0] : vector<1024x128xf32> -> vector<128x1024xf32>
    %slice3A = vector.extract_strided_slice %transpose3A {offsets = [0, 0], sizes = [64, 1024], strides = [1, 1]} : vector<128x1024xf32> to vector<64x1024xf32>
    %swap3A = arith.constant 0 : index
    %swap3A_2 = arith.constant 0 : index
    %swap3A_3 = arith.constant 0 : index
    %swap3A_4 = vector.load %arg3[%swap3A, %swap3A_2, %swap3A_3] : memref<2x64x1024xf32, #tpu.memory_space<vmem>>, vector<1x64x1024xf32>
    %swap3A_5 = vector.shape_cast %swap3A_4 : vector<1x64x1024xf32> to vector<64x1024xf32>
    %swap3A_6 = vector.shape_cast %slice3A : vector<64x1024xf32> to vector<1x64x1024xf32>
    tpu.vector_store %arg3[%swap3A, %swap3A_2, %swap3A_3], %swap3A_6 {strides = array<i32>} : memref<2x64x1024xf32, #tpu.memory_space<vmem>>, vector<1x64x1024xf32>,
    %slice3A_7 = vector.extract_strided_slice %transpose3A {offsets = [64, 0], sizes = [64, 1024], strides = [1, 1]} : vector<128x1024xf32> to vector<64x1024xf32>
    %swap3A_8 = arith.constant 1 : index
    %swap3A_9 = arith.constant 0 : index
    %swap3A_10 = arith.constant 0 : index
    %swap3A_11 = vector.load %arg3[%swap3A_8, %swap3A_9, %swap3A_10] : memref<2x64x1024xf32, #tpu.memory_space<vmem>>, vector<1x64x1024xf32>
    %swap3A_12 = vector.shape_cast %swap3A_11 : vector<1x64x1024xf32> to vector<64x1024xf32>
    %swap3A_13 = vector.shape_cast %slice3A_7 : vector<64x1024xf32> to vector<1x64x1024xf32>
    tpu.vector_store %arg3[%swap3A_8, %swap3A_9, %swap3A_10], %swap3A_13 {strides = array<i32>} : memref<2x64x1024xf32, #tpu.memory_space<vmem>>, vector<1x64x1024xf32>,
    return
  }
  func.func @transform_0(%arg0: i32) -> (i32, i32) {
    %c0_i32 = arith.constant 0 : i32
    %c0_i32_0 = arith.constant 0 : i32
    return %arg0, %c0_i32 : i32, i32
  }
  func.func @transform_2(%arg0: i32) -> (i32, i32, i32) {
    %add3A = arith.constant 50 : i32
    %add3A_0 = arith.addi %arg0, %add3A : i32
    %c0_i32 = arith.constant 0 : i32
    %c0_i32_1 = arith.constant 0 : i32
    %c0_i32_2 = arith.constant 0 : i32
    return %add3A_0, %c0_i32, %c0_i32_1 : i32, i32, i32
  }
}

module attributes {stable_mosaic.version = 14 : i64} {
  func.func @_transpose_body_a(%arg0: i32, %arg1: memref<1024x128xf32, #tpu.memory_space<vmem>>, %arg2: memref<1x64xf32, #tpu.memory_space<vmem>>, %arg3: memref<2x64x1024xf32, #tpu.memory_space<vmem>>) attributes {dimension_semantics = [#tpu.dimension_semantics<arbitrary>], iteration_bounds = array<i64: 50>, scalar_prefetch = 0 : i64, scratch_operands = 0 : i64, tpu.core_type = #tpu.core_type<tc>, window_params = [{transform_indices = @transform_0, window_bounds = array<i64: 1024, 128>}, {pipeline_mode = #tpu.pipeline_mode<synchronous>, transform_indices = @transform_1, window_bounds = array<i64: 1, 64>}, {transform_indices = @transform_2, window_bounds = array<i64: 2, 64, 1024>}]} {
    %get3A = arith.constant 0 : index
    %get3A_0 = arith.constant 0 : index
    %get3A_1 = vector.load %arg1[%get3A, %get3A_0] : memref<1024x128xf32, #tpu.memory_space<vmem>>, vector<1024x128xf32>
    %transpose3A = tpu.transpose %get3A_1, [1, 0] : vector<1024x128xf32> -> vector<128x1024xf32>
    %eq3A = arith.constant 0 : i32
    %eq3A_2 = arith.cmpi eq, %arg0, %eq3A : i32
    %convert_element_type3A = arith.extui %eq3A_2 : i1 to i32
    %cond3A = arith.constant 0 : i32
    %cond3A_3 = arith.cmpi ne, %convert_element_type3A, %cond3A : i32
    scf.if %cond3A_3 {
      %get3A_13 = arith.constant 0 : index
      %get3A_14 = arith.constant 0 : index
      %get3A_15 = vector.load %arg2[%get3A_13, %get3A_14] : memref<1x64xf32, #tpu.memory_space<vmem>>, vector<1x64xf32>
      %transpose3A_16 = tpu.transpose %get3A_15, [1, 0] : vector<1x64xf32> -> vector<64x1xf32>
      %broadcast_in_dim3A = vector.shape_cast %transpose3A_16 : vector<64x1xf32> to vector<64x1xf32>
      %broadcast_in_dim3A_17 = vector.broadcast %broadcast_in_dim3A : vector<64x1xf32> to vector<64x1024xf32>
      %swap3A_18 = arith.constant 0 : index
      %swap3A_19 = arith.constant 0 : index
      %swap3A_20 = arith.constant 0 : index
      %swap3A_21 = vector.load %arg3[%swap3A_18, %swap3A_19, %swap3A_20] : memref<2x64x1024xf32, #tpu.memory_space<vmem>>, vector<1x64x1024xf32>
      %swap3A_22 = vector.shape_cast %swap3A_21 : vector<1x64x1024xf32> to vector<64x1024xf32>
      %swap3A_23 = vector.shape_cast %broadcast_in_dim3A_17 : vector<64x1024xf32> to vector<1x64x1024xf32>
      tpu.vector_store %arg3[%swap3A_18, %swap3A_19, %swap3A_20], %swap3A_23 {strides = array<i32>} : memref<2x64x1024xf32, #tpu.memory_space<vmem>>, vector<1x64x1024xf32>,
    } else {
    }
    %gt3A = arith.constant 0 : i32
    %gt3A_4 = arith.cmpi sgt, %arg0, %gt3A : i32
    %convert_element_type3A_5 = arith.extui %gt3A_4 : i1 to i32
    %cond3A_6 = arith.constant 0 : i32
    %cond3A_7 = arith.cmpi ne, %convert_element_type3A_5, %cond3A_6 : i32
    scf.if %cond3A_7 {
      %slice3A_13 = vector.extract_strided_slice %transpose3A {offsets = [0, 0], sizes = [64, 1024], strides = [1, 1]} : vector<128x1024xf32> to vector<64x1024xf32>
      %swap3A_14 = arith.constant 0 : index
      %swap3A_15 = arith.constant 0 : index
      %swap3A_16 = arith.constant 0 : index
      %swap3A_17 = vector.load %arg3[%swap3A_14, %swap3A_15, %swap3A_16] : memref<2x64x1024xf32, #tpu.memory_space<vmem>>, vector<1x64x1024xf32>
      %swap3A_18 = vector.shape_cast %swap3A_17 : vector<1x64x1024xf32> to vector<64x1024xf32>
      %swap3A_19 = vector.shape_cast %slice3A_13 : vector<64x1024xf32> to vector<1x64x1024xf32>
      tpu.vector_store %arg3[%swap3A_14, %swap3A_15, %swap3A_16], %swap3A_19 {strides = array<i32>} : memref<2x64x1024xf32, #tpu.memory_space<vmem>>, vector<1x64x1024xf32>,
    } else {
    }
    %slice3A = vector.extract_strided_slice %transpose3A {offsets = [64, 0], sizes = [64, 1024], strides = [1, 1]} : vector<128x1024xf32> to vector<64x1024xf32>
    %swap3A = arith.constant 1 : index
    %swap3A_8 = arith.constant 0 : index
    %swap3A_9 = arith.constant 0 : index
    %swap3A_10 = vector.load %arg3[%swap3A, %swap3A_8, %swap3A_9] : memref<2x64x1024xf32, #tpu.memory_space<vmem>>, vector<1x64x1024xf32>
    %swap3A_11 = vector.shape_cast %swap3A_10 : vector<1x64x1024xf32> to vector<64x1024xf32>
    %swap3A_12 = vector.shape_cast %slice3A : vector<64x1024xf32> to vector<1x64x1024xf32>
    tpu.vector_store %arg3[%swap3A, %swap3A_8, %swap3A_9], %swap3A_12 {strides = array<i32>} : memref<2x64x1024xf32, #tpu.memory_space<vmem>>, vector<1x64x1024xf32>,
    return
  }
  func.func @transform_0(%arg0: i32) -> (i32, i32) {
    %c0_i32 = arith.constant 0 : i32
    %c0_i32_0 = arith.constant 0 : i32
    return %arg0, %c0_i32 : i32, i32
  }
  func.func @transform_1(%arg0: i32) -> (i32, i32) {
    %c0_i32 = arith.constant 0 : i32
    %c0_i32_0 = arith.constant 0 : i32
    %c0_i32_1 = arith.constant 0 : i32
    return %c0_i32, %c0_i32_0 : i32, i32
  }
  func.func @transform_2(%arg0: i32) -> (i32, i32, i32) {
    %c0_i32 = arith.constant 0 : i32
    %c0_i32_0 = arith.constant 0 : i32
    %c0_i32_1 = arith.constant 0 : i32
    return %arg0, %c0_i32, %c0_i32_0 : i32, i32, i32
  }
}

</mosaic_0001>

<sc_bundles>
// kernel: kernel.10.cloned.1.call-start
scs
__scs_entry_jumppad:
0x0: {  	(pc) =	sbr.rel $0x88, $3  }
0x1: {  	(tag) =	ssettag $0x0;
	lr =	simm.s32 $0x1  }
0x2: {  	[smem:$0x3F9F] =	sst lr;
	_ =	strace $0xD0000000  }
0x3: {  	_ = 	snop  }
0x4: {  	_ = 	snop  }
0x5: {  	_ = 	snop  }
0x6: {  	_ = 	snop  }
0x7: {  	_ = 	snop  }
__scs_overlays_trampoline_lowered:
0x8: {  	[smem:$0x3FAE] =	sst s0  }
0x9: {  	[smem:$0x3FAF] =	sst s1  }
0xa: {  	[smem:$0x3FB0] =	sst s2  }
0xb: {  	[smem:$0x3FB1] =	sst s3  }
0xc: {  	[smem:$0x3FB2] =	sst s4  }
0xd: {  	[smem:$0x3FB3] =	sst s5  }
0xe: {  	[smem:$0x3FB4] =	sst s6  }
0xf: {  	[smem:$0x3FB5] =	sst s7  }
0x10: {  	[smem:$0x3FB6] =	sst s8  }
0x11: {  	[smem:$0x3FB7] =	sst s9;
	s0 =	simm.s32 @!p0 $0x0  }
0x12: {  	s1 =	sld [smem:$0x3F9D];
	s0 =	simm.s32 @p0 $0x1  }
0x13: {  	[smem:$0x3FB8] =	sst s0;
	s0 =	simm.s32 @!p1 $0x0  }
0x14: {  	s2 =	sld [smem:$0x3F9C];
	s0 =	simm.s32 @p1 $0x1  }
0x15: {  	[smem:$0x3FB9] =	sst s0;
	s0 =	simm.s32 @!p2 $0x0  }
0x16: {  	s3 =	sld [smem:$0x3FDB];
	s0 =	simm.s32 @p2 $0x1  }
0x17: {  	s4 =	simm.s32 $0x1BF5;
	[smem:$0x3FBB] =	sst s0  }
0x18: {  	s0 =	sld [smem:$0x3F9E];
	_ =	swait.ge [sflag:s4], $0x0  }
0x19: {  	s7 =	sld [smem:$0x3F9F]  }
0x1a: {  	s8 =	sadd.s32 $0xFFFFE003, lr  }
0x1b: {  	s9 =	sadd.s32 $0xFFFFFEF7, lr;
	s5 =	simm.s32 $0xFFFFFFFF;
	p2 =	slt.u32 s8, $0xFFFFF086  }
0x1c: {  	p1 =	slt.u32 s9, $0xF7A;
	s5 =	simm.s32 @!p2 $0x0  }
0x1d: {  	s5 =	simm.s32 @p1 $0x1;
	p0 =	seq.s32 s7, s2  }
0x1e: {  	s7 =	smul.u32 @!p0 $0xF7A, s2;
	p2 =	seq.s32 @!p0 s5, $0x0  }
0x1f: {  	s9 =	smul.u32 $0xF7A, s1;
	s8 =	simm.s32 @!p0 $0x1BF5;
	p2 =	por !p2, p0  }
0x20: {  	[sflag:s8] =	ssyncset.s32 @!p0 $0xFFFFF086;
	s6 =	sadd.s32 @!p0 s3, s7;
	s7 =	simm.s32 @!p0 $0x108  }
0x21: {  	s3 =	sadd.s32 s3, s9;
	s6 =	sadd.s32 @!p0 $0x88, s6;
	s7 =	simm.s32 @p2 $0x1082  }
0x22: {  	[simem:s7], [sflag:s8] =	dma.local @!p0 [hbm:s6], $0xF7A  }
0x23: {  	s9 =	sor.u32 $0xD0000000, s2;
	s6 =	simm.s32 $0x108;
	_ =	swait.ge @!p0 [sflag:s8], $0x0  }
0x24: {  	s3 =	sadd.s32 $0x88, s3;
	s6 =	simm.s32 @!p1 $0x1082;
	[sflag:s4] =	ssyncset.s32 $0xFFFFF086  }
0x25: {  	[simem:s6], [sflag:s4] =	dma.local [hbm:s3], $0xF7A  }
0x26: {  	[smem:$0x3F9F] =	sst s1;
	(tag) =	ssettag s2;
	_ =	strace s9  }
0x27: {  	s1 =	sld [smem:$0x3FAF]  }
0x28: {  	s2 =	sld [smem:$0x3FB0]  }
0x29: {  	s4 =	sld [smem:$0x3FB2]  }
0x2a: {  	p0 =	seq.s32 s5, $0x0;
	s5 =	sld [smem:$0x3FB3]  }
0x2b: {  	s6 =	sld [smem:$0x3FB4]  }
0x2c: {  	s7 =	sld [smem:$0x3FB5]  }
0x2d: {  	s3 =	simm.s32 $0x108;
	s8 =	sld [smem:$0x3FB6]  }
0x2e: {  	s3 =	simm.s32 @!p0 $0x1082;
	s9 =	sld [smem:$0x3FB7]  }
0x2f: {  	lr =	sadd.s32 s0, s3;
	s0 =	sld [smem:$0x3FAE]  }
0x30: {  	s3 =	sld [smem:$0x3FB1]  }
0x31: {  	[smem:$0x3FBA] =	sst s10  }
0x32: {  	s10 =	sld [smem:$0x3FB8];
	_ =	sdelay $0x3  }
0x33: {  	p0 =	seq.s32 s10, $0x1;
	s10 =	sld [smem:$0x3FBA];
	_ =	sdelay $0x3  }
0x34: {  	[smem:$0x3FBA] =	sst s10  }
0x35: {  	s10 =	sld [smem:$0x3FB9];
	_ =	sdelay $0x3  }
0x36: {  	p1 =	seq.s32 s10, $0x1;
	s10 =	sld [smem:$0x3FBA];
	_ =	sdelay $0x3  }
0x37: {  	[smem:$0x3FBA] =	sst s10  }
0x38: {  	s10 =	sld [smem:$0x3FBB]  }
0x39: {  	_ = 	snop;
	(pc) =	sbr.ind lr, $3  }
0x3a: {  	_ = 	snop  }
0x3b: {  	_ = 	snop  }
0x3c: {  	p2 =	seq.s32 s10, $0x1;
	s10 =	sld [smem:$0x3FBA]  }
0x3d: {  	_ =	shalt  }
0x3e: {  	_ =	shalt  }
0x3f: {  	_ =	shalt  }
0x40: {  	_ =	shalt  }
0x41: {  	_ =	shalt  }
0x42: {  	_ =	shalt  }
0x43: {  	_ =	shalt  }
0x44: {  	_ =	shalt  }
0x45: {  	_ =	shalt  }
0x46: {  	_ =	shalt  }
0x47: {  	_ =	shalt  }
0x48: {  	_ =	shalt  }
0x49: {  	_ =	shalt  }
0x4a: {  	_ =	shalt  }
0x4b: {  	_ =	shalt  }
0x4c: {  	_ =	shalt  }
0x4d: {  	_ =	shalt  }
0x4e: {  	_ =	shalt  }
0x4f: {  	_ =	shalt  }
0x50: {  	_ =	shalt  }
0x51: {  	_ =	shalt  }
0x52: {  	_ =	shalt  }
0x53: {  	_ =	shalt  }
0x54: {  	_ =	shalt  }
0x55: {  	_ =	shalt  }
0x56: {  	_ =	shalt  }
0x57: {  	_ =	shalt  }
0x58: {  	_ =	shalt  }
0x59: {  	_ =	shalt  }
0x5a: {  	_ =	shalt  }
0x5b: {  	_ =	shalt  }
0x5c: {  	_ =	shalt  }
0x5d: {  	_ =	shalt  }
0x5e: {  	_ =	shalt  }
0x5f: {  	_ =	shalt  }
0x60: {  	_ =	shalt  }
0x61: {  	_ =	shalt  }
0x62: {  	_ =	shalt  }
0x63: {  	_ =	shalt  }
0x64: {  	_ =	shalt  }
0x65: {  	_ =	shalt  }
0x66: {  	_ =	shalt  }
0x67: {  	_ =	shalt  }
0x68: {  	_ =	shalt  }
0x69: {  	_ =	shalt  }
0x6a: {  	_ =	shalt  }
0x6b: {  	_ =	shalt  }
0x6c: {  	_ =	shalt  }
0x6d: {  	_ =	shalt  }
0x6e: {  	_ =	shalt  }
0x6f: {  	_ =	shalt  }
0x70: {  	_ =	shalt  }
0x71: {  	_ =	shalt  }
0x72: {  	_ =	shalt  }
0x73: {  	_ =	shalt  }
0x74: {  	_ =	shalt  }
0x75: {  	_ =	shalt  }
0x76: {  	_ =	shalt  }
0x77: {  	_ =	shalt  }
0x78: {  	_ =	shalt  }
0x79: {  	_ =	shalt  }
0x7a: {  	_ =	shalt  }
0x7b: {  	_ =	shalt  }
0x7c: {  	_ =	shalt  }
0x7d: {  	_ =	shalt  }
0x7e: {  	_ =	shalt  }
0x7f: {  	_ =	shalt  }
0x80: {  	_ =	shalt  }
0x81: {  	_ =	shalt  }
0x82: {  	_ =	shalt  }
0x83: {  	_ =	shalt  }
0x84: {  	_ =	shalt  }
0x85: {  	_ =	shalt  }
0x86: {  	_ =	shalt  }
0x87: {  	_ =	shalt  }
.Lfunc_end0:
.L_simem_size_0:
called_computation.1_lowered:
.L_overlay_start_0:
0x88: {  	s2 =	sld [smem:$0x3FD9]  }
0x89: {  	s3 =	sld [smem:$0x3FFE];
	_ =	sdelay $0x1  }
0x8a: {  	s1 =	srdreg.scid  }
0x8b: {  	s0 =	sand.u32 $0x1, s1  }
0x8c: {  	s17 =	sshll.u32 s0, $0xA;
	s2 =	sadd.s32 s3, s2  }
0x8d: {  	s2 =	sadd.s32 s2, s17  }
0x8e: {  	[smem:$0x3FC6] =	sst s2  }
0x8f: {  	_ = 	snop  }
0x90: {  	(tm) =	ssettm $0x1  }
0x91: {  	s18 =	sld [smem:$0x3FFB];
	_ =	sdelay $0x3  }
0x92: {  	_ =	strace s18  }
0x93: {  	s2 =	sld [smem:$0x3FFC];
	_ =	sdelay $0x3  }
0x94: {  	_ =	strace s2  }
0x95: {  	s2 =	sld [smem:$0x3FFD];
	_ =	sdelay $0x3  }
0x96: {  	_ =	strace s2  }
0x97: {  	_ =	strace $0x8FFFFFFF  }
0x98: {  	s19 =	sld [smem:$0x3FDB];
	_ =	sdelay $0x1  }
0x99: {  	s20 =	simm.s32 $_scs_section_size  }
0x9a: {  	s4 =	simm.s32 $_size__tile_overlayer_lowered;
	s5 =	simm.s32 $_tile_overlayer_lowered  }
0x9b: {  	s6 =	simm.s32 $0x1BFF;
	s21 =	sshll.u32 s5, $0x1;
	s3 =	sadd.s32 s20, s19  }
0x9c: {  	s22 =	simm.s32 $0x0;
	s4 =	sshll.u32 s4, $0x1;
	s5 =	sadd.s32 s21, s3  }
0x9d: {  	[timem:s22], [sflag:s6] =	dma.local [hbm:s5], s4  }
0x9e: {  	_ =	swait.ge [sflag:s6], s4  }
0x9f: {  	s4 =	ssub.s32 $0x0, s4;
	[sflag:s6] =	ssyncset.done $0x0  }
0xa0: {  	[sflag:s6] =	ssyncadd.s32 s4;
	_ =	sdelay $0x1  }
0xa1: {  	s23 =	simm.s32 $0x1B8B  }
0xa2: {  	_ =	swait.ge [sflag:s23], $0x1  }
0xa3: {  	[sflag:s23] =	ssyncset.done $0x0  }
0xa4: {  	[sflag:s23] =	ssyncadd.s32 $0xFFFFFFFF  }
0xa5: {  	s4 =	sld [smem:$0x0]  }
0xa6: {  	s5 =	sand.u32 $0xFFFFFFFE, s1  }
0xa7: {  	p0 =	sne.s32 s1, s5  }
0xa8: {  	s5 =	sshll.u32 @p0 s5, $0xE  }
0xa9: {  	s5 =	sadd.s32 @p0 $0x11B8D, s5;
	s6 =	sshll.u32 @p0 s4, $0x11  }
0xaa: {  	s5 =	sor.u32 @p0 s6, s5  }
0xab: {  	[sflag:s5] =	ssyncadd.remote.s32 @p0 $0x1;
	_ =	sdelay $0x1  }
0xac: {  	s5 =	simm.s32 @p0 $0x1B8D  }
0xad: {  	_ =	swait.eq @p0 [sflag:s5], $0x1  }
0xae: {  	[sflag:s5] =	ssyncadd.s32 @p0 $0xFFFFFFFF  }
0xaf: {  	s6 =	sshll.u32 @!p0 s1, $0xE  }
0xb0: {  	s6 =	sor.u32 @!p0 $0x4000, s6;
	s5 =	simm.s32 @!p0 $0x1B8D  }
0xb1: {  	s4 =	sshll.u32 @!p0 s4, $0x11;
	s6 =	sadd.s32 @!p0 $0x11B8D, s6;
	_ =	swait.eq @!p0 [sflag:s5], $0x1  }
0xb2: {  	s4 =	sor.u32 @!p0 s4, s6;
	[sflag:s5] =	ssyncadd.s32 @!p0 $0xFFFFFFFF  }
0xb3: {  	s25 =	simm.s32 $0x1B8E;
	s24 =	sld [smem:$0x3FFE];
	[sflag:s4] =	ssyncadd.remote.s32 @!p0 $0x1  }
0xb4: {  	s26 =	simm.s32 $execute0_lowered;
	[smem:$0x3FD2] =	sst s25  }
0xb5: {  	s5 =	sshll.u32 s26, $0x1;
	_ =	strace $0x80000049;
	[dreg:$0x1] =	wrdreg $0xFFFFFFFF  }
0xb6: {  	s28 =	simm.s32 $_size_execute0_lowered;
	s3 =	sadd.s32 s3, s5;
	[dreg:$0x0] =	wrdreg $0x0  }
0xb7: {  	s5 =	sshll.u32 s28, $0x1;
	[dreg:$0x2] =	wrdreg s3  }
0xb8: {  	[dreg:$0x3] =	wrdreg s5  }
0xb9: {  	[dreg:$0x4] =	wrdreg $0xC0  }
0xba: {  	_ =	task [dreg:s22], $0x5FFFF  }
0xbb: {  	[dreg:$0x1] =	wrdreg $0xFFFFFFFF  }
0xbc: {  	[dreg:$0x0] =	wrdreg $0x60  }
0xbd: {  	[dreg:$0x2] =	wrdreg s24  }
0xbe: {  	[dreg:$0x3] =	wrdreg $0xA  }
0xbf: {  	_ =	task.clear_ibuf [dreg:s22], $0x4FFFF;
	_ =	strace $0x90000049  }
0xc0: {  	s29 =	simm.s32 $0xA;
	_ =	strace $0x8000004B  }
0xc1: {  	_ =	swait.ge [sflag:s29], $0x1  }
0xc2: {  	[sflag:s29] =	ssyncadd.s32 $0xFFFFFFFF  }
0xc3: {  	_ =	strace $0x9000004B  }
0xc4: {  	_ =	sfence  }
0xc5: {  	s30 =	sld [smem:$0x0];
	_ =	sdelay $0x2  }
0xc6: {  	s31 =	sshll.u32 s1, $0xD;
	s1 =	sshrl.u32 s1, $0x2  }
0xc7: {  	s4 =	sand.u32 $0x4000, s31;
	s1 =	sadd.s32 s1, s30  }
0xc8: {  	s0 =	sor.u32 s4, s0;
	s1 =	sshll.u32 s1, $0x11  }
0xc9: {  	s0 =	sor.u32 s1, s0  }
0xca: {  	s0 =	sadd.s32 $0x8F2B, s0  }
0xcb: {  	[sflag:s0] =	ssyncadd.remote.s32 $0x1  }
0xcc: {  	_ =	sfence.sel $0xFFFF  }
0xcd: {  	[dreg:$0x0] =	wrdreg $0xFFFFFFFF;
	(pc) =	sbr.abs _section_cstart, $3  }
0xce: {  	[dreg:$0x1] =	wrdreg $0xFFFFFFFF  }
0xcf: {  	_ =	task.clear_ibuf [dreg:s22], $0x2FFFF;
	_ =	strace $0x9FFFFFFF  }
0xd0: {  	(tm) =	ssettm $0x7FFFFFFF  }
0xd1: {  	_ =	shalt  }
tec
execute0_lowered:
.L_overlay_start_1:
0x0: {  	(tag) =	ssettag $0x1  }
0x1: {  	s0 =	srdreg.scid  }
0x2: {  	s3 =	stileid.u32;
	s1 =	rddreg [dreg:$0x0];
	s4 =	simm.s32 $0x0  }
0x3: {  	s20 =	simm.s32 $0xF00;
	s23 =	simm.s32 $0x2F00;
	s24 =	simm.s32 $0x4F00  }
0x4: {  	s21 =	simm.s32 $0x1;
	s0 =	sand.u32 $0x1, s0;
	s5 =	smul.u32 $0x3C, s3  }
0x5: {  	s2 =	sshll.u32 s3, $0x1;
	[smem:$0x7FF] =	sst s4;
	s9 =	smul.u32 $0x78000, s0  }
0x6: {  	s2 =	sor.u32 s0, s2;
	s6 =	ssub.s32 $0x2, s0;
	s0 =	smul.u32 $0x1E, s0  }
0x7: {  	s7 =	smul.u32 $0xF0000, s3;
	s28 =	sadd.s32 $0x800, s1;
	_ =	strace $0x8000004A  }
0x8: {  	[dreg:$0x3] =	wrdreg s28;
	s2 =	smul.u32 $0x1E0, s2;
	s0 =	sadd.s32 s0, s5  }
0x9: {  	s8 =	sshrl.u32 s6, $0x1;
	s31 =	sadd.s32 s9, s7;
	[dreg:$0xe] =	wrdreg s0  }
0xa: {  	s2 =	sadd.s32 s2, s1;
	s1 =	sadd.s32 $0x194400, s1;
	[dreg:$0x2] =	wrdreg s31  }
0xb: {  	s30 =	ssub.s32 s6, s8;
	[dreg:$0x4] =	wrdreg s1;
	s2 =	sadd.s32 $0x190800, s2  }
0xc: {  	s29 =	simm.s32 $0x2;
	s1 =	smax.u32 s30, $0x1;
	[dreg:$0xc] =	wrdreg s2  }
0xd: {  	s8 =	simm.s32 $0x3;
	[dreg:$0xd] =	wrdreg s1;
	s1 =	simm.s32 $0x0  }
.LBB2_1:
0xe: {  	[dreg:$0xf] =	wrdreg s1;
	s0 =	simm.s32 $0x0  }
0xf: {  	s31 =	rddreg [dreg:$0xc];
	s3 =	simm.s32 $0x80;
	s1 =	simm.s32 $0x100  }
0x10: {  	s2 =	simm.s32 $0x180;
	s4 =	simm.s32 $0x6F00;
	s5 =	simm.s32 $0x200  }
0x11: {  	s6 =	simm.s32 $0x8F00;
	s28 =	simm.s32 $0x700;
	s10 =	simm.s32 $0x28000  }
0x12: {  	s14 =	simm.s32 $0x280;
	s15 =	simm.s32 $0x380;
	s16 =	simm.s32 $0x300  }
0x13: {  	[tilespmem:s0], [sflag:$0x3] =	stream.linear.gather [hbm4b:s31+s0], $0xF00, $0x38;
	[tilespmem:$0x14F00] =	vst v63  }
0x14: {  	s22 =	simm.s32 $0x400;
	s26 =	simm.s32 $0x480;
	_ =	swait.ge [sflag:s8], $0xF00  }
0x15: {  	p1 =	por $0x0, $0x0;
	[sflag:s8] =	ssyncset.done $0x0;
	s9 =	rddreg [dreg:$0xe]  }
0x16: {  	s13 =	rddreg [dreg:$0x3];
	[sflag:s8] =	ssyncadd.s32 $0xFFFFF100;
	s7 =	sadd.s32 $0x9, s9  }
0x17: {  	[tilespmem:s20], [sflag:$0x1] =	stream.indirect.gather [hbm4b:s13+s3], $0x40, s0, s3, $0xb8;
	[tilespmem:$0x14F00] =	vst v63  }
0x18: {  	[dreg:$0x5] =	wrdreg s10;
	s17 =	sshrl.u32 s9, $0x3;
	s0 =	sshrl.u32 s7, $0x3  }
0x19: {  	s18 =	sadd.s32 $0x6, s9;
	s19 =	sadd.s32 $0x2, s9;
	s0 =	smin.u32 s0, $0x64  }
0x1a: {  	[tilespmem:s23], [sflag:$0x1] =	stream.indirect.gather [hbm4b:s13+s3], $0x40, s3, s3, $0xb8;
	[tilespmem:$0x14F00] =	vst v63  }
0x1b: {  	s25 =	sadd.s32 $0x4, s9;
	p0 =	slt.u32 s9, $0x328;
	s11 =	sshll.u32 s0, $0x10  }
0x1c: {  	[tilespmem:s24], [sflag:$0x1] =	stream.indirect.gather [hbm4b:s13+s3], $0x40, s1, s3, $0xb8;
	[tilespmem:$0x14F00] =	vst v63  }
0x1d: {  	s7 =	simm.s32 $0xCF00;
	s0 =	sshll.u32 s0, $0x6;
	s30 =	sadd.s32 $0x640000, s11  }
0x1e: {  	[tilespmem:s4], [sflag:$0x1] =	stream.indirect.gather [hbm4b:s13+s3], $0x40, s2, s3, $0xb8;
	[tilespmem:$0x14F00] =	vst v63  }
0x1f: {  	s11 =	simm.s32 $0xEF00;
	s2 =	sadd.s32 $0x8, s9;
	s4 =	sadd.s32 $0x5, s9  }
0x20: {  	[tilespmem:s6], [sflag:$0x1] =	stream.indirect.gather [hbm4b:s13+s3], $0x40, s5, s3, $0xb8;
	[tilespmem:$0x14F00] =	vst v63  }
0x21: {  	s12 =	sshrl.u32 s2, $0x3;
	s10 =	sshrl.u32 s4, $0x3;
	s5 =	sadd.s32 $0x7, s9  }
0x22: {  	s2 =	smin.u32 s12, $0x64;
	s6 =	simm.s32 $0xAF00;
	s12 =	simm.s32 $0x10F00  }
0x23: {  	[tilespmem:s6], [sflag:$0x2] =	stream.indirect.gather [hbm4b:s13+s3], $0x40, s14, s3, $0xb8;
	[tilespmem:$0x14F00] =	vst v63  }
0x24: {  	s1 =	sshrl.u32 s5, $0x3;
	s5 =	smin.u32 s10, $0x64;
	s10 =	sshrl.u32 s25, $0x3  }
0x25: {  	[tilespmem:s7], [sflag:$0x2] =	stream.indirect.gather [hbm4b:s13+s3], $0x40, s16, s3, $0xb8;
	[tilespmem:$0x14F00] =	vst v63  }
0x26: {  	s6 =	sshrl.u32 s18, $0x3;
	s14 =	simm.s32 $0x12F00;
	s10 =	smin.u32 s10, $0x64  }
0x27: {  	[tilespmem:s11], [sflag:$0x2] =	stream.indirect.gather [hbm4b:s13+s3], $0x40, s15, s3, $0xb8;
	[tilespmem:$0x14F00] =	vst v63  }
0x28: {  	s6 =	smin.u32 s6, $0x64;
	s7 =	smin.u32 s17, $0x64;
	s11 =	sshrl.u32 s19, $0x3  }
0x29: {  	s17 =	sshll.u32 s7, $0x10;
	s15 =	sshll.u32 s7, $0x6;
	s11 =	smin.u32 s11, $0x64  }
0x2a: {  	[tilespmem:s12], [sflag:$0x2] =	stream.indirect.gather [hbm4b:s13+s3], $0x40, s22, s3, $0xb8;
	[tilespmem:$0x14F00] =	vst v63  }
0x2b: {  	s12 =	sshll.u32 s5, $0x10;
	s16 =	sshll.u32 s11, $0x10;
	s22 =	sadd.s32 $0x3, s9  }
0x2c: {  	s5 =	sshll.u32 s5, $0x6;
	s19 =	sadd.s32 $0x640000, s16;
	s16 =	sshrl.u32 s22, $0x3  }
0x2d: {  	[tilespmem:s14], [sflag:$0x2] =	stream.indirect.gather [hbm4b:s13+s3], $0x40, s26, s3, $0xb8;
	[tilespmem:$0x14F00] =	vst v63  }
0x2e: {  	s12 =	sadd.s32 $0x640000, s12;
	s14 =	sadd.s32 $0x640000, s17;
	s13 =	sand.u32 $0xFE0000, s19  }
0x2f: {  	s7 =	smin.u32 s16, $0x64;
	s12 =	sand.u32 $0xFE0000, s12;
	_ =	swait.ge [sflag:s21], $0xA000  }
0x30: {  	s18 =	sand.u32 $0xFE0000, s14;
	s25 =	sshll.u32 s7, $0x10;
	s31 =	rddreg [dreg:$0x2]  }
0x31: {  	[sflag:s21] =	ssyncset.done $0x0;
	s22 =	rddreg [dreg:$0x4];
	s14 =	sadd.s32 $0x0, s31  }
0x32: {  	[sflag:s21] =	ssyncadd.s32 $0xFFFF6000;
	s21 =	sshll.u32 s10, $0x10;
	s17 =	sand.u32 $0x18000, s14  }
0x33: {  	s19 =	sadd.s32 $0xFF9C4000, s14;
	s26 =	sadd.s32 $0x8000, s14;
	s17 =	sor.u32 s17, s18  }
0x34: {  	s18 =	sadd.s32 $0xFF9C0000, s14;
	s16 =	sadd.s32 $0xFF9C0000, s17;
	s17 =	sadd.s32 $0xFF9C4000, s17  }
0x35: {  	s31 =	sadd.s32 $0xC000, s14;
	s18 =	smov.u32 @p0 s16;
	s19 =	smov.u32 @p0 s17  }
0x36: {  	p0 =	slt.u32 s9, $0x326;
	s17 =	sand.u32 $0x40, s15;
	s15 =	sand.u32 $0x18000, s26  }
0x37: {  	s16 =	sadd.s32 $0x640000, s25;
	s25 =	simm.s32 $0x40;
	s13 =	sor.u32 s15, s13  }
0x38: {  	s15 =	sadd.s32 $0xFF9C8000, s14;
	s18 =	sor.u32 s17, s18;
	s16 =	sand.u32 $0xFE0000, s16  }
0x39: {  	s17 =	sor.u32 s17, s19;
	s19 =	sadd.s32 $0x14000, s14;
	s18 =	sshrl.u32 s18, $0x3  }
0x3a: {  	s13 =	sadd.s32 $0xFF9C0000, s13;
	s17 =	sshrl.u32 s17, $0x3;
	s18 =	sadd.s32 s22, s18  }
0x3b: {  	s15 =	smov.u32 @p0 s13;
	s13 =	sand.u32 $0x1C000, s31;
	p0 =	slt.u32 s9, $0x325  }
0x3c: {  	[hbm4b:s18+s25] =	stream.strided.scatter [tilespmem:s20], [sflag:$0x3], $0x2000, s3, s25, $0x38;
	[tilespmem:$0x14F00] =	vst v63  }
0x3d: {  	s31 =	sadd.s32 $0x10000, s14;
	s17 =	sadd.s32 s22, s17;
	s16 =	sor.u32 s13, s16  }
0x3e: {  	s20 =	sshll.u32 s6, $0x10;
	s18 =	sadd.s32 $0x640000, s21;
	s13 =	smin.u32 s1, $0x64  }
0x3f: {  	s6 =	sshll.u32 s6, $0x6;
	s26 =	sand.u32 $0xFE0000, s18;
	s18 =	sadd.s32 $0xFF9C0000, s16  }
0x40: {  	s16 =	sadd.s32 $0xFF9CC000, s14;
	_ =	swait.ge [sflag:s8], $0x2000;
	s21 =	sshll.u32 s13, $0x10  }
0x41: {  	[dreg:$0x6] =	wrdreg s0;
	s6 =	sand.u32 $0x40, s6;
	s13 =	sshll.u32 s13, $0x6  }
0x42: {  	s16 =	smov.u32 @p0 s18;
	p0 =	slt.u32 s9, $0x324;
	s18 =	sand.u32 $0x18000, s31  }
0x43: {  	[sflag:s8] =	ssyncset.done $0x0;
	s31 =	sadd.s32 $0x1C000, s14;
	s13 =	sand.u32 $0x40, s13  }
0x44: {  	s1 =	sor.u32 s18, s26;
	s18 =	sadd.s32 $0xFF9D0000, s14;
	[sflag:s8] =	ssyncadd.s32 $0xFFFFE000  }
0x45: {  	[hbm4b:s17+s25] =	stream.strided.scatter [tilespmem:s23], [sflag:$0x3], $0x2000, s3, s25, $0x38;
	[tilespmem:$0x14F00] =	vst v63  }
0x46: {  	s26 =	sadd.s32 $0x18000, s14;
	s1 =	sadd.s32 $0xFF9C0000, s1;
	s23 =	sadd.s32 $0x640000, s20  }
0x47: {  	s17 =	sadd.s32 $0x640000, s21;
	s21 =	sadd.s32 $0xFF9D8000, s14;
	s20 =	sshll.u32 s2, $0x6  }
0x48: {  	s18 =	smov.u32 @p0 s1;
	s1 =	sand.u32 $0x1C000, s19;
	p0 =	slt.u32 s4, $0x328  }
0x49: {  	s19 =	sand.u32 $0xFE0000, s23;
	s17 =	sand.u32 $0xFE0000, s17;
	[dreg:$0x7] =	wrdreg s20  }
0x4a: {  	s23 =	sshll.u32 s10, $0x6;
	s20 =	sshll.u32 s7, $0x6;
	s7 =	smov.u32 s9  }
0x4b: {  	s1 =	sor.u32 s1, s12;
	s12 =	sand.u32 $0x18000, s26;
	s26 =	sshll.u32 s11, $0x6  }
0x4c: {  	_ =	swait.ge [sflag:s8], $0x2000;
	s12 =	sor.u32 s12, s19;
	s19 =	sadd.s32 $0xFF9D4000, s14  }
0x4d: {  	s1 =	sadd.s32 $0xFF9C0000, s1;
	s0 =	sand.u32 $0x40, s26;
	[sflag:s8] =	ssyncset.done $0x0  }
0x4e: {  	s26 =	simm.s32 @!p1 $0x580;
	s19 =	smov.u32 @p0 s1;
	p0 =	slt.u32 s4, $0x327  }
0x4f: {  	s1 =	sand.u32 $0x1C000, s31;
	s12 =	sadd.s32 $0xFF9C0000, s12;
	s31 =	sand.u32 $0x40, s5  }
0x50: {  	s5 =	sor.u32 s0, s15;
	s15 =	sadd.s32 $0xFF9DC000, s14;
	[sflag:s8] =	ssyncadd.s32 $0xFFFFE000  }
0x51: {  	s17 =	sor.u32 s1, s17;
	s21 =	smov.u32 @p0 s12;
	s1 =	sshll.u32 s2, $0x10  }
0x52: {  	p0 =	slt.u32 s4, $0x326;
	s11 =	sor.u32 s31, s19;
	s10 =	sadd.s32 $0xFF9C0000, s17  }
0x53: {  	s12 =	sadd.s32 $0x640000, s1;
	s1 =	sand.u32 $0x40, s23;
	s15 =	smov.u32 @p0 s10  }
0x54: {  	s10 =	sshrl.u32 s5, $0x3;
	s5 =	sand.u32 $0x40, s20;
	s17 =	sor.u32 s1, s18  }
0x55: {  	s2 =	sadd.s32 s22, s10;
	s23 =	sor.u32 s5, s16;
	s16 =	simm.s32 @!p1 $0xF00  }
0x56: {  	s5 =	simm.s32 @!p1 $0x80;
	s10 =	sadd.s32 $0x20000, s14;
	s31 =	sshrl.u32 s17, $0x3  }
0x57: {  	[hbm4b:s2+s25] =	stream.strided.scatter [tilespmem:s24], [sflag:$0x3], $0x2000, s3, s25, $0x38;
	[tilespmem:$0x14F00] =	vst v63  }
0x58: {  	s2 =	simm.s32 @!p1 $0x4F00;
	s20 =	sshrl.u32 s23, $0x3;
	s24 =	sor.u32 s13, s15  }
0x59: {  	s25 =	sadd.s32 $0x24000, s14;
	s13 =	sshrl.u32 s11, $0x3;
	_ =	swait.ge [sflag:s8], $0x2000  }
0x5a: {  	s18 =	sadd.s32 s22, s31;
	s15 =	sor.u32 s6, s21;
	[sflag:s8] =	ssyncset.done $0x0  }
0x5b: {  	s17 =	sand.u32 $0x1C000, s25;
	s11 =	sshrl.u32 s24, $0x3;
	[sflag:s8] =	ssyncadd.s32 $0xFFFFE000  }
.LBB2_2:
0x5c: {  	s19 =	sadd.s32 @!p1 $0xFFFFFE00, s28  }
0x5d: {  	s21 =	sand.u32 $0xFE0000, s30;
	s7 =	sadd.s32 $0xA, s7;
	s9 =	rddreg [dreg:$0x5]  }
0x5e: {  	s31 =	rddreg [dreg:$0x4];
	s3 =	simm.s32 $0x80;
	s0 =	simm.s32 $0x6F00  }
0x5f: {  	s1 =	simm.s32 $0x40;
	s24 =	simm.s32 $0x40;
	s23 =	sadd.s32 @!p1 $0xFFFFFF00, s28  }
0x60: {  	p0 =	slt.u32 s4, $0x324;
	s6 =	smov.u32 s9;
	s22 =	sadd.s32 $0x9, s7  }
0x61: {  	s9 =	sadd.s32 $0x28000, s9;
	s20 =	sadd.s32 s31, s20;
	s17 =	sor.u32 s17, s21  }
0x62: {  	s21 =	sadd.s32 $0xFF9E4000, s14;
	p2 =	slt.u32 s7, $0x326;
	p5 =	slt.u32 s7, $0x325  }
0x63: {  	[hbm4b:s20+s1] =	stream.strided.scatter [tilespmem:s0], [sflag:$0x3], $0x2000, s3, s1, $0x38;
	[tilespmem:$0x14F00] =	vst v63  }
0x64: {  	p4 =	slt.u32 s7, $0x324;
	s17 =	sadd.s32 $0xFF9C0000, s17;
	s22 =	sshrl.u32 s22, $0x3  }
0x65: {  	_ =	swait.ge [sflag:s8], $0x2000;
	s21 =	smov.u32 @p0 s17;
	s17 =	simm.s32 $0x8F00  }
0x66: {  	s25 =	smin.u32 s22, $0x64;
	[sflag:s8] =	ssyncset.done $0x0;
	s1 =	rddreg [dreg:$0x6]  }
0x67: {  	s0 =	sshll.u32 s25, $0x10;
	[sflag:s8] =	ssyncadd.s32 $0xFFFFE000;
	s1 =	sand.u32 $0x40, s1  }
0x68: {  	[hbm4b:s18+s24] =	stream.strided.scatter [tilespmem:s17], [sflag:$0x3], $0x2000, s3, s24, $0x38;
	[tilespmem:$0x14F00] =	vst v63  }
0x69: {  	s20 =	simm.s32 @!p1 $0x2F00;
	s1 =	sor.u32 s1, s21;
	s21 =	sadd.s32 $0x640000, s0  }
0x6a: {  	s22 =	sshll.u32 s25, $0x6;
	_ =	swait.ge [sflag:s8], $0x2000;
	[dreg:$0x8] =	wrdreg s21  }
0x6b: {  	p0 =	sne.s32 s9, $0x78000;
	s24 =	sadd.s32 $0x8, s7;
	[dreg:$0x6] =	wrdreg s22  }
0x6c: {  	s18 =	sadd.s32 @!p1 $0xFFFFFF80, s28;
	s17 =	sshrl.u32 s1, $0x3;
	[dreg:$0x5] =	wrdreg s9  }
0x6d: {  	s1 =	simm.s32 @!p0 $0x0;
	[sflag:s8] =	ssyncset.done $0x0;
	s0 =	rddreg [dreg:$0x3]  }
0x6e: {  	s1 =	simm.s32 @p0 $0x1;
	p0 =	slt.u32 s4, $0x325;
	s4 =	sadd.s32 $0x5, s7  }
0x6f: {  	[sflag:s8] =	ssyncadd.s32 $0xFFFFE000;
	[smem:$0x7FD] =	sst s1;
	s1 =	simm.s32 $0xAF00  }
0x70: {  	[tilespmem:s16], [sflag:$0x1] =	stream.indirect.gather @!p1 [hbm4b:s0+s5], $0x40, s19, s5, $0xb8;
	[tilespmem:$0x14F00] =	vst v63  }
0x71: {  	p3 =	slt.u32 s4, $0x328;
	p6 =	slt.u32 s4, $0x326;
	s16 =	sshrl.u32 s24, $0x3  }
0x72: {  	s19 =	simm.s32 @!p1 $0x6F00;
	s24 =	sand.u32 $0x18000, s10;
	s25 =	smin.u32 s16, $0x64  }
0x73: {  	[tilespmem:s20], [sflag:$0x1] =	stream.indirect.gather @!p1 [hbm4b:s0+s5], $0x40, s26, s5, $0xb8;
	[tilespmem:$0x14F00] =	vst v63  }
0x74: {  	s16 =	simm.s32 @!p1 $0x8F00;
	s26 =	rddreg [dreg:$0x7];
	s21 =	sshll.u32 s25, $0x10  }
0x75: {  	s22 =	sshll.u32 s25, $0x6;
	s25 =	sadd.s32 s31, s13;
	s20 =	sadd.s32 $0x4, s7  }
0x76: {  	s9 =	sand.u32 $0x40, s26;
	[dreg:$0x7] =	wrdreg s22;
	s26 =	simm.s32 $0x40  }
0x77: {  	[tilespmem:s2], [sflag:$0x1] =	stream.indirect.gather @!p1 [hbm4b:s0+s5], $0x40, s23, s5, $0xb8;
	[tilespmem:$0x14F00] =	vst v63  }
0x78: {  	s22 =	sadd.s32 $0x6, s7;
	s23 =	sand.u32 $0xFE0000, s12;
	s12 =	sshrl.u32 s15, $0x3  }
0x79: {  	s15 =	sadd.s32 $0x640000, s21;
	s21 =	sshrl.u32 s20, $0x3;
	s2 =	sor.u32 s24, s23  }
0x7a: {  	s13 =	sadd.s32 s31, s12;
	s12 =	simm.s32 $0xEF00;
	s24 =	simm.s32 $0x10F00  }
0x7b: {  	[tilespmem:s19], [sflag:$0x1] =	stream.indirect.gather @!p1 [hbm4b:s0+s5], $0x40, s18, s5, $0xb8;
	[tilespmem:$0x14F00] =	vst v63  }
0x7c: {  	s23 =	simm.s32 $0x40;
	s2 =	sadd.s32 $0xFF9C0000, s2;
	s18 =	sadd.s32 s31, s11  }
0x7d: {  	[tilespmem:s16], [sflag:$0x1] =	stream.indirect.gather @!p1 [hbm4b:s0+s5], $0x40, s28, s5, $0xb8;
	[tilespmem:$0x14F00] =	vst v63  }
0x7e: {  	s19 =	sshrl.u32 s7, $0x3;
	s11 =	sshrl.u32 s22, $0x3;
	_ =	swait.ge [sflag:s29], $0xA000  }
0x7f: {  	s22 =	smin.u32 s11, $0x64;
	s5 =	sadd.s32 $0xFF9E0000, s14;
	[sflag:s29] =	ssyncset.done $0x0  }
0x80: {  	s14 =	sadd.s32 $0x7, s7;
	s16 =	simm.s32 $0x40;
	[sflag:s29] =	ssyncadd.s32 $0xFFFF6000  }
0x81: {  	[hbm4b:s25+s26] =	stream.strided.scatter [tilespmem:s1], [sflag:$0x3], $0x2000, s3, s26, $0x38;
	[tilespmem:$0x14F00] =	vst v63  }
0x82: {  	s28 =	sadd.s32 $0x500, s28;
	s5 =	smov.u32 @p0 s2;
	_ =	swait.ge [sflag:s8], $0x2000  }
0x83: {  	s20 =	sshll.u32 s22, $0x10;
	s5 =	sor.u32 s9, s5;
	[sflag:s8] =	ssyncset.done $0x0  }
0x84: {  	s9 =	simm.s32 $0xCF00;
	[dreg:$0x9] =	wrdreg s15;
	[sflag:s8] =	ssyncadd.s32 $0xFFFFE000  }
0x85: {  	[hbm4b:s13+s26] =	stream.strided.scatter [tilespmem:s9], [sflag:$0x3], $0x2000, s3, s26, $0x38;
	[tilespmem:$0x14F00] =	vst v63  }
0x86: {  	p1 =	seq.s32 s6, $0x50000;
	s2 =	sshrl.u32 s14, $0x3;
	_ =	swait.ge [sflag:s8], $0x2000  }
0x87: {  	s14 =	sadd.s32 $0xFFFFFC00, s28;
	p0 =	slt.u32 s7, $0x328;
	[sflag:s8] =	ssyncset.done $0x0  }
0x88: {  	s20 =	sadd.s32 $0x640000, s20;
	s5 =	sshrl.u32 s5, $0x3;
	[sflag:s8] =	ssyncadd.s32 $0xFFFFE000  }
0x89: {  	[hbm4b:s18+s16] =	stream.strided.scatter [tilespmem:s12], [sflag:$0x3], $0x2000, s3, s16, $0x38;
	[tilespmem:$0x14F00] =	vst v63  }
0x8a: {  	s11 =	smin.u32 s2, $0x64;
	s5 =	sadd.s32 s31, s5;
	_ =	swait.ge [sflag:s8], $0x2000  }
0x8b: {  	s25 =	sadd.s32 s31, s17;
	s17 =	sadd.s32 $0x2, s7;
	[sflag:s8] =	ssyncset.done $0x0  }
0x8c: {  	s13 =	sadd.s32 $0xFFFFFC80, s28;
	s26 =	simm.s32 $0x12F00;
	[sflag:s8] =	ssyncadd.s32 $0xFFFFE000  }
0x8d: {  	[hbm4b:s5+s16] =	stream.strided.scatter [tilespmem:s24], [sflag:$0x3], $0x2000, s3, s16, $0x38;
	[tilespmem:$0x14F00] =	vst v63  }
0x8e: {  	s16 =	sshrl.u32 s4, $0x3;
	s5 =	sshll.u32 s22, $0x6;
	_ =	swait.ge [sflag:s8], $0x2000  }
0x8f: {  	s22 =	sshrl.u32 s17, $0x3;
	s15 =	smin.u32 s16, $0x64;
	[sflag:s8] =	ssyncset.done $0x0  }
0x90: {  	s2 =	smin.u32 s22, $0x64;
	s18 =	sshll.u32 s15, $0x10;
	[sflag:s8] =	ssyncadd.s32 $0xFFFFE000  }
0x91: {  	[hbm4b:s25+s23] =	stream.strided.scatter [tilespmem:s26], [sflag:$0x3], $0x2000, s3, s23, $0x38;
	[tilespmem:$0x14F00] =	vst v63  }
0x92: {  	s22 =	sshll.u32 s2, $0x10;
	s29 =	sadd.s32 $0x640000, s18;
	_ =	swait.ge [sflag:s8], $0x2000  }
0x93: {  	s18 =	sadd.s32 $0xFFFFFD80, s28;
	s25 =	smin.u32 s19, $0x64;
	[sflag:s8] =	ssyncset.done $0x0  }
0x94: {  	s23 =	sadd.s32 $0xFFFFFB80, s28;
	s17 =	sshll.u32 s25, $0x10;
	[sflag:s8] =	ssyncadd.s32 $0xFFFFE000  }
0x95: {  	[tilespmem:s1], [sflag:$0x2] =	stream.indirect.gather [hbm4b:s0+s3], $0x40, s23, s3, $0xb8;
	[tilespmem:$0x14F00] =	vst v63  }
0x96: {  	s19 =	sadd.s32 $0x640000, s17;
	s23 =	smin.u32 s21, $0x64;
	s1 =	sshll.u32 s11, $0x10  }
0x97: {  	s10 =	sadd.s32 $0x640000, s1;
	s17 =	sshll.u32 s23, $0x10;
	s16 =	sshll.u32 s23, $0x6  }
0x98: {  	s23 =	sshll.u32 s2, $0x6;
	s1 =	sshll.u32 s15, $0x6;
	s15 =	sand.u32 $0x40, s5  }
0x99: {  	[tilespmem:s9], [sflag:$0x2] =	stream.indirect.gather [hbm4b:s0+s3], $0x40, s14, s3, $0xb8;
	[tilespmem:$0x14F00] =	vst v63  }
0x9a: {  	s14 =	sshll.u32 s25, $0x6;
	s25 =	sand.u32 $0xFE0000, s19;
	s21 =	sadd.s32 $0x640000, s17  }
0x9b: {  	s9 =	sadd.s32 $0xFFFFFD00, s28;
	s17 =	sadd.s32 $0x640000, s22;
	s10 =	sand.u32 $0xFE0000, s10  }
0x9c: {  	[tilespmem:s12], [sflag:$0x2] =	stream.indirect.gather [hbm4b:s0+s3], $0x40, s13, s3, $0xb8;
	[tilespmem:$0x14F00] =	vst v63  }
0x9d: {  	s22 =	sand.u32 $0xFE0000, s17;
	s12 =	sadd.s32 $0x3, s7;
	s13 =	sand.u32 $0x40, s1  }
0x9e: {  	s17 =	sand.u32 $0xFE0000, s21;
	s19 =	sshrl.u32 s12, $0x3;
	[dreg:$0xa] =	wrdreg s13  }
0x9f: {  	[tilespmem:s24], [sflag:$0x2] =	stream.indirect.gather [hbm4b:s0+s3], $0x40, s9, s3, $0xb8;
	[tilespmem:$0x14F00] =	vst v63  }
0xa0: {  	s13 =	simm.s32 $0x1;
	s19 =	smin.u32 s19, $0x64;
	s24 =	sand.u32 $0x40, s14  }
0xa1: {  	s21 =	sshll.u32 s19, $0x10;
	s12 =	sshll.u32 s19, $0x6;
	s19 =	sand.u32 $0xFE0000, s29  }
0xa2: {  	[tilespmem:s26], [sflag:$0x2] =	stream.indirect.gather [hbm4b:s0+s3], $0x40, s18, s3, $0xb8;
	[tilespmem:$0x14F00] =	vst v63  }
0xa3: {  	s29 =	sand.u32 $0x40, s23;
	s1 =	sadd.s32 $0x640000, s21;
	s18 =	sand.u32 $0x40, s16  }
0xa4: {  	s0 =	simm.s32 @!p6 $0x0;
	s23 =	sand.u32 $0x40, s12;
	s21 =	sand.u32 $0xFE0000, s1  }
0xa5: {  	_ =	swait.ge [sflag:s13], $0xA000;
	s0 =	simm.s32 @p6 $0x1;
	[dreg:$0xb] =	wrdreg s15  }
0xa6: {  	s1 =	sand.u32 $0xFE0000, s20;
	s9 =	rddreg [dreg:$0x2];
	[sflag:s13] =	ssyncset.done $0x0  }
0xa7: {  	[smem:$0x7FC] =	sst s0;
	s14 =	sadd.s32 s6, s9;
	[sflag:s13] =	ssyncadd.s32 $0xFFFF6000  }
0xa8: {  	s0 =	sand.u32 $0x18000, s14;
	s6 =	sadd.s32 $0xFF9D4000, s14;
	s9 =	sadd.s32 $0x8000, s14  }
0xa9: {  	s15 =	sadd.s32 $0x1C000, s14;
	s30 =	sadd.s32 $0xFF9C4000, s14;
	s20 =	sor.u32 s0, s25  }
0xaa: {  	s25 =	sand.u32 $0x18000, s9;
	s9 =	sadd.s32 $0xFF9C0000, s14;
	s0 =	sand.u32 $0x1C000, s15  }
0xab: {  	s15 =	sadd.s32 $0xC000, s14;
	s12 =	sadd.s32 $0xFF9C0000, s20;
	s20 =	sadd.s32 $0xFF9C4000, s20  }
0xac: {  	s22 =	sor.u32 s25, s22;
	s0 =	sor.u32 s0, s10;
	s9 =	smov.u32 @p0 s12  }
0xad: {  	s30 =	smov.u32 @p0 s20;
	s12 =	sadd.s32 $0xFF9C8000, s14;
	s22 =	sadd.s32 $0xFF9C0000, s22  }
0xae: {  	s25 =	sadd.s32 $0xFF9C0000, s0;
	s9 =	sor.u32 s24, s9;
	s20 =	sor.u32 s24, s30  }
0xaf: {  	s12 =	smov.u32 @p2 s22;
	s22 =	sadd.s32 $0x18000, s14;
	s30 =	sadd.s32 $0x14000, s14  }
0xb0: {  	s9 =	sshrl.u32 s9, $0x3;
	s20 =	sshrl.u32 s20, $0x3;
	s13 =	sor.u32 s29, s12  }
0xb1: {  	s12 =	sand.u32 $0x1C000, s15;
	s29 =	sadd.s32 $0x10000, s14;
	s15 =	simm.s32 $0x40  }
0xb2: {  	s9 =	sadd.s32 s31, s9;
	s0 =	sadd.s32 s31, s20;
	s24 =	sshrl.u32 s13, $0x3  }
0xb3: {  	s13 =	sand.u32 $0x18000, s22;
	s12 =	sor.u32 s12, s21;
	s20 =	sadd.s32 $0xFF9CC000, s14  }
0xb4: {  	s1 =	sor.u32 s13, s1;
	s12 =	sadd.s32 $0xFF9C0000, s12;
	s13 =	simm.s32 $0xF00  }
0xb5: {  	[hbm4b:s9+s15] =	stream.strided.scatter [tilespmem:s13], [sflag:$0x3], $0x2000, s3, s15, $0x38;
	[tilespmem:$0x14F00] =	vst v63  }
0xb6: {  	s21 =	sadd.s32 $0xFF9D0000, s14;
	s29 =	sand.u32 $0x18000, s29;
	s20 =	smov.u32 @p5 s12  }
0xb7: {  	s15 =	sor.u32 s29, s17;
	s17 =	sand.u32 $0x1C000, s30;
	_ =	swait.ge [sflag:s8], $0x2000  }
0xb8: {  	s12 =	sor.u32 s23, s20;
	s23 =	simm.s32 $0x2F00;
	s9 =	sadd.s32 $0xFF9C0000, s15  }
0xb9: {  	[sflag:s8] =	ssyncset.done $0x0;
	s20 =	sshrl.u32 s12, $0x3;
	s21 =	smov.u32 @p4 s9  }
0xba: {  	s30 =	rddreg [dreg:$0x8];
	s9 =	sor.u32 s17, s19;
	s19 =	sadd.s32 $0x24000, s14  }
0xbb: {  	s18 =	sor.u32 s18, s21;
	[sflag:s8] =	ssyncadd.s32 $0xFFFFE000;
	s21 =	simm.s32 $0x40  }
0xbc: {  	[hbm4b:s0+s21] =	stream.strided.scatter [tilespmem:s23], [sflag:$0x3], $0x2000, s3, s21, $0x38;
	[tilespmem:$0x14F00] =	vst v63  }
0xbd: {  	s9 =	sadd.s32 $0xFF9C0000, s9;
	s17 =	sand.u32 $0x1C000, s19;
	_ =	swait.ge [sflag:s8], $0x2000  }
0xbe: {  	s19 =	sadd.s32 s31, s24;
	s24 =	simm.s32 $0x4F00;
	[sflag:s8] =	ssyncset.done $0x0  }
0xbf: {  	s6 =	smov.u32 @p3 s9;
	s15 =	rddreg [dreg:$0xa];
	[sflag:s8] =	ssyncadd.s32 $0xFFFFE000  }
0xc0: {  	[hbm4b:s19+s21] =	stream.strided.scatter [tilespmem:s24], [sflag:$0x3], $0x2000, s3, s21, $0x38;
	[tilespmem:$0x14F00] =	vst v63  }
0xc1: {  	s12 =	sshrl.u32 s18, $0x3;
	s0 =	sor.u32 s15, s6;
	_ =	swait.ge [sflag:s8], $0x2000  }
0xc2: {  	s18 =	sshll.u32 s11, $0x6;
	s13 =	sshrl.u32 s0, $0x3;
	s21 =	sld [smem:$0x7FC]  }
0xc3: {  	s0 =	sand.u32 $0x40, s18;
	s18 =	sadd.s32 s31, s12;
	s31 =	sld [smem:$0x7FD]  }
0xc4: {  	s2 =	simm.s32 @!p1 $0x4F00  }
0xc5: {  	s5 =	simm.s32 @!p1 $0x80;
	s6 =	sadd.s32 $0xFF9DC000, s14;
	p0 =	seq.s32 s21, $0x1  }
0xc6: {  	s26 =	sadd.s32 @!p1 $0xFFFFFE80, s28;
	s6 =	smov.u32 @p0 s25;
	p0 =	seq.s32 s31, $0x1  }
.Ltmp0:
0xc7: {  	s16 =	simm.s32 @!p1 $0xF00;
	p6 =	slt.u32 s4, $0x327;
	(pc) =	sbr.rel @p0 .LBB2_2-.Ltmp0, $4  }
0xc8: {  	s10 =	sadd.s32 $0x20000, s14;
	s22 =	sadd.s32 $0xFF9D8000, s14;
	s1 =	sadd.s32 $0xFF9C0000, s1  }
0xc9: {  	s29 =	simm.s32 $0x2;
	s22 =	smov.u32 @p6 s1;
	s12 =	rddreg [dreg:$0x9]  }
0xca: {  	[sflag:s8] =	ssyncset.done $0x0;
	s25 =	rddreg [dreg:$0xb];
	s0 =	sor.u32 s0, s6  }
0xcb: {  	[sflag:s8] =	ssyncadd.s32 $0xFFFFE000;
	s15 =	sor.u32 s25, s22;
	s11 =	sshrl.u32 s0, $0x3  }
0xcc: {  	s9 =	rddreg [dreg:$0x4];
	s3 =	simm.s32 $0x80  }
0xcd: {  	s1 =	simm.s32 $0x6F00;
	s7 =	simm.s32 $0x40;
	s0 =	sadd.s32 s9, s20  }
0xce: {  	[hbm4b:s0+s7] =	stream.strided.scatter [tilespmem:s1], [sflag:$0x3], $0x2000, s3, s7, $0x38;
	[tilespmem:$0x14F00] =	vst v63  }
0xcf: {  	_ =	swait.ge [sflag:s8], $0x2000  }
0xd0: {  	[sflag:s8] =	ssyncset.done $0x0  }
0xd1: {  	s1 =	simm.s32 $0x8F00;
	[sflag:s8] =	ssyncadd.s32 $0xFFFFE000  }
0xd2: {  	[hbm4b:s18+s7] =	stream.strided.scatter [tilespmem:s1], [sflag:$0x3], $0x2000, s3, s7, $0x38;
	[tilespmem:$0x14F00] =	vst v63  }
0xd3: {  	_ =	swait.ge [sflag:s8], $0x2000  }
0xd4: {  	[sflag:s8] =	ssyncset.done $0x0  }
0xd5: {  	s0 =	sadd.s32 @!p1 $0xFFFFFE00, s28;
	s6 =	rddreg [dreg:$0x3];
	[sflag:s8] =	ssyncadd.s32 $0xFFFFE000  }
0xd6: {  	[tilespmem:s16], [sflag:$0x1] =	stream.indirect.gather @!p1 [hbm4b:s6+s5], $0x40, s0, s5, $0xb8;
	[tilespmem:$0x14F00] =	vst v63  }
0xd7: {  	s0 =	simm.s32 @!p1 $0x2F00  }
0xd8: {  	[tilespmem:s0], [sflag:$0x1] =	stream.indirect.gather @!p1 [hbm4b:s6+s5], $0x40, s26, s5, $0xb8;
	[tilespmem:$0x14F00] =	vst v63  }
0xd9: {  	s0 =	sadd.s32 @!p1 $0xFFFFFF00, s28  }
0xda: {  	[tilespmem:s2], [sflag:$0x1] =	stream.indirect.gather @!p1 [hbm4b:s6+s5], $0x40, s0, s5, $0xb8;
	[tilespmem:$0x14F00] =	vst v63  }
0xdb: {  	s1 =	simm.s32 @!p1 $0x6F00;
	s0 =	sadd.s32 @!p1 $0xFFFFFF80, s28  }
0xdc: {  	[tilespmem:s1], [sflag:$0x1] =	stream.indirect.gather @!p1 [hbm4b:s6+s5], $0x40, s0, s5, $0xb8;
	[tilespmem:$0x14F00] =	vst v63  }
0xdd: {  	s0 =	simm.s32 @!p1 $0x8F00  }
0xde: {  	[tilespmem:s0], [sflag:$0x1] =	stream.indirect.gather @!p1 [hbm4b:s6+s5], $0x40, s28, s5, $0xb8;
	[tilespmem:$0x14F00] =	vst v63  }
0xdf: {  	p0 =	slt.u32 s4, $0x325;
	_ =	swait.ge [sflag:s29], $0xA000  }
0xe0: {  	s22 =	sand.u32 $0xFE0000, s30;
	s19 =	sadd.s32 s9, s11;
	[sflag:s29] =	ssyncset.done $0x0  }
0xe1: {  	s5 =	sadd.s32 s9, s13;
	s6 =	simm.s32 $0xAF00;
	[sflag:s29] =	ssyncadd.s32 $0xFFFF6000  }
0xe2: {  	[hbm4b:s5+s7] =	stream.strided.scatter [tilespmem:s6], [sflag:$0x3], $0x2000, s3, s7, $0x38;
	[tilespmem:$0x14F00] =	vst v63  }
0xe3: {  	s20 =	simm.s32 $0xEF00;
	s18 =	sand.u32 $0x18000, s10;
	_ =	swait.ge [sflag:s8], $0x2000  }
0xe4: {  	s16 =	sand.u32 $0xFE0000, s12;
	s13 =	sshrl.u32 s15, $0x3;
	[sflag:s8] =	ssyncset.done $0x0  }
0xe5: {  	s15 =	simm.s32 $0xCF00;
	s0 =	sadd.s32 s9, s13;
	[sflag:s8] =	ssyncadd.s32 $0xFFFFE000  }
0xe6: {  	[hbm4b:s0+s7] =	stream.strided.scatter [tilespmem:s15], [sflag:$0x3], $0x2000, s3, s7, $0x38;
	[tilespmem:$0x14F00] =	vst v63  }
0xe7: {  	s1 =	sadd.s32 $0xFF9E0000, s14;
	s0 =	sor.u32 s18, s16;
	_ =	swait.ge [sflag:s8], $0x2000  }
0xe8: {  	s0 =	sadd.s32 $0xFF9C0000, s0;
	[sflag:s8] =	ssyncset.done $0x0;
	s21 =	rddreg [dreg:$0x7]  }
0xe9: {  	s1 =	smov.u32 @p0 s0;
	[sflag:s8] =	ssyncadd.s32 $0xFFFFE000;
	s0 =	sand.u32 $0x40, s21  }
0xea: {  	[hbm4b:s19+s7] =	stream.strided.scatter [tilespmem:s20], [sflag:$0x3], $0x2000, s3, s7, $0x38;
	[tilespmem:$0x14F00] =	vst v63  }
0xeb: {  	s25 =	simm.s32 $0x10F00;
	s0 =	sor.u32 s0, s1;
	_ =	swait.ge [sflag:s8], $0x2000  }
0xec: {  	p0 =	slt.u32 s4, $0x324;
	s0 =	sshrl.u32 s0, $0x3;
	[sflag:s8] =	ssyncset.done $0x0  }
0xed: {  	s1 =	sor.u32 s17, s22;
	s0 =	sadd.s32 s9, s0;
	[sflag:s8] =	ssyncadd.s32 $0xFFFFE000  }
0xee: {  	[hbm4b:s0+s7] =	stream.strided.scatter [tilespmem:s25], [sflag:$0x3], $0x2000, s3, s7, $0x38;
	[tilespmem:$0x14F00] =	vst v63  }
0xef: {  	s1 =	sadd.s32 $0xFF9C0000, s1;
	s26 =	rddreg [dreg:$0x6];
	s0 =	sadd.s32 $0xFF9E4000, s14  }
0xf0: {  	s0 =	smov.u32 @p0 s1;
	s1 =	sand.u32 $0x40, s26  }
0xf1: {  	_ =	swait.ge [sflag:s8], $0x2000;
	s0 =	sor.u32 s1, s0  }
0xf2: {  	[sflag:s8] =	ssyncset.done $0x0;
	s0 =	sshrl.u32 s0, $0x3  }
0xf3: {  	s28 =	simm.s32 $0x12F00;
	[sflag:s8] =	ssyncadd.s32 $0xFFFFE000;
	s0 =	sadd.s32 s9, s0  }
0xf4: {  	[hbm4b:s0+s7] =	stream.strided.scatter [tilespmem:s28], [sflag:$0x3], $0x2000, s3, s7, $0x38;
	[tilespmem:$0x14F00] =	vst v63  }
0xf5: {  	_ =	swait.ge [sflag:s8], $0x2000  }
0xf6: {  	s30 =	rddreg [dreg:$0xf]  }
0xf7: {  	s31 =	rddreg [dreg:$0xd];
	s1 =	sadd.s32 $0x1, s30  }
0xf8: {  	p0 =	sne.s32 s1, s31  }
.Ltmp1:
0xf9: {  	_ = 	snop;
	(pc) =	sbr.rel @p0 .LBB2_1-.Ltmp1, $3  }
0xfa: {  	_ =	sdelay $0x1  }
0xfb: {  	[sflag:s8] =	ssyncset.done $0x0  }
0xfc: {  	s21 =	simm.s32 $0x1;
	s20 =	simm.s32 $0xF00;
	[sflag:s8] =	ssyncadd.s32 $0xFFFFE000  }
0xfd: {  	_ =	sfence.sel $0x180000  }
0xfe: {  	[bflag:$0x0] =	sbarrier.arrive $0xFFFF  }
0xff: {  	_ =	strace $0x9000004A  }
0x100: {  	s0 =	stileid.u32;
	[bflag:$0x2] =	sbarrier.arrive $0xFFFF  }
0x101: {  	p0 =	sne.s32 s0, $0x0;
	s0 =	rddreg [dreg:$0x1]  }
0x102: {  	s0 =	sadd.s32 @!p0 $0x100000, s0  }
0x103: {  	[sflag:s0] =	ssyncadd.tile.s32 @!p0 $0x1;
	_ =	shalt  }
.Lfunc_end2:
_tile_overlayer_lowered:
.L_overlay_start_2:
0x104: {  	(tag) =	ssettag $0x2  }
0x105: {  	s0 =	rddreg [dreg:$0x0];
	s2 =	stileid.u32  }
0x106: {  	s1 =	rddreg [dreg:$0x1];
	p0 =	sne.s32 s2, $0x0  }
0x107: {  	s3 =	rddreg [dreg:$0x2];
	[bflag:$0x3] =	sbarrier.arrive $0xFFFF;
	s2 =	simm.s32 @!p0 $0x1C03  }
0x108: {  	[timem:s3], [sflag:s2] =	dma.local @!p0 [hbm:s0], s1  }
0x109: {  	s0 =	simm.s32 @!p0 $0x3  }
0x10a: {  	_ =	swait.ge @!p0 [sflag:s0], s1  }
0x10b: {  	s1 =	ssub.s32 @!p0 $0x0, s1;
	[sflag:s0] =	ssyncset.done @!p0 $0x0  }
0x10c: {  	[sflag:s0] =	ssyncadd.s32 @!p0 s1  }
0x10d: {  	[bflag:$0x3] =	sbarrier.arrive $0xFFFF  }
0x10e: {  	_ =	shalt  }

// kernel: kernel.7.cloned.1.call-start
scs
__scs_entry_jumppad:
0x0: {  	(pc) =	sbr.rel $0x88, $3  }
0x1: {  	(tag) =	ssettag $0x0;
	lr =	simm.s32 $0x1  }
0x2: {  	[smem:$0x3F9F] =	sst lr;
	_ =	strace $0xD0000000  }
0x3: {  	_ = 	snop  }
0x4: {  	_ = 	snop  }
0x5: {  	_ = 	snop  }
0x6: {  	_ = 	snop  }
0x7: {  	_ = 	snop  }
__scs_overlays_trampoline_lowered:
0x8: {  	[smem:$0x3FAE] =	sst s0  }
0x9: {  	[smem:$0x3FAF] =	sst s1  }
0xa: {  	[smem:$0x3FB0] =	sst s2  }
0xb: {  	[smem:$0x3FB1] =	sst s3  }
0xc: {  	[smem:$0x3FB2] =	sst s4  }
0xd: {  	[smem:$0x3FB3] =	sst s5  }
0xe: {  	[smem:$0x3FB4] =	sst s6  }
0xf: {  	[smem:$0x3FB5] =	sst s7  }
0x10: {  	[smem:$0x3FB6] =	sst s8  }
0x11: {  	[smem:$0x3FB7] =	sst s9;
	s0 =	simm.s32 @!p0 $0x0  }
0x12: {  	s1 =	sld [smem:$0x3F9D];
	s0 =	simm.s32 @p0 $0x1  }
0x13: {  	[smem:$0x3FB8] =	sst s0;
	s0 =	simm.s32 @!p1 $0x0  }
0x14: {  	s2 =	sld [smem:$0x3F9C];
	s0 =	simm.s32 @p1 $0x1  }
0x15: {  	[smem:$0x3FB9] =	sst s0;
	s0 =	simm.s32 @!p2 $0x0  }
0x16: {  	s3 =	sld [smem:$0x3FDB];
	s0 =	simm.s32 @p2 $0x1  }
0x17: {  	s4 =	simm.s32 $0x1BF5;
	[smem:$0x3FBB] =	sst s0  }
0x18: {  	s0 =	sld [smem:$0x3F9E];
	_ =	swait.ge [sflag:s4], $0x0  }
0x19: {  	s7 =	sld [smem:$0x3F9F]  }
0x1a: {  	s8 =	sadd.s32 $0xFFFFE003, lr  }
0x1b: {  	s9 =	sadd.s32 $0xFFFFFEF7, lr;
	s5 =	simm.s32 $0xFFFFFFFF;
	p2 =	slt.u32 s8, $0xFFFFF086  }
0x1c: {  	p1 =	slt.u32 s9, $0xF7A;
	s5 =	simm.s32 @!p2 $0x0  }
0x1d: {  	s5 =	simm.s32 @p1 $0x1;
	p0 =	seq.s32 s7, s2  }
0x1e: {  	s7 =	smul.u32 @!p0 $0xF7A, s2;
	p2 =	seq.s32 @!p0 s5, $0x0  }
0x1f: {  	s9 =	smul.u32 $0xF7A, s1;
	s8 =	simm.s32 @!p0 $0x1BF5;
	p2 =	por !p2, p0  }
0x20: {  	[sflag:s8] =	ssyncset.s32 @!p0 $0xFFFFF086;
	s6 =	sadd.s32 @!p0 s3, s7;
	s7 =	simm.s32 @!p0 $0x108  }
0x21: {  	s3 =	sadd.s32 s3, s9;
	s6 =	sadd.s32 @!p0 $0x88, s6;
	s7 =	simm.s32 @p2 $0x1082  }
0x22: {  	[simem:s7], [sflag:s8] =	dma.local @!p0 [hbm:s6], $0xF7A  }
0x23: {  	s9 =	sor.u32 $0xD0000000, s2;
	s6 =	simm.s32 $0x108;
	_ =	swait.ge @!p0 [sflag:s8], $0x0  }
0x24: {  	s3 =	sadd.s32 $0x88, s3;
	s6 =	simm.s32 @!p1 $0x1082;
	[sflag:s4] =	ssyncset.s32 $0xFFFFF086  }
0x25: {  	[simem:s6], [sflag:s4] =	dma.local [hbm:s3], $0xF7A  }
0x26: {  	[smem:$0x3F9F] =	sst s1;
	(tag) =	ssettag s2;
	_ =	strace s9  }
0x27: {  	s1 =	sld [smem:$0x3FAF]  }
0x28: {  	s2 =	sld [smem:$0x3FB0]  }
0x29: {  	s4 =	sld [smem:$0x3FB2]  }
0x2a: {  	p0 =	seq.s32 s5, $0x0;
	s5 =	sld [smem:$0x3FB3]  }
0x2b: {  	s6 =	sld [smem:$0x3FB4]  }
0x2c: {  	s7 =	sld [smem:$0x3FB5]  }
0x2d: {  	s3 =	simm.s32 $0x108;
	s8 =	sld [smem:$0x3FB6]  }
0x2e: {  	s3 =	simm.s32 @!p0 $0x1082;
	s9 =	sld [smem:$0x3FB7]  }
0x2f: {  	lr =	sadd.s32 s0, s3;
	s0 =	sld [smem:$0x3FAE]  }
0x30: {  	s3 =	sld [smem:$0x3FB1]  }
0x31: {  	[smem:$0x3FBA] =	sst s10  }
0x32: {  	s10 =	sld [smem:$0x3FB8];
	_ =	sdelay $0x3  }
0x33: {  	p0 =	seq.s32 s10, $0x1;
	s10 =	sld [smem:$0x3FBA];
	_ =	sdelay $0x3  }
0x34: {  	[smem:$0x3FBA] =	sst s10  }
0x35: {  	s10 =	sld [smem:$0x3FB9];
	_ =	sdelay $0x3  }
0x36: {  	p1 =	seq.s32 s10, $0x1;
	s10 =	sld [smem:$0x3FBA];
	_ =	sdelay $0x3  }
0x37: {  	[smem:$0x3FBA] =	sst s10  }
0x38: {  	s10 =	sld [smem:$0x3FBB]  }
0x39: {  	_ = 	snop;
	(pc) =	sbr.ind lr, $3  }
0x3a: {  	_ = 	snop  }
0x3b: {  	_ = 	snop  }
0x3c: {  	p2 =	seq.s32 s10, $0x1;
	s10 =	sld [smem:$0x3FBA]  }
0x3d: {  	_ =	shalt  }
0x3e: {  	_ =	shalt  }
0x3f: {  	_ =	shalt  }
0x40: {  	_ =	shalt  }
0x41: {  	_ =	shalt  }
0x42: {  	_ =	shalt  }
0x43: {  	_ =	shalt  }
0x44: {  	_ =	shalt  }
0x45: {  	_ =	shalt  }
0x46: {  	_ =	shalt  }
0x47: {  	_ =	shalt  }
0x48: {  	_ =	shalt  }
0x49: {  	_ =	shalt  }
0x4a: {  	_ =	shalt  }
0x4b: {  	_ =	shalt  }
0x4c: {  	_ =	shalt  }
0x4d: {  	_ =	shalt  }
0x4e: {  	_ =	shalt  }
0x4f: {  	_ =	shalt  }
0x50: {  	_ =	shalt  }
0x51: {  	_ =	shalt  }
0x52: {  	_ =	shalt  }
0x53: {  	_ =	shalt  }
0x54: {  	_ =	shalt  }
0x55: {  	_ =	shalt  }
0x56: {  	_ =	shalt  }
0x57: {  	_ =	shalt  }
0x58: {  	_ =	shalt  }
0x59: {  	_ =	shalt  }
0x5a: {  	_ =	shalt  }
0x5b: {  	_ =	shalt  }
0x5c: {  	_ =	shalt  }
0x5d: {  	_ =	shalt  }
0x5e: {  	_ =	shalt  }
0x5f: {  	_ =	shalt  }
0x60: {  	_ =	shalt  }
0x61: {  	_ =	shalt  }
0x62: {  	_ =	shalt  }
0x63: {  	_ =	shalt  }
0x64: {  	_ =	shalt  }
0x65: {  	_ =	shalt  }
0x66: {  	_ =	shalt  }
0x67: {  	_ =	shalt  }
0x68: {  	_ =	shalt  }
0x69: {  	_ =	shalt  }
0x6a: {  	_ =	shalt  }
0x6b: {  	_ =	shalt  }
0x6c: {  	_ =	shalt  }
0x6d: {  	_ =	shalt  }
0x6e: {  	_ =	shalt  }
0x6f: {  	_ =	shalt  }
0x70: {  	_ =	shalt  }
0x71: {  	_ =	shalt  }
0x72: {  	_ =	shalt  }
0x73: {  	_ =	shalt  }
0x74: {  	_ =	shalt  }
0x75: {  	_ =	shalt  }
0x76: {  	_ =	shalt  }
0x77: {  	_ =	shalt  }
0x78: {  	_ =	shalt  }
0x79: {  	_ =	shalt  }
0x7a: {  	_ =	shalt  }
0x7b: {  	_ =	shalt  }
0x7c: {  	_ =	shalt  }
0x7d: {  	_ =	shalt  }
0x7e: {  	_ =	shalt  }
0x7f: {  	_ =	shalt  }
0x80: {  	_ =	shalt  }
0x81: {  	_ =	shalt  }
0x82: {  	_ =	shalt  }
0x83: {  	_ =	shalt  }
0x84: {  	_ =	shalt  }
0x85: {  	_ =	shalt  }
0x86: {  	_ =	shalt  }
0x87: {  	_ =	shalt  }
.Lfunc_end0:
.L_simem_size_0:
called_computation_lowered:
.L_overlay_start_0:
0x88: {  	s2 =	sld [smem:$0x3FD9]  }
0x89: {  	s3 =	sld [smem:$0x3FFE];
	_ =	sdelay $0x1  }
0x8a: {  	s1 =	srdreg.scid  }
0x8b: {  	s0 =	sand.u32 $0x1, s1  }
0x8c: {  	s17 =	sshll.u32 s0, $0xA;
	s2 =	sadd.s32 s3, s2  }
0x8d: {  	s2 =	sadd.s32 s2, s17  }
0x8e: {  	[smem:$0x3FC6] =	sst s2  }
0x8f: {  	_ = 	snop  }
0x90: {  	s2 =	sld [smem:$0x3FD0];
	(tm) =	ssettm $0x1  }
0x91: {  	s18 =	sld [smem:$0x3FFB];
	_ =	sdelay $0x3  }
0x92: {  	_ =	strace s18  }
0x93: {  	s3 =	sld [smem:$0x3FFC];
	_ =	sdelay $0x3  }
0x94: {  	_ =	strace s3  }
0x95: {  	s3 =	sld [smem:$0x3FFD];
	_ =	sdelay $0x3  }
0x96: {  	_ =	strace s3  }
0x97: {  	_ =	strace $0x8FFFFFFF  }
0x98: {  	s19 =	sld [smem:$0x3FDB];
	_ =	sdelay $0x1  }
0x99: {  	s4 =	simm.s32 $_scs_section_size  }
0x9a: {  	s5 =	simm.s32 $_size__tile_overlayer_lowered;
	s6 =	simm.s32 $_tile_overlayer_lowered  }
0x9b: {  	s22 =	simm.s32 $0x1BFF;
	s21 =	sshll.u32 s6, $0x1;
	s3 =	sadd.s32 s4, s19  }
0x9c: {  	s7 =	simm.s32 $0x0;
	s20 =	sshll.u32 s5, $0x1;
	s5 =	sadd.s32 s21, s3  }
0x9d: {  	[timem:s7], [sflag:s22] =	dma.local [hbm:s5], s20  }
0x9e: {  	_ =	swait.ge [sflag:s22], s20  }
0x9f: {  	s4 =	ssub.s32 $0x0, s20;
	[sflag:s22] =	ssyncset.done $0x0  }
0xa0: {  	[sflag:s22] =	ssyncadd.s32 s4;
	_ =	sdelay $0x1  }
0xa1: {  	s23 =	simm.s32 $0x1B8B  }
0xa2: {  	_ =	swait.ge [sflag:s23], $0x1  }
0xa3: {  	[sflag:s23] =	ssyncset.done $0x0  }
0xa4: {  	s25 =	simm.s32 $0x1B8E;
	s24 =	sld [smem:$0x3FFE];
	[sflag:s23] =	ssyncadd.s32 $0xFFFFFFFF  }
0xa5: {  	s26 =	simm.s32 $execute0_lowered;
	[smem:$0x3FD2] =	sst s25  }
0xa6: {  	s5 =	sshll.u32 s26, $0x1;
	_ =	strace $0x80000046;
	[dreg:$0x1] =	wrdreg $0xFFFFFFFF  }
0xa7: {  	s28 =	simm.s32 $_size_execute0_lowered;
	s3 =	sadd.s32 s3, s5;
	[dreg:$0x0] =	wrdreg $0x0  }
0xa8: {  	s5 =	sshll.u32 s28, $0x1;
	[dreg:$0x2] =	wrdreg s3  }
0xa9: {  	[dreg:$0x3] =	wrdreg s5  }
0xaa: {  	[dreg:$0x4] =	wrdreg $0xC0  }
0xab: {  	_ =	task [dreg:s7], $0x5FFFF  }
0xac: {  	[dreg:$0x1] =	wrdreg $0xFFFFFFFF  }
0xad: {  	[dreg:$0x0] =	wrdreg $0x60  }
0xae: {  	[dreg:$0x2] =	wrdreg s2  }
0xaf: {  	[dreg:$0x3] =	wrdreg s24  }
0xb0: {  	[dreg:$0x4] =	wrdreg $0x9  }
0xb1: {  	_ =	task.clear_ibuf [dreg:s7], $0x5FFFF;
	_ =	strace $0x90000046  }
0xb2: {  	s29 =	simm.s32 $0x9;
	_ =	strace $0x80000048  }
0xb3: {  	_ =	swait.ge [sflag:s29], $0x1  }
0xb4: {  	[sflag:s29] =	ssyncadd.s32 $0xFFFFFFFF  }
0xb5: {  	_ =	strace $0x90000048  }
0xb6: {  	_ =	sfence  }
0xb7: {  	s30 =	sld [smem:$0x0];
	_ =	sdelay $0x2  }
0xb8: {  	s31 =	sshll.u32 s1, $0xD;
	s1 =	sshrl.u32 s1, $0x2  }
0xb9: {  	s3 =	sand.u32 $0x4000, s31;
	s1 =	sadd.s32 s1, s30  }
0xba: {  	s0 =	sor.u32 s3, s0;
	s1 =	sshll.u32 s1, $0x11  }
0xbb: {  	s0 =	sor.u32 s1, s0  }
0xbc: {  	s0 =	sadd.s32 $0x8F2B, s0  }
0xbd: {  	[sflag:s0] =	ssyncadd.remote.s32 $0x1  }
0xbe: {  	_ =	sfence.sel $0xFFFF  }
0xbf: {  	[dreg:$0x0] =	wrdreg $0xFFFFFFFF;
	(pc) =	sbr.abs _section_cstart, $3  }
0xc0: {  	[dreg:$0x1] =	wrdreg $0xFFFFFFFF  }
0xc1: {  	_ =	task.clear_ibuf [dreg:s7], $0x2FFFF;
	_ =	strace $0x9FFFFFFF  }
0xc2: {  	(tm) =	ssettm $0x7FFFFFFF  }
0xc3: {  	_ =	shalt  }
tec
execute0_lowered:
.L_overlay_start_1:
0x0: {  	(tag) =	ssettag $0x1  }
0x1: {  	s6 =	rddreg [dreg:$0x0];
	s0 =	srdreg.scid  }
0x2: {  	s1 =	stileid.u32;
	s5 =	rddreg [dreg:$0x1]  }
0x3: {  	s2 =	simm.s32 $0x0;
	s28 =	simm.s32 $0x12C80;
	s29 =	simm.s32 $0x40  }
0x4: {  	s30 =	simm.s32 $0x2;
	s31 =	simm.s32 $0x1;
	s0 =	sand.u32 $0x1, s0  }
0x5: {  	s1 =	sshll.u32 s1, $0x1;
	[smem:$0x7FF] =	sst s2;
	s4 =	sadd.s32 $0x800, s5  }
0x6: {  	s5 =	sadd.s32 $0xC4800, s5;
	s1 =	sor.u32 s0, s1;
	s0 =	ssub.s32 $0x2, s0  }
0x7: {  	_ =	strace $0x80000047;
	s3 =	smul.u32 $0x19, s1;
	s8 =	sshrl.u32 s0, $0x1  }
0x8: {  	s9 =	smul.u32 $0x190, s1;
	p0 =	seq.s32 s1, $0x1F;
	s1 =	sshll.u32 s1, $0xB  }
0x9: {  	s0 =	ssub.s32 s0, s8;
	s1 =	sand.u32 $0x3800, s1;
	s7 =	sadd.s32 $0x14, s3  }
0xa: {  	s14 =	sadd.s32 s6, s9;
	s16 =	sadd.s32 $0x15, s3;
	s20 =	sadd.s32 $0x16, s3  }
0xb: {  	s12 =	sadd.s32 $0x17, s3;
	s10 =	sshrl.u32 s7, $0x3;
	[dreg:$0x3] =	wrdreg s14  }
0xc: {  	s7 =	sshll.u32 s7, $0xB;
	s11 =	sshrl.u32 s16, $0x3;
	s21 =	sshrl.u32 s20, $0x3  }
0xd: {  	s23 =	sshrl.u32 s12, $0x3;
	s12 =	sshll.u32 s12, $0xB;
	s14 =	sadd.s32 $0x18, s3  }
0xe: {  	s13 =	sadd.s32 $0x1, s10;
	s7 =	sand.u32 $0x3800, s7;
	s17 =	sadd.s32 $0x1, s11  }
0xf: {  	s10 =	sshll.u32 s16, $0xB;
	s12 =	sand.u32 $0x3800, s12;
	s24 =	sshrl.u32 s14, $0x3  }
0x10: {  	s14 =	simm.s32 $0x80;
	s16 =	simm.s32 $0x2C80;
	s15 =	sshll.u32 s13, $0xD  }
0x11: {  	s8 =	sshll.u32 s13, $0x3;
	s11 =	sshll.u32 s17, $0xD;
	s10 =	sand.u32 $0x3800, s10  }
0x12: {  	s9 =	sand.u32 $0x3FC000, s15;
	s8 =	sand.u32 $0x8, s8;
	s19 =	sand.u32 $0x3FC000, s11  }
0x13: {  	s11 =	sshll.u32 s20, $0xB;
	s15 =	simm.s32 $0xC80;
	s20 =	simm.s32 $0x6C80  }
0x14: {  	s7 =	sor.u32 s7, s9;
	s8 =	sadd.s32 s5, s8;
	s9 =	sshll.u32 s17, $0x3  }
0x15: {  	s11 =	sand.u32 $0x3800, s11;
	s7 =	simm.s32 @p0 $0xC9800;
	s9 =	sand.u32 $0x8, s9  }
0x16: {  	s18 =	sadd.s32 s7, s8;
	s8 =	sor.u32 s10, s19;
	s9 =	sadd.s32 s5, s9  }
0x17: {  	s10 =	sadd.s32 $0x1, s21;
	[dreg:$0x4] =	wrdreg s18;
	s8 =	simm.s32 @p0 $0xCA000  }
0x18: {  	s22 =	sshll.u32 s10, $0xD;
	s10 =	sshll.u32 s10, $0x3;
	s18 =	simm.s32 $0x4C80  }
0x19: {  	s8 =	sadd.s32 s8, s9;
	s9 =	sand.u32 $0x3FC000, s22;
	s10 =	sand.u32 $0x8, s10  }
0x1a: {  	s22 =	simm.s32 $0x8C80;
	s9 =	sor.u32 s11, s9;
	s11 =	sadd.s32 $0x1, s23  }
0x1b: {  	s10 =	sadd.s32 s5, s10;
	s23 =	simm.s32 $0xAC80;
	s13 =	sshll.u32 s11, $0xD  }
0x1c: {  	s9 =	simm.s32 @p0 $0xCA800;
	s11 =	sshll.u32 s11, $0x3;
	s13 =	sand.u32 $0x3FC000, s13  }
0x1d: {  	s9 =	sadd.s32 s9, s10;
	s11 =	sand.u32 $0x8, s11;
	s10 =	sor.u32 s12, s13  }
0x1e: {  	s12 =	sadd.s32 $0x1, s24;
	s11 =	sadd.s32 s5, s11;
	s24 =	simm.s32 $0xCC80  }
0x1f: {  	s10 =	simm.s32 @p0 $0xCB000;
	s25 =	sshll.u32 s12, $0xD;
	s12 =	sshll.u32 s12, $0x3  }
0x20: {  	s13 =	sand.u32 $0x3FC000, s25;
	s12 =	sand.u32 $0x8, s12;
	s10 =	sadd.s32 s10, s11  }
0x21: {  	s25 =	simm.s32 $0xEC80;
	s1 =	sor.u32 s1, s13;
	s26 =	sadd.s32 s5, s12  }
0x22: {  	s12 =	smax.u32 s0, $0x1;
	s13 =	simm.s32 $0x3;
	s1 =	simm.s32 @p0 $0xCB800  }
0x23: {  	s11 =	sadd.s32 s1, s26;
	s26 =	simm.s32 $0x10C80;
	s1 =	simm.s32 $0x0  }
.LBB2_1:
0x24: {  	s0 =	simm.s32 $0x0;
	s2 =	rddreg [dreg:$0x3]  }
0x25: {  	[tilespmem:s0], [sflag:$0x3] =	stream.linear.gather [hbm4b:s2+s0], $0xC80, $0x38;
	[tilespmem:$0x14C80] =	vst v63  }
0x26: {  	_ =	swait.ge [sflag:s13], $0xC80  }
0x27: {  	[sflag:s13] =	ssyncset.done $0x0  }
0x28: {  	[sflag:s13] =	ssyncadd.s32 $0xFFFFF380  }
0x29: {  	[tilespmem:s15], [sflag:$0x1] =	stream.indirect.gather [hbm4b:s4+s14], $0x40, s0, s14, $0xb8;
	[tilespmem:$0x14C80] =	vst v63  }
0x2a: {  	_ = 	snop  }
0x2b: {  	[tilespmem:s16], [sflag:$0x1] =	stream.indirect.gather [hbm4b:s4+s14], $0x40, s14, s14, $0xb8;
	[tilespmem:$0x14C80] =	vst v63  }
0x2c: {  	s17 =	simm.s32 $0x100  }
0x2d: {  	[tilespmem:s18], [sflag:$0x1] =	stream.indirect.gather [hbm4b:s4+s14], $0x40, s17, s14, $0xb8;
	[tilespmem:$0x14C80] =	vst v63  }
0x2e: {  	s19 =	simm.s32 $0x180  }
0x2f: {  	[tilespmem:s20], [sflag:$0x1] =	stream.indirect.gather [hbm4b:s4+s14], $0x40, s19, s14, $0xb8;
	[tilespmem:$0x14C80] =	vst v63  }
0x30: {  	s21 =	simm.s32 $0x200;
	p0 =	por $0x1, $0x1;
	s0 =	simm.s32 $0x0  }
0x31: {  	[tilespmem:s22], [sflag:$0x1] =	stream.indirect.gather [hbm4b:s4+s14], $0x40, s21, s14, $0xb8;
	[tilespmem:$0x14C80] =	vst v63  }
.LBB2_2:
0x32: {  	s21 =	smul.u32 $0xA, s0;
	_ =	sdelay $0x1  }
0x33: {  	s17 =	sadd.s32 $0x5, s21  }
0x34: {  	s19 =	sshll.u32 s17, $0x7  }
0x35: {  	s6 =	smul.u32 $0x1400, s0;
	s19 =	sand.u32 $0x3FFFFF80, s19  }
0x36: {  	[tilespmem:s23], [sflag:$0x2] =	stream.indirect.gather [hbm4b:s4+s14], $0x40, s19, s14, $0xb8;
	[tilespmem:$0x14C80] =	vst v63  }
0x37: {  	s19 =	sshra.s32 s6, $0x2  }
0x38: {  	s0 =	sadd.s32 $0x300, s19  }
0x39: {  	[tilespmem:s24], [sflag:$0x2] =	stream.indirect.gather [hbm4b:s4+s14], $0x40, s0, s14, $0xb8;
	[tilespmem:$0x14C80] =	vst v63  }
0x3a: {  	s7 =	sadd.s32 $0x380, s19  }
0x3b: {  	[tilespmem:s25], [sflag:$0x2] =	stream.indirect.gather [hbm4b:s4+s14], $0x40, s7, s14, $0xb8;
	[tilespmem:$0x14C80] =	vst v63  }
0x3c: {  	s21 =	sadd.s32 s3, s21;
	s2 =	sadd.s32 $0x400, s19  }
0x3d: {  	[tilespmem:s26], [sflag:$0x2] =	stream.indirect.gather [hbm4b:s4+s14], $0x40, s2, s14, $0xb8;
	[tilespmem:$0x14C80] =	vst v63  }
0x3e: {  	s2 =	sshrl.u32 s21, $0x3  }
0x3f: {  	s6 =	sadd.s32 $0x480, s19;
	s2 =	smin.u32 s2, $0xC7  }
0x40: {  	[tilespmem:s28], [sflag:$0x2] =	stream.indirect.gather [hbm4b:s4+s14], $0x40, s6, s14, $0xb8;
	[tilespmem:$0x14C80] =	vst v63  }
0x41: {  	s0 =	simm.s32 $0x1;
	s7 =	sshll.u32 s21, $0xB;
	s2 =	sadd.s32 $0x1, s2  }
0x42: {  	s7 =	sand.u32 $0x3800, s7;
	s6 =	sshll.u32 s2, $0xD;
	s2 =	sshll.u32 s2, $0x3  }
0x43: {  	_ =	swait.ge [sflag:s0], $0xA000;
	s6 =	sand.u32 $0x3FC000, s6;
	s2 =	sand.u32 $0x8, s2  }
0x44: {  	[sflag:s0] =	ssyncset.done $0x0;
	s6 =	sor.u32 s6, s7;
	s2 =	sadd.s32 s5, s2  }
0x45: {  	[sflag:s0] =	ssyncadd.s32 $0xFFFF6000;
	s2 =	sadd.s32 s6, s2  }
0x46: {  	[hbm4b:s2+s29] =	stream.strided.scatter [tilespmem:s15], [sflag:$0x3], $0x2000, s14, s29, $0x38;
	[tilespmem:$0x14C80] =	vst v63  }
0x47: {  	s2 =	sadd.s32 $0x1, s21  }
0x48: {  	s7 =	sshrl.u32 s2, $0x3  }
0x49: {  	s6 =	smin.u32 s7, $0xC7  }
0x4a: {  	_ =	swait.ge [sflag:s13], $0x2000;
	s6 =	sadd.s32 $0x1, s6  }
0x4b: {  	s2 =	sshll.u32 s2, $0xB;
	s7 =	sshll.u32 s6, $0xD;
	s6 =	sshll.u32 s6, $0x3  }
0x4c: {  	s2 =	sand.u32 $0x3800, s2;
	s7 =	sand.u32 $0x3FC000, s7;
	s6 =	sand.u32 $0x8, s6  }
0x4d: {  	[sflag:s13] =	ssyncset.done $0x0;
	s2 =	sor.u32 s7, s2;
	s6 =	sadd.s32 s5, s6  }
0x4e: {  	[sflag:s13] =	ssyncadd.s32 $0xFFFFE000;
	s2 =	sadd.s32 s2, s6  }
0x4f: {  	[hbm4b:s2+s29] =	stream.strided.scatter [tilespmem:s16], [sflag:$0x3], $0x2000, s14, s29, $0x38;
	[tilespmem:$0x14C80] =	vst v63  }
0x50: {  	s2 =	sadd.s32 $0x2, s21  }
0x51: {  	s7 =	sshrl.u32 s2, $0x3  }
0x52: {  	s6 =	smin.u32 s7, $0xC7  }
0x53: {  	_ =	swait.ge [sflag:s13], $0x2000;
	s6 =	sadd.s32 $0x1, s6  }
0x54: {  	s2 =	sshll.u32 s2, $0xB;
	s7 =	sshll.u32 s6, $0xD;
	s6 =	sshll.u32 s6, $0x3  }
0x55: {  	s2 =	sand.u32 $0x3800, s2;
	s7 =	sand.u32 $0x3FC000, s7;
	s6 =	sand.u32 $0x8, s6  }
0x56: {  	[sflag:s13] =	ssyncset.done $0x0;
	s2 =	sor.u32 s7, s2;
	s6 =	sadd.s32 s5, s6  }
0x57: {  	[sflag:s13] =	ssyncadd.s32 $0xFFFFE000;
	s2 =	sadd.s32 s2, s6  }
0x58: {  	[hbm4b:s2+s29] =	stream.strided.scatter [tilespmem:s18], [sflag:$0x3], $0x2000, s14, s29, $0x38;
	[tilespmem:$0x14C80] =	vst v63  }
0x59: {  	s2 =	sadd.s32 $0x3, s21  }
0x5a: {  	s7 =	sshrl.u32 s2, $0x3  }
0x5b: {  	s6 =	smin.u32 s7, $0xC7  }
0x5c: {  	_ =	swait.ge [sflag:s13], $0x2000;
	s6 =	sadd.s32 $0x1, s6  }
0x5d: {  	s2 =	sshll.u32 s2, $0xB;
	s7 =	sshll.u32 s6, $0xD;
	s6 =	sshll.u32 s6, $0x3  }
0x5e: {  	s2 =	sand.u32 $0x3800, s2;
	s7 =	sand.u32 $0x3FC000, s7;
	s6 =	sand.u32 $0x8, s6  }
0x5f: {  	[sflag:s13] =	ssyncset.done $0x0;
	s2 =	sor.u32 s7, s2;
	s6 =	sadd.s32 s5, s6  }
0x60: {  	[sflag:s13] =	ssyncadd.s32 $0xFFFFE000;
	s2 =	sadd.s32 s2, s6  }
0x61: {  	[hbm4b:s2+s29] =	stream.strided.scatter [tilespmem:s20], [sflag:$0x3], $0x2000, s14, s29, $0x38;
	[tilespmem:$0x14C80] =	vst v63  }
0x62: {  	s2 =	sadd.s32 $0x4, s21  }
0x63: {  	s7 =	sshrl.u32 s2, $0x3  }
0x64: {  	s6 =	smin.u32 s7, $0xC7  }
0x65: {  	_ =	swait.ge [sflag:s13], $0x2000;
	s6 =	sadd.s32 $0x1, s6  }
0x66: {  	s2 =	sshll.u32 s2, $0xB;
	s21 =	sshll.u32 s6, $0xD;
	s6 =	sshll.u32 s6, $0x3  }
0x67: {  	s2 =	sand.u32 $0x3800, s2;
	s7 =	sand.u32 $0x3FC000, s21;
	s6 =	sand.u32 $0x8, s6  }
0x68: {  	[sflag:s13] =	ssyncset.done $0x0;
	s2 =	sor.u32 s7, s2;
	s6 =	sadd.s32 s5, s6  }
0x69: {  	[sflag:s13] =	ssyncadd.s32 $0xFFFFE000;
	s2 =	sadd.s32 s2, s6  }
0x6a: {  	[hbm4b:s2+s29] =	stream.strided.scatter [tilespmem:s22], [sflag:$0x3], $0x2000, s14, s29, $0x38;
	[tilespmem:$0x14C80] =	vst v63  }
0x6b: {  	_ =	swait.ge [sflag:s13], $0x2000  }
0x6c: {  	[sflag:s13] =	ssyncset.done $0x0  }
0x6d: {  	s21 =	sadd.s32 $0x500, s19;
	[sflag:s13] =	ssyncadd.s32 $0xFFFFE000  }
0x6e: {  	[tilespmem:s15], [sflag:$0x1] =	stream.indirect.gather [hbm4b:s4+s14], $0x40, s21, s14, $0xb8;
	[tilespmem:$0x14C80] =	vst v63  }
0x6f: {  	s6 =	sadd.s32 $0x580, s19  }
0x70: {  	[tilespmem:s16], [sflag:$0x1] =	stream.indirect.gather [hbm4b:s4+s14], $0x40, s6, s14, $0xb8;
	[tilespmem:$0x14C80] =	vst v63  }
0x71: {  	s17 =	sadd.s32 s3, s17;
	s7 =	sadd.s32 $0x600, s19  }
0x72: {  	[tilespmem:s18], [sflag:$0x1] =	stream.indirect.gather [hbm4b:s4+s14], $0x40, s7, s14, $0xb8;
	[tilespmem:$0x14C80] =	vst v63  }
0x73: {  	s7 =	sshrl.u32 s17, $0x3  }
0x74: {  	s21 =	sadd.s32 $0x680, s19;
	s2 =	smin.u32 s7, $0xC7  }
0x75: {  	[tilespmem:s20], [sflag:$0x1] =	stream.indirect.gather [hbm4b:s4+s14], $0x40, s21, s14, $0xb8;
	[tilespmem:$0x14C80] =	vst v63  }
0x76: {  	s6 =	sadd.s32 $0x700, s19;
	s2 =	sadd.s32 $0x1, s2  }
0x77: {  	s21 =	sshll.u32 s17, $0xB;
	s19 =	sshll.u32 s2, $0xD;
	s2 =	sshll.u32 s2, $0x3  }
0x78: {  	[tilespmem:s22], [sflag:$0x1] =	stream.indirect.gather [hbm4b:s4+s14], $0x40, s6, s14, $0xb8;
	[tilespmem:$0x14C80] =	vst v63  }
0x79: {  	s7 =	sand.u32 $0x3800, s21;
	s6 =	sand.u32 $0x3FC000, s19;
	s2 =	sand.u32 $0x8, s2  }
0x7a: {  	_ =	swait.ge [sflag:s30], $0xA000;
	s6 =	sor.u32 s6, s7;
	s7 =	sadd.s32 $0x1, s17  }
0x7b: {  	s2 =	sadd.s32 s5, s2;
	[sflag:s30] =	ssyncset.done $0x0;
	s19 =	sshrl.u32 s7, $0x3  }
0x7c: {  	s2 =	sadd.s32 s6, s2;
	[sflag:s30] =	ssyncadd.s32 $0xFFFF6000;
	s6 =	smin.u32 s19, $0xC7  }
0x7d: {  	[hbm4b:s2+s29] =	stream.strided.scatter [tilespmem:s23], [sflag:$0x3], $0x2000, s14, s29, $0x38;
	[tilespmem:$0x14C80] =	vst v63  }
0x7e: {  	s6 =	sadd.s32 $0x1, s6;
	s2 =	sshll.u32 s7, $0xB;
	_ =	swait.ge [sflag:s13], $0x2000  }
0x7f: {  	s21 =	sshll.u32 s6, $0xD;
	s6 =	sshll.u32 s6, $0x3;
	s2 =	sand.u32 $0x3800, s2  }
0x80: {  	s7 =	sand.u32 $0x3FC000, s21;
	s6 =	sand.u32 $0x8, s6;
	[sflag:s13] =	ssyncset.done $0x0  }
0x81: {  	s2 =	sor.u32 s7, s2;
	s6 =	sadd.s32 s5, s6;
	s7 =	sadd.s32 $0x2, s17  }
0x82: {  	[sflag:s13] =	ssyncadd.s32 $0xFFFFE000;
	s2 =	sadd.s32 s2, s6;
	s19 =	sshrl.u32 s7, $0x3  }
0x83: {  	[hbm4b:s2+s29] =	stream.strided.scatter [tilespmem:s24], [sflag:$0x3], $0x2000, s14, s29, $0x38;
	[tilespmem:$0x14C80] =	vst v63  }
0x84: {  	s6 =	smin.u32 s19, $0xC7  }
0x85: {  	s6 =	sadd.s32 $0x1, s6  }
0x86: {  	p1 =	slt.u32 s17, $0x316;
	s2 =	sshll.u32 s7, $0xE;
	s21 =	sshll.u32 s6, $0x10  }
0x87: {  	s19 =	sshll.u32 s17, $0xE;
	s2 =	sand.u32 $0x1C000, s2;
	s7 =	sand.u32 $0x1FE0000, s21  }
0x88: {  	s6 =	sshll.u32 s6, $0x6;
	s2 =	sor.u32 s2, s7;
	s7 =	sadd.s32 $0xFF9E8000, s19  }
0x89: {  	s6 =	sand.u32 $0x40, s6;
	s7 =	smov.u32 @p1 s2  }
0x8a: {  	_ =	swait.ge [sflag:s13], $0x2000;
	s2 =	sor.u32 s6, s7  }
0x8b: {  	[sflag:s13] =	ssyncset.done $0x0;
	s2 =	sshrl.u32 s2, $0x3  }
0x8c: {  	[sflag:s13] =	ssyncadd.s32 $0xFFFFE000;
	s2 =	sadd.s32 s5, s2  }
0x8d: {  	[hbm4b:s2+s29] =	stream.strided.scatter [tilespmem:s25], [sflag:$0x3], $0x2000, s14, s29, $0x38;
	[tilespmem:$0x14C80] =	vst v63  }
0x8e: {  	s2 =	sadd.s32 $0x3, s17  }
0x8f: {  	s7 =	sshrl.u32 s2, $0x3  }
0x90: {  	s6 =	smin.u32 s7, $0xC7  }
0x91: {  	s6 =	sadd.s32 $0x1, s6  }
0x92: {  	s2 =	sshll.u32 s2, $0xE;
	s21 =	sshll.u32 s6, $0x10  }
0x93: {  	p1 =	slt.u32 s17, $0x315;
	s2 =	sand.u32 $0x1C000, s2;
	s7 =	sand.u32 $0x1FE0000, s21  }
0x94: {  	s6 =	sshll.u32 s6, $0x6;
	s2 =	sor.u32 s2, s7;
	s7 =	sadd.s32 $0xFF9EC000, s19  }
0x95: {  	s6 =	sand.u32 $0x40, s6;
	s7 =	smov.u32 @p1 s2  }
0x96: {  	_ =	swait.ge [sflag:s13], $0x2000;
	s2 =	sor.u32 s6, s7  }
0x97: {  	[sflag:s13] =	ssyncset.done $0x0;
	s2 =	sshrl.u32 s2, $0x3  }
0x98: {  	[sflag:s13] =	ssyncadd.s32 $0xFFFFE000;
	s2 =	sadd.s32 s5, s2  }
0x99: {  	[hbm4b:s2+s29] =	stream.strided.scatter [tilespmem:s26], [sflag:$0x3], $0x2000, s14, s29, $0x38;
	[tilespmem:$0x14C80] =	vst v63  }
0x9a: {  	s2 =	sadd.s32 $0x4, s17  }
0x9b: {  	s7 =	sshrl.u32 s2, $0x3  }
0x9c: {  	s6 =	smin.u32 s7, $0xC7  }
0x9d: {  	s6 =	sadd.s32 $0x1, s6  }
0x9e: {  	s2 =	sshll.u32 s2, $0xE;
	s21 =	sshll.u32 s6, $0x10  }
0x9f: {  	p1 =	slt.u32 s17, $0x314;
	s2 =	sand.u32 $0x1C000, s2;
	s7 =	sand.u32 $0x1FE0000, s21  }
0xa0: {  	s6 =	sshll.u32 s6, $0x6;
	s2 =	sor.u32 s2, s7;
	s7 =	sadd.s32 $0xFF9F0000, s19  }
0xa1: {  	s21 =	sand.u32 $0x40, s6;
	s7 =	smov.u32 @p1 s2  }
0xa2: {  	_ =	swait.ge [sflag:s13], $0x2000;
	s2 =	sor.u32 s21, s7  }
0xa3: {  	[sflag:s13] =	ssyncset.done $0x0;
	p1 =	por p0, p0;
	s2 =	sshrl.u32 s2, $0x3  }
.Ltmp0:
0xa4: {  	[sflag:s13] =	ssyncadd.s32 $0xFFFFE000;
	s2 =	sadd.s32 s5, s2;
	(pc) =	sbr.rel @p1 .LBB2_2-.Ltmp0, $4  }
0xa5: {  	[hbm4b:s2+s29] =	stream.strided.scatter [tilespmem:s28], [sflag:$0x3], $0x2000, s14, s29, $0x38;
	[tilespmem:$0x14C80] =	vst v63  }
0xa6: {  	_ =	swait.ge [sflag:s13], $0x2000  }
0xa7: {  	[sflag:s13] =	ssyncset.done $0x0  }
0xa8: {  	p0 =	por $0x0, $0x0;
	[sflag:s13] =	ssyncadd.s32 $0xFFFFE000  }
0xa9: {  	_ =	swait.ge [sflag:s31], $0xA000  }
0xaa: {  	[sflag:s31] =	ssyncset.done $0x0  }
0xab: {  	s0 =	rddreg [dreg:$0x4];
	[sflag:s31] =	ssyncadd.s32 $0xFFFF6000  }
0xac: {  	[hbm4b:s0+s29] =	stream.strided.scatter [tilespmem:s15], [sflag:$0x3], $0x2000, s14, s29, $0x38;
	[tilespmem:$0x14C80] =	vst v63  }
0xad: {  	_ =	swait.ge [sflag:s13], $0x2000  }
0xae: {  	[sflag:s13] =	ssyncset.done $0x0  }
0xaf: {  	[sflag:s13] =	ssyncadd.s32 $0xFFFFE000  }
0xb0: {  	[hbm4b:s8+s29] =	stream.strided.scatter [tilespmem:s16], [sflag:$0x3], $0x2000, s14, s29, $0x38;
	[tilespmem:$0x14C80] =	vst v63  }
0xb1: {  	_ =	swait.ge [sflag:s13], $0x2000  }
0xb2: {  	[sflag:s13] =	ssyncset.done $0x0  }
0xb3: {  	[sflag:s13] =	ssyncadd.s32 $0xFFFFE000  }
0xb4: {  	[hbm4b:s9+s29] =	stream.strided.scatter [tilespmem:s18], [sflag:$0x3], $0x2000, s14, s29, $0x38;
	[tilespmem:$0x14C80] =	vst v63  }
0xb5: {  	_ =	swait.ge [sflag:s13], $0x2000  }
0xb6: {  	[sflag:s13] =	ssyncset.done $0x0  }
0xb7: {  	[sflag:s13] =	ssyncadd.s32 $0xFFFFE000  }
0xb8: {  	[hbm4b:s10+s29] =	stream.strided.scatter [tilespmem:s20], [sflag:$0x3], $0x2000, s14, s29, $0x38;
	[tilespmem:$0x14C80] =	vst v63  }
0xb9: {  	s1 =	sadd.s32 $0x1, s1;
	_ =	swait.ge [sflag:s13], $0x2000  }
0xba: {  	p0 =	sne.s32 s1, s12;
	[sflag:s13] =	ssyncset.done $0x0  }
.Ltmp1:
0xbb: {  	[sflag:s13] =	ssyncadd.s32 $0xFFFFE000;
	(pc) =	sbr.rel @p0 .LBB2_1-.Ltmp1, $4  }
0xbc: {  	[hbm4b:s11+s29] =	stream.strided.scatter [tilespmem:s22], [sflag:$0x3], $0x2000, s14, s29, $0x38;
	[tilespmem:$0x14C80] =	vst v63  }
0xbd: {  	_ =	swait.ge [sflag:s13], $0x2000  }
0xbe: {  	[sflag:s13] =	ssyncset.done $0x0  }
0xbf: {  	[sflag:s13] =	ssyncadd.s32 $0xFFFFE000  }
0xc0: {  	_ =	sfence.sel $0x180000  }
0xc1: {  	[bflag:$0x0] =	sbarrier.arrive $0xFFFF  }
0xc2: {  	_ =	strace $0x90000047  }
0xc3: {  	s0 =	stileid.u32;
	[bflag:$0x2] =	sbarrier.arrive $0xFFFF  }
0xc4: {  	p0 =	sne.s32 s0, $0x0;
	s0 =	rddreg [dreg:$0x2]  }
0xc5: {  	s0 =	sadd.s32 @!p0 $0x100000, s0  }
0xc6: {  	[sflag:s0] =	ssyncadd.tile.s32 @!p0 $0x1;
	_ =	shalt  }
.Lfunc_end2:
_tile_overlayer_lowered:
.L_overlay_start_2:
0xc7: {  	(tag) =	ssettag $0x2  }
0xc8: {  	s0 =	rddreg [dreg:$0x0];
	s2 =	stileid.u32  }
0xc9: {  	s1 =	rddreg [dreg:$0x1];
	p0 =	sne.s32 s2, $0x0  }
0xca: {  	s3 =	rddreg [dreg:$0x2];
	[bflag:$0x3] =	sbarrier.arrive $0xFFFF;
	s2 =	simm.s32 @!p0 $0x1C03  }
0xcb: {  	[timem:s3], [sflag:s2] =	dma.local @!p0 [hbm:s0], s1  }
0xcc: {  	s0 =	simm.s32 @!p0 $0x3  }
0xcd: {  	_ =	swait.ge @!p0 [sflag:s0], s1  }
0xce: {  	s1 =	ssub.s32 @!p0 $0x0, s1;
	[sflag:s0] =	ssyncset.done @!p0 $0x0  }
0xcf: {  	[sflag:s0] =	ssyncadd.s32 @!p0 s1  }
0xd0: {  	[bflag:$0x3] =	sbarrier.arrive $0xFFFF  }
0xd1: {  	_ =	shalt  }

</sc_bundles>
